<compile_context>
chip_gen: v7x
topology: tpu7x:2x2x1
jax: 0.10.2.dev20260603
libtpu: 0.0.44.dev20260713+nightly
codegen_flags: <defaults>
</compile_context>

<pallas_src>
import functools

import jax
import jax.numpy as jnp
from jax import lax
from jax.experimental import pallas as pl
from jax.experimental.pallas import tpu as pltpu
from jax.experimental.pallas import tpu_sc as plsc

N = 10000
E = 320000
D = 128
DW = 128

NC = 2
NS = 16
NW = NC * NS
EPW = E // NW
DWP = DW // 2
CHUNK = 80
NCHUNK = EPW // CHUNK
GROUPS = CHUNK // 16


def _round_bf16_bits(x):
    u = jax.lax.bitcast_convert_type(x, jnp.uint32)
    return (u + jnp.uint32(0x7FFF) + ((u >> 16) & jnp.uint32(1))) & jnp.uint32(0xFFFF0000)


def _pack_table(x):
    lo = _round_bf16_bits(x[:, :DWP]) >> 16
    hi = _round_bf16_bits(x[:, DWP:])
    return jax.lax.bitcast_convert_type(lo | hi, jnp.int32)


def _qk_body(x_ref, wqt_ref, bq_ref, wkt_ref, bk_ref, q_ref, k_ref):
    x = x_ref[...]
    inv_dk = 1.0 / (DW ** 0.5)
    q = jax.lax.dot_general(x, wqt_ref[...], (((1,), (0,)), ((), ())),
                            preferred_element_type=jnp.float32,
                            precision=jax.lax.Precision.HIGHEST)
    k = jax.lax.dot_general(x, wkt_ref[...], (((1,), (0,)), ((), ())),
                            preferred_element_type=jnp.float32,
                            precision=jax.lax.Precision.HIGHEST)
    q_ref[...] = _pack_table((q + bq_ref[...]) * inv_dk)
    k_ref[...] = _pack_table(k + bk_ref[...])


def _tc_qk(inputs, WqT, bq2, WkT, bk2):
    return pl.pallas_call(
        _qk_body,
        out_shape=(
            jax.ShapeDtypeStruct((N, DWP), jnp.int32),
            jax.ShapeDtypeStruct((N, DWP), jnp.int32),
        ),
    )(inputs, WqT, bq2, WkT, bk2)


def _sc_scores_body(q_hbm, k_hbm, src_hbm, dst_hbm, out_hbm,
                    spq, spk, src_v, dst_v, qr0, kr0, qr1, kr1,
                    pbuf0, pbuf1, out_v,
                    sem_q0, sem_k0, sem_q1, sem_k1, sem_sq, sem_sk):
    pbufs = (pbuf0, pbuf1)
    sid = lax.axis_index("s")
    wid = sid * NC + lax.axis_index("c")
    base = wid * EPW

    rows = N // NS
    rb = sid * rows
    csq = pltpu.async_copy(q_hbm.at[pl.ds(rb, rows)], spq.at[pl.ds(rb, rows)], sem_sq)
    csk = pltpu.async_copy(k_hbm.at[pl.ds(rb, rows)], spk.at[pl.ds(rb, rows)], sem_sk)
    pltpu.sync_copy(src_hbm.at[pl.ds(base, EPW)], src_v)
    pltpu.sync_copy(dst_hbm.at[pl.ds(base, EPW)], dst_v)
    csq.wait()
    csk.wait()
    plsc.subcore_barrier()

    lanes16 = lax.iota(jnp.int32, 16) * 16
    bufs = ((qr0, kr0, sem_q0, sem_k0), (qr1, kr1, sem_q1, sem_k1))

    def issue(c, b):
        qr, kr, sem_q, sem_k = bufs[b]
        cb = c * CHUNK
        pltpu.async_copy(spq.at[src_v.at[pl.ds(cb, CHUNK)]], qr, sem_q)
        pltpu.async_copy(spk.at[dst_v.at[pl.ds(cb, CHUNK)]], kr, sem_k)

    def wait(b):
        qr, kr, sem_q, sem_k = bufs[b]
        pltpu.make_async_copy(spq.at[src_v.at[pl.ds(0, CHUNK)]], qr, sem_q).wait()
        pltpu.make_async_copy(spk.at[dst_v.at[pl.ds(0, CHUNK)]], kr, sem_k).wait()

    hmask = jnp.full((16,), -0x10000, jnp.int32)

    def compute(c, b):
        qr, kr, _, _ = bufs[b]
        cb = c * CHUNK

        def group_body(g, carry2):
            pbuf = pbufs[b]
            eb = g * 16
            for l in range(16):
                e = eb + l
                parts = []
                for j in range(DWP // 16):
                    qw = qr[e, pl.ds(j * 16, 16)]
                    kw = kr[e, pl.ds(j * 16, 16)]
                    qlo = plsc.bitcast(qw << 16, jnp.float32)
                    klo = plsc.bitcast(kw << 16, jnp.float32)
                    qhi = plsc.bitcast(qw & hmask, jnp.float32)
                    khi = plsc.bitcast(kw & hmask, jnp.float32)
                    parts.append(qlo * klo + qhi * khi)
                pbuf[pl.ds(l * 16, 16)] = (parts[0] + parts[1]) + (parts[2] + parts[3])
            terms = [plsc.load_gather(pbuf, [lanes16 + c2]) for c2 in range(16)]
            while len(terms) > 1:
                terms = [terms[i] + terms[i + 1] for i in range(0, len(terms), 2)]
            out_v[pl.ds(cb + eb, 16)] = terms[0]
            return carry2

        lax.fori_loop(0, GROUPS, group_body, 0)

    issue(0, 0)

    def pair_body(i, carry):
        c = 2 * i
        wait(0)
        issue(c + 1, 1)
        compute(c, 0)
        wait(1)
        issue(c + 2, 0)
        compute(c + 1, 1)
        return carry

    lax.fori_loop(0, (NCHUNK - 1) // 2, pair_body, 0)
    wait(0)
    compute(NCHUNK - 1, 0)
    pltpu.sync_copy(out_v, out_hbm.at[pl.ds(base, EPW)])


_sc_scores = functools.partial(
    pl.kernel,
    mesh=plsc.VectorSubcoreMesh(core_axis_name="c", subcore_axis_name="s"),
    out_type=jax.ShapeDtypeStruct((E,), jnp.float32),
    compiler_params=pltpu.CompilerParams(
        needs_layout_passes=False, use_tc_tiling_on_sc=False),
    scratch_types=[
        pltpu.VMEM_SHARED((N, DWP), jnp.int32),
        pltpu.VMEM_SHARED((N, DWP), jnp.int32),
        pltpu.VMEM((EPW,), jnp.int32),
        pltpu.VMEM((EPW,), jnp.int32),
        pltpu.VMEM((CHUNK, DWP), jnp.int32),
        pltpu.VMEM((CHUNK, DWP), jnp.int32),
        pltpu.VMEM((CHUNK, DWP), jnp.int32),
        pltpu.VMEM((CHUNK, DWP), jnp.int32),
        pltpu.VMEM((256,), jnp.float32),
        pltpu.VMEM((256,), jnp.float32),
        pltpu.VMEM((EPW,), jnp.float32),
        pltpu.SemaphoreType.DMA,
        pltpu.SemaphoreType.DMA,
        pltpu.SemaphoreType.DMA,
        pltpu.SemaphoreType.DMA,
        pltpu.SemaphoreType.DMA,
        pltpu.SemaphoreType.DMA,
    ],
)(_sc_scores_body)


def kernel(inputs, sparse_adj_indices, Wq, bq, Wk, bk):
    qp, kp = _tc_qk(inputs, Wq.T, bq.reshape(1, DW), Wk.T, bk.reshape(1, DW))
    src = sparse_adj_indices[0]
    dst = sparse_adj_indices[1]
    return _sc_scores(qp, kp, src, dst)

# --- scband reference (transcript-rebuilt; emitter-appended) ---
"""Pipeline reference for scband-custom-attention-26431228739592 (READ-ONLY COPY).

The authoritative reference and input builder live on the scoring server;
editing this copy changes nothing except your own understanding.
"""

import jax, jax.numpy as jnp
import numpy as np

N = 10000      # n_nodes
E = 320000     # n_edges
D = 128        # input_dim
DW = 128       # weight_params_dim


def setup_inputs(seed: int = 0) -> dict:
    key = jax.random.key(seed)
    k1, k2, k3, k4, k5 = jax.random.split(key, 5)
    inputs = jax.random.normal(k1, (N, D), dtype=jnp.float32)
    # COO indices of the sparse adjacency matrix: row 0 = query node ids, row 1 = key node ids
    sparse_adj_indices = jax.random.randint(k2, (2, E), 0, N, dtype=jnp.int32)
    # nn.Linear parameters (weight shape [out, in], bias shape [out])
    scale_q = 1.0 / np.sqrt(D)
    Wq = jax.random.uniform(k3, (DW, D), dtype=jnp.float32, minval=-scale_q, maxval=scale_q)
    bq = jnp.zeros((DW,), dtype=jnp.float32)
    Wk = jax.random.uniform(k4, (DW, D), dtype=jnp.float32, minval=-scale_q, maxval=scale_q)
    bk = jax.random.uniform(k5, (DW,), dtype=jnp.float32, minval=-scale_q, maxval=scale_q)
    return {
        "inputs": inputs,
        "sparse_adj_indices": sparse_adj_indices,
        "Wq": Wq,
        "bq": bq,
        "Wk": Wk,
        "bk": bk,
    }


def reference(inputs, sparse_adj_indices, Wq, bq, Wk, bk):
    # Faithful translation of CustomAttention.forward.
    # (torch version casts to fp16; we keep fp32 for a numerically clean reference)
    q = inputs @ Wq.T + bq          # [N, DW]
    k = inputs @ Wk.T + bk          # [N, DW]
    dk = jnp.sqrt(jnp.asarray(DW, dtype=q.dtype))
    src = sparse_adj_indices[0]
    dst = sparse_adj_indices[1]
    q_selected = jnp.take(q, src, axis=0)   # gather: [E, DW]
    k_selected = jnp.take(k, dst, axis=0)   # gather: [E, DW]
    attn_scores = jnp.sum(q_selected * k_selected, axis=-1) / dk  # [E]
    # The torch module returns a sparse COO tensor (indices, values, size=[N, N]).
    # Here we return the values vector (the materialized nonzeros of that sparse matrix).
    return attn_scores

if __name__ == "__main__":
    import jax
    _d = setup_inputs()
    print(jax.jit(kernel)(*tuple(_d.values())))

</pallas_src>

<mosaic_0001>
#map = affine_map<(d0, d1) -> (0, 0)>
#map1 = affine_map<(d0, d1) -> (0)>
module attributes {stable_mosaic.version = 14 : i64} {
  func.func @_sc_scores_body(%arg0: i32, %arg1: i32, %arg2: memref<10000x64xi32, #tpu.memory_space<hbm>>, %arg3: memref<10000x64xi32, #tpu.memory_space<hbm>>, %arg4: memref<320000xi32, #tpu.memory_space<hbm>>, %arg5: memref<320000xi32, #tpu.memory_space<hbm>>, %arg6: memref<320000xf32, #tpu.memory_space<hbm>>, %arg7: memref<10000x64xi32, #tpu.memory_space<vmem_shared>>, %arg8: memref<10000x64xi32, #tpu.memory_space<vmem_shared>>, %arg9: memref<10000xi32, #tpu.memory_space<vmem>>, %arg10: memref<10000xi32, #tpu.memory_space<vmem>>, %arg11: memref<80x64xi32, #tpu.memory_space<vmem>>, %arg12: memref<80x64xi32, #tpu.memory_space<vmem>>, %arg13: memref<80x64xi32, #tpu.memory_space<vmem>>, %arg14: memref<80x64xi32, #tpu.memory_space<vmem>>, %arg15: memref<256xf32, #tpu.memory_space<vmem>>, %arg16: memref<256xf32, #tpu.memory_space<vmem>>, %arg17: memref<10000xf32, #tpu.memory_space<vmem>>, %arg18: memref<!tpu.dma_semaphore, #tpu.memory_space<semaphore_mem>>, %arg19: memref<!tpu.dma_semaphore, #tpu.memory_space<semaphore_mem>>, %arg20: memref<!tpu.dma_semaphore, #tpu.memory_space<semaphore_mem>>, %arg21: memref<!tpu.dma_semaphore, #tpu.memory_space<semaphore_mem>>, %arg22: memref<!tpu.dma_semaphore, #tpu.memory_space<semaphore_mem>>, %arg23: memref<!tpu.dma_semaphore, #tpu.memory_space<semaphore_mem>>) attributes {dimension_semantics = [#tpu.dimension_semantics<core_parallel>, #tpu.dimension_semantics<subcore_parallel>], iteration_bounds = array<i64: 2, 16>, scalar_prefetch = 0 : i64, scratch_operands = 17 : i64, tpu.core_type = #tpu.core_type<sc_vector_subcore>, window_params = [{transform_indices = #map}, {transform_indices = #map}, {transform_indices = #map1}, {transform_indices = #map1}, {transform_indices = #map1}]} {
    %mul3A = arith.constant 2 : i32
    %mul3A_0 = arith.muli %arg1, %mul3A : i32
    %add3A = arith.addi %mul3A_0, %arg0 : i32
    %mul3A_1 = arith.constant 10000 : i32
    %mul3A_2 = arith.muli %add3A, %mul3A_1 : i32
    %mul3A_3 = arith.constant 625 : i32
    %mul3A_4 = arith.muli %arg1, %mul3A_3 : i32
    %dma_start3A = arith.constant 0 : i32
    %dma_start3A_5 = tpu.memref_slice %arg7[%mul3A_4, %dma_start3A] : memref<10000x64xi32, #tpu.memory_space<vmem_shared>> -> memref<625x64xi32, #tpu.memory_space<vmem_shared>>
    %dma_start3A_6 = arith.constant 0 : i32
    %dma_start3A_7 = tpu.memref_slice %arg2[%mul3A_4, %dma_start3A_6] : memref<10000x64xi32, #tpu.memory_space<hbm>> -> memref<625x64xi32, #tpu.memory_space<hbm>>
    tpu.enqueue_dma source(%dma_start3A_7 : memref<625x64xi32, #tpu.memory_space<hbm>>) target(%dma_start3A_5 : memref<625x64xi32, #tpu.memory_space<vmem_shared>>) target_semaphore(%arg22 : memref<!tpu.dma_semaphore, #tpu.memory_space<semaphore_mem>>)
    %dma_start3A_8 = arith.constant 0 : i32
    %dma_start3A_9 = tpu.memref_slice %arg8[%mul3A_4, %dma_start3A_8] : memref<10000x64xi32, #tpu.memory_space<vmem_shared>> -> memref<625x64xi32, #tpu.memory_space<vmem_shared>>
    %dma_start3A_10 = arith.constant 0 : i32
    %dma_start3A_11 = tpu.memref_slice %arg3[%mul3A_4, %dma_start3A_10] : memref<10000x64xi32, #tpu.memory_space<hbm>> -> memref<625x64xi32, #tpu.memory_space<hbm>>
    tpu.enqueue_dma source(%dma_start3A_11 : memref<625x64xi32, #tpu.memory_space<hbm>>) target(%dma_start3A_9 : memref<625x64xi32, #tpu.memory_space<vmem_shared>>) target_semaphore(%arg23 : memref<!tpu.dma_semaphore, #tpu.memory_space<semaphore_mem>>)
    "tpu.region"() ({
      %run_scoped3A = tpu.sem_alloc : memref<!tpu.dma_semaphore, #tpu.memory_space<semaphore_mem>>
      %dma_start3A_54 = tpu.memref_slice %arg4[%mul3A_2] : memref<320000xi32, #tpu.memory_space<hbm>> -> memref<10000xi32, #tpu.memory_space<hbm>>
      %dma_start3A_55 = tpu.memref_slice %arg4[%mul3A_2] : memref<320000xi32, #tpu.memory_space<hbm>> -> memref<10000xi32, #tpu.memory_space<hbm>>
      tpu.enqueue_dma source(%dma_start3A_55 : memref<10000xi32, #tpu.memory_space<hbm>>) target(%arg9 : memref<10000xi32, #tpu.memory_space<vmem>>) target_semaphore(%run_scoped3A : memref<!tpu.dma_semaphore, #tpu.memory_space<semaphore_mem>>)
      %dma_wait3A_56 = tpu.memref_slice %arg4[%mul3A_2] : memref<320000xi32, #tpu.memory_space<hbm>> -> memref<10000xi32, #tpu.memory_space<hbm>>
      %dma_wait3A_57 = tpu.memref_slice %arg4[%mul3A_2] : memref<320000xi32, #tpu.memory_space<hbm>> -> memref<10000xi32, #tpu.memory_space<hbm>>
      tpu.wait_dma2 semaphore(%run_scoped3A : memref<!tpu.dma_semaphore, #tpu.memory_space<semaphore_mem>>) src(%dma_wait3A_57 : memref<10000xi32, #tpu.memory_space<hbm>>) dst(%arg9 : memref<10000xi32, #tpu.memory_space<vmem>>)
      tpu.yield
    }) : () -> ()
    "tpu.region"() ({
      %run_scoped3A = tpu.sem_alloc : memref<!tpu.dma_semaphore, #tpu.memory_space<semaphore_mem>>
      %dma_start3A_54 = tpu.memref_slice %arg5[%mul3A_2] : memref<320000xi32, #tpu.memory_space<hbm>> -> memref<10000xi32, #tpu.memory_space<hbm>>
      %dma_start3A_55 = tpu.memref_slice %arg5[%mul3A_2] : memref<320000xi32, #tpu.memory_space<hbm>> -> memref<10000xi32, #tpu.memory_space<hbm>>
      tpu.enqueue_dma source(%dma_start3A_55 : memref<10000xi32, #tpu.memory_space<hbm>>) target(%arg10 : memref<10000xi32, #tpu.memory_space<vmem>>) target_semaphore(%run_scoped3A : memref<!tpu.dma_semaphore, #tpu.memory_space<semaphore_mem>>)
      %dma_wait3A_56 = tpu.memref_slice %arg5[%mul3A_2] : memref<320000xi32, #tpu.memory_space<hbm>> -> memref<10000xi32, #tpu.memory_space<hbm>>
      %dma_wait3A_57 = tpu.memref_slice %arg5[%mul3A_2] : memref<320000xi32, #tpu.memory_space<hbm>> -> memref<10000xi32, #tpu.memory_space<hbm>>
      tpu.wait_dma2 semaphore(%run_scoped3A : memref<!tpu.dma_semaphore, #tpu.memory_space<semaphore_mem>>) src(%dma_wait3A_57 : memref<10000xi32, #tpu.memory_space<hbm>>) dst(%arg10 : memref<10000xi32, #tpu.memory_space<vmem>>)
      tpu.yield
    }) : () -> ()
    %dma_wait3A = arith.constant 0 : i32
    %dma_wait3A_12 = tpu.memref_slice %arg7[%mul3A_4, %dma_wait3A] : memref<10000x64xi32, #tpu.memory_space<vmem_shared>> -> memref<625x64xi32, #tpu.memory_space<vmem_shared>>
    %dma_wait3A_13 = arith.constant 0 : i32
    %dma_wait3A_14 = tpu.memref_slice %arg2[%mul3A_4, %dma_wait3A_13] : memref<10000x64xi32, #tpu.memory_space<hbm>> -> memref<625x64xi32, #tpu.memory_space<hbm>>
    tpu.wait_dma2 semaphore(%arg22 : memref<!tpu.dma_semaphore, #tpu.memory_space<semaphore_mem>>) src(%dma_wait3A_14 : memref<625x64xi32, #tpu.memory_space<hbm>>) dst(%dma_wait3A_12 : memref<625x64xi32, #tpu.memory_space<vmem_shared>>)
    %dma_wait3A_15 = arith.constant 0 : i32
    %dma_wait3A_16 = tpu.memref_slice %arg8[%mul3A_4, %dma_wait3A_15] : memref<10000x64xi32, #tpu.memory_space<vmem_shared>> -> memref<625x64xi32, #tpu.memory_space<vmem_shared>>
    %dma_wait3A_17 = arith.constant 0 : i32
    %dma_wait3A_18 = tpu.memref_slice %arg3[%mul3A_4, %dma_wait3A_17] : memref<10000x64xi32, #tpu.memory_space<hbm>> -> memref<625x64xi32, #tpu.memory_space<hbm>>
    tpu.wait_dma2 semaphore(%arg23 : memref<!tpu.dma_semaphore, #tpu.memory_space<semaphore_mem>>) src(%dma_wait3A_18 : memref<625x64xi32, #tpu.memory_space<hbm>>) dst(%dma_wait3A_16 : memref<625x64xi32, #tpu.memory_space<vmem_shared>>)
    %barrier3A = arith.constant 0 : index
    tpu.barrier barrier_id(%barrier3A)
    %iota3A = tpu.iota {dimensions = array<i32: 0>} : vector<16xi32>
    %mul3A_19 = arith.constant 16 : i32
    %mul3A_20 = vector.broadcast %mul3A_19 : i32 to vector<16xi32>
    %mul3A_21 = arith.muli %iota3A, %mul3A_20 : vector<16xi32>
    %broadcast_in_dim3A = arith.constant -65536 : i32
    %broadcast_in_dim3A_22 = vector.broadcast %broadcast_in_dim3A : i32 to vector<16xi32>
    %dma_start3A_23 = arith.constant 0 : i32
    %dma_start3A_24 = tpu.memref_slice %arg9[%dma_start3A_23] : memref<10000xi32, #tpu.memory_space<vmem>> -> memref<80xi32, #tpu.memory_space<vmem>>
    %dma_start3A_25 = arith.constant 0 : i32
    %dma_start3A_26 = arith.constant 0 : i32
    %dma_start3A_27 = tpu.memref_slice %arg7[%dma_start3A_25, %dma_start3A_26] : memref<10000x64xi32, #tpu.memory_space<vmem_shared>> -> memref<10000x64xi32, #tpu.memory_space<vmem_shared>>
    tpu.enqueue_indirect_dma source(%dma_start3A_27 : memref<10000x64xi32, #tpu.memory_space<vmem_shared>>) target(%arg11 : memref<80x64xi32, #tpu.memory_space<vmem>>) offsets(%dma_start3A_24 : memref<80xi32, #tpu.memory_space<vmem>>) semaphore(%arg18 : memref<!tpu.dma_semaphore, #tpu.memory_space<semaphore_mem>>)
    %dma_start3A_28 = arith.constant 0 : i32
    %dma_start3A_29 = tpu.memref_slice %arg10[%dma_start3A_28] : memref<10000xi32, #tpu.memory_space<vmem>> -> memref<80xi32, #tpu.memory_space<vmem>>
    %dma_start3A_30 = arith.constant 0 : i32
    %dma_start3A_31 = arith.constant 0 : i32
    %dma_start3A_32 = tpu.memref_slice %arg8[%dma_start3A_30, %dma_start3A_31] : memref<10000x64xi32, #tpu.memory_space<vmem_shared>> -> memref<10000x64xi32, #tpu.memory_space<vmem_shared>>
    tpu.enqueue_indirect_dma source(%dma_start3A_32 : memref<10000x64xi32, #tpu.memory_space<vmem_shared>>) target(%arg12 : memref<80x64xi32, #tpu.memory_space<vmem>>) offsets(%dma_start3A_29 : memref<80xi32, #tpu.memory_space<vmem>>) semaphore(%arg19 : memref<!tpu.dma_semaphore, #tpu.memory_space<semaphore_mem>>)
    %scan3A = arith.constant 0 : i32
    %scan3A_33 = arith.constant 0 : i32
    %scan3A_34 = arith.constant 62 : i32
    %scan3A_35 = arith.addi %scan3A_33, %scan3A_34 : i32
    %scan3A_36 = arith.constant 1 : i32
    scf.for %scan3A_54 = %scan3A_33 to %scan3A_35 step %scan3A_36  : i32 {
      %mul3A_55 = arith.constant 2 : i32
      %mul3A_56 = arith.muli %mul3A_55, %scan3A_54 : i32
      %dma_wait3A_57 = arith.constant 0 : i32
      %dma_wait3A_58 = tpu.memref_slice %arg9[%dma_wait3A_57] : memref<10000xi32, #tpu.memory_space<vmem>> -> memref<80xi32, #tpu.memory_space<vmem>>
      %dma_wait3A_59 = arith.constant 0 : i32
      %dma_wait3A_60 = arith.constant 0 : i32
      %dma_wait3A_61 = tpu.memref_slice %arg7[%dma_wait3A_59, %dma_wait3A_60] : memref<10000x64xi32, #tpu.memory_space<vmem_shared>> -> memref<10000x64xi32, #tpu.memory_space<vmem_shared>>
      tpu.wait_indirect_dma semaphore(%arg18 : memref<!tpu.dma_semaphore, #tpu.memory_space<semaphore_mem>>) src(%dma_wait3A_61 : memref<10000x64xi32, #tpu.memory_space<vmem_shared>>) dst(%arg11 : memref<80x64xi32, #tpu.memory_space<vmem>>)
      %dma_wait3A_62 = arith.constant 0 : i32
      %dma_wait3A_63 = tpu.memref_slice %arg10[%dma_wait3A_62] : memref<10000xi32, #tpu.memory_space<vmem>> -> memref<80xi32, #tpu.memory_space<vmem>>
      %dma_wait3A_64 = arith.constant 0 : i32
      %dma_wait3A_65 = arith.constant 0 : i32
      %dma_wait3A_66 = tpu.memref_slice %arg8[%dma_wait3A_64, %dma_wait3A_65] : memref<10000x64xi32, #tpu.memory_space<vmem_shared>> -> memref<10000x64xi32, #tpu.memory_space<vmem_shared>>
      tpu.wait_indirect_dma semaphore(%arg19 : memref<!tpu.dma_semaphore, #tpu.memory_space<semaphore_mem>>) src(%dma_wait3A_66 : memref<10000x64xi32, #tpu.memory_space<vmem_shared>>) dst(%arg12 : memref<80x64xi32, #tpu.memory_space<vmem>>)
      %add3A_67 = arith.constant 1 : i32
      %add3A_68 = arith.addi %mul3A_56, %add3A_67 : i32
      %mul3A_69 = arith.constant 80 : i32
      %mul3A_70 = arith.muli %add3A_68, %mul3A_69 : i32
      %dma_start3A_71 = tpu.memref_slice %arg9[%mul3A_70] : memref<10000xi32, #tpu.memory_space<vmem>> -> memref<80xi32, #tpu.memory_space<vmem>>
      %dma_start3A_72 = arith.constant 0 : i32
      %dma_start3A_73 = arith.constant 0 : i32
      %dma_start3A_74 = tpu.memref_slice %arg7[%dma_start3A_72, %dma_start3A_73] : memref<10000x64xi32, #tpu.memory_space<vmem_shared>> -> memref<10000x64xi32, #tpu.memory_space<vmem_shared>>
      tpu.enqueue_indirect_dma source(%dma_start3A_74 : memref<10000x64xi32, #tpu.memory_space<vmem_shared>>) target(%arg13 : memref<80x64xi32, #tpu.memory_space<vmem>>) offsets(%dma_start3A_71 : memref<80xi32, #tpu.memory_space<vmem>>) semaphore(%arg20 : memref<!tpu.dma_semaphore, #tpu.memory_space<semaphore_mem>>)
      %dma_start3A_75 = tpu.memref_slice %arg10[%mul3A_70] : memref<10000xi32, #tpu.memory_space<vmem>> -> memref<80xi32, #tpu.memory_space<vmem>>
      %dma_start3A_76 = arith.constant 0 : i32
      %dma_start3A_77 = arith.constant 0 : i32
      %dma_start3A_78 = tpu.memref_slice %arg8[%dma_start3A_76, %dma_start3A_77] : memref<10000x64xi32, #tpu.memory_space<vmem_shared>> -> memref<10000x64xi32, #tpu.memory_space<vmem_shared>>
      tpu.enqueue_indirect_dma source(%dma_start3A_78 : memref<10000x64xi32, #tpu.memory_space<vmem_shared>>) target(%arg14 : memref<80x64xi32, #tpu.memory_space<vmem>>) offsets(%dma_start3A_75 : memref<80xi32, #tpu.memory_space<vmem>>) semaphore(%arg21 : memref<!tpu.dma_semaphore, #tpu.memory_space<semaphore_mem>>)
      %mul3A_79 = arith.constant 80 : i32
      %mul3A_80 = arith.muli %mul3A_56, %mul3A_79 : i32
      %scan3A_81 = arith.constant 0 : i32
      %scan3A_82 = arith.constant 0 : i32
      %scan3A_83 = arith.constant 5 : i32
      %scan3A_84 = arith.addi %scan3A_82, %scan3A_83 : i32
      %scan3A_85 = arith.constant 1 : i32
      scf.for %scan3A_119 = %scan3A_82 to %scan3A_84 step %scan3A_85  : i32 {
        %mul3A_120 = arith.constant 16 : i32
        %mul3A_121 = arith.muli %scan3A_119, %mul3A_120 : i32
        %add3A_122 = arith.constant 0 : i32
        %add3A_123 = arith.addi %mul3A_121, %add3A_122 : i32
        %get3A = arith.index_cast %add3A_123 : i32 to index
        %get3A_124 = arith.constant 0 : index
        %get3A_125 = tpu.vector_load %arg11[%get3A, %get3A_124] {strides = array<i32>} : memref<80x64xi32, #tpu.memory_space<vmem>>, vector<16xi32>,
        %get3A_126 = arith.index_cast %add3A_123 : i32 to index
        %get3A_127 = arith.constant 0 : index
        %get3A_128 = tpu.vector_load %arg12[%get3A_126, %get3A_127] {strides = array<i32>} : memref<80x64xi32, #tpu.memory_space<vmem>>, vector<16xi32>,
        %shift_left3A = arith.constant 16 : i32
        %shift_left3A_129 = vector.broadcast %shift_left3A : i32 to vector<16xi32>
        %shift_left3A_130 = arith.shli %get3A_125, %shift_left3A_129 : vector<16xi32>
        %bitcast3A = vector.bitcast %shift_left3A_130 : vector<16xi32> to vector<16xf32>
        %shift_left3A_131 = arith.constant 16 : i32
        %shift_left3A_132 = vector.broadcast %shift_left3A_131 : i32 to vector<16xi32>
        %shift_left3A_133 = arith.shli %get3A_128, %shift_left3A_132 : vector<16xi32>
        %bitcast3A_134 = vector.bitcast %shift_left3A_133 : vector<16xi32> to vector<16xf32>
        %and3A = arith.andi %get3A_125, %broadcast_in_dim3A_22 : vector<16xi32>
        %bitcast3A_135 = vector.bitcast %and3A : vector<16xi32> to vector<16xf32>
        %and3A_136 = arith.andi %get3A_128, %broadcast_in_dim3A_22 : vector<16xi32>
        %bitcast3A_137 = vector.bitcast %and3A_136 : vector<16xi32> to vector<16xf32>
        %mul3A_138 = arith.mulf %bitcast3A, %bitcast3A_134 : vector<16xf32>
        %mul3A_139 = arith.mulf %bitcast3A_135, %bitcast3A_137 : vector<16xf32>
        %add3A_140 = arith.addf %mul3A_138, %mul3A_139 : vector<16xf32>
        %get3A_141 = arith.index_cast %add3A_123 : i32 to index
        %get3A_142 = arith.constant 16 : index
        %get3A_143 = tpu.vector_load %arg11[%get3A_141, %get3A_142] {strides = array<i32>} : memref<80x64xi32, #tpu.memory_space<vmem>>, vector<16xi32>,
        %get3A_144 = arith.index_cast %add3A_123 : i32 to index
        %get3A_145 = arith.constant 16 : index
        %get3A_146 = tpu.vector_load %arg12[%get3A_144, %get3A_145] {strides = array<i32>} : memref<80x64xi32, #tpu.memory_space<vmem>>, vector<16xi32>,
        %shift_left3A_147 = arith.constant 16 : i32
        %shift_left3A_148 = vector.broadcast %shift_left3A_147 : i32 to vector<16xi32>
        %shift_left3A_149 = arith.shli %get3A_143, %shift_left3A_148 : vector<16xi32>
        %bitcast3A_150 = vector.bitcast %shift_left3A_149 : vector<16xi32> to vector<16xf32>
        %shift_left3A_151 = arith.constant 16 : i32
        %shift_left3A_152 = vector.broadcast %shift_left3A_151 : i32 to vector<16xi32>
        %shift_left3A_153 = arith.shli %get3A_146, %shift_left3A_152 : vector<16xi32>
        %bitcast3A_154 = vector.bitcast %shift_left3A_153 : vector<16xi32> to vector<16xf32>
        %and3A_155 = arith.andi %get3A_143, %broadcast_in_dim3A_22 : vector<16xi32>
        %bitcast3A_156 = vector.bitcast %and3A_155 : vector<16xi32> to vector<16xf32>
        %and3A_157 = arith.andi %get3A_146, %broadcast_in_dim3A_22 : vector<16xi32>
        %bitcast3A_158 = vector.bitcast %and3A_157 : vector<16xi32> to vector<16xf32>
        %mul3A_159 = arith.mulf %bitcast3A_150, %bitcast3A_154 : vector<16xf32>
        %mul3A_160 = arith.mulf %bitcast3A_156, %bitcast3A_158 : vector<16xf32>
        %add3A_161 = arith.addf %mul3A_159, %mul3A_160 : vector<16xf32>
        %get3A_162 = arith.index_cast %add3A_123 : i32 to index
        %get3A_163 = arith.constant 32 : index
        %get3A_164 = tpu.vector_load %arg11[%get3A_162, %get3A_163] {strides = array<i32>} : memref<80x64xi32, #tpu.memory_space<vmem>>, vector<16xi32>,
        %get3A_165 = arith.index_cast %add3A_123 : i32 to index
        %get3A_166 = arith.constant 32 : index
        %get3A_167 = tpu.vector_load %arg12[%get3A_165, %get3A_166] {strides = array<i32>} : memref<80x64xi32, #tpu.memory_space<vmem>>, vector<16xi32>,
        %shift_left3A_168 = arith.constant 16 : i32
        %shift_left3A_169 = vector.broadcast %shift_left3A_168 : i32 to vector<16xi32>
        %shift_left3A_170 = arith.shli %get3A_164, %shift_left3A_169 : vector<16xi32>
        %bitcast3A_171 = vector.bitcast %shift_left3A_170 : vector<16xi32> to vector<16xf32>
        %shift_left3A_172 = arith.constant 16 : i32
        %shift_left3A_173 = vector.broadcast %shift_left3A_172 : i32 to vector<16xi32>
        %shift_left3A_174 = arith.shli %get3A_167, %shift_left3A_173 : vector<16xi32>
        %bitcast3A_175 = vector.bitcast %shift_left3A_174 : vector<16xi32> to vector<16xf32>
        %and3A_176 = arith.andi %get3A_164, %broadcast_in_dim3A_22 : vector<16xi32>
        %bitcast3A_177 = vector.bitcast %and3A_176 : vector<16xi32> to vector<16xf32>
        %and3A_178 = arith.andi %get3A_167, %broadcast_in_dim3A_22 : vector<16xi32>
        %bitcast3A_179 = vector.bitcast %and3A_178 : vector<16xi32> to vector<16xf32>
        %mul3A_180 = arith.mulf %bitcast3A_171, %bitcast3A_175 : vector<16xf32>
        %mul3A_181 = arith.mulf %bitcast3A_177, %bitcast3A_179 : vector<16xf32>
        %add3A_182 = arith.addf %mul3A_180, %mul3A_181 : vector<16xf32>
        %get3A_183 = arith.index_cast %add3A_123 : i32 to index
        %get3A_184 = arith.constant 48 : index
        %get3A_185 = tpu.vector_load %arg11[%get3A_183, %get3A_184] {strides = array<i32>} : memref<80x64xi32, #tpu.memory_space<vmem>>, vector<16xi32>,
        %get3A_186 = arith.index_cast %add3A_123 : i32 to index
        %get3A_187 = arith.constant 48 : index
        %get3A_188 = tpu.vector_load %arg12[%get3A_186, %get3A_187] {strides = array<i32>} : memref<80x64xi32, #tpu.memory_space<vmem>>, vector<16xi32>,
        %shift_left3A_189 = arith.constant 16 : i32
        %shift_left3A_190 = vector.broadcast %shift_left3A_189 : i32 to vector<16xi32>
        %shift_left3A_191 = arith.shli %get3A_185, %shift_left3A_190 : vector<16xi32>
        %bitcast3A_192 = vector.bitcast %shift_left3A_191 : vector<16xi32> to vector<16xf32>
        %shift_left3A_193 = arith.constant 16 : i32
        %shift_left3A_194 = vector.broadcast %shift_left3A_193 : i32 to vector<16xi32>
        %shift_left3A_195 = arith.shli %get3A_188, %shift_left3A_194 : vector<16xi32>
        %bitcast3A_196 = vector.bitcast %shift_left3A_195 : vector<16xi32> to vector<16xf32>
        %and3A_197 = arith.andi %get3A_185, %broadcast_in_dim3A_22 : vector<16xi32>
        %bitcast3A_198 = vector.bitcast %and3A_197 : vector<16xi32> to vector<16xf32>
        %and3A_199 = arith.andi %get3A_188, %broadcast_in_dim3A_22 : vector<16xi32>
        %bitcast3A_200 = vector.bitcast %and3A_199 : vector<16xi32> to vector<16xf32>
        %mul3A_201 = arith.mulf %bitcast3A_192, %bitcast3A_196 : vector<16xf32>
        %mul3A_202 = arith.mulf %bitcast3A_198, %bitcast3A_200 : vector<16xf32>
        %add3A_203 = arith.addf %mul3A_201, %mul3A_202 : vector<16xf32>
        %add3A_204 = arith.addf %add3A_140, %add3A_161 : vector<16xf32>
        %add3A_205 = arith.addf %add3A_182, %add3A_203 : vector<16xf32>
        %add3A_206 = arith.addf %add3A_204, %add3A_205 : vector<16xf32>
        %swap3A = arith.constant 0 : index
        %swap3A_207 = tpu.vector_load %arg15[%swap3A] {strides = array<i32>} : memref<256xf32, #tpu.memory_space<vmem>>, vector<16xf32>,
        tpu.vector_store %arg15[%swap3A], %add3A_206 {strides = array<i32>} : memref<256xf32, #tpu.memory_space<vmem>>, vector<16xf32>,
        %add3A_208 = arith.constant 1 : i32
        %add3A_209 = arith.addi %mul3A_121, %add3A_208 : i32
        %get3A_210 = arith.index_cast %add3A_209 : i32 to index
        %get3A_211 = arith.constant 0 : index
        %get3A_212 = tpu.vector_load %arg11[%get3A_210, %get3A_211] {strides = array<i32>} : memref<80x64xi32, #tpu.memory_space<vmem>>, vector<16xi32>,
        %get3A_213 = arith.index_cast %add3A_209 : i32 to index
        %get3A_214 = arith.constant 0 : index
        %get3A_215 = tpu.vector_load %arg12[%get3A_213, %get3A_214] {strides = array<i32>} : memref<80x64xi32, #tpu.memory_space<vmem>>, vector<16xi32>,
        %shift_left3A_216 = arith.constant 16 : i32
        %shift_left3A_217 = vector.broadcast %shift_left3A_216 : i32 to vector<16xi32>
        %shift_left3A_218 = arith.shli %get3A_212, %shift_left3A_217 : vector<16xi32>
        %bitcast3A_219 = vector.bitcast %shift_left3A_218 : vector<16xi32> to vector<16xf32>
        %shift_left3A_220 = arith.constant 16 : i32
        %shift_left3A_221 = vector.broadcast %shift_left3A_220 : i32 to vector<16xi32>
        %shift_left3A_222 = arith.shli %get3A_215, %shift_left3A_221 : vector<16xi32>
        %bitcast3A_223 = vector.bitcast %shift_left3A_222 : vector<16xi32> to vector<16xf32>
        %and3A_224 = arith.andi %get3A_212, %broadcast_in_dim3A_22 : vector<16xi32>
        %bitcast3A_225 = vector.bitcast %and3A_224 : vector<16xi32> to vector<16xf32>
        %and3A_226 = arith.andi %get3A_215, %broadcast_in_dim3A_22 : vector<16xi32>
        %bitcast3A_227 = vector.bitcast %and3A_226 : vector<16xi32> to vector<16xf32>
        %mul3A_228 = arith.mulf %bitcast3A_219, %bitcast3A_223 : vector<16xf32>
        %mul3A_229 = arith.mulf %bitcast3A_225, %bitcast3A_227 : vector<16xf32>
        %add3A_230 = arith.addf %mul3A_228, %mul3A_229 : vector<16xf32>
        %get3A_231 = arith.index_cast %add3A_209 : i32 to index
        %get3A_232 = arith.constant 16 : index
        %get3A_233 = tpu.vector_load %arg11[%get3A_231, %get3A_232] {strides = array<i32>} : memref<80x64xi32, #tpu.memory_space<vmem>>, vector<16xi32>,
        %get3A_234 = arith.index_cast %add3A_209 : i32 to index
        %get3A_235 = arith.constant 16 : index
        %get3A_236 = tpu.vector_load %arg12[%get3A_234, %get3A_235] {strides = array<i32>} : memref<80x64xi32, #tpu.memory_space<vmem>>, vector<16xi32>,
        %shift_left3A_237 = arith.constant 16 : i32
        %shift_left3A_238 = vector.broadcast %shift_left3A_237 : i32 to vector<16xi32>
        %shift_left3A_239 = arith.shli %get3A_233, %shift_left3A_238 : vector<16xi32>
        %bitcast3A_240 = vector.bitcast %shift_left3A_239 : vector<16xi32> to vector<16xf32>
        %shift_left3A_241 = arith.constant 16 : i32
        %shift_left3A_242 = vector.broadcast %shift_left3A_241 : i32 to vector<16xi32>
        %shift_left3A_243 = arith.shli %get3A_236, %shift_left3A_242 : vector<16xi32>
        %bitcast3A_244 = vector.bitcast %shift_left3A_243 : vector<16xi32> to vector<16xf32>
        %and3A_245 = arith.andi %get3A_233, %broadcast_in_dim3A_22 : vector<16xi32>
        %bitcast3A_246 = vector.bitcast %and3A_245 : vector<16xi32> to vector<16xf32>
        %and3A_247 = arith.andi %get3A_236, %broadcast_in_dim3A_22 : vector<16xi32>
        %bitcast3A_248 = vector.bitcast %and3A_247 : vector<16xi32> to vector<16xf32>
        %mul3A_249 = arith.mulf %bitcast3A_240, %bitcast3A_244 : vector<16xf32>
        %mul3A_250 = arith.mulf %bitcast3A_246, %bitcast3A_248 : vector<16xf32>
        %add3A_251 = arith.addf %mul3A_249, %mul3A_250 : vector<16xf32>
        %get3A_252 = arith.index_cast %add3A_209 : i32 to index
        %get3A_253 = arith.constant 32 : index
        %get3A_254 = tpu.vector_load %arg11[%get3A_252, %get3A_253] {strides = array<i32>} : memref<80x64xi32, #tpu.memory_space<vmem>>, vector<16xi32>,
        %get3A_255 = arith.index_cast %add3A_209 : i32 to index
        %get3A_256 = arith.constant 32 : index
        %get3A_257 = tpu.vector_load %arg12[%get3A_255, %get3A_256] {strides = array<i32>} : memref<80x64xi32, #tpu.memory_space<vmem>>, vector<16xi32>,
        %shift_left3A_258 = arith.constant 16 : i32
        %shift_left3A_259 = vector.broadcast %shift_left3A_258 : i32 to vector<16xi32>
        %shift_left3A_260 = arith.shli %get3A_254, %shift_left3A_259 : vector<16xi32>
        %bitcast3A_261 = vector.bitcast %shift_left3A_260 : vector<16xi32> to vector<16xf32>
        %shift_left3A_262 = arith.constant 16 : i32
        %shift_left3A_263 = vector.broadcast %shift_left3A_262 : i32 to vector<16xi32>
        %shift_left3A_264 = arith.shli %get3A_257, %shift_left3A_263 : vector<16xi32>
        %bitcast3A_265 = vector.bitcast %shift_left3A_264 : vector<16xi32> to vector<16xf32>
        %and3A_266 = arith.andi %get3A_254, %broadcast_in_dim3A_22 : vector<16xi32>
        %bitcast3A_267 = vector.bitcast %and3A_266 : vector<16xi32> to vector<16xf32>
        %and3A_268 = arith.andi %get3A_257, %broadcast_in_dim3A_22 : vector<16xi32>
        %bitcast3A_269 = vector.bitcast %and3A_268 : vector<16xi32> to vector<16xf32>
        %mul3A_270 = arith.mulf %bitcast3A_261, %bitcast3A_265 : vector<16xf32>
        %mul3A_271 = arith.mulf %bitcast3A_267, %bitcast3A_269 : vector<16xf32>
        %add3A_272 = arith.addf %mul3A_270, %mul3A_271 : vector<16xf32>
        %get3A_273 = arith.index_cast %add3A_209 : i32 to index
        %get3A_274 = arith.constant 48 : index
        %get3A_275 = tpu.vector_load %arg11[%get3A_273, %get3A_274] {strides = array<i32>} : memref<80x64xi32, #tpu.memory_space<vmem>>, vector<16xi32>,
        %get3A_276 = arith.index_cast %add3A_209 : i32 to index
        %get3A_277 = arith.constant 48 : index
        %get3A_278 = tpu.vector_load %arg12[%get3A_276, %get3A_277] {strides = array<i32>} : memref<80x64xi32, #tpu.memory_space<vmem>>, vector<16xi32>,
        %shift_left3A_279 = arith.constant 16 : i32
        %shift_left3A_280 = vector.broadcast %shift_left3A_279 : i32 to vector<16xi32>
        %shift_left3A_281 = arith.shli %get3A_275, %shift_left3A_280 : vector<16xi32>
        %bitcast3A_282 = vector.bitcast %shift_left3A_281 : vector<16xi32> to vector<16xf32>
        %shift_left3A_283 = arith.constant 16 : i32
        %shift_left3A_284 = vector.broadcast %shift_left3A_283 : i32 to vector<16xi32>
        %shift_left3A_285 = arith.shli %get3A_278, %shift_left3A_284 : vector<16xi32>
        %bitcast3A_286 = vector.bitcast %shift_left3A_285 : vector<16xi32> to vector<16xf32>
        %and3A_287 = arith.andi %get3A_275, %broadcast_in_dim3A_22 : vector<16xi32>
        %bitcast3A_288 = vector.bitcast %and3A_287 : vector<16xi32> to vector<16xf32>
        %and3A_289 = arith.andi %get3A_278, %broadcast_in_dim3A_22 : vector<16xi32>
        %bitcast3A_290 = vector.bitcast %and3A_289 : vector<16xi32> to vector<16xf32>
        %mul3A_291 = arith.mulf %bitcast3A_282, %bitcast3A_286 : vector<16xf32>
        %mul3A_292 = arith.mulf %bitcast3A_288, %bitcast3A_290 : vector<16xf32>
        %add3A_293 = arith.addf %mul3A_291, %mul3A_292 : vector<16xf32>
        %add3A_294 = arith.addf %add3A_230, %add3A_251 : vector<16xf32>
        %add3A_295 = arith.addf %add3A_272, %add3A_293 : vector<16xf32>
        %add3A_296 = arith.addf %add3A_294, %add3A_295 : vector<16xf32>
        %swap3A_297 = arith.constant 16 : index
        %swap3A_298 = tpu.vector_load %arg15[%swap3A_297] {strides = array<i32>} : memref<256xf32, #tpu.memory_space<vmem>>, vector<16xf32>,
        tpu.vector_store %arg15[%swap3A_297], %add3A_296 {strides = array<i32>} : memref<256xf32, #tpu.memory_space<vmem>>, vector<16xf32>,
        %add3A_299 = arith.constant 2 : i32
        %add3A_300 = arith.addi %mul3A_121, %add3A_299 : i32
        %get3A_301 = arith.index_cast %add3A_300 : i32 to index
        %get3A_302 = arith.constant 0 : index
        %get3A_303 = tpu.vector_load %arg11[%get3A_301, %get3A_302] {strides = array<i32>} : memref<80x64xi32, #tpu.memory_space<vmem>>, vector<16xi32>,
        %get3A_304 = arith.index_cast %add3A_300 : i32 to index
        %get3A_305 = arith.constant 0 : index
        %get3A_306 = tpu.vector_load %arg12[%get3A_304, %get3A_305] {strides = array<i32>} : memref<80x64xi32, #tpu.memory_space<vmem>>, vector<16xi32>,
        %shift_left3A_307 = arith.constant 16 : i32
        %shift_left3A_308 = vector.broadcast %shift_left3A_307 : i32 to vector<16xi32>
        %shift_left3A_309 = arith.shli %get3A_303, %shift_left3A_308 : vector<16xi32>
        %bitcast3A_310 = vector.bitcast %shift_left3A_309 : vector<16xi32> to vector<16xf32>
        %shift_left3A_311 = arith.constant 16 : i32
        %shift_left3A_312 = vector.broadcast %shift_left3A_311 : i32 to vector<16xi32>
        %shift_left3A_313 = arith.shli %get3A_306, %shift_left3A_312 : vector<16xi32>
        %bitcast3A_314 = vector.bitcast %shift_left3A_313 : vector<16xi32> to vector<16xf32>
        %and3A_315 = arith.andi %get3A_303, %broadcast_in_dim3A_22 : vector<16xi32>
        %bitcast3A_316 = vector.bitcast %and3A_315 : vector<16xi32> to vector<16xf32>
        %and3A_317 = arith.andi %get3A_306, %broadcast_in_dim3A_22 : vector<16xi32>
        %bitcast3A_318 = vector.bitcast %and3A_317 : vector<16xi32> to vector<16xf32>
        %mul3A_319 = arith.mulf %bitcast3A_310, %bitcast3A_314 : vector<16xf32>
        %mul3A_320 = arith.mulf %bitcast3A_316, %bitcast3A_318 : vector<16xf32>
        %add3A_321 = arith.addf %mul3A_319, %mul3A_320 : vector<16xf32>
        %get3A_322 = arith.index_cast %add3A_300 : i32 to index
        %get3A_323 = arith.constant 16 : index
        %get3A_324 = tpu.vector_load %arg11[%get3A_322, %get3A_323] {strides = array<i32>} : memref<80x64xi32, #tpu.memory_space<vmem>>, vector<16xi32>,
        %get3A_325 = arith.index_cast %add3A_300 : i32 to index
        %get3A_326 = arith.constant 16 : index
        %get3A_327 = tpu.vector_load %arg12[%get3A_325, %get3A_326] {strides = array<i32>} : memref<80x64xi32, #tpu.memory_space<vmem>>, vector<16xi32>,
        %shift_left3A_328 = arith.constant 16 : i32
        %shift_left3A_329 = vector.broadcast %shift_left3A_328 : i32 to vector<16xi32>
        %shift_left3A_330 = arith.shli %get3A_324, %shift_left3A_329 : vector<16xi32>
        %bitcast3A_331 = vector.bitcast %shift_left3A_330 : vector<16xi32> to vector<16xf32>
        %shift_left3A_332 = arith.constant 16 : i32
        %shift_left3A_333 = vector.broadcast %shift_left3A_332 : i32 to vector<16xi32>
        %shift_left3A_334 = arith.shli %get3A_327, %shift_left3A_333 : vector<16xi32>
        %bitcast3A_335 = vector.bitcast %shift_left3A_334 : vector<16xi32> to vector<16xf32>
        %and3A_336 = arith.andi %get3A_324, %broadcast_in_dim3A_22 : vector<16xi32>
        %bitcast3A_337 = vector.bitcast %and3A_336 : vector<16xi32> to vector<16xf32>
        %and3A_338 = arith.andi %get3A_327, %broadcast_in_dim3A_22 : vector<16xi32>
        %bitcast3A_339 = vector.bitcast %and3A_338 : vector<16xi32> to vector<16xf32>
        %mul3A_340 = arith.mulf %bitcast3A_331, %bitcast3A_335 : vector<16xf32>
        %mul3A_341 = arith.mulf %bitcast3A_337, %bitcast3A_339 : vector<16xf32>
        %add3A_342 = arith.addf %mul3A_340, %mul3A_341 : vector<16xf32>
        %get3A_343 = arith.index_cast %add3A_300 : i32 to index
        %get3A_344 = arith.constant 32 : index
        %get3A_345 = tpu.vector_load %arg11[%get3A_343, %get3A_344] {strides = array<i32>} : memref<80x64xi32, #tpu.memory_space<vmem>>, vector<16xi32>,
        %get3A_346 = arith.index_cast %add3A_300 : i32 to index
        %get3A_347 = arith.constant 32 : index
        %get3A_348 = tpu.vector_load %arg12[%get3A_346, %get3A_347] {strides = array<i32>} : memref<80x64xi32, #tpu.memory_space<vmem>>, vector<16xi32>,
        %shift_left3A_349 = arith.constant 16 : i32
        %shift_left3A_350 = vector.broadcast %shift_left3A_349 : i32 to vector<16xi32>
        %shift_left3A_351 = arith.shli %get3A_345, %shift_left3A_350 : vector<16xi32>
        %bitcast3A_352 = vector.bitcast %shift_left3A_351 : vector<16xi32> to vector<16xf32>
        %shift_left3A_353 = arith.constant 16 : i32
        %shift_left3A_354 = vector.broadcast %shift_left3A_353 : i32 to vector<16xi32>
        %shift_left3A_355 = arith.shli %get3A_348, %shift_left3A_354 : vector<16xi32>
        %bitcast3A_356 = vector.bitcast %shift_left3A_355 : vector<16xi32> to vector<16xf32>
        %and3A_357 = arith.andi %get3A_345, %broadcast_in_dim3A_22 : vector<16xi32>
        %bitcast3A_358 = vector.bitcast %and3A_357 : vector<16xi32> to vector<16xf32>
        %and3A_359 = arith.andi %get3A_348, %broadcast_in_dim3A_22 : vector<16xi32>
        %bitcast3A_360 = vector.bitcast %and3A_359 : vector<16xi32> to vector<16xf32>
        %mul3A_361 = arith.mulf %bitcast3A_352, %bitcast3A_356 : vector<16xf32>
        %mul3A_362 = arith.mulf %bitcast3A_358, %bitcast3A_360 : vector<16xf32>
        %add3A_363 = arith.addf %mul3A_361, %mul3A_362 : vector<16xf32>
        %get3A_364 = arith.index_cast %add3A_300 : i32 to index
        %get3A_365 = arith.constant 48 : index
        %get3A_366 = tpu.vector_load %arg11[%get3A_364, %get3A_365] {strides = array<i32>} : memref<80x64xi32, #tpu.memory_space<vmem>>, vector<16xi32>,
        %get3A_367 = arith.index_cast %add3A_300 : i32 to index
        %get3A_368 = arith.constant 48 : index
        %get3A_369 = tpu.vector_load %arg12[%get3A_367, %get3A_368] {strides = array<i32>} : memref<80x64xi32, #tpu.memory_space<vmem>>, vector<16xi32>,
        %shift_left3A_370 = arith.constant 16 : i32
        %shift_left3A_371 = vector.broadcast %shift_left3A_370 : i32 to vector<16xi32>
        %shift_left3A_372 = arith.shli %get3A_366, %shift_left3A_371 : vector<16xi32>
        %bitcast3A_373 = vector.bitcast %shift_left3A_372 : vector<16xi32> to vector<16xf32>
        %shift_left3A_374 = arith.constant 16 : i32
        %shift_left3A_375 = vector.broadcast %shift_left3A_374 : i32 to vector<16xi32>
        %shift_left3A_376 = arith.shli %get3A_369, %shift_left3A_375 : vector<16xi32>
        %bitcast3A_377 = vector.bitcast %shift_left3A_376 : vector<16xi32> to vector<16xf32>
        %and3A_378 = arith.andi %get3A_366, %broadcast_in_dim3A_22 : vector<16xi32>
        %bitcast3A_379 = vector.bitcast %and3A_378 : vector<16xi32> to vector<16xf32>
        %and3A_380 = arith.andi %get3A_369, %broadcast_in_dim3A_22 : vector<16xi32>
        %bitcast3A_381 = vector.bitcast %and3A_380 : vector<16xi32> to vector<16xf32>
        %mul3A_382 = arith.mulf %bitcast3A_373, %bitcast3A_377 : vector<16xf32>
        %mul3A_383 = arith.mulf %bitcast3A_379, %bitcast3A_381 : vector<16xf32>
        %add3A_384 = arith.addf %mul3A_382, %mul3A_383 : vector<16xf32>
        %add3A_385 = arith.addf %add3A_321, %add3A_342 : vector<16xf32>
        %add3A_386 = arith.addf %add3A_363, %add3A_384 : vector<16xf32>
        %add3A_387 = arith.addf %add3A_385, %add3A_386 : vector<16xf32>
        %swap3A_388 = arith.constant 32 : index
        %swap3A_389 = tpu.vector_load %arg15[%swap3A_388] {strides = array<i32>} : memref<256xf32, #tpu.memory_space<vmem>>, vector<16xf32>,
        tpu.vector_store %arg15[%swap3A_388], %add3A_387 {strides = array<i32>} : memref<256xf32, #tpu.memory_space<vmem>>, vector<16xf32>,
        %add3A_390 = arith.constant 3 : i32
        %add3A_391 = arith.addi %mul3A_121, %add3A_390 : i32
        %get3A_392 = arith.index_cast %add3A_391 : i32 to index
        %get3A_393 = arith.constant 0 : index
        %get3A_394 = tpu.vector_load %arg11[%get3A_392, %get3A_393] {strides = array<i32>} : memref<80x64xi32, #tpu.memory_space<vmem>>, vector<16xi32>,
        %get3A_395 = arith.index_cast %add3A_391 : i32 to index
        %get3A_396 = arith.constant 0 : index
        %get3A_397 = tpu.vector_load %arg12[%get3A_395, %get3A_396] {strides = array<i32>} : memref<80x64xi32, #tpu.memory_space<vmem>>, vector<16xi32>,
        %shift_left3A_398 = arith.constant 16 : i32
        %shift_left3A_399 = vector.broadcast %shift_left3A_398 : i32 to vector<16xi32>
        %shift_left3A_400 = arith.shli %get3A_394, %shift_left3A_399 : vector<16xi32>
        %bitcast3A_401 = vector.bitcast %shift_left3A_400 : vector<16xi32> to vector<16xf32>
        %shift_left3A_402 = arith.constant 16 : i32
        %shift_left3A_403 = vector.broadcast %shift_left3A_402 : i32 to vector<16xi32>
        %shift_left3A_404 = arith.shli %get3A_397, %shift_left3A_403 : vector<16xi32>
        %bitcast3A_405 = vector.bitcast %shift_left3A_404 : vector<16xi32> to vector<16xf32>
        %and3A_406 = arith.andi %get3A_394, %broadcast_in_dim3A_22 : vector<16xi32>
        %bitcast3A_407 = vector.bitcast %and3A_406 : vector<16xi32> to vector<16xf32>
        %and3A_408 = arith.andi %get3A_397, %broadcast_in_dim3A_22 : vector<16xi32>
        %bitcast3A_409 = vector.bitcast %and3A_408 : vector<16xi32> to vector<16xf32>
        %mul3A_410 = arith.mulf %bitcast3A_401, %bitcast3A_405 : vector<16xf32>
        %mul3A_411 = arith.mulf %bitcast3A_407, %bitcast3A_409 : vector<16xf32>
        %add3A_412 = arith.addf %mul3A_410, %mul3A_411 : vector<16xf32>
        %get3A_413 = arith.index_cast %add3A_391 : i32 to index
        %get3A_414 = arith.constant 16 : index
        %get3A_415 = tpu.vector_load %arg11[%get3A_413, %get3A_414] {strides = array<i32>} : memref<80x64xi32, #tpu.memory_space<vmem>>, vector<16xi32>,
        %get3A_416 = arith.index_cast %add3A_391 : i32 to index
        %get3A_417 = arith.constant 16 : index
        %get3A_418 = tpu.vector_load %arg12[%get3A_416, %get3A_417] {strides = array<i32>} : memref<80x64xi32, #tpu.memory_space<vmem>>, vector<16xi32>,
        %shift_left3A_419 = arith.constant 16 : i32
        %shift_left3A_420 = vector.broadcast %shift_left3A_419 : i32 to vector<16xi32>
        %shift_left3A_421 = arith.shli %get3A_415, %shift_left3A_420 : vector<16xi32>
        %bitcast3A_422 = vector.bitcast %shift_left3A_421 : vector<16xi32> to vector<16xf32>
        %shift_left3A_423 = arith.constant 16 : i32
        %shift_left3A_424 = vector.broadcast %shift_left3A_423 : i32 to vector<16xi32>
        %shift_left3A_425 = arith.shli %get3A_418, %shift_left3A_424 : vector<16xi32>
        %bitcast3A_426 = vector.bitcast %shift_left3A_425 : vector<16xi32> to vector<16xf32>
        %and3A_427 = arith.andi %get3A_415, %broadcast_in_dim3A_22 : vector<16xi32>
        %bitcast3A_428 = vector.bitcast %and3A_427 : vector<16xi32> to vector<16xf32>
        %and3A_429 = arith.andi %get3A_418, %broadcast_in_dim3A_22 : vector<16xi32>
        %bitcast3A_430 = vector.bitcast %and3A_429 : vector<16xi32> to vector<16xf32>
        %mul3A_431 = arith.mulf %bitcast3A_422, %bitcast3A_426 : vector<16xf32>
        %mul3A_432 = arith.mulf %bitcast3A_428, %bitcast3A_430 : vector<16xf32>
        %add3A_433 = arith.addf %mul3A_431, %mul3A_432 : vector<16xf32>
        %get3A_434 = arith.index_cast %add3A_391 : i32 to index
        %get3A_435 = arith.constant 32 : index
        %get3A_436 = tpu.vector_load %arg11[%get3A_434, %get3A_435] {strides = array<i32>} : memref<80x64xi32, #tpu.memory_space<vmem>>, vector<16xi32>,
        %get3A_437 = arith.index_cast %add3A_391 : i32 to index
        %get3A_438 = arith.constant 32 : index
        %get3A_439 = tpu.vector_load %arg12[%get3A_437, %get3A_438] {strides = array<i32>} : memref<80x64xi32, #tpu.memory_space<vmem>>, vector<16xi32>,
        %shift_left3A_440 = arith.constant 16 : i32
        %shift_left3A_441 = vector.broadcast %shift_left3A_440 : i32 to vector<16xi32>
        %shift_left3A_442 = arith.shli %get3A_436, %shift_left3A_441 : vector<16xi32>
        %bitcast3A_443 = vector.bitcast %shift_left3A_442 : vector<16xi32> to vector<16xf32>
        %shift_left3A_444 = arith.constant 16 : i32
        %shift_left3A_445 = vector.broadcast %shift_left3A_444 : i32 to vector<16xi32>
        %shift_left3A_446 = arith.shli %get3A_439, %shift_left3A_445 : vector<16xi32>
        %bitcast3A_447 = vector.bitcast %shift_left3A_446 : vector<16xi32> to vector<16xf32>
        %and3A_448 = arith.andi %get3A_436, %broadcast_in_dim3A_22 : vector<16xi32>
        %bitcast3A_449 = vector.bitcast %and3A_448 : vector<16xi32> to vector<16xf32>
        %and3A_450 = arith.andi %get3A_439, %broadcast_in_dim3A_22 : vector<16xi32>
        %bitcast3A_451 = vector.bitcast %and3A_450 : vector<16xi32> to vector<16xf32>
        %mul3A_452 = arith.mulf %bitcast3A_443, %bitcast3A_447 : vector<16xf32>
        %mul3A_453 = arith.mulf %bitcast3A_449, %bitcast3A_451 : vector<16xf32>
        %add3A_454 = arith.addf %mul3A_452, %mul3A_453 : vector<16xf32>
        %get3A_455 = arith.index_cast %add3A_391 : i32 to index
        %get3A_456 = arith.constant 48 : index
        %get3A_457 = tpu.vector_load %arg11[%get3A_455, %get3A_456] {strides = array<i32>} : memref<80x64xi32, #tpu.memory_space<vmem>>, vector<16xi32>,
        %get3A_458 = arith.index_cast %add3A_391 : i32 to index
        %get3A_459 = arith.constant 48 : index
        %get3A_460 = tpu.vector_load %arg12[%get3A_458, %get3A_459] {strides = array<i32>} : memref<80x64xi32, #tpu.memory_space<vmem>>, vector<16xi32>,
        %shift_left3A_461 = arith.constant 16 : i32
        %shift_left3A_462 = vector.broadcast %shift_left3A_461 : i32 to vector<16xi32>
        %shift_left3A_463 = arith.shli %get3A_457, %shift_left3A_462 : vector<16xi32>
        %bitcast3A_464 = vector.bitcast %shift_left3A_463 : vector<16xi32> to vector<16xf32>
        %shift_left3A_465 = arith.constant 16 : i32
        %shift_left3A_466 = vector.broadcast %shift_left3A_465 : i32 to vector<16xi32>
        %shift_left3A_467 = arith.shli %get3A_460, %shift_left3A_466 : vector<16xi32>
        %bitcast3A_468 = vector.bitcast %shift_left3A_467 : vector<16xi32> to vector<16xf32>
        %and3A_469 = arith.andi %get3A_457, %broadcast_in_dim3A_22 : vector<16xi32>
        %bitcast3A_470 = vector.bitcast %and3A_469 : vector<16xi32> to vector<16xf32>
        %and3A_471 = arith.andi %get3A_460, %broadcast_in_dim3A_22 : vector<16xi32>
        %bitcast3A_472 = vector.bitcast %and3A_471 : vector<16xi32> to vector<16xf32>
        %mul3A_473 = arith.mulf %bitcast3A_464, %bitcast3A_468 : vector<16xf32>
        %mul3A_474 = arith.mulf %bitcast3A_470, %bitcast3A_472 : vector<16xf32>
        %add3A_475 = arith.addf %mul3A_473, %mul3A_474 : vector<16xf32>
        %add3A_476 = arith.addf %add3A_412, %add3A_433 : vector<16xf32>
        %add3A_477 = arith.addf %add3A_454, %add3A_475 : vector<16xf32>
        %add3A_478 = arith.addf %add3A_476, %add3A_477 : vector<16xf32>
        %swap3A_479 = arith.constant 48 : index
        %swap3A_480 = tpu.vector_load %arg15[%swap3A_479] {strides = array<i32>} : memref<256xf32, #tpu.memory_space<vmem>>, vector<16xf32>,
        tpu.vector_store %arg15[%swap3A_479], %add3A_478 {strides = array<i32>} : memref<256xf32, #tpu.memory_space<vmem>>, vector<16xf32>,
        %add3A_481 = arith.constant 4 : i32
        %add3A_482 = arith.addi %mul3A_121, %add3A_481 : i32
        %get3A_483 = arith.index_cast %add3A_482 : i32 to index
        %get3A_484 = arith.constant 0 : index
        %get3A_485 = tpu.vector_load %arg11[%get3A_483, %get3A_484] {strides = array<i32>} : memref<80x64xi32, #tpu.memory_space<vmem>>, vector<16xi32>,
        %get3A_486 = arith.index_cast %add3A_482 : i32 to index
        %get3A_487 = arith.constant 0 : index
        %get3A_488 = tpu.vector_load %arg12[%get3A_486, %get3A_487] {strides = array<i32>} : memref<80x64xi32, #tpu.memory_space<vmem>>, vector<16xi32>,
        %shift_left3A_489 = arith.constant 16 : i32
        %shift_left3A_490 = vector.broadcast %shift_left3A_489 : i32 to vector<16xi32>
        %shift_left3A_491 = arith.shli %get3A_485, %shift_left3A_490 : vector<16xi32>
        %bitcast3A_492 = vector.bitcast %shift_left3A_491 : vector<16xi32> to vector<16xf32>
        %shift_left3A_493 = arith.constant 16 : i32
        %shift_left3A_494 = vector.broadcast %shift_left3A_493 : i32 to vector<16xi32>
        %shift_left3A_495 = arith.shli %get3A_488, %shift_left3A_494 : vector<16xi32>
        %bitcast3A_496 = vector.bitcast %shift_left3A_495 : vector<16xi32> to vector<16xf32>
        %and3A_497 = arith.andi %get3A_485, %broadcast_in_dim3A_22 : vector<16xi32>
        %bitcast3A_498 = vector.bitcast %and3A_497 : vector<16xi32> to vector<16xf32>
        %and3A_499 = arith.andi %get3A_488, %broadcast_in_dim3A_22 : vector<16xi32>
        %bitcast3A_500 = vector.bitcast %and3A_499 : vector<16xi32> to vector<16xf32>
        %mul3A_501 = arith.mulf %bitcast3A_492, %bitcast3A_496 : vector<16xf32>
        %mul3A_502 = arith.mulf %bitcast3A_498, %bitcast3A_500 : vector<16xf32>
        %add3A_503 = arith.addf %mul3A_501, %mul3A_502 : vector<16xf32>
        %get3A_504 = arith.index_cast %add3A_482 : i32 to index
        %get3A_505 = arith.constant 16 : index
        %get3A_506 = tpu.vector_load %arg11[%get3A_504, %get3A_505] {strides = array<i32>} : memref<80x64xi32, #tpu.memory_space<vmem>>, vector<16xi32>,
        %get3A_507 = arith.index_cast %add3A_482 : i32 to index
        %get3A_508 = arith.constant 16 : index
        %get3A_509 = tpu.vector_load %arg12[%get3A_507, %get3A_508] {strides = array<i32>} : memref<80x64xi32, #tpu.memory_space<vmem>>, vector<16xi32>,
        %shift_left3A_510 = arith.constant 16 : i32
        %shift_left3A_511 = vector.broadcast %shift_left3A_510 : i32 to vector<16xi32>
        %shift_left3A_512 = arith.shli %get3A_506, %shift_left3A_511 : vector<16xi32>
        %bitcast3A_513 = vector.bitcast %shift_left3A_512 : vector<16xi32> to vector<16xf32>
        %shift_left3A_514 = arith.constant 16 : i32
        %shift_left3A_515 = vector.broadcast %shift_left3A_514 : i32 to vector<16xi32>
        %shift_left3A_516 = arith.shli %get3A_509, %shift_left3A_515 : vector<16xi32>
        %bitcast3A_517 = vector.bitcast %shift_left3A_516 : vector<16xi32> to vector<16xf32>
        %and3A_518 = arith.andi %get3A_506, %broadcast_in_dim3A_22 : vector<16xi32>
        %bitcast3A_519 = vector.bitcast %and3A_518 : vector<16xi32> to vector<16xf32>
        %and3A_520 = arith.andi %get3A_509, %broadcast_in_dim3A_22 : vector<16xi32>
        %bitcast3A_521 = vector.bitcast %and3A_520 : vector<16xi32> to vector<16xf32>
        %mul3A_522 = arith.mulf %bitcast3A_513, %bitcast3A_517 : vector<16xf32>
        %mul3A_523 = arith.mulf %bitcast3A_519, %bitcast3A_521 : vector<16xf32>
        %add3A_524 = arith.addf %mul3A_522, %mul3A_523 : vector<16xf32>
        %get3A_525 = arith.index_cast %add3A_482 : i32 to index
        %get3A_526 = arith.constant 32 : index
        %get3A_527 = tpu.vector_load %arg11[%get3A_525, %get3A_526] {strides = array<i32>} : memref<80x64xi32, #tpu.memory_space<vmem>>, vector<16xi32>,
        %get3A_528 = arith.index_cast %add3A_482 : i32 to index
        %get3A_529 = arith.constant 32 : index
        %get3A_530 = tpu.vector_load %arg12[%get3A_528, %get3A_529] {strides = array<i32>} : memref<80x64xi32, #tpu.memory_space<vmem>>, vector<16xi32>,
        %shift_left3A_531 = arith.constant 16 : i32
        %shift_left3A_532 = vector.broadcast %shift_left3A_531 : i32 to vector<16xi32>
        %shift_left3A_533 = arith.shli %get3A_527, %shift_left3A_532 : vector<16xi32>
        %bitcast3A_534 = vector.bitcast %shift_left3A_533 : vector<16xi32> to vector<16xf32>
        %shift_left3A_535 = arith.constant 16 : i32
        %shift_left3A_536 = vector.broadcast %shift_left3A_535 : i32 to vector<16xi32>
        %shift_left3A_537 = arith.shli %get3A_530, %shift_left3A_536 : vector<16xi32>
        %bitcast3A_538 = vector.bitcast %shift_left3A_537 : vector<16xi32> to vector<16xf32>
        %and3A_539 = arith.andi %get3A_527, %broadcast_in_dim3A_22 : vector<16xi32>
        %bitcast3A_540 = vector.bitcast %and3A_539 : vector<16xi32> to vector<16xf32>
        %and3A_541 = arith.andi %get3A_530, %broadcast_in_dim3A_22 : vector<16xi32>
        %bitcast3A_542 = vector.bitcast %and3A_541 : vector<16xi32> to vector<16xf32>
        %mul3A_543 = arith.mulf %bitcast3A_534, %bitcast3A_538 : vector<16xf32>
        %mul3A_544 = arith.mulf %bitcast3A_540, %bitcast3A_542 : vector<16xf32>
        %add3A_545 = arith.addf %mul3A_543, %mul3A_544 : vector<16xf32>
        %get3A_546 = arith.index_cast %add3A_482 : i32 to index
        %get3A_547 = arith.constant 48 : index
        %get3A_548 = tpu.vector_load %arg11[%get3A_546, %get3A_547] {strides = array<i32>} : memref<80x64xi32, #tpu.memory_space<vmem>>, vector<16xi32>,
        %get3A_549 = arith.index_cast %add3A_482 : i32 to index
        %get3A_550 = arith.constant 48 : index
        %get3A_551 = tpu.vector_load %arg12[%get3A_549, %get3A_550] {strides = array<i32>} : memref<80x64xi32, #tpu.memory_space<vmem>>, vector<16xi32>,
        %shift_left3A_552 = arith.constant 16 : i32
        %shift_left3A_553 = vector.broadcast %shift_left3A_552 : i32 to vector<16xi32>
        %shift_left3A_554 = arith.shli %get3A_548, %shift_left3A_553 : vector<16xi32>
        %bitcast3A_555 = vector.bitcast %shift_left3A_554 : vector<16xi32> to vector<16xf32>
        %shift_left3A_556 = arith.constant 16 : i32
        %shift_left3A_557 = vector.broadcast %shift_left3A_556 : i32 to vector<16xi32>
        %shift_left3A_558 = arith.shli %get3A_551, %shift_left3A_557 : vector<16xi32>
        %bitcast3A_559 = vector.bitcast %shift_left3A_558 : vector<16xi32> to vector<16xf32>
        %and3A_560 = arith.andi %get3A_548, %broadcast_in_dim3A_22 : vector<16xi32>
        %bitcast3A_561 = vector.bitcast %and3A_560 : vector<16xi32> to vector<16xf32>
        %and3A_562 = arith.andi %get3A_551, %broadcast_in_dim3A_22 : vector<16xi32>
        %bitcast3A_563 = vector.bitcast %and3A_562 : vector<16xi32> to vector<16xf32>
        %mul3A_564 = arith.mulf %bitcast3A_555, %bitcast3A_559 : vector<16xf32>
        %mul3A_565 = arith.mulf %bitcast3A_561, %bitcast3A_563 : vector<16xf32>
        %add3A_566 = arith.addf %mul3A_564, %mul3A_565 : vector<16xf32>
        %add3A_567 = arith.addf %add3A_503, %add3A_524 : vector<16xf32>
        %add3A_568 = arith.addf %add3A_545, %add3A_566 : vector<16xf32>
        %add3A_569 = arith.addf %add3A_567, %add3A_568 : vector<16xf32>
        %swap3A_570 = arith.constant 64 : index
        %swap3A_571 = tpu.vector_load %arg15[%swap3A_570] {strides = array<i32>} : memref<256xf32, #tpu.memory_space<vmem>>, vector<16xf32>,
        tpu.vector_store %arg15[%swap3A_570], %add3A_569 {strides = array<i32>} : memref<256xf32, #tpu.memory_space<vmem>>, vector<16xf32>,
        %add3A_572 = arith.constant 5 : i32
        %add3A_573 = arith.addi %mul3A_121, %add3A_572 : i32
        %get3A_574 = arith.index_cast %add3A_573 : i32 to index
        %get3A_575 = arith.constant 0 : index
        %get3A_576 = tpu.vector_load %arg11[%get3A_574, %get3A_575] {strides = array<i32>} : memref<80x64xi32, #tpu.memory_space<vmem>>, vector<16xi32>,
        %get3A_577 = arith.index_cast %add3A_573 : i32 to index
        %get3A_578 = arith.constant 0 : index
        %get3A_579 = tpu.vector_load %arg12[%get3A_577, %get3A_578] {strides = array<i32>} : memref<80x64xi32, #tpu.memory_space<vmem>>, vector<16xi32>,
        %shift_left3A_580 = arith.constant 16 : i32
        %shift_left3A_581 = vector.broadcast %shift_left3A_580 : i32 to vector<16xi32>
        %shift_left3A_582 = arith.shli %get3A_576, %shift_left3A_581 : vector<16xi32>
        %bitcast3A_583 = vector.bitcast %shift_left3A_582 : vector<16xi32> to vector<16xf32>
        %shift_left3A_584 = arith.constant 16 : i32
        %shift_left3A_585 = vector.broadcast %shift_left3A_584 : i32 to vector<16xi32>
        %shift_left3A_586 = arith.shli %get3A_579, %shift_left3A_585 : vector<16xi32>
        %bitcast3A_587 = vector.bitcast %shift_left3A_586 : vector<16xi32> to vector<16xf32>
        %and3A_588 = arith.andi %get3A_576, %broadcast_in_dim3A_22 : vector<16xi32>
        %bitcast3A_589 = vector.bitcast %and3A_588 : vector<16xi32> to vector<16xf32>
        %and3A_590 = arith.andi %get3A_579, %broadcast_in_dim3A_22 : vector<16xi32>
        %bitcast3A_591 = vector.bitcast %and3A_590 : vector<16xi32> to vector<16xf32>
        %mul3A_592 = arith.mulf %bitcast3A_583, %bitcast3A_587 : vector<16xf32>
        %mul3A_593 = arith.mulf %bitcast3A_589, %bitcast3A_591 : vector<16xf32>
        %add3A_594 = arith.addf %mul3A_592, %mul3A_593 : vector<16xf32>
        %get3A_595 = arith.index_cast %add3A_573 : i32 to index
        %get3A_596 = arith.constant 16 : index
        %get3A_597 = tpu.vector_load %arg11[%get3A_595, %get3A_596] {strides = array<i32>} : memref<80x64xi32, #tpu.memory_space<vmem>>, vector<16xi32>,
        %get3A_598 = arith.index_cast %add3A_573 : i32 to index
        %get3A_599 = arith.constant 16 : index
        %get3A_600 = tpu.vector_load %arg12[%get3A_598, %get3A_599] {strides = array<i32>} : memref<80x64xi32, #tpu.memory_space<vmem>>, vector<16xi32>,
        %shift_left3A_601 = arith.constant 16 : i32
        %shift_left3A_602 = vector.broadcast %shift_left3A_601 : i32 to vector<16xi32>
        %shift_left3A_603 = arith.shli %get3A_597, %shift_left3A_602 : vector<16xi32>
        %bitcast3A_604 = vector.bitcast %shift_left3A_603 : vector<16xi32> to vector<16xf32>
        %shift_left3A_605 = arith.constant 16 : i32
        %shift_left3A_606 = vector.broadcast %shift_left3A_605 : i32 to vector<16xi32>
        %shift_left3A_607 = arith.shli %get3A_600, %shift_left3A_606 : vector<16xi32>
        %bitcast3A_608 = vector.bitcast %shift_left3A_607 : vector<16xi32> to vector<16xf32>
        %and3A_609 = arith.andi %get3A_597, %broadcast_in_dim3A_22 : vector<16xi32>
        %bitcast3A_610 = vector.bitcast %and3A_609 : vector<16xi32> to vector<16xf32>
        %and3A_611 = arith.andi %get3A_600, %broadcast_in_dim3A_22 : vector<16xi32>
        %bitcast3A_612 = vector.bitcast %and3A_611 : vector<16xi32> to vector<16xf32>
        %mul3A_613 = arith.mulf %bitcast3A_604, %bitcast3A_608 : vector<16xf32>
        %mul3A_614 = arith.mulf %bitcast3A_610, %bitcast3A_612 : vector<16xf32>
        %add3A_615 = arith.addf %mul3A_613, %mul3A_614 : vector<16xf32>
        %get3A_616 = arith.index_cast %add3A_573 : i32 to index
        %get3A_617 = arith.constant 32 : index
        %get3A_618 = tpu.vector_load %arg11[%get3A_616, %get3A_617] {strides = array<i32>} : memref<80x64xi32, #tpu.memory_space<vmem>>, vector<16xi32>,
        %get3A_619 = arith.index_cast %add3A_573 : i32 to index
        %get3A_620 = arith.constant 32 : index
        %get3A_621 = tpu.vector_load %arg12[%get3A_619, %get3A_620] {strides = array<i32>} : memref<80x64xi32, #tpu.memory_space<vmem>>, vector<16xi32>,
        %shift_left3A_622 = arith.constant 16 : i32
        %shift_left3A_623 = vector.broadcast %shift_left3A_622 : i32 to vector<16xi32>
        %shift_left3A_624 = arith.shli %get3A_618, %shift_left3A_623 : vector<16xi32>
        %bitcast3A_625 = vector.bitcast %shift_left3A_624 : vector<16xi32> to vector<16xf32>
        %shift_left3A_626 = arith.constant 16 : i32
        %shift_left3A_627 = vector.broadcast %shift_left3A_626 : i32 to vector<16xi32>
        %shift_left3A_628 = arith.shli %get3A_621, %shift_left3A_627 : vector<16xi32>
        %bitcast3A_629 = vector.bitcast %shift_left3A_628 : vector<16xi32> to vector<16xf32>
        %and3A_630 = arith.andi %get3A_618, %broadcast_in_dim3A_22 : vector<16xi32>
        %bitcast3A_631 = vector.bitcast %and3A_630 : vector<16xi32> to vector<16xf32>
        %and3A_632 = arith.andi %get3A_621, %broadcast_in_dim3A_22 : vector<16xi32>
        %bitcast3A_633 = vector.bitcast %and3A_632 : vector<16xi32> to vector<16xf32>
        %mul3A_634 = arith.mulf %bitcast3A_625, %bitcast3A_629 : vector<16xf32>
        %mul3A_635 = arith.mulf %bitcast3A_631, %bitcast3A_633 : vector<16xf32>
        %add3A_636 = arith.addf %mul3A_634, %mul3A_635 : vector<16xf32>
        %get3A_637 = arith.index_cast %add3A_573 : i32 to index
        %get3A_638 = arith.constant 48 : index
        %get3A_639 = tpu.vector_load %arg11[%get3A_637, %get3A_638] {strides = array<i32>} : memref<80x64xi32, #tpu.memory_space<vmem>>, vector<16xi32>,
        %get3A_640 = arith.index_cast %add3A_573 : i32 to index
        %get3A_641 = arith.constant 48 : index
        %get3A_642 = tpu.vector_load %arg12[%get3A_640, %get3A_641] {strides = array<i32>} : memref<80x64xi32, #tpu.memory_space<vmem>>, vector<16xi32>,
        %shift_left3A_643 = arith.constant 16 : i32
        %shift_left3A_644 = vector.broadcast %shift_left3A_643 : i32 to vector<16xi32>
        %shift_left3A_645 = arith.shli %get3A_639, %shift_left3A_644 : vector<16xi32>
        %bitcast3A_646 = vector.bitcast %shift_left3A_645 : vector<16xi32> to vector<16xf32>
        %shift_left3A_647 = arith.constant 16 : i32
        %shift_left3A_648 = vector.broadcast %shift_left3A_647 : i32 to vector<16xi32>
        %shift_left3A_649 = arith.shli %get3A_642, %shift_left3A_648 : vector<16xi32>
        %bitcast3A_650 = vector.bitcast %shift_left3A_649 : vector<16xi32> to vector<16xf32>
        %and3A_651 = arith.andi %get3A_639, %broadcast_in_dim3A_22 : vector<16xi32>
        %bitcast3A_652 = vector.bitcast %and3A_651 : vector<16xi32> to vector<16xf32>
        %and3A_653 = arith.andi %get3A_642, %broadcast_in_dim3A_22 : vector<16xi32>
        %bitcast3A_654 = vector.bitcast %and3A_653 : vector<16xi32> to vector<16xf32>
        %mul3A_655 = arith.mulf %bitcast3A_646, %bitcast3A_650 : vector<16xf32>
        %mul3A_656 = arith.mulf %bitcast3A_652, %bitcast3A_654 : vector<16xf32>
        %add3A_657 = arith.addf %mul3A_655, %mul3A_656 : vector<16xf32>
        %add3A_658 = arith.addf %add3A_594, %add3A_615 : vector<16xf32>
        %add3A_659 = arith.addf %add3A_636, %add3A_657 : vector<16xf32>
        %add3A_660 = arith.addf %add3A_658, %add3A_659 : vector<16xf32>
        %swap3A_661 = arith.constant 80 : index
        %swap3A_662 = tpu.vector_load %arg15[%swap3A_661] {strides = array<i32>} : memref<256xf32, #tpu.memory_space<vmem>>, vector<16xf32>,
        tpu.vector_store %arg15[%swap3A_661], %add3A_660 {strides = array<i32>} : memref<256xf32, #tpu.memory_space<vmem>>, vector<16xf32>,
        %add3A_663 = arith.constant 6 : i32
        %add3A_664 = arith.addi %mul3A_121, %add3A_663 : i32
        %get3A_665 = arith.index_cast %add3A_664 : i32 to index
        %get3A_666 = arith.constant 0 : index
        %get3A_667 = tpu.vector_load %arg11[%get3A_665, %get3A_666] {strides = array<i32>} : memref<80x64xi32, #tpu.memory_space<vmem>>, vector<16xi32>,
        %get3A_668 = arith.index_cast %add3A_664 : i32 to index
        %get3A_669 = arith.constant 0 : index
        %get3A_670 = tpu.vector_load %arg12[%get3A_668, %get3A_669] {strides = array<i32>} : memref<80x64xi32, #tpu.memory_space<vmem>>, vector<16xi32>,
        %shift_left3A_671 = arith.constant 16 : i32
        %shift_left3A_672 = vector.broadcast %shift_left3A_671 : i32 to vector<16xi32>
        %shift_left3A_673 = arith.shli %get3A_667, %shift_left3A_672 : vector<16xi32>
        %bitcast3A_674 = vector.bitcast %shift_left3A_673 : vector<16xi32> to vector<16xf32>
        %shift_left3A_675 = arith.constant 16 : i32
        %shift_left3A_676 = vector.broadcast %shift_left3A_675 : i32 to vector<16xi32>
        %shift_left3A_677 = arith.shli %get3A_670, %shift_left3A_676 : vector<16xi32>
        %bitcast3A_678 = vector.bitcast %shift_left3A_677 : vector<16xi32> to vector<16xf32>
        %and3A_679 = arith.andi %get3A_667, %broadcast_in_dim3A_22 : vector<16xi32>
        %bitcast3A_680 = vector.bitcast %and3A_679 : vector<16xi32> to vector<16xf32>
        %and3A_681 = arith.andi %get3A_670, %broadcast_in_dim3A_22 : vector<16xi32>
        %bitcast3A_682 = vector.bitcast %and3A_681 : vector<16xi32> to vector<16xf32>
        %mul3A_683 = arith.mulf %bitcast3A_674, %bitcast3A_678 : vector<16xf32>
        %mul3A_684 = arith.mulf %bitcast3A_680, %bitcast3A_682 : vector<16xf32>
        %add3A_685 = arith.addf %mul3A_683, %mul3A_684 : vector<16xf32>
        %get3A_686 = arith.index_cast %add3A_664 : i32 to index
        %get3A_687 = arith.constant 16 : index
        %get3A_688 = tpu.vector_load %arg11[%get3A_686, %get3A_687] {strides = array<i32>} : memref<80x64xi32, #tpu.memory_space<vmem>>, vector<16xi32>,
        %get3A_689 = arith.index_cast %add3A_664 : i32 to index
        %get3A_690 = arith.constant 16 : index
        %get3A_691 = tpu.vector_load %arg12[%get3A_689, %get3A_690] {strides = array<i32>} : memref<80x64xi32, #tpu.memory_space<vmem>>, vector<16xi32>,
        %shift_left3A_692 = arith.constant 16 : i32
        %shift_left3A_693 = vector.broadcast %shift_left3A_692 : i32 to vector<16xi32>
        %shift_left3A_694 = arith.shli %get3A_688, %shift_left3A_693 : vector<16xi32>
        %bitcast3A_695 = vector.bitcast %shift_left3A_694 : vector<16xi32> to vector<16xf32>
        %shift_left3A_696 = arith.constant 16 : i32
        %shift_left3A_697 = vector.broadcast %shift_left3A_696 : i32 to vector<16xi32>
        %shift_left3A_698 = arith.shli %get3A_691, %shift_left3A_697 : vector<16xi32>
        %bitcast3A_699 = vector.bitcast %shift_left3A_698 : vector<16xi32> to vector<16xf32>
        %and3A_700 = arith.andi %get3A_688, %broadcast_in_dim3A_22 : vector<16xi32>
        %bitcast3A_701 = vector.bitcast %and3A_700 : vector<16xi32> to vector<16xf32>
        %and3A_702 = arith.andi %get3A_691, %broadcast_in_dim3A_22 : vector<16xi32>
        %bitcast3A_703 = vector.bitcast %and3A_702 : vector<16xi32> to vector<16xf32>
        %mul3A_704 = arith.mulf %bitcast3A_695, %bitcast3A_699 : vector<16xf32>
        %mul3A_705 = arith.mulf %bitcast3A_701, %bitcast3A_703 : vector<16xf32>
        %add3A_706 = arith.addf %mul3A_704, %mul3A_705 : vector<16xf32>
        %get3A_707 = arith.index_cast %add3A_664 : i32 to index
        %get3A_708 = arith.constant 32 : index
        %get3A_709 = tpu.vector_load %arg11[%get3A_707, %get3A_708] {strides = array<i32>} : memref<80x64xi32, #tpu.memory_space<vmem>>, vector<16xi32>,
        %get3A_710 = arith.index_cast %add3A_664 : i32 to index
        %get3A_711 = arith.constant 32 : index
        %get3A_712 = tpu.vector_load %arg12[%get3A_710, %get3A_711] {strides = array<i32>} : memref<80x64xi32, #tpu.memory_space<vmem>>, vector<16xi32>,
        %shift_left3A_713 = arith.constant 16 : i32
        %shift_left3A_714 = vector.broadcast %shift_left3A_713 : i32 to vector<16xi32>
        %shift_left3A_715 = arith.shli %get3A_709, %shift_left3A_714 : vector<16xi32>
        %bitcast3A_716 = vector.bitcast %shift_left3A_715 : vector<16xi32> to vector<16xf32>
        %shift_left3A_717 = arith.constant 16 : i32
        %shift_left3A_718 = vector.broadcast %shift_left3A_717 : i32 to vector<16xi32>
        %shift_left3A_719 = arith.shli %get3A_712, %shift_left3A_718 : vector<16xi32>
        %bitcast3A_720 = vector.bitcast %shift_left3A_719 : vector<16xi32> to vector<16xf32>
        %and3A_721 = arith.andi %get3A_709, %broadcast_in_dim3A_22 : vector<16xi32>
        %bitcast3A_722 = vector.bitcast %and3A_721 : vector<16xi32> to vector<16xf32>
        %and3A_723 = arith.andi %get3A_712, %broadcast_in_dim3A_22 : vector<16xi32>
        %bitcast3A_724 = vector.bitcast %and3A_723 : vector<16xi32> to vector<16xf32>
        %mul3A_725 = arith.mulf %bitcast3A_716, %bitcast3A_720 : vector<16xf32>
        %mul3A_726 = arith.mulf %bitcast3A_722, %bitcast3A_724 : vector<16xf32>
        %add3A_727 = arith.addf %mul3A_725, %mul3A_726 : vector<16xf32>
        %get3A_728 = arith.index_cast %add3A_664 : i32 to index
        %get3A_729 = arith.constant 48 : index
        %get3A_730 = tpu.vector_load %arg11[%get3A_728, %get3A_729] {strides = array<i32>} : memref<80x64xi32, #tpu.memory_space<vmem>>, vector<16xi32>,
        %get3A_731 = arith.index_cast %add3A_664 : i32 to index
        %get3A_732 = arith.constant 48 : index
        %get3A_733 = tpu.vector_load %arg12[%get3A_731, %get3A_732] {strides = array<i32>} : memref<80x64xi32, #tpu.memory_space<vmem>>, vector<16xi32>,
        %shift_left3A_734 = arith.constant 16 : i32
        %shift_left3A_735 = vector.broadcast %shift_left3A_734 : i32 to vector<16xi32>
        %shift_left3A_736 = arith.shli %get3A_730, %shift_left3A_735 : vector<16xi32>
        %bitcast3A_737 = vector.bitcast %shift_left3A_736 : vector<16xi32> to vector<16xf32>
        %shift_left3A_738 = arith.constant 16 : i32
        %shift_left3A_739 = vector.broadcast %shift_left3A_738 : i32 to vector<16xi32>
        %shift_left3A_740 = arith.shli %get3A_733, %shift_left3A_739 : vector<16xi32>
        %bitcast3A_741 = vector.bitcast %shift_left3A_740 : vector<16xi32> to vector<16xf32>
        %and3A_742 = arith.andi %get3A_730, %broadcast_in_dim3A_22 : vector<16xi32>
        %bitcast3A_743 = vector.bitcast %and3A_742 : vector<16xi32> to vector<16xf32>
        %and3A_744 = arith.andi %get3A_733, %broadcast_in_dim3A_22 : vector<16xi32>
        %bitcast3A_745 = vector.bitcast %and3A_744 : vector<16xi32> to vector<16xf32>
        %mul3A_746 = arith.mulf %bitcast3A_737, %bitcast3A_741 : vector<16xf32>
        %mul3A_747 = arith.mulf %bitcast3A_743, %bitcast3A_745 : vector<16xf32>
        %add3A_748 = arith.addf %mul3A_746, %mul3A_747 : vector<16xf32>
        %add3A_749 = arith.addf %add3A_685, %add3A_706 : vector<16xf32>
        %add3A_750 = arith.addf %add3A_727, %add3A_748 : vector<16xf32>
        %add3A_751 = arith.addf %add3A_749, %add3A_750 : vector<16xf32>
        %swap3A_752 = arith.constant 96 : index
        %swap3A_753 = tpu.vector_load %arg15[%swap3A_752] {strides = array<i32>} : memref<256xf32, #tpu.memory_space<vmem>>, vector<16xf32>,
        tpu.vector_store %arg15[%swap3A_752], %add3A_751 {strides = array<i32>} : memref<256xf32, #tpu.memory_space<vmem>>, vector<16xf32>,
        %add3A_754 = arith.constant 7 : i32
        %add3A_755 = arith.addi %mul3A_121, %add3A_754 : i32
        %get3A_756 = arith.index_cast %add3A_755 : i32 to index
        %get3A_757 = arith.constant 0 : index
        %get3A_758 = tpu.vector_load %arg11[%get3A_756, %get3A_757] {strides = array<i32>} : memref<80x64xi32, #tpu.memory_space<vmem>>, vector<16xi32>,
        %get3A_759 = arith.index_cast %add3A_755 : i32 to index
        %get3A_760 = arith.constant 0 : index
        %get3A_761 = tpu.vector_load %arg12[%get3A_759, %get3A_760] {strides = array<i32>} : memref<80x64xi32, #tpu.memory_space<vmem>>, vector<16xi32>,
        %shift_left3A_762 = arith.constant 16 : i32
        %shift_left3A_763 = vector.broadcast %shift_left3A_762 : i32 to vector<16xi32>
        %shift_left3A_764 = arith.shli %get3A_758, %shift_left3A_763 : vector<16xi32>
        %bitcast3A_765 = vector.bitcast %shift_left3A_764 : vector<16xi32> to vector<16xf32>
        %shift_left3A_766 = arith.constant 16 : i32
        %shift_left3A_767 = vector.broadcast %shift_left3A_766 : i32 to vector<16xi32>
        %shift_left3A_768 = arith.shli %get3A_761, %shift_left3A_767 : vector<16xi32>
        %bitcast3A_769 = vector.bitcast %shift_left3A_768 : vector<16xi32> to vector<16xf32>
        %and3A_770 = arith.andi %get3A_758, %broadcast_in_dim3A_22 : vector<16xi32>
        %bitcast3A_771 = vector.bitcast %and3A_770 : vector<16xi32> to vector<16xf32>
        %and3A_772 = arith.andi %get3A_761, %broadcast_in_dim3A_22 : vector<16xi32>
        %bitcast3A_773 = vector.bitcast %and3A_772 : vector<16xi32> to vector<16xf32>
        %mul3A_774 = arith.mulf %bitcast3A_765, %bitcast3A_769 : vector<16xf32>
        %mul3A_775 = arith.mulf %bitcast3A_771, %bitcast3A_773 : vector<16xf32>
        %add3A_776 = arith.addf %mul3A_774, %mul3A_775 : vector<16xf32>
        %get3A_777 = arith.index_cast %add3A_755 : i32 to index
        %get3A_778 = arith.constant 16 : index
        %get3A_779 = tpu.vector_load %arg11[%get3A_777, %get3A_778] {strides = array<i32>} : memref<80x64xi32, #tpu.memory_space<vmem>>, vector<16xi32>,
        %get3A_780 = arith.index_cast %add3A_755 : i32 to index
        %get3A_781 = arith.constant 16 : index
        %get3A_782 = tpu.vector_load %arg12[%get3A_780, %get3A_781] {strides = array<i32>} : memref<80x64xi32, #tpu.memory_space<vmem>>, vector<16xi32>,
        %shift_left3A_783 = arith.constant 16 : i32
        %shift_left3A_784 = vector.broadcast %shift_left3A_783 : i32 to vector<16xi32>
        %shift_left3A_785 = arith.shli %get3A_779, %shift_left3A_784 : vector<16xi32>
        %bitcast3A_786 = vector.bitcast %shift_left3A_785 : vector<16xi32> to vector<16xf32>
        %shift_left3A_787 = arith.constant 16 : i32
        %shift_left3A_788 = vector.broadcast %shift_left3A_787 : i32 to vector<16xi32>
        %shift_left3A_789 = arith.shli %get3A_782, %shift_left3A_788 : vector<16xi32>
        %bitcast3A_790 = vector.bitcast %shift_left3A_789 : vector<16xi32> to vector<16xf32>
        %and3A_791 = arith.andi %get3A_779, %broadcast_in_dim3A_22 : vector<16xi32>
        %bitcast3A_792 = vector.bitcast %and3A_791 : vector<16xi32> to vector<16xf32>
        %and3A_793 = arith.andi %get3A_782, %broadcast_in_dim3A_22 : vector<16xi32>
        %bitcast3A_794 = vector.bitcast %and3A_793 : vector<16xi32> to vector<16xf32>
        %mul3A_795 = arith.mulf %bitcast3A_786, %bitcast3A_790 : vector<16xf32>
        %mul3A_796 = arith.mulf %bitcast3A_792, %bitcast3A_794 : vector<16xf32>
        %add3A_797 = arith.addf %mul3A_795, %mul3A_796 : vector<16xf32>
        %get3A_798 = arith.index_cast %add3A_755 : i32 to index
        %get3A_799 = arith.constant 32 : index
        %get3A_800 = tpu.vector_load %arg11[%get3A_798, %get3A_799] {strides = array<i32>} : memref<80x64xi32, #tpu.memory_space<vmem>>, vector<16xi32>,
        %get3A_801 = arith.index_cast %add3A_755 : i32 to index
        %get3A_802 = arith.constant 32 : index
        %get3A_803 = tpu.vector_load %arg12[%get3A_801, %get3A_802] {strides = array<i32>} : memref<80x64xi32, #tpu.memory_space<vmem>>, vector<16xi32>,
        %shift_left3A_804 = arith.constant 16 : i32
        %shift_left3A_805 = vector.broadcast %shift_left3A_804 : i32 to vector<16xi32>
        %shift_left3A_806 = arith.shli %get3A_800, %shift_left3A_805 : vector<16xi32>
        %bitcast3A_807 = vector.bitcast %shift_left3A_806 : vector<16xi32> to vector<16xf32>
        %shift_left3A_808 = arith.constant 16 : i32
        %shift_left3A_809 = vector.broadcast %shift_left3A_808 : i32 to vector<16xi32>
        %shift_left3A_810 = arith.shli %get3A_803, %shift_left3A_809 : vector<16xi32>
        %bitcast3A_811 = vector.bitcast %shift_left3A_810 : vector<16xi32> to vector<16xf32>
        %and3A_812 = arith.andi %get3A_800, %broadcast_in_dim3A_22 : vector<16xi32>
        %bitcast3A_813 = vector.bitcast %and3A_812 : vector<16xi32> to vector<16xf32>
        %and3A_814 = arith.andi %get3A_803, %broadcast_in_dim3A_22 : vector<16xi32>
        %bitcast3A_815 = vector.bitcast %and3A_814 : vector<16xi32> to vector<16xf32>
        %mul3A_816 = arith.mulf %bitcast3A_807, %bitcast3A_811 : vector<16xf32>
        %mul3A_817 = arith.mulf %bitcast3A_813, %bitcast3A_815 : vector<16xf32>
        %add3A_818 = arith.addf %mul3A_816, %mul3A_817 : vector<16xf32>
        %get3A_819 = arith.index_cast %add3A_755 : i32 to index
        %get3A_820 = arith.constant 48 : index
        %get3A_821 = tpu.vector_load %arg11[%get3A_819, %get3A_820] {strides = array<i32>} : memref<80x64xi32, #tpu.memory_space<vmem>>, vector<16xi32>,
        %get3A_822 = arith.index_cast %add3A_755 : i32 to index
        %get3A_823 = arith.constant 48 : index
        %get3A_824 = tpu.vector_load %arg12[%get3A_822, %get3A_823] {strides = array<i32>} : memref<80x64xi32, #tpu.memory_space<vmem>>, vector<16xi32>,
        %shift_left3A_825 = arith.constant 16 : i32
        %shift_left3A_826 = vector.broadcast %shift_left3A_825 : i32 to vector<16xi32>
        %shift_left3A_827 = arith.shli %get3A_821, %shift_left3A_826 : vector<16xi32>
        %bitcast3A_828 = vector.bitcast %shift_left3A_827 : vector<16xi32> to vector<16xf32>
        %shift_left3A_829 = arith.constant 16 : i32
        %shift_left3A_830 = vector.broadcast %shift_left3A_829 : i32 to vector<16xi32>
        %shift_left3A_831 = arith.shli %get3A_824, %shift_left3A_830 : vector<16xi32>
        %bitcast3A_832 = vector.bitcast %shift_left3A_831 : vector<16xi32> to vector<16xf32>
        %and3A_833 = arith.andi %get3A_821, %broadcast_in_dim3A_22 : vector<16xi32>
        %bitcast3A_834 = vector.bitcast %and3A_833 : vector<16xi32> to vector<16xf32>
        %and3A_835 = arith.andi %get3A_824, %broadcast_in_dim3A_22 : vector<16xi32>
        %bitcast3A_836 = vector.bitcast %and3A_835 : vector<16xi32> to vector<16xf32>
        %mul3A_837 = arith.mulf %bitcast3A_828, %bitcast3A_832 : vector<16xf32>
        %mul3A_838 = arith.mulf %bitcast3A_834, %bitcast3A_836 : vector<16xf32>
        %add3A_839 = arith.addf %mul3A_837, %mul3A_838 : vector<16xf32>
        %add3A_840 = arith.addf %add3A_776, %add3A_797 : vector<16xf32>
        %add3A_841 = arith.addf %add3A_818, %add3A_839 : vector<16xf32>
        %add3A_842 = arith.addf %add3A_840, %add3A_841 : vector<16xf32>
        %swap3A_843 = arith.constant 112 : index
        %swap3A_844 = tpu.vector_load %arg15[%swap3A_843] {strides = array<i32>} : memref<256xf32, #tpu.memory_space<vmem>>, vector<16xf32>,
        tpu.vector_store %arg15[%swap3A_843], %add3A_842 {strides = array<i32>} : memref<256xf32, #tpu.memory_space<vmem>>, vector<16xf32>,
        %add3A_845 = arith.constant 8 : i32
        %add3A_846 = arith.addi %mul3A_121, %add3A_845 : i32
        %get3A_847 = arith.index_cast %add3A_846 : i32 to index
        %get3A_848 = arith.constant 0 : index
        %get3A_849 = tpu.vector_load %arg11[%get3A_847, %get3A_848] {strides = array<i32>} : memref<80x64xi32, #tpu.memory_space<vmem>>, vector<16xi32>,
        %get3A_850 = arith.index_cast %add3A_846 : i32 to index
        %get3A_851 = arith.constant 0 : index
        %get3A_852 = tpu.vector_load %arg12[%get3A_850, %get3A_851] {strides = array<i32>} : memref<80x64xi32, #tpu.memory_space<vmem>>, vector<16xi32>,
        %shift_left3A_853 = arith.constant 16 : i32
        %shift_left3A_854 = vector.broadcast %shift_left3A_853 : i32 to vector<16xi32>
        %shift_left3A_855 = arith.shli %get3A_849, %shift_left3A_854 : vector<16xi32>
        %bitcast3A_856 = vector.bitcast %shift_left3A_855 : vector<16xi32> to vector<16xf32>
        %shift_left3A_857 = arith.constant 16 : i32
        %shift_left3A_858 = vector.broadcast %shift_left3A_857 : i32 to vector<16xi32>
        %shift_left3A_859 = arith.shli %get3A_852, %shift_left3A_858 : vector<16xi32>
        %bitcast3A_860 = vector.bitcast %shift_left3A_859 : vector<16xi32> to vector<16xf32>
        %and3A_861 = arith.andi %get3A_849, %broadcast_in_dim3A_22 : vector<16xi32>
        %bitcast3A_862 = vector.bitcast %and3A_861 : vector<16xi32> to vector<16xf32>
        %and3A_863 = arith.andi %get3A_852, %broadcast_in_dim3A_22 : vector<16xi32>
        %bitcast3A_864 = vector.bitcast %and3A_863 : vector<16xi32> to vector<16xf32>
        %mul3A_865 = arith.mulf %bitcast3A_856, %bitcast3A_860 : vector<16xf32>
        %mul3A_866 = arith.mulf %bitcast3A_862, %bitcast3A_864 : vector<16xf32>
        %add3A_867 = arith.addf %mul3A_865, %mul3A_866 : vector<16xf32>
        %get3A_868 = arith.index_cast %add3A_846 : i32 to index
        %get3A_869 = arith.constant 16 : index
        %get3A_870 = tpu.vector_load %arg11[%get3A_868, %get3A_869] {strides = array<i32>} : memref<80x64xi32, #tpu.memory_space<vmem>>, vector<16xi32>,
        %get3A_871 = arith.index_cast %add3A_846 : i32 to index
        %get3A_872 = arith.constant 16 : index
        %get3A_873 = tpu.vector_load %arg12[%get3A_871, %get3A_872] {strides = array<i32>} : memref<80x64xi32, #tpu.memory_space<vmem>>, vector<16xi32>,
        %shift_left3A_874 = arith.constant 16 : i32
        %shift_left3A_875 = vector.broadcast %shift_left3A_874 : i32 to vector<16xi32>
        %shift_left3A_876 = arith.shli %get3A_870, %shift_left3A_875 : vector<16xi32>
        %bitcast3A_877 = vector.bitcast %shift_left3A_876 : vector<16xi32> to vector<16xf32>
        %shift_left3A_878 = arith.constant 16 : i32
        %shift_left3A_879 = vector.broadcast %shift_left3A_878 : i32 to vector<16xi32>
        %shift_left3A_880 = arith.shli %get3A_873, %shift_left3A_879 : vector<16xi32>
        %bitcast3A_881 = vector.bitcast %shift_left3A_880 : vector<16xi32> to vector<16xf32>
        %and3A_882 = arith.andi %get3A_870, %broadcast_in_dim3A_22 : vector<16xi32>
        %bitcast3A_883 = vector.bitcast %and3A_882 : vector<16xi32> to vector<16xf32>
        %and3A_884 = arith.andi %get3A_873, %broadcast_in_dim3A_22 : vector<16xi32>
        %bitcast3A_885 = vector.bitcast %and3A_884 : vector<16xi32> to vector<16xf32>
        %mul3A_886 = arith.mulf %bitcast3A_877, %bitcast3A_881 : vector<16xf32>
        %mul3A_887 = arith.mulf %bitcast3A_883, %bitcast3A_885 : vector<16xf32>
        %add3A_888 = arith.addf %mul3A_886, %mul3A_887 : vector<16xf32>
        %get3A_889 = arith.index_cast %add3A_846 : i32 to index
        %get3A_890 = arith.constant 32 : index
        %get3A_891 = tpu.vector_load %arg11[%get3A_889, %get3A_890] {strides = array<i32>} : memref<80x64xi32, #tpu.memory_space<vmem>>, vector<16xi32>,
        %get3A_892 = arith.index_cast %add3A_846 : i32 to index
        %get3A_893 = arith.constant 32 : index
        %get3A_894 = tpu.vector_load %arg12[%get3A_892, %get3A_893] {strides = array<i32>} : memref<80x64xi32, #tpu.memory_space<vmem>>, vector<16xi32>,
        %shift_left3A_895 = arith.constant 16 : i32
        %shift_left3A_896 = vector.broadcast %shift_left3A_895 : i32 to vector<16xi32>
        %shift_left3A_897 = arith.shli %get3A_891, %shift_left3A_896 : vector<16xi32>
        %bitcast3A_898 = vector.bitcast %shift_left3A_897 : vector<16xi32> to vector<16xf32>
        %shift_left3A_899 = arith.constant 16 : i32
        %shift_left3A_900 = vector.broadcast %shift_left3A_899 : i32 to vector<16xi32>
        %shift_left3A_901 = arith.shli %get3A_894, %shift_left3A_900 : vector<16xi32>
        %bitcast3A_902 = vector.bitcast %shift_left3A_901 : vector<16xi32> to vector<16xf32>
        %and3A_903 = arith.andi %get3A_891, %broadcast_in_dim3A_22 : vector<16xi32>
        %bitcast3A_904 = vector.bitcast %and3A_903 : vector<16xi32> to vector<16xf32>
        %and3A_905 = arith.andi %get3A_894, %broadcast_in_dim3A_22 : vector<16xi32>
        %bitcast3A_906 = vector.bitcast %and3A_905 : vector<16xi32> to vector<16xf32>
        %mul3A_907 = arith.mulf %bitcast3A_898, %bitcast3A_902 : vector<16xf32>
        %mul3A_908 = arith.mulf %bitcast3A_904, %bitcast3A_906 : vector<16xf32>
        %add3A_909 = arith.addf %mul3A_907, %mul3A_908 : vector<16xf32>
        %get3A_910 = arith.index_cast %add3A_846 : i32 to index
        %get3A_911 = arith.constant 48 : index
        %get3A_912 = tpu.vector_load %arg11[%get3A_910, %get3A_911] {strides = array<i32>} : memref<80x64xi32, #tpu.memory_space<vmem>>, vector<16xi32>,
        %get3A_913 = arith.index_cast %add3A_846 : i32 to index
        %get3A_914 = arith.constant 48 : index
        %get3A_915 = tpu.vector_load %arg12[%get3A_913, %get3A_914] {strides = array<i32>} : memref<80x64xi32, #tpu.memory_space<vmem>>, vector<16xi32>,
        %shift_left3A_916 = arith.constant 16 : i32
        %shift_left3A_917 = vector.broadcast %shift_left3A_916 : i32 to vector<16xi32>
        %shift_left3A_918 = arith.shli %get3A_912, %shift_left3A_917 : vector<16xi32>
        %bitcast3A_919 = vector.bitcast %shift_left3A_918 : vector<16xi32> to vector<16xf32>
        %shift_left3A_920 = arith.constant 16 : i32
        %shift_left3A_921 = vector.broadcast %shift_left3A_920 : i32 to vector<16xi32>
        %shift_left3A_922 = arith.shli %get3A_915, %shift_left3A_921 : vector<16xi32>
        %bitcast3A_923 = vector.bitcast %shift_left3A_922 : vector<16xi32> to vector<16xf32>
        %and3A_924 = arith.andi %get3A_912, %broadcast_in_dim3A_22 : vector<16xi32>
        %bitcast3A_925 = vector.bitcast %and3A_924 : vector<16xi32> to vector<16xf32>
        %and3A_926 = arith.andi %get3A_915, %broadcast_in_dim3A_22 : vector<16xi32>
        %bitcast3A_927 = vector.bitcast %and3A_926 : vector<16xi32> to vector<16xf32>
        %mul3A_928 = arith.mulf %bitcast3A_919, %bitcast3A_923 : vector<16xf32>
        %mul3A_929 = arith.mulf %bitcast3A_925, %bitcast3A_927 : vector<16xf32>
        %add3A_930 = arith.addf %mul3A_928, %mul3A_929 : vector<16xf32>
        %add3A_931 = arith.addf %add3A_867, %add3A_888 : vector<16xf32>
        %add3A_932 = arith.addf %add3A_909, %add3A_930 : vector<16xf32>
        %add3A_933 = arith.addf %add3A_931, %add3A_932 : vector<16xf32>
        %swap3A_934 = arith.constant 128 : index
        %swap3A_935 = tpu.vector_load %arg15[%swap3A_934] {strides = array<i32>} : memref<256xf32, #tpu.memory_space<vmem>>, vector<16xf32>,
        tpu.vector_store %arg15[%swap3A_934], %add3A_933 {strides = array<i32>} : memref<256xf32, #tpu.memory_space<vmem>>, vector<16xf32>,
        %add3A_936 = arith.constant 9 : i32
        %add3A_937 = arith.addi %mul3A_121, %add3A_936 : i32
        %get3A_938 = arith.index_cast %add3A_937 : i32 to index
        %get3A_939 = arith.constant 0 : index
        %get3A_940 = tpu.vector_load %arg11[%get3A_938, %get3A_939] {strides = array<i32>} : memref<80x64xi32, #tpu.memory_space<vmem>>, vector<16xi32>,
        %get3A_941 = arith.index_cast %add3A_937 : i32 to index
        %get3A_942 = arith.constant 0 : index
        %get3A_943 = tpu.vector_load %arg12[%get3A_941, %get3A_942] {strides = array<i32>} : memref<80x64xi32, #tpu.memory_space<vmem>>, vector<16xi32>,
        %shift_left3A_944 = arith.constant 16 : i32
        %shift_left3A_945 = vector.broadcast %shift_left3A_944 : i32 to vector<16xi32>
        %shift_left3A_946 = arith.shli %get3A_940, %shift_left3A_945 : vector<16xi32>
        %bitcast3A_947 = vector.bitcast %shift_left3A_946 : vector<16xi32> to vector<16xf32>
        %shift_left3A_948 = arith.constant 16 : i32
        %shift_left3A_949 = vector.broadcast %shift_left3A_948 : i32 to vector<16xi32>
        %shift_left3A_950 = arith.shli %get3A_943, %shift_left3A_949 : vector<16xi32>
        %bitcast3A_951 = vector.bitcast %shift_left3A_950 : vector<16xi32> to vector<16xf32>
        %and3A_952 = arith.andi %get3A_940, %broadcast_in_dim3A_22 : vector<16xi32>
        %bitcast3A_953 = vector.bitcast %and3A_952 : vector<16xi32> to vector<16xf32>
        %and3A_954 = arith.andi %get3A_943, %broadcast_in_dim3A_22 : vector<16xi32>
        %bitcast3A_955 = vector.bitcast %and3A_954 : vector<16xi32> to vector<16xf32>
        %mul3A_956 = arith.mulf %bitcast3A_947, %bitcast3A_951 : vector<16xf32>
        %mul3A_957 = arith.mulf %bitcast3A_953, %bitcast3A_955 : vector<16xf32>
        %add3A_958 = arith.addf %mul3A_956, %mul3A_957 : vector<16xf32>
        %get3A_959 = arith.index_cast %add3A_937 : i32 to index
        %get3A_960 = arith.constant 16 : index
        %get3A_961 = tpu.vector_load %arg11[%get3A_959, %get3A_960] {strides = array<i32>} : memref<80x64xi32, #tpu.memory_space<vmem>>, vector<16xi32>,
        %get3A_962 = arith.index_cast %add3A_937 : i32 to index
        %get3A_963 = arith.constant 16 : index
        %get3A_964 = tpu.vector_load %arg12[%get3A_962, %get3A_963] {strides = array<i32>} : memref<80x64xi32, #tpu.memory_space<vmem>>, vector<16xi32>,
        %shift_left3A_965 = arith.constant 16 : i32
        %shift_left3A_966 = vector.broadcast %shift_left3A_965 : i32 to vector<16xi32>
        %shift_left3A_967 = arith.shli %get3A_961, %shift_left3A_966 : vector<16xi32>
        %bitcast3A_968 = vector.bitcast %shift_left3A_967 : vector<16xi32> to vector<16xf32>
        %shift_left3A_969 = arith.constant 16 : i32
        %shift_left3A_970 = vector.broadcast %shift_left3A_969 : i32 to vector<16xi32>
        %shift_left3A_971 = arith.shli %get3A_964, %shift_left3A_970 : vector<16xi32>
        %bitcast3A_972 = vector.bitcast %shift_left3A_971 : vector<16xi32> to vector<16xf32>
        %and3A_973 = arith.andi %get3A_961, %broadcast_in_dim3A_22 : vector<16xi32>
        %bitcast3A_974 = vector.bitcast %and3A_973 : vector<16xi32> to vector<16xf32>
        %and3A_975 = arith.andi %get3A_964, %broadcast_in_dim3A_22 : vector<16xi32>
        %bitcast3A_976 = vector.bitcast %and3A_975 : vector<16xi32> to vector<16xf32>
        %mul3A_977 = arith.mulf %bitcast3A_968, %bitcast3A_972 : vector<16xf32>
        %mul3A_978 = arith.mulf %bitcast3A_974, %bitcast3A_976 : vector<16xf32>
        %add3A_979 = arith.addf %mul3A_977, %mul3A_978 : vector<16xf32>
        %get3A_980 = arith.index_cast %add3A_937 : i32 to index
        %get3A_981 = arith.constant 32 : index
        %get3A_982 = tpu.vector_load %arg11[%get3A_980, %get3A_981] {strides = array<i32>} : memref<80x64xi32, #tpu.memory_space<vmem>>, vector<16xi32>,
        %get3A_983 = arith.index_cast %add3A_937 : i32 to index
        %get3A_984 = arith.constant 32 : index
        %get3A_985 = tpu.vector_load %arg12[%get3A_983, %get3A_984] {strides = array<i32>} : memref<80x64xi32, #tpu.memory_space<vmem>>, vector<16xi32>,
        %shift_left3A_986 = arith.constant 16 : i32
        %shift_left3A_987 = vector.broadcast %shift_left3A_986 : i32 to vector<16xi32>
        %shift_left3A_988 = arith.shli %get3A_982, %shift_left3A_987 : vector<16xi32>
        %bitcast3A_989 = vector.bitcast %shift_left3A_988 : vector<16xi32> to vector<16xf32>
        %shift_left3A_990 = arith.constant 16 : i32
        %shift_left3A_991 = vector.broadcast %shift_left3A_990 : i32 to vector<16xi32>
        %shift_left3A_992 = arith.shli %get3A_985, %shift_left3A_991 : vector<16xi32>
        %bitcast3A_993 = vector.bitcast %shift_left3A_992 : vector<16xi32> to vector<16xf32>
        %and3A_994 = arith.andi %get3A_982, %broadcast_in_dim3A_22 : vector<16xi32>
        %bitcast3A_995 = vector.bitcast %and3A_994 : vector<16xi32> to vector<16xf32>
        %and3A_996 = arith.andi %get3A_985, %broadcast_in_dim3A_22 : vector<16xi32>
        %bitcast3A_997 = vector.bitcast %and3A_996 : vector<16xi32> to vector<16xf32>
        %mul3A_998 = arith.mulf %bitcast3A_989, %bitcast3A_993 : vector<16xf32>
        %mul3A_999 = arith.mulf %bitcast3A_995, %bitcast3A_997 : vector<16xf32>
        %add3A_1000 = arith.addf %mul3A_998, %mul3A_999 : vector<16xf32>
        %get3A_1001 = arith.index_cast %add3A_937 : i32 to index
        %get3A_1002 = arith.constant 48 : index
        %get3A_1003 = tpu.vector_load %arg11[%get3A_1001, %get3A_1002] {strides = array<i32>} : memref<80x64xi32, #tpu.memory_space<vmem>>, vector<16xi32>,
        %get3A_1004 = arith.index_cast %add3A_937 : i32 to index
        %get3A_1005 = arith.constant 48 : index
        %get3A_1006 = tpu.vector_load %arg12[%get3A_1004, %get3A_1005] {strides = array<i32>} : memref<80x64xi32, #tpu.memory_space<vmem>>, vector<16xi32>,
        %shift_left3A_1007 = arith.constant 16 : i32
        %shift_left3A_1008 = vector.broadcast %shift_left3A_1007 : i32 to vector<16xi32>
        %shift_left3A_1009 = arith.shli %get3A_1003, %shift_left3A_1008 : vector<16xi32>
        %bitcast3A_1010 = vector.bitcast %shift_left3A_1009 : vector<16xi32> to vector<16xf32>
        %shift_left3A_1011 = arith.constant 16 : i32
        %shift_left3A_1012 = vector.broadcast %shift_left3A_1011 : i32 to vector<16xi32>
        %shift_left3A_1013 = arith.shli %get3A_1006, %shift_left3A_1012 : vector<16xi32>
        %bitcast3A_1014 = vector.bitcast %shift_left3A_1013 : vector<16xi32> to vector<16xf32>
        %and3A_1015 = arith.andi %get3A_1003, %broadcast_in_dim3A_22 : vector<16xi32>
        %bitcast3A_1016 = vector.bitcast %and3A_1015 : vector<16xi32> to vector<16xf32>
        %and3A_1017 = arith.andi %get3A_1006, %broadcast_in_dim3A_22 : vector<16xi32>
        %bitcast3A_1018 = vector.bitcast %and3A_1017 : vector<16xi32> to vector<16xf32>
        %mul3A_1019 = arith.mulf %bitcast3A_1010, %bitcast3A_1014 : vector<16xf32>
        %mul3A_1020 = arith.mulf %bitcast3A_1016, %bitcast3A_1018 : vector<16xf32>
        %add3A_1021 = arith.addf %mul3A_1019, %mul3A_1020 : vector<16xf32>
        %add3A_1022 = arith.addf %add3A_958, %add3A_979 : vector<16xf32>
        %add3A_1023 = arith.addf %add3A_1000, %add3A_1021 : vector<16xf32>
        %add3A_1024 = arith.addf %add3A_1022, %add3A_1023 : vector<16xf32>
        %swap3A_1025 = arith.constant 144 : index
        %swap3A_1026 = tpu.vector_load %arg15[%swap3A_1025] {strides = array<i32>} : memref<256xf32, #tpu.memory_space<vmem>>, vector<16xf32>,
        tpu.vector_store %arg15[%swap3A_1025], %add3A_1024 {strides = array<i32>} : memref<256xf32, #tpu.memory_space<vmem>>, vector<16xf32>,
        %add3A_1027 = arith.constant 10 : i32
        %add3A_1028 = arith.addi %mul3A_121, %add3A_1027 : i32
        %get3A_1029 = arith.index_cast %add3A_1028 : i32 to index
        %get3A_1030 = arith.constant 0 : index
        %get3A_1031 = tpu.vector_load %arg11[%get3A_1029, %get3A_1030] {strides = array<i32>} : memref<80x64xi32, #tpu.memory_space<vmem>>, vector<16xi32>,
        %get3A_1032 = arith.index_cast %add3A_1028 : i32 to index
        %get3A_1033 = arith.constant 0 : index
        %get3A_1034 = tpu.vector_load %arg12[%get3A_1032, %get3A_1033] {strides = array<i32>} : memref<80x64xi32, #tpu.memory_space<vmem>>, vector<16xi32>,
        %shift_left3A_1035 = arith.constant 16 : i32
        %shift_left3A_1036 = vector.broadcast %shift_left3A_1035 : i32 to vector<16xi32>
        %shift_left3A_1037 = arith.shli %get3A_1031, %shift_left3A_1036 : vector<16xi32>
        %bitcast3A_1038 = vector.bitcast %shift_left3A_1037 : vector<16xi32> to vector<16xf32>
        %shift_left3A_1039 = arith.constant 16 : i32
        %shift_left3A_1040 = vector.broadcast %shift_left3A_1039 : i32 to vector<16xi32>
        %shift_left3A_1041 = arith.shli %get3A_1034, %shift_left3A_1040 : vector<16xi32>
        %bitcast3A_1042 = vector.bitcast %shift_left3A_1041 : vector<16xi32> to vector<16xf32>
        %and3A_1043 = arith.andi %get3A_1031, %broadcast_in_dim3A_22 : vector<16xi32>
        %bitcast3A_1044 = vector.bitcast %and3A_1043 : vector<16xi32> to vector<16xf32>
        %and3A_1045 = arith.andi %get3A_1034, %broadcast_in_dim3A_22 : vector<16xi32>
        %bitcast3A_1046 = vector.bitcast %and3A_1045 : vector<16xi32> to vector<16xf32>
        %mul3A_1047 = arith.mulf %bitcast3A_1038, %bitcast3A_1042 : vector<16xf32>
        %mul3A_1048 = arith.mulf %bitcast3A_1044, %bitcast3A_1046 : vector<16xf32>
        %add3A_1049 = arith.addf %mul3A_1047, %mul3A_1048 : vector<16xf32>
        %get3A_1050 = arith.index_cast %add3A_1028 : i32 to index
        %get3A_1051 = arith.constant 16 : index
        %get3A_1052 = tpu.vector_load %arg11[%get3A_1050, %get3A_1051] {strides = array<i32>} : memref<80x64xi32, #tpu.memory_space<vmem>>, vector<16xi32>,
        %get3A_1053 = arith.index_cast %add3A_1028 : i32 to index
        %get3A_1054 = arith.constant 16 : index
        %get3A_1055 = tpu.vector_load %arg12[%get3A_1053, %get3A_1054] {strides = array<i32>} : memref<80x64xi32, #tpu.memory_space<vmem>>, vector<16xi32>,
        %shift_left3A_1056 = arith.constant 16 : i32
        %shift_left3A_1057 = vector.broadcast %shift_left3A_1056 : i32 to vector<16xi32>
        %shift_left3A_1058 = arith.shli %get3A_1052, %shift_left3A_1057 : vector<16xi32>
        %bitcast3A_1059 = vector.bitcast %shift_left3A_1058 : vector<16xi32> to vector<16xf32>
        %shift_left3A_1060 = arith.constant 16 : i32
        %shift_left3A_1061 = vector.broadcast %shift_left3A_1060 : i32 to vector<16xi32>
        %shift_left3A_1062 = arith.shli %get3A_1055, %shift_left3A_1061 : vector<16xi32>
        %bitcast3A_1063 = vector.bitcast %shift_left3A_1062 : vector<16xi32> to vector<16xf32>
        %and3A_1064 = arith.andi %get3A_1052, %broadcast_in_dim3A_22 : vector<16xi32>
        %bitcast3A_1065 = vector.bitcast %and3A_1064 : vector<16xi32> to vector<16xf32>
        %and3A_1066 = arith.andi %get3A_1055, %broadcast_in_dim3A_22 : vector<16xi32>
        %bitcast3A_1067 = vector.bitcast %and3A_1066 : vector<16xi32> to vector<16xf32>
        %mul3A_1068 = arith.mulf %bitcast3A_1059, %bitcast3A_1063 : vector<16xf32>
        %mul3A_1069 = arith.mulf %bitcast3A_1065, %bitcast3A_1067 : vector<16xf32>
        %add3A_1070 = arith.addf %mul3A_1068, %mul3A_1069 : vector<16xf32>
        %get3A_1071 = arith.index_cast %add3A_1028 : i32 to index
        %get3A_1072 = arith.constant 32 : index
        %get3A_1073 = tpu.vector_load %arg11[%get3A_1071, %get3A_1072] {strides = array<i32>} : memref<80x64xi32, #tpu.memory_space<vmem>>, vector<16xi32>,
        %get3A_1074 = arith.index_cast %add3A_1028 : i32 to index
        %get3A_1075 = arith.constant 32 : index
        %get3A_1076 = tpu.vector_load %arg12[%get3A_1074, %get3A_1075] {strides = array<i32>} : memref<80x64xi32, #tpu.memory_space<vmem>>, vector<16xi32>,
        %shift_left3A_1077 = arith.constant 16 : i32
        %shift_left3A_1078 = vector.broadcast %shift_left3A_1077 : i32 to vector<16xi32>
        %shift_left3A_1079 = arith.shli %get3A_1073, %shift_left3A_1078 : vector<16xi32>
        %bitcast3A_1080 = vector.bitcast %shift_left3A_1079 : vector<16xi32> to vector<16xf32>
        %shift_left3A_1081 = arith.constant 16 : i32
        %shift_left3A_1082 = vector.broadcast %shift_left3A_1081 : i32 to vector<16xi32>
        %shift_left3A_1083 = arith.shli %get3A_1076, %shift_left3A_1082 : vector<16xi32>
        %bitcast3A_1084 = vector.bitcast %shift_left3A_1083 : vector<16xi32> to vector<16xf32>
        %and3A_1085 = arith.andi %get3A_1073, %broadcast_in_dim3A_22 : vector<16xi32>
        %bitcast3A_1086 = vector.bitcast %and3A_1085 : vector<16xi32> to vector<16xf32>
        %and3A_1087 = arith.andi %get3A_1076, %broadcast_in_dim3A_22 : vector<16xi32>
        %bitcast3A_1088 = vector.bitcast %and3A_1087 : vector<16xi32> to vector<16xf32>
        %mul3A_1089 = arith.mulf %bitcast3A_1080, %bitcast3A_1084 : vector<16xf32>
        %mul3A_1090 = arith.mulf %bitcast3A_1086, %bitcast3A_1088 : vector<16xf32>
        %add3A_1091 = arith.addf %mul3A_1089, %mul3A_1090 : vector<16xf32>
        %get3A_1092 = arith.index_cast %add3A_1028 : i32 to index
        %get3A_1093 = arith.constant 48 : index
        %get3A_1094 = tpu.vector_load %arg11[%get3A_1092, %get3A_1093] {strides = array<i32>} : memref<80x64xi32, #tpu.memory_space<vmem>>, vector<16xi32>,
        %get3A_1095 = arith.index_cast %add3A_1028 : i32 to index
        %get3A_1096 = arith.constant 48 : index
        %get3A_1097 = tpu.vector_load %arg12[%get3A_1095, %get3A_1096] {strides = array<i32>} : memref<80x64xi32, #tpu.memory_space<vmem>>, vector<16xi32>,
        %shift_left3A_1098 = arith.constant 16 : i32
        %shift_left3A_1099 = vector.broadcast %shift_left3A_1098 : i32 to vector<16xi32>
        %shift_left3A_1100 = arith.shli %get3A_1094, %shift_left3A_1099 : vector<16xi32>
        %bitcast3A_1101 = vector.bitcast %shift_left3A_1100 : vector<16xi32> to vector<16xf32>
        %shift_left3A_1102 = arith.constant 16 : i32
        %shift_left3A_1103 = vector.broadcast %shift_left3A_1102 : i32 to vector<16xi32>
        %shift_left3A_1104 = arith.shli %get3A_1097, %shift_left3A_1103 : vector<16xi32>
        %bitcast3A_1105 = vector.bitcast %shift_left3A_1104 : vector<16xi32> to vector<16xf32>
        %and3A_1106 = arith.andi %get3A_1094, %broadcast_in_dim3A_22 : vector<16xi32>
        %bitcast3A_1107 = vector.bitcast %and3A_1106 : vector<16xi32> to vector<16xf32>
        %and3A_1108 = arith.andi %get3A_1097, %broadcast_in_dim3A_22 : vector<16xi32>
        %bitcast3A_1109 = vector.bitcast %and3A_1108 : vector<16xi32> to vector<16xf32>
        %mul3A_1110 = arith.mulf %bitcast3A_1101, %bitcast3A_1105 : vector<16xf32>
        %mul3A_1111 = arith.mulf %bitcast3A_1107, %bitcast3A_1109 : vector<16xf32>
        %add3A_1112 = arith.addf %mul3A_1110, %mul3A_1111 : vector<16xf32>
        %add3A_1113 = arith.addf %add3A_1049, %add3A_1070 : vector<16xf32>
        %add3A_1114 = arith.addf %add3A_1091, %add3A_1112 : vector<16xf32>
        %add3A_1115 = arith.addf %add3A_1113, %add3A_1114 : vector<16xf32>
        %swap3A_1116 = arith.constant 160 : index
        %swap3A_1117 = tpu.vector_load %arg15[%swap3A_1116] {strides = array<i32>} : memref<256xf32, #tpu.memory_space<vmem>>, vector<16xf32>,
        tpu.vector_store %arg15[%swap3A_1116], %add3A_1115 {strides = array<i32>} : memref<256xf32, #tpu.memory_space<vmem>>, vector<16xf32>,
        %add3A_1118 = arith.constant 11 : i32
        %add3A_1119 = arith.addi %mul3A_121, %add3A_1118 : i32
        %get3A_1120 = arith.index_cast %add3A_1119 : i32 to index
        %get3A_1121 = arith.constant 0 : index
        %get3A_1122 = tpu.vector_load %arg11[%get3A_1120, %get3A_1121] {strides = array<i32>} : memref<80x64xi32, #tpu.memory_space<vmem>>, vector<16xi32>,
        %get3A_1123 = arith.index_cast %add3A_1119 : i32 to index
        %get3A_1124 = arith.constant 0 : index
        %get3A_1125 = tpu.vector_load %arg12[%get3A_1123, %get3A_1124] {strides = array<i32>} : memref<80x64xi32, #tpu.memory_space<vmem>>, vector<16xi32>,
        %shift_left3A_1126 = arith.constant 16 : i32
        %shift_left3A_1127 = vector.broadcast %shift_left3A_1126 : i32 to vector<16xi32>
        %shift_left3A_1128 = arith.shli %get3A_1122, %shift_left3A_1127 : vector<16xi32>
        %bitcast3A_1129 = vector.bitcast %shift_left3A_1128 : vector<16xi32> to vector<16xf32>
        %shift_left3A_1130 = arith.constant 16 : i32
        %shift_left3A_1131 = vector.broadcast %shift_left3A_1130 : i32 to vector<16xi32>
        %shift_left3A_1132 = arith.shli %get3A_1125, %shift_left3A_1131 : vector<16xi32>
        %bitcast3A_1133 = vector.bitcast %shift_left3A_1132 : vector<16xi32> to vector<16xf32>
        %and3A_1134 = arith.andi %get3A_1122, %broadcast_in_dim3A_22 : vector<16xi32>
        %bitcast3A_1135 = vector.bitcast %and3A_1134 : vector<16xi32> to vector<16xf32>
        %and3A_1136 = arith.andi %get3A_1125, %broadcast_in_dim3A_22 : vector<16xi32>
        %bitcast3A_1137 = vector.bitcast %and3A_1136 : vector<16xi32> to vector<16xf32>
        %mul3A_1138 = arith.mulf %bitcast3A_1129, %bitcast3A_1133 : vector<16xf32>
        %mul3A_1139 = arith.mulf %bitcast3A_1135, %bitcast3A_1137 : vector<16xf32>
        %add3A_1140 = arith.addf %mul3A_1138, %mul3A_1139 : vector<16xf32>
        %get3A_1141 = arith.index_cast %add3A_1119 : i32 to index
        %get3A_1142 = arith.constant 16 : index
        %get3A_1143 = tpu.vector_load %arg11[%get3A_1141, %get3A_1142] {strides = array<i32>} : memref<80x64xi32, #tpu.memory_space<vmem>>, vector<16xi32>,
        %get3A_1144 = arith.index_cast %add3A_1119 : i32 to index
        %get3A_1145 = arith.constant 16 : index
        %get3A_1146 = tpu.vector_load %arg12[%get3A_1144, %get3A_1145] {strides = array<i32>} : memref<80x64xi32, #tpu.memory_space<vmem>>, vector<16xi32>,
        %shift_left3A_1147 = arith.constant 16 : i32
        %shift_left3A_1148 = vector.broadcast %shift_left3A_1147 : i32 to vector<16xi32>
        %shift_left3A_1149 = arith.shli %get3A_1143, %shift_left3A_1148 : vector<16xi32>
        %bitcast3A_1150 = vector.bitcast %shift_left3A_1149 : vector<16xi32> to vector<16xf32>
        %shift_left3A_1151 = arith.constant 16 : i32
        %shift_left3A_1152 = vector.broadcast %shift_left3A_1151 : i32 to vector<16xi32>
        %shift_left3A_1153 = arith.shli %get3A_1146, %shift_left3A_1152 : vector<16xi32>
        %bitcast3A_1154 = vector.bitcast %shift_left3A_1153 : vector<16xi32> to vector<16xf32>
        %and3A_1155 = arith.andi %get3A_1143, %broadcast_in_dim3A_22 : vector<16xi32>
        %bitcast3A_1156 = vector.bitcast %and3A_1155 : vector<16xi32> to vector<16xf32>
        %and3A_1157 = arith.andi %get3A_1146, %broadcast_in_dim3A_22 : vector<16xi32>
        %bitcast3A_1158 = vector.bitcast %and3A_1157 : vector<16xi32> to vector<16xf32>
        %mul3A_1159 = arith.mulf %bitcast3A_1150, %bitcast3A_1154 : vector<16xf32>
        %mul3A_1160 = arith.mulf %bitcast3A_1156, %bitcast3A_1158 : vector<16xf32>
        %add3A_1161 = arith.addf %mul3A_1159, %mul3A_1160 : vector<16xf32>
        %get3A_1162 = arith.index_cast %add3A_1119 : i32 to index
        %get3A_1163 = arith.constant 32 : index
        %get3A_1164 = tpu.vector_load %arg11[%get3A_1162, %get3A_1163] {strides = array<i32>} : memref<80x64xi32, #tpu.memory_space<vmem>>, vector<16xi32>,
        %get3A_1165 = arith.index_cast %add3A_1119 : i32 to index
        %get3A_1166 = arith.constant 32 : index
        %get3A_1167 = tpu.vector_load %arg12[%get3A_1165, %get3A_1166] {strides = array<i32>} : memref<80x64xi32, #tpu.memory_space<vmem>>, vector<16xi32>,
        %shift_left3A_1168 = arith.constant 16 : i32
        %shift_left3A_1169 = vector.broadcast %shift_left3A_1168 : i32 to vector<16xi32>
        %shift_left3A_1170 = arith.shli %get3A_1164, %shift_left3A_1169 : vector<16xi32>
        %bitcast3A_1171 = vector.bitcast %shift_left3A_1170 : vector<16xi32> to vector<16xf32>
        %shift_left3A_1172 = arith.constant 16 : i32
        %shift_left3A_1173 = vector.broadcast %shift_left3A_1172 : i32 to vector<16xi32>
        %shift_left3A_1174 = arith.shli %get3A_1167, %shift_left3A_1173 : vector<16xi32>
        %bitcast3A_1175 = vector.bitcast %shift_left3A_1174 : vector<16xi32> to vector<16xf32>
        %and3A_1176 = arith.andi %get3A_1164, %broadcast_in_dim3A_22 : vector<16xi32>
        %bitcast3A_1177 = vector.bitcast %and3A_1176 : vector<16xi32> to vector<16xf32>
        %and3A_1178 = arith.andi %get3A_1167, %broadcast_in_dim3A_22 : vector<16xi32>
        %bitcast3A_1179 = vector.bitcast %and3A_1178 : vector<16xi32> to vector<16xf32>
        %mul3A_1180 = arith.mulf %bitcast3A_1171, %bitcast3A_1175 : vector<16xf32>
        %mul3A_1181 = arith.mulf %bitcast3A_1177, %bitcast3A_1179 : vector<16xf32>
        %add3A_1182 = arith.addf %mul3A_1180, %mul3A_1181 : vector<16xf32>
        %get3A_1183 = arith.index_cast %add3A_1119 : i32 to index
        %get3A_1184 = arith.constant 48 : index
        %get3A_1185 = tpu.vector_load %arg11[%get3A_1183, %get3A_1184] {strides = array<i32>} : memref<80x64xi32, #tpu.memory_space<vmem>>, vector<16xi32>,
        %get3A_1186 = arith.index_cast %add3A_1119 : i32 to index
        %get3A_1187 = arith.constant 48 : index
        %get3A_1188 = tpu.vector_load %arg12[%get3A_1186, %get3A_1187] {strides = array<i32>} : memref<80x64xi32, #tpu.memory_space<vmem>>, vector<16xi32>,
        %shift_left3A_1189 = arith.constant 16 : i32
        %shift_left3A_1190 = vector.broadcast %shift_left3A_1189 : i32 to vector<16xi32>
        %shift_left3A_1191 = arith.shli %get3A_1185, %shift_left3A_1190 : vector<16xi32>
        %bitcast3A_1192 = vector.bitcast %shift_left3A_1191 : vector<16xi32> to vector<16xf32>
        %shift_left3A_1193 = arith.constant 16 : i32
        %shift_left3A_1194 = vector.broadcast %shift_left3A_1193 : i32 to vector<16xi32>
        %shift_left3A_1195 = arith.shli %get3A_1188, %shift_left3A_1194 : vector<16xi32>
        %bitcast3A_1196 = vector.bitcast %shift_left3A_1195 : vector<16xi32> to vector<16xf32>
        %and3A_1197 = arith.andi %get3A_1185, %broadcast_in_dim3A_22 : vector<16xi32>
        %bitcast3A_1198 = vector.bitcast %and3A_1197 : vector<16xi32> to vector<16xf32>
        %and3A_1199 = arith.andi %get3A_1188, %broadcast_in_dim3A_22 : vector<16xi32>
        %bitcast3A_1200 = vector.bitcast %and3A_1199 : vector<16xi32> to vector<16xf32>
        %mul3A_1201 = arith.mulf %bitcast3A_1192, %bitcast3A_1196 : vector<16xf32>
        %mul3A_1202 = arith.mulf %bitcast3A_1198, %bitcast3A_1200 : vector<16xf32>
        %add3A_1203 = arith.addf %mul3A_1201, %mul3A_1202 : vector<16xf32>
        %add3A_1204 = arith.addf %add3A_1140, %add3A_1161 : vector<16xf32>
        %add3A_1205 = arith.addf %add3A_1182, %add3A_1203 : vector<16xf32>
        %add3A_1206 = arith.addf %add3A_1204, %add3A_1205 : vector<16xf32>
        %swap3A_1207 = arith.constant 176 : index
        %swap3A_1208 = tpu.vector_load %arg15[%swap3A_1207] {strides = array<i32>} : memref<256xf32, #tpu.memory_space<vmem>>, vector<16xf32>,
        tpu.vector_store %arg15[%swap3A_1207], %add3A_1206 {strides = array<i32>} : memref<256xf32, #tpu.memory_space<vmem>>, vector<16xf32>,
        %add3A_1209 = arith.constant 12 : i32
        %add3A_1210 = arith.addi %mul3A_121, %add3A_1209 : i32
        %get3A_1211 = arith.index_cast %add3A_1210 : i32 to index
        %get3A_1212 = arith.constant 0 : index
        %get3A_1213 = tpu.vector_load %arg11[%get3A_1211, %get3A_1212] {strides = array<i32>} : memref<80x64xi32, #tpu.memory_space<vmem>>, vector<16xi32>,
        %get3A_1214 = arith.index_cast %add3A_1210 : i32 to index
        %get3A_1215 = arith.constant 0 : index
        %get3A_1216 = tpu.vector_load %arg12[%get3A_1214, %get3A_1215] {strides = array<i32>} : memref<80x64xi32, #tpu.memory_space<vmem>>, vector<16xi32>,
        %shift_left3A_1217 = arith.constant 16 : i32
        %shift_left3A_1218 = vector.broadcast %shift_left3A_1217 : i32 to vector<16xi32>
        %shift_left3A_1219 = arith.shli %get3A_1213, %shift_left3A_1218 : vector<16xi32>
        %bitcast3A_1220 = vector.bitcast %shift_left3A_1219 : vector<16xi32> to vector<16xf32>
        %shift_left3A_1221 = arith.constant 16 : i32
        %shift_left3A_1222 = vector.broadcast %shift_left3A_1221 : i32 to vector<16xi32>
        %shift_left3A_1223 = arith.shli %get3A_1216, %shift_left3A_1222 : vector<16xi32>
        %bitcast3A_1224 = vector.bitcast %shift_left3A_1223 : vector<16xi32> to vector<16xf32>
        %and3A_1225 = arith.andi %get3A_1213, %broadcast_in_dim3A_22 : vector<16xi32>
        %bitcast3A_1226 = vector.bitcast %and3A_1225 : vector<16xi32> to vector<16xf32>
        %and3A_1227 = arith.andi %get3A_1216, %broadcast_in_dim3A_22 : vector<16xi32>
        %bitcast3A_1228 = vector.bitcast %and3A_1227 : vector<16xi32> to vector<16xf32>
        %mul3A_1229 = arith.mulf %bitcast3A_1220, %bitcast3A_1224 : vector<16xf32>
        %mul3A_1230 = arith.mulf %bitcast3A_1226, %bitcast3A_1228 : vector<16xf32>
        %add3A_1231 = arith.addf %mul3A_1229, %mul3A_1230 : vector<16xf32>
        %get3A_1232 = arith.index_cast %add3A_1210 : i32 to index
        %get3A_1233 = arith.constant 16 : index
        %get3A_1234 = tpu.vector_load %arg11[%get3A_1232, %get3A_1233] {strides = array<i32>} : memref<80x64xi32, #tpu.memory_space<vmem>>, vector<16xi32>,
        %get3A_1235 = arith.index_cast %add3A_1210 : i32 to index
        %get3A_1236 = arith.constant 16 : index
        %get3A_1237 = tpu.vector_load %arg12[%get3A_1235, %get3A_1236] {strides = array<i32>} : memref<80x64xi32, #tpu.memory_space<vmem>>, vector<16xi32>,
        %shift_left3A_1238 = arith.constant 16 : i32
        %shift_left3A_1239 = vector.broadcast %shift_left3A_1238 : i32 to vector<16xi32>
        %shift_left3A_1240 = arith.shli %get3A_1234, %shift_left3A_1239 : vector<16xi32>
        %bitcast3A_1241 = vector.bitcast %shift_left3A_1240 : vector<16xi32> to vector<16xf32>
        %shift_left3A_1242 = arith.constant 16 : i32
        %shift_left3A_1243 = vector.broadcast %shift_left3A_1242 : i32 to vector<16xi32>
        %shift_left3A_1244 = arith.shli %get3A_1237, %shift_left3A_1243 : vector<16xi32>
        %bitcast3A_1245 = vector.bitcast %shift_left3A_1244 : vector<16xi32> to vector<16xf32>
        %and3A_1246 = arith.andi %get3A_1234, %broadcast_in_dim3A_22 : vector<16xi32>
        %bitcast3A_1247 = vector.bitcast %and3A_1246 : vector<16xi32> to vector<16xf32>
        %and3A_1248 = arith.andi %get3A_1237, %broadcast_in_dim3A_22 : vector<16xi32>
        %bitcast3A_1249 = vector.bitcast %and3A_1248 : vector<16xi32> to vector<16xf32>
        %mul3A_1250 = arith.mulf %bitcast3A_1241, %bitcast3A_1245 : vector<16xf32>
        %mul3A_1251 = arith.mulf %bitcast3A_1247, %bitcast3A_1249 : vector<16xf32>
        %add3A_1252 = arith.addf %mul3A_1250, %mul3A_1251 : vector<16xf32>
        %get3A_1253 = arith.index_cast %add3A_1210 : i32 to index
        %get3A_1254 = arith.constant 32 : index
        %get3A_1255 = tpu.vector_load %arg11[%get3A_1253, %get3A_1254] {strides = array<i32>} : memref<80x64xi32, #tpu.memory_space<vmem>>, vector<16xi32>,
        %get3A_1256 = arith.index_cast %add3A_1210 : i32 to index
        %get3A_1257 = arith.constant 32 : index
        %get3A_1258 = tpu.vector_load %arg12[%get3A_1256, %get3A_1257] {strides = array<i32>} : memref<80x64xi32, #tpu.memory_space<vmem>>, vector<16xi32>,
        %shift_left3A_1259 = arith.constant 16 : i32
        %shift_left3A_1260 = vector.broadcast %shift_left3A_1259 : i32 to vector<16xi32>
        %shift_left3A_1261 = arith.shli %get3A_1255, %shift_left3A_1260 : vector<16xi32>
        %bitcast3A_1262 = vector.bitcast %shift_left3A_1261 : vector<16xi32> to vector<16xf32>
        %shift_left3A_1263 = arith.constant 16 : i32
        %shift_left3A_1264 = vector.broadcast %shift_left3A_1263 : i32 to vector<16xi32>
        %shift_left3A_1265 = arith.shli %get3A_1258, %shift_left3A_1264 : vector<16xi32>
        %bitcast3A_1266 = vector.bitcast %shift_left3A_1265 : vector<16xi32> to vector<16xf32>
        %and3A_1267 = arith.andi %get3A_1255, %broadcast_in_dim3A_22 : vector<16xi32>
        %bitcast3A_1268 = vector.bitcast %and3A_1267 : vector<16xi32> to vector<16xf32>
        %and3A_1269 = arith.andi %get3A_1258, %broadcast_in_dim3A_22 : vector<16xi32>
        %bitcast3A_1270 = vector.bitcast %and3A_1269 : vector<16xi32> to vector<16xf32>
        %mul3A_1271 = arith.mulf %bitcast3A_1262, %bitcast3A_1266 : vector<16xf32>
        %mul3A_1272 = arith.mulf %bitcast3A_1268, %bitcast3A_1270 : vector<16xf32>
        %add3A_1273 = arith.addf %mul3A_1271, %mul3A_1272 : vector<16xf32>
        %get3A_1274 = arith.index_cast %add3A_1210 : i32 to index
        %get3A_1275 = arith.constant 48 : index
        %get3A_1276 = tpu.vector_load %arg11[%get3A_1274, %get3A_1275] {strides = array<i32>} : memref<80x64xi32, #tpu.memory_space<vmem>>, vector<16xi32>,
        %get3A_1277 = arith.index_cast %add3A_1210 : i32 to index
        %get3A_1278 = arith.constant 48 : index
        %get3A_1279 = tpu.vector_load %arg12[%get3A_1277, %get3A_1278] {strides = array<i32>} : memref<80x64xi32, #tpu.memory_space<vmem>>, vector<16xi32>,
        %shift_left3A_1280 = arith.constant 16 : i32
        %shift_left3A_1281 = vector.broadcast %shift_left3A_1280 : i32 to vector<16xi32>
        %shift_left3A_1282 = arith.shli %get3A_1276, %shift_left3A_1281 : vector<16xi32>
        %bitcast3A_1283 = vector.bitcast %shift_left3A_1282 : vector<16xi32> to vector<16xf32>
        %shift_left3A_1284 = arith.constant 16 : i32
        %shift_left3A_1285 = vector.broadcast %shift_left3A_1284 : i32 to vector<16xi32>
        %shift_left3A_1286 = arith.shli %get3A_1279, %shift_left3A_1285 : vector<16xi32>
        %bitcast3A_1287 = vector.bitcast %shift_left3A_1286 : vector<16xi32> to vector<16xf32>
        %and3A_1288 = arith.andi %get3A_1276, %broadcast_in_dim3A_22 : vector<16xi32>
        %bitcast3A_1289 = vector.bitcast %and3A_1288 : vector<16xi32> to vector<16xf32>
        %and3A_1290 = arith.andi %get3A_1279, %broadcast_in_dim3A_22 : vector<16xi32>
        %bitcast3A_1291 = vector.bitcast %and3A_1290 : vector<16xi32> to vector<16xf32>
        %mul3A_1292 = arith.mulf %bitcast3A_1283, %bitcast3A_1287 : vector<16xf32>
        %mul3A_1293 = arith.mulf %bitcast3A_1289, %bitcast3A_1291 : vector<16xf32>
        %add3A_1294 = arith.addf %mul3A_1292, %mul3A_1293 : vector<16xf32>
        %add3A_1295 = arith.addf %add3A_1231, %add3A_1252 : vector<16xf32>
        %add3A_1296 = arith.addf %add3A_1273, %add3A_1294 : vector<16xf32>
        %add3A_1297 = arith.addf %add3A_1295, %add3A_1296 : vector<16xf32>
        %swap3A_1298 = arith.constant 192 : index
        %swap3A_1299 = tpu.vector_load %arg15[%swap3A_1298] {strides = array<i32>} : memref<256xf32, #tpu.memory_space<vmem>>, vector<16xf32>,
        tpu.vector_store %arg15[%swap3A_1298], %add3A_1297 {strides = array<i32>} : memref<256xf32, #tpu.memory_space<vmem>>, vector<16xf32>,
        %add3A_1300 = arith.constant 13 : i32
        %add3A_1301 = arith.addi %mul3A_121, %add3A_1300 : i32
        %get3A_1302 = arith.index_cast %add3A_1301 : i32 to index
        %get3A_1303 = arith.constant 0 : index
        %get3A_1304 = tpu.vector_load %arg11[%get3A_1302, %get3A_1303] {strides = array<i32>} : memref<80x64xi32, #tpu.memory_space<vmem>>, vector<16xi32>,
        %get3A_1305 = arith.index_cast %add3A_1301 : i32 to index
        %get3A_1306 = arith.constant 0 : index
        %get3A_1307 = tpu.vector_load %arg12[%get3A_1305, %get3A_1306] {strides = array<i32>} : memref<80x64xi32, #tpu.memory_space<vmem>>, vector<16xi32>,
        %shift_left3A_1308 = arith.constant 16 : i32
        %shift_left3A_1309 = vector.broadcast %shift_left3A_1308 : i32 to vector<16xi32>
        %shift_left3A_1310 = arith.shli %get3A_1304, %shift_left3A_1309 : vector<16xi32>
        %bitcast3A_1311 = vector.bitcast %shift_left3A_1310 : vector<16xi32> to vector<16xf32>
        %shift_left3A_1312 = arith.constant 16 : i32
        %shift_left3A_1313 = vector.broadcast %shift_left3A_1312 : i32 to vector<16xi32>
        %shift_left3A_1314 = arith.shli %get3A_1307, %shift_left3A_1313 : vector<16xi32>
        %bitcast3A_1315 = vector.bitcast %shift_left3A_1314 : vector<16xi32> to vector<16xf32>
        %and3A_1316 = arith.andi %get3A_1304, %broadcast_in_dim3A_22 : vector<16xi32>
        %bitcast3A_1317 = vector.bitcast %and3A_1316 : vector<16xi32> to vector<16xf32>
        %and3A_1318 = arith.andi %get3A_1307, %broadcast_in_dim3A_22 : vector<16xi32>
        %bitcast3A_1319 = vector.bitcast %and3A_1318 : vector<16xi32> to vector<16xf32>
        %mul3A_1320 = arith.mulf %bitcast3A_1311, %bitcast3A_1315 : vector<16xf32>
        %mul3A_1321 = arith.mulf %bitcast3A_1317, %bitcast3A_1319 : vector<16xf32>
        %add3A_1322 = arith.addf %mul3A_1320, %mul3A_1321 : vector<16xf32>
        %get3A_1323 = arith.index_cast %add3A_1301 : i32 to index
        %get3A_1324 = arith.constant 16 : index
        %get3A_1325 = tpu.vector_load %arg11[%get3A_1323, %get3A_1324] {strides = array<i32>} : memref<80x64xi32, #tpu.memory_space<vmem>>, vector<16xi32>,
        %get3A_1326 = arith.index_cast %add3A_1301 : i32 to index
        %get3A_1327 = arith.constant 16 : index
        %get3A_1328 = tpu.vector_load %arg12[%get3A_1326, %get3A_1327] {strides = array<i32>} : memref<80x64xi32, #tpu.memory_space<vmem>>, vector<16xi32>,
        %shift_left3A_1329 = arith.constant 16 : i32
        %shift_left3A_1330 = vector.broadcast %shift_left3A_1329 : i32 to vector<16xi32>
        %shift_left3A_1331 = arith.shli %get3A_1325, %shift_left3A_1330 : vector<16xi32>
        %bitcast3A_1332 = vector.bitcast %shift_left3A_1331 : vector<16xi32> to vector<16xf32>
        %shift_left3A_1333 = arith.constant 16 : i32
        %shift_left3A_1334 = vector.broadcast %shift_left3A_1333 : i32 to vector<16xi32>
        %shift_left3A_1335 = arith.shli %get3A_1328, %shift_left3A_1334 : vector<16xi32>
        %bitcast3A_1336 = vector.bitcast %shift_left3A_1335 : vector<16xi32> to vector<16xf32>
        %and3A_1337 = arith.andi %get3A_1325, %broadcast_in_dim3A_22 : vector<16xi32>
        %bitcast3A_1338 = vector.bitcast %and3A_1337 : vector<16xi32> to vector<16xf32>
        %and3A_1339 = arith.andi %get3A_1328, %broadcast_in_dim3A_22 : vector<16xi32>
        %bitcast3A_1340 = vector.bitcast %and3A_1339 : vector<16xi32> to vector<16xf32>
        %mul3A_1341 = arith.mulf %bitcast3A_1332, %bitcast3A_1336 : vector<16xf32>
        %mul3A_1342 = arith.mulf %bitcast3A_1338, %bitcast3A_1340 : vector<16xf32>
        %add3A_1343 = arith.addf %mul3A_1341, %mul3A_1342 : vector<16xf32>
        %get3A_1344 = arith.index_cast %add3A_1301 : i32 to index
        %get3A_1345 = arith.constant 32 : index
        %get3A_1346 = tpu.vector_load %arg11[%get3A_1344, %get3A_1345] {strides = array<i32>} : memref<80x64xi32, #tpu.memory_space<vmem>>, vector<16xi32>,
        %get3A_1347 = arith.index_cast %add3A_1301 : i32 to index
        %get3A_1348 = arith.constant 32 : index
        %get3A_1349 = tpu.vector_load %arg12[%get3A_1347, %get3A_1348] {strides = array<i32>} : memref<80x64xi32, #tpu.memory_space<vmem>>, vector<16xi32>,
        %shift_left3A_1350 = arith.constant 16 : i32
        %shift_left3A_1351 = vector.broadcast %shift_left3A_1350 : i32 to vector<16xi32>
        %shift_left3A_1352 = arith.shli %get3A_1346, %shift_left3A_1351 : vector<16xi32>
        %bitcast3A_1353 = vector.bitcast %shift_left3A_1352 : vector<16xi32> to vector<16xf32>
        %shift_left3A_1354 = arith.constant 16 : i32
        %shift_left3A_1355 = vector.broadcast %shift_left3A_1354 : i32 to vector<16xi32>
        %shift_left3A_1356 = arith.shli %get3A_1349, %shift_left3A_1355 : vector<16xi32>
        %bitcast3A_1357 = vector.bitcast %shift_left3A_1356 : vector<16xi32> to vector<16xf32>
        %and3A_1358 = arith.andi %get3A_1346, %broadcast_in_dim3A_22 : vector<16xi32>
        %bitcast3A_1359 = vector.bitcast %and3A_1358 : vector<16xi32> to vector<16xf32>
        %and3A_1360 = arith.andi %get3A_1349, %broadcast_in_dim3A_22 : vector<16xi32>
        %bitcast3A_1361 = vector.bitcast %and3A_1360 : vector<16xi32> to vector<16xf32>
        %mul3A_1362 = arith.mulf %bitcast3A_1353, %bitcast3A_1357 : vector<16xf32>
        %mul3A_1363 = arith.mulf %bitcast3A_1359, %bitcast3A_1361 : vector<16xf32>
        %add3A_1364 = arith.addf %mul3A_1362, %mul3A_1363 : vector<16xf32>
        %get3A_1365 = arith.index_cast %add3A_1301 : i32 to index
        %get3A_1366 = arith.constant 48 : index
        %get3A_1367 = tpu.vector_load %arg11[%get3A_1365, %get3A_1366] {strides = array<i32>} : memref<80x64xi32, #tpu.memory_space<vmem>>, vector<16xi32>,
        %get3A_1368 = arith.index_cast %add3A_1301 : i32 to index
        %get3A_1369 = arith.constant 48 : index
        %get3A_1370 = tpu.vector_load %arg12[%get3A_1368, %get3A_1369] {strides = array<i32>} : memref<80x64xi32, #tpu.memory_space<vmem>>, vector<16xi32>,
        %shift_left3A_1371 = arith.constant 16 : i32
        %shift_left3A_1372 = vector.broadcast %shift_left3A_1371 : i32 to vector<16xi32>
        %shift_left3A_1373 = arith.shli %get3A_1367, %shift_left3A_1372 : vector<16xi32>
        %bitcast3A_1374 = vector.bitcast %shift_left3A_1373 : vector<16xi32> to vector<16xf32>
        %shift_left3A_1375 = arith.constant 16 : i32
        %shift_left3A_1376 = vector.broadcast %shift_left3A_1375 : i32 to vector<16xi32>
        %shift_left3A_1377 = arith.shli %get3A_1370, %shift_left3A_1376 : vector<16xi32>
        %bitcast3A_1378 = vector.bitcast %shift_left3A_1377 : vector<16xi32> to vector<16xf32>
        %and3A_1379 = arith.andi %get3A_1367, %broadcast_in_dim3A_22 : vector<16xi32>
        %bitcast3A_1380 = vector.bitcast %and3A_1379 : vector<16xi32> to vector<16xf32>
        %and3A_1381 = arith.andi %get3A_1370, %broadcast_in_dim3A_22 : vector<16xi32>
        %bitcast3A_1382 = vector.bitcast %and3A_1381 : vector<16xi32> to vector<16xf32>
        %mul3A_1383 = arith.mulf %bitcast3A_1374, %bitcast3A_1378 : vector<16xf32>
        %mul3A_1384 = arith.mulf %bitcast3A_1380, %bitcast3A_1382 : vector<16xf32>
        %add3A_1385 = arith.addf %mul3A_1383, %mul3A_1384 : vector<16xf32>
        %add3A_1386 = arith.addf %add3A_1322, %add3A_1343 : vector<16xf32>
        %add3A_1387 = arith.addf %add3A_1364, %add3A_1385 : vector<16xf32>
        %add3A_1388 = arith.addf %add3A_1386, %add3A_1387 : vector<16xf32>
        %swap3A_1389 = arith.constant 208 : index
        %swap3A_1390 = tpu.vector_load %arg15[%swap3A_1389] {strides = array<i32>} : memref<256xf32, #tpu.memory_space<vmem>>, vector<16xf32>,
        tpu.vector_store %arg15[%swap3A_1389], %add3A_1388 {strides = array<i32>} : memref<256xf32, #tpu.memory_space<vmem>>, vector<16xf32>,
        %add3A_1391 = arith.constant 14 : i32
        %add3A_1392 = arith.addi %mul3A_121, %add3A_1391 : i32
        %get3A_1393 = arith.index_cast %add3A_1392 : i32 to index
        %get3A_1394 = arith.constant 0 : index
        %get3A_1395 = tpu.vector_load %arg11[%get3A_1393, %get3A_1394] {strides = array<i32>} : memref<80x64xi32, #tpu.memory_space<vmem>>, vector<16xi32>,
        %get3A_1396 = arith.index_cast %add3A_1392 : i32 to index
        %get3A_1397 = arith.constant 0 : index
        %get3A_1398 = tpu.vector_load %arg12[%get3A_1396, %get3A_1397] {strides = array<i32>} : memref<80x64xi32, #tpu.memory_space<vmem>>, vector<16xi32>,
        %shift_left3A_1399 = arith.constant 16 : i32
        %shift_left3A_1400 = vector.broadcast %shift_left3A_1399 : i32 to vector<16xi32>
        %shift_left3A_1401 = arith.shli %get3A_1395, %shift_left3A_1400 : vector<16xi32>
        %bitcast3A_1402 = vector.bitcast %shift_left3A_1401 : vector<16xi32> to vector<16xf32>
        %shift_left3A_1403 = arith.constant 16 : i32
        %shift_left3A_1404 = vector.broadcast %shift_left3A_1403 : i32 to vector<16xi32>
        %shift_left3A_1405 = arith.shli %get3A_1398, %shift_left3A_1404 : vector<16xi32>
        %bitcast3A_1406 = vector.bitcast %shift_left3A_1405 : vector<16xi32> to vector<16xf32>
        %and3A_1407 = arith.andi %get3A_1395, %broadcast_in_dim3A_22 : vector<16xi32>
        %bitcast3A_1408 = vector.bitcast %and3A_1407 : vector<16xi32> to vector<16xf32>
        %and3A_1409 = arith.andi %get3A_1398, %broadcast_in_dim3A_22 : vector<16xi32>
        %bitcast3A_1410 = vector.bitcast %and3A_1409 : vector<16xi32> to vector<16xf32>
        %mul3A_1411 = arith.mulf %bitcast3A_1402, %bitcast3A_1406 : vector<16xf32>
        %mul3A_1412 = arith.mulf %bitcast3A_1408, %bitcast3A_1410 : vector<16xf32>
        %add3A_1413 = arith.addf %mul3A_1411, %mul3A_1412 : vector<16xf32>
        %get3A_1414 = arith.index_cast %add3A_1392 : i32 to index
        %get3A_1415 = arith.constant 16 : index
        %get3A_1416 = tpu.vector_load %arg11[%get3A_1414, %get3A_1415] {strides = array<i32>} : memref<80x64xi32, #tpu.memory_space<vmem>>, vector<16xi32>,
        %get3A_1417 = arith.index_cast %add3A_1392 : i32 to index
        %get3A_1418 = arith.constant 16 : index
        %get3A_1419 = tpu.vector_load %arg12[%get3A_1417, %get3A_1418] {strides = array<i32>} : memref<80x64xi32, #tpu.memory_space<vmem>>, vector<16xi32>,
        %shift_left3A_1420 = arith.constant 16 : i32
        %shift_left3A_1421 = vector.broadcast %shift_left3A_1420 : i32 to vector<16xi32>
        %shift_left3A_1422 = arith.shli %get3A_1416, %shift_left3A_1421 : vector<16xi32>
        %bitcast3A_1423 = vector.bitcast %shift_left3A_1422 : vector<16xi32> to vector<16xf32>
        %shift_left3A_1424 = arith.constant 16 : i32
        %shift_left3A_1425 = vector.broadcast %shift_left3A_1424 : i32 to vector<16xi32>
        %shift_left3A_1426 = arith.shli %get3A_1419, %shift_left3A_1425 : vector<16xi32>
        %bitcast3A_1427 = vector.bitcast %shift_left3A_1426 : vector<16xi32> to vector<16xf32>
        %and3A_1428 = arith.andi %get3A_1416, %broadcast_in_dim3A_22 : vector<16xi32>
        %bitcast3A_1429 = vector.bitcast %and3A_1428 : vector<16xi32> to vector<16xf32>
        %and3A_1430 = arith.andi %get3A_1419, %broadcast_in_dim3A_22 : vector<16xi32>
        %bitcast3A_1431 = vector.bitcast %and3A_1430 : vector<16xi32> to vector<16xf32>
        %mul3A_1432 = arith.mulf %bitcast3A_1423, %bitcast3A_1427 : vector<16xf32>
        %mul3A_1433 = arith.mulf %bitcast3A_1429, %bitcast3A_1431 : vector<16xf32>
        %add3A_1434 = arith.addf %mul3A_1432, %mul3A_1433 : vector<16xf32>
        %get3A_1435 = arith.index_cast %add3A_1392 : i32 to index
        %get3A_1436 = arith.constant 32 : index
        %get3A_1437 = tpu.vector_load %arg11[%get3A_1435, %get3A_1436] {strides = array<i32>} : memref<80x64xi32, #tpu.memory_space<vmem>>, vector<16xi32>,
        %get3A_1438 = arith.index_cast %add3A_1392 : i32 to index
        %get3A_1439 = arith.constant 32 : index
        %get3A_1440 = tpu.vector_load %arg12[%get3A_1438, %get3A_1439] {strides = array<i32>} : memref<80x64xi32, #tpu.memory_space<vmem>>, vector<16xi32>,
        %shift_left3A_1441 = arith.constant 16 : i32
        %shift_left3A_1442 = vector.broadcast %shift_left3A_1441 : i32 to vector<16xi32>
        %shift_left3A_1443 = arith.shli %get3A_1437, %shift_left3A_1442 : vector<16xi32>
        %bitcast3A_1444 = vector.bitcast %shift_left3A_1443 : vector<16xi32> to vector<16xf32>
        %shift_left3A_1445 = arith.constant 16 : i32
        %shift_left3A_1446 = vector.broadcast %shift_left3A_1445 : i32 to vector<16xi32>
        %shift_left3A_1447 = arith.shli %get3A_1440, %shift_left3A_1446 : vector<16xi32>
        %bitcast3A_1448 = vector.bitcast %shift_left3A_1447 : vector<16xi32> to vector<16xf32>
        %and3A_1449 = arith.andi %get3A_1437, %broadcast_in_dim3A_22 : vector<16xi32>
        %bitcast3A_1450 = vector.bitcast %and3A_1449 : vector<16xi32> to vector<16xf32>
        %and3A_1451 = arith.andi %get3A_1440, %broadcast_in_dim3A_22 : vector<16xi32>
        %bitcast3A_1452 = vector.bitcast %and3A_1451 : vector<16xi32> to vector<16xf32>
        %mul3A_1453 = arith.mulf %bitcast3A_1444, %bitcast3A_1448 : vector<16xf32>
        %mul3A_1454 = arith.mulf %bitcast3A_1450, %bitcast3A_1452 : vector<16xf32>
        %add3A_1455 = arith.addf %mul3A_1453, %mul3A_1454 : vector<16xf32>
        %get3A_1456 = arith.index_cast %add3A_1392 : i32 to index
        %get3A_1457 = arith.constant 48 : index
        %get3A_1458 = tpu.vector_load %arg11[%get3A_1456, %get3A_1457] {strides = array<i32>} : memref<80x64xi32, #tpu.memory_space<vmem>>, vector<16xi32>,
        %get3A_1459 = arith.index_cast %add3A_1392 : i32 to index
        %get3A_1460 = arith.constant 48 : index
        %get3A_1461 = tpu.vector_load %arg12[%get3A_1459, %get3A_1460] {strides = array<i32>} : memref<80x64xi32, #tpu.memory_space<vmem>>, vector<16xi32>,
        %shift_left3A_1462 = arith.constant 16 : i32
        %shift_left3A_1463 = vector.broadcast %shift_left3A_1462 : i32 to vector<16xi32>
        %shift_left3A_1464 = arith.shli %get3A_1458, %shift_left3A_1463 : vector<16xi32>
        %bitcast3A_1465 = vector.bitcast %shift_left3A_1464 : vector<16xi32> to vector<16xf32>
        %shift_left3A_1466 = arith.constant 16 : i32
        %shift_left3A_1467 = vector.broadcast %shift_left3A_1466 : i32 to vector<16xi32>
        %shift_left3A_1468 = arith.shli %get3A_1461, %shift_left3A_1467 : vector<16xi32>
        %bitcast3A_1469 = vector.bitcast %shift_left3A_1468 : vector<16xi32> to vector<16xf32>
        %and3A_1470 = arith.andi %get3A_1458, %broadcast_in_dim3A_22 : vector<16xi32>
        %bitcast3A_1471 = vector.bitcast %and3A_1470 : vector<16xi32> to vector<16xf32>
        %and3A_1472 = arith.andi %get3A_1461, %broadcast_in_dim3A_22 : vector<16xi32>
        %bitcast3A_1473 = vector.bitcast %and3A_1472 : vector<16xi32> to vector<16xf32>
        %mul3A_1474 = arith.mulf %bitcast3A_1465, %bitcast3A_1469 : vector<16xf32>
        %mul3A_1475 = arith.mulf %bitcast3A_1471, %bitcast3A_1473 : vector<16xf32>
        %add3A_1476 = arith.addf %mul3A_1474, %mul3A_1475 : vector<16xf32>
        %add3A_1477 = arith.addf %add3A_1413, %add3A_1434 : vector<16xf32>
        %add3A_1478 = arith.addf %add3A_1455, %add3A_1476 : vector<16xf32>
        %add3A_1479 = arith.addf %add3A_1477, %add3A_1478 : vector<16xf32>
        %swap3A_1480 = arith.constant 224 : index
        %swap3A_1481 = tpu.vector_load %arg15[%swap3A_1480] {strides = array<i32>} : memref<256xf32, #tpu.memory_space<vmem>>, vector<16xf32>,
        tpu.vector_store %arg15[%swap3A_1480], %add3A_1479 {strides = array<i32>} : memref<256xf32, #tpu.memory_space<vmem>>, vector<16xf32>,
        %add3A_1482 = arith.constant 15 : i32
        %add3A_1483 = arith.addi %mul3A_121, %add3A_1482 : i32
        %get3A_1484 = arith.index_cast %add3A_1483 : i32 to index
        %get3A_1485 = arith.constant 0 : index
        %get3A_1486 = tpu.vector_load %arg11[%get3A_1484, %get3A_1485] {strides = array<i32>} : memref<80x64xi32, #tpu.memory_space<vmem>>, vector<16xi32>,
        %get3A_1487 = arith.index_cast %add3A_1483 : i32 to index
        %get3A_1488 = arith.constant 0 : index
        %get3A_1489 = tpu.vector_load %arg12[%get3A_1487, %get3A_1488] {strides = array<i32>} : memref<80x64xi32, #tpu.memory_space<vmem>>, vector<16xi32>,
        %shift_left3A_1490 = arith.constant 16 : i32
        %shift_left3A_1491 = vector.broadcast %shift_left3A_1490 : i32 to vector<16xi32>
        %shift_left3A_1492 = arith.shli %get3A_1486, %shift_left3A_1491 : vector<16xi32>
        %bitcast3A_1493 = vector.bitcast %shift_left3A_1492 : vector<16xi32> to vector<16xf32>
        %shift_left3A_1494 = arith.constant 16 : i32
        %shift_left3A_1495 = vector.broadcast %shift_left3A_1494 : i32 to vector<16xi32>
        %shift_left3A_1496 = arith.shli %get3A_1489, %shift_left3A_1495 : vector<16xi32>
        %bitcast3A_1497 = vector.bitcast %shift_left3A_1496 : vector<16xi32> to vector<16xf32>
        %and3A_1498 = arith.andi %get3A_1486, %broadcast_in_dim3A_22 : vector<16xi32>
        %bitcast3A_1499 = vector.bitcast %and3A_1498 : vector<16xi32> to vector<16xf32>
        %and3A_1500 = arith.andi %get3A_1489, %broadcast_in_dim3A_22 : vector<16xi32>
        %bitcast3A_1501 = vector.bitcast %and3A_1500 : vector<16xi32> to vector<16xf32>
        %mul3A_1502 = arith.mulf %bitcast3A_1493, %bitcast3A_1497 : vector<16xf32>
        %mul3A_1503 = arith.mulf %bitcast3A_1499, %bitcast3A_1501 : vector<16xf32>
        %add3A_1504 = arith.addf %mul3A_1502, %mul3A_1503 : vector<16xf32>
        %get3A_1505 = arith.index_cast %add3A_1483 : i32 to index
        %get3A_1506 = arith.constant 16 : index
        %get3A_1507 = tpu.vector_load %arg11[%get3A_1505, %get3A_1506] {strides = array<i32>} : memref<80x64xi32, #tpu.memory_space<vmem>>, vector<16xi32>,
        %get3A_1508 = arith.index_cast %add3A_1483 : i32 to index
        %get3A_1509 = arith.constant 16 : index
        %get3A_1510 = tpu.vector_load %arg12[%get3A_1508, %get3A_1509] {strides = array<i32>} : memref<80x64xi32, #tpu.memory_space<vmem>>, vector<16xi32>,
        %shift_left3A_1511 = arith.constant 16 : i32
        %shift_left3A_1512 = vector.broadcast %shift_left3A_1511 : i32 to vector<16xi32>
        %shift_left3A_1513 = arith.shli %get3A_1507, %shift_left3A_1512 : vector<16xi32>
        %bitcast3A_1514 = vector.bitcast %shift_left3A_1513 : vector<16xi32> to vector<16xf32>
        %shift_left3A_1515 = arith.constant 16 : i32
        %shift_left3A_1516 = vector.broadcast %shift_left3A_1515 : i32 to vector<16xi32>
        %shift_left3A_1517 = arith.shli %get3A_1510, %shift_left3A_1516 : vector<16xi32>
        %bitcast3A_1518 = vector.bitcast %shift_left3A_1517 : vector<16xi32> to vector<16xf32>
        %and3A_1519 = arith.andi %get3A_1507, %broadcast_in_dim3A_22 : vector<16xi32>
        %bitcast3A_1520 = vector.bitcast %and3A_1519 : vector<16xi32> to vector<16xf32>
        %and3A_1521 = arith.andi %get3A_1510, %broadcast_in_dim3A_22 : vector<16xi32>
        %bitcast3A_1522 = vector.bitcast %and3A_1521 : vector<16xi32> to vector<16xf32>
        %mul3A_1523 = arith.mulf %bitcast3A_1514, %bitcast3A_1518 : vector<16xf32>
        %mul3A_1524 = arith.mulf %bitcast3A_1520, %bitcast3A_1522 : vector<16xf32>
        %add3A_1525 = arith.addf %mul3A_1523, %mul3A_1524 : vector<16xf32>
        %get3A_1526 = arith.index_cast %add3A_1483 : i32 to index
        %get3A_1527 = arith.constant 32 : index
        %get3A_1528 = tpu.vector_load %arg11[%get3A_1526, %get3A_1527] {strides = array<i32>} : memref<80x64xi32, #tpu.memory_space<vmem>>, vector<16xi32>,
        %get3A_1529 = arith.index_cast %add3A_1483 : i32 to index
        %get3A_1530 = arith.constant 32 : index
        %get3A_1531 = tpu.vector_load %arg12[%get3A_1529, %get3A_1530] {strides = array<i32>} : memref<80x64xi32, #tpu.memory_space<vmem>>, vector<16xi32>,
        %shift_left3A_1532 = arith.constant 16 : i32
        %shift_left3A_1533 = vector.broadcast %shift_left3A_1532 : i32 to vector<16xi32>
        %shift_left3A_1534 = arith.shli %get3A_1528, %shift_left3A_1533 : vector<16xi32>
        %bitcast3A_1535 = vector.bitcast %shift_left3A_1534 : vector<16xi32> to vector<16xf32>
        %shift_left3A_1536 = arith.constant 16 : i32
        %shift_left3A_1537 = vector.broadcast %shift_left3A_1536 : i32 to vector<16xi32>
        %shift_left3A_1538 = arith.shli %get3A_1531, %shift_left3A_1537 : vector<16xi32>
        %bitcast3A_1539 = vector.bitcast %shift_left3A_1538 : vector<16xi32> to vector<16xf32>
        %and3A_1540 = arith.andi %get3A_1528, %broadcast_in_dim3A_22 : vector<16xi32>
        %bitcast3A_1541 = vector.bitcast %and3A_1540 : vector<16xi32> to vector<16xf32>
        %and3A_1542 = arith.andi %get3A_1531, %broadcast_in_dim3A_22 : vector<16xi32>
        %bitcast3A_1543 = vector.bitcast %and3A_1542 : vector<16xi32> to vector<16xf32>
        %mul3A_1544 = arith.mulf %bitcast3A_1535, %bitcast3A_1539 : vector<16xf32>
        %mul3A_1545 = arith.mulf %bitcast3A_1541, %bitcast3A_1543 : vector<16xf32>
        %add3A_1546 = arith.addf %mul3A_1544, %mul3A_1545 : vector<16xf32>
        %get3A_1547 = arith.index_cast %add3A_1483 : i32 to index
        %get3A_1548 = arith.constant 48 : index
        %get3A_1549 = tpu.vector_load %arg11[%get3A_1547, %get3A_1548] {strides = array<i32>} : memref<80x64xi32, #tpu.memory_space<vmem>>, vector<16xi32>,
        %get3A_1550 = arith.index_cast %add3A_1483 : i32 to index
        %get3A_1551 = arith.constant 48 : index
        %get3A_1552 = tpu.vector_load %arg12[%get3A_1550, %get3A_1551] {strides = array<i32>} : memref<80x64xi32, #tpu.memory_space<vmem>>, vector<16xi32>,
        %shift_left3A_1553 = arith.constant 16 : i32
        %shift_left3A_1554 = vector.broadcast %shift_left3A_1553 : i32 to vector<16xi32>
        %shift_left3A_1555 = arith.shli %get3A_1549, %shift_left3A_1554 : vector<16xi32>
        %bitcast3A_1556 = vector.bitcast %shift_left3A_1555 : vector<16xi32> to vector<16xf32>
        %shift_left3A_1557 = arith.constant 16 : i32
        %shift_left3A_1558 = vector.broadcast %shift_left3A_1557 : i32 to vector<16xi32>
        %shift_left3A_1559 = arith.shli %get3A_1552, %shift_left3A_1558 : vector<16xi32>
        %bitcast3A_1560 = vector.bitcast %shift_left3A_1559 : vector<16xi32> to vector<16xf32>
        %and3A_1561 = arith.andi %get3A_1549, %broadcast_in_dim3A_22 : vector<16xi32>
        %bitcast3A_1562 = vector.bitcast %and3A_1561 : vector<16xi32> to vector<16xf32>
        %and3A_1563 = arith.andi %get3A_1552, %broadcast_in_dim3A_22 : vector<16xi32>
        %bitcast3A_1564 = vector.bitcast %and3A_1563 : vector<16xi32> to vector<16xf32>
        %mul3A_1565 = arith.mulf %bitcast3A_1556, %bitcast3A_1560 : vector<16xf32>
        %mul3A_1566 = arith.mulf %bitcast3A_1562, %bitcast3A_1564 : vector<16xf32>
        %add3A_1567 = arith.addf %mul3A_1565, %mul3A_1566 : vector<16xf32>
        %add3A_1568 = arith.addf %add3A_1504, %add3A_1525 : vector<16xf32>
        %add3A_1569 = arith.addf %add3A_1546, %add3A_1567 : vector<16xf32>
        %add3A_1570 = arith.addf %add3A_1568, %add3A_1569 : vector<16xf32>
        %swap3A_1571 = arith.constant 240 : index
        %swap3A_1572 = tpu.vector_load %arg15[%swap3A_1571] {strides = array<i32>} : memref<256xf32, #tpu.memory_space<vmem>>, vector<16xf32>,
        tpu.vector_store %arg15[%swap3A_1571], %add3A_1570 {strides = array<i32>} : memref<256xf32, #tpu.memory_space<vmem>>, vector<16xf32>,
        %add3A_1573 = arith.constant 0 : i32
        %add3A_1574 = vector.broadcast %add3A_1573 : i32 to vector<16xi32>
        %add3A_1575 = arith.addi %mul3A_21, %add3A_1574 : vector<16xi32>
        %gather3A = tpu.vector_load_idx %arg15[%add3A_1575] : memref<256xf32, #tpu.memory_space<vmem>>[vector<16xi32>], vector<16xf32>,
        %add3A_1576 = arith.constant 1 : i32
        %add3A_1577 = vector.broadcast %add3A_1576 : i32 to vector<16xi32>
        %add3A_1578 = arith.addi %mul3A_21, %add3A_1577 : vector<16xi32>
        %gather3A_1579 = tpu.vector_load_idx %arg15[%add3A_1578] : memref<256xf32, #tpu.memory_space<vmem>>[vector<16xi32>], vector<16xf32>,
        %add3A_1580 = arith.constant 2 : i32
        %add3A_1581 = vector.broadcast %add3A_1580 : i32 to vector<16xi32>
        %add3A_1582 = arith.addi %mul3A_21, %add3A_1581 : vector<16xi32>
        %gather3A_1583 = tpu.vector_load_idx %arg15[%add3A_1582] : memref<256xf32, #tpu.memory_space<vmem>>[vector<16xi32>], vector<16xf32>,
        %add3A_1584 = arith.constant 3 : i32
        %add3A_1585 = vector.broadcast %add3A_1584 : i32 to vector<16xi32>
        %add3A_1586 = arith.addi %mul3A_21, %add3A_1585 : vector<16xi32>
        %gather3A_1587 = tpu.vector_load_idx %arg15[%add3A_1586] : memref<256xf32, #tpu.memory_space<vmem>>[vector<16xi32>], vector<16xf32>,
        %add3A_1588 = arith.constant 4 : i32
        %add3A_1589 = vector.broadcast %add3A_1588 : i32 to vector<16xi32>
        %add3A_1590 = arith.addi %mul3A_21, %add3A_1589 : vector<16xi32>
        %gather3A_1591 = tpu.vector_load_idx %arg15[%add3A_1590] : memref<256xf32, #tpu.memory_space<vmem>>[vector<16xi32>], vector<16xf32>,
        %add3A_1592 = arith.constant 5 : i32
        %add3A_1593 = vector.broadcast %add3A_1592 : i32 to vector<16xi32>
        %add3A_1594 = arith.addi %mul3A_21, %add3A_1593 : vector<16xi32>
        %gather3A_1595 = tpu.vector_load_idx %arg15[%add3A_1594] : memref<256xf32, #tpu.memory_space<vmem>>[vector<16xi32>], vector<16xf32>,
        %add3A_1596 = arith.constant 6 : i32
        %add3A_1597 = vector.broadcast %add3A_1596 : i32 to vector<16xi32>
        %add3A_1598 = arith.addi %mul3A_21, %add3A_1597 : vector<16xi32>
        %gather3A_1599 = tpu.vector_load_idx %arg15[%add3A_1598] : memref<256xf32, #tpu.memory_space<vmem>>[vector<16xi32>], vector<16xf32>,
        %add3A_1600 = arith.constant 7 : i32
        %add3A_1601 = vector.broadcast %add3A_1600 : i32 to vector<16xi32>
        %add3A_1602 = arith.addi %mul3A_21, %add3A_1601 : vector<16xi32>
        %gather3A_1603 = tpu.vector_load_idx %arg15[%add3A_1602] : memref<256xf32, #tpu.memory_space<vmem>>[vector<16xi32>], vector<16xf32>,
        %add3A_1604 = arith.constant 8 : i32
        %add3A_1605 = vector.broadcast %add3A_1604 : i32 to vector<16xi32>
        %add3A_1606 = arith.addi %mul3A_21, %add3A_1605 : vector<16xi32>
        %gather3A_1607 = tpu.vector_load_idx %arg15[%add3A_1606] : memref<256xf32, #tpu.memory_space<vmem>>[vector<16xi32>], vector<16xf32>,
        %add3A_1608 = arith.constant 9 : i32
        %add3A_1609 = vector.broadcast %add3A_1608 : i32 to vector<16xi32>
        %add3A_1610 = arith.addi %mul3A_21, %add3A_1609 : vector<16xi32>
        %gather3A_1611 = tpu.vector_load_idx %arg15[%add3A_1610] : memref<256xf32, #tpu.memory_space<vmem>>[vector<16xi32>], vector<16xf32>,
        %add3A_1612 = arith.constant 10 : i32
        %add3A_1613 = vector.broadcast %add3A_1612 : i32 to vector<16xi32>
        %add3A_1614 = arith.addi %mul3A_21, %add3A_1613 : vector<16xi32>
        %gather3A_1615 = tpu.vector_load_idx %arg15[%add3A_1614] : memref<256xf32, #tpu.memory_space<vmem>>[vector<16xi32>], vector<16xf32>,
        %add3A_1616 = arith.constant 11 : i32
        %add3A_1617 = vector.broadcast %add3A_1616 : i32 to vector<16xi32>
        %add3A_1618 = arith.addi %mul3A_21, %add3A_1617 : vector<16xi32>
        %gather3A_1619 = tpu.vector_load_idx %arg15[%add3A_1618] : memref<256xf32, #tpu.memory_space<vmem>>[vector<16xi32>], vector<16xf32>,
        %add3A_1620 = arith.constant 12 : i32
        %add3A_1621 = vector.broadcast %add3A_1620 : i32 to vector<16xi32>
        %add3A_1622 = arith.addi %mul3A_21, %add3A_1621 : vector<16xi32>
        %gather3A_1623 = tpu.vector_load_idx %arg15[%add3A_1622] : memref<256xf32, #tpu.memory_space<vmem>>[vector<16xi32>], vector<16xf32>,
        %add3A_1624 = arith.constant 13 : i32
        %add3A_1625 = vector.broadcast %add3A_1624 : i32 to vector<16xi32>
        %add3A_1626 = arith.addi %mul3A_21, %add3A_1625 : vector<16xi32>
        %gather3A_1627 = tpu.vector_load_idx %arg15[%add3A_1626] : memref<256xf32, #tpu.memory_space<vmem>>[vector<16xi32>], vector<16xf32>,
        %add3A_1628 = arith.constant 14 : i32
        %add3A_1629 = vector.broadcast %add3A_1628 : i32 to vector<16xi32>
        %add3A_1630 = arith.addi %mul3A_21, %add3A_1629 : vector<16xi32>
        %gather3A_1631 = tpu.vector_load_idx %arg15[%add3A_1630] : memref<256xf32, #tpu.memory_space<vmem>>[vector<16xi32>], vector<16xf32>,
        %add3A_1632 = arith.constant 15 : i32
        %add3A_1633 = vector.broadcast %add3A_1632 : i32 to vector<16xi32>
        %add3A_1634 = arith.addi %mul3A_21, %add3A_1633 : vector<16xi32>
        %gather3A_1635 = tpu.vector_load_idx %arg15[%add3A_1634] : memref<256xf32, #tpu.memory_space<vmem>>[vector<16xi32>], vector<16xf32>,
        %add3A_1636 = arith.addf %gather3A, %gather3A_1579 : vector<16xf32>
        %add3A_1637 = arith.addf %gather3A_1583, %gather3A_1587 : vector<16xf32>
        %add3A_1638 = arith.addf %gather3A_1591, %gather3A_1595 : vector<16xf32>
        %add3A_1639 = arith.addf %gather3A_1599, %gather3A_1603 : vector<16xf32>
        %add3A_1640 = arith.addf %gather3A_1607, %gather3A_1611 : vector<16xf32>
        %add3A_1641 = arith.addf %gather3A_1615, %gather3A_1619 : vector<16xf32>
        %add3A_1642 = arith.addf %gather3A_1623, %gather3A_1627 : vector<16xf32>
        %add3A_1643 = arith.addf %gather3A_1631, %gather3A_1635 : vector<16xf32>
        %add3A_1644 = arith.addf %add3A_1636, %add3A_1637 : vector<16xf32>
        %add3A_1645 = arith.addf %add3A_1638, %add3A_1639 : vector<16xf32>
        %add3A_1646 = arith.addf %add3A_1640, %add3A_1641 : vector<16xf32>
        %add3A_1647 = arith.addf %add3A_1642, %add3A_1643 : vector<16xf32>
        %add3A_1648 = arith.addf %add3A_1644, %add3A_1645 : vector<16xf32>
        %add3A_1649 = arith.addf %add3A_1646, %add3A_1647 : vector<16xf32>
        %add3A_1650 = arith.addf %add3A_1648, %add3A_1649 : vector<16xf32>
        %add3A_1651 = arith.addi %mul3A_80, %mul3A_121 : i32
        %swap3A_1652 = arith.index_cast %add3A_1651 : i32 to index
        %swap3A_1653 = tpu.vector_load %arg17[%swap3A_1652] {strides = array<i32>} : memref<10000xf32, #tpu.memory_space<vmem>>, vector<16xf32>,
        tpu.vector_store %arg17[%swap3A_1652], %add3A_1650 {strides = array<i32>} : memref<10000xf32, #tpu.memory_space<vmem>>, vector<16xf32>,
      }
      %scan3A_86 = arith.constant 5 : i32
      %dma_wait3A_87 = arith.constant 0 : i32
      %dma_wait3A_88 = tpu.memref_slice %arg9[%dma_wait3A_87] : memref<10000xi32, #tpu.memory_space<vmem>> -> memref<80xi32, #tpu.memory_space<vmem>>
      %dma_wait3A_89 = arith.constant 0 : i32
      %dma_wait3A_90 = arith.constant 0 : i32
      %dma_wait3A_91 = tpu.memref_slice %arg7[%dma_wait3A_89, %dma_wait3A_90] : memref<10000x64xi32, #tpu.memory_space<vmem_shared>> -> memref<10000x64xi32, #tpu.memory_space<vmem_shared>>
      tpu.wait_indirect_dma semaphore(%arg20 : memref<!tpu.dma_semaphore, #tpu.memory_space<semaphore_mem>>) src(%dma_wait3A_91 : memref<10000x64xi32, #tpu.memory_space<vmem_shared>>) dst(%arg13 : memref<80x64xi32, #tpu.memory_space<vmem>>)
      %dma_wait3A_92 = arith.constant 0 : i32
      %dma_wait3A_93 = tpu.memref_slice %arg10[%dma_wait3A_92] : memref<10000xi32, #tpu.memory_space<vmem>> -> memref<80xi32, #tpu.memory_space<vmem>>
      %dma_wait3A_94 = arith.constant 0 : i32
      %dma_wait3A_95 = arith.constant 0 : i32
      %dma_wait3A_96 = tpu.memref_slice %arg8[%dma_wait3A_94, %dma_wait3A_95] : memref<10000x64xi32, #tpu.memory_space<vmem_shared>> -> memref<10000x64xi32, #tpu.memory_space<vmem_shared>>
      tpu.wait_indirect_dma semaphore(%arg21 : memref<!tpu.dma_semaphore, #tpu.memory_space<semaphore_mem>>) src(%dma_wait3A_96 : memref<10000x64xi32, #tpu.memory_space<vmem_shared>>) dst(%arg14 : memref<80x64xi32, #tpu.memory_space<vmem>>)
      %add3A_97 = arith.constant 2 : i32
      %add3A_98 = arith.addi %mul3A_56, %add3A_97 : i32
      %mul3A_99 = arith.constant 80 : i32
      %mul3A_100 = arith.muli %add3A_98, %mul3A_99 : i32
      %dma_start3A_101 = tpu.memref_slice %arg9[%mul3A_100] : memref<10000xi32, #tpu.memory_space<vmem>> -> memref<80xi32, #tpu.memory_space<vmem>>
      %dma_start3A_102 = arith.constant 0 : i32
      %dma_start3A_103 = arith.constant 0 : i32
      %dma_start3A_104 = tpu.memref_slice %arg7[%dma_start3A_102, %dma_start3A_103] : memref<10000x64xi32, #tpu.memory_space<vmem_shared>> -> memref<10000x64xi32, #tpu.memory_space<vmem_shared>>
      tpu.enqueue_indirect_dma source(%dma_start3A_104 : memref<10000x64xi32, #tpu.memory_space<vmem_shared>>) target(%arg11 : memref<80x64xi32, #tpu.memory_space<vmem>>) offsets(%dma_start3A_101 : memref<80xi32, #tpu.memory_space<vmem>>) semaphore(%arg18 : memref<!tpu.dma_semaphore, #tpu.memory_space<semaphore_mem>>)
      %dma_start3A_105 = tpu.memref_slice %arg10[%mul3A_100] : memref<10000xi32, #tpu.memory_space<vmem>> -> memref<80xi32, #tpu.memory_space<vmem>>
      %dma_start3A_106 = arith.constant 0 : i32
      %dma_start3A_107 = arith.constant 0 : i32
      %dma_start3A_108 = tpu.memref_slice %arg8[%dma_start3A_106, %dma_start3A_107] : memref<10000x64xi32, #tpu.memory_space<vmem_shared>> -> memref<10000x64xi32, #tpu.memory_space<vmem_shared>>
      tpu.enqueue_indirect_dma source(%dma_start3A_108 : memref<10000x64xi32, #tpu.memory_space<vmem_shared>>) target(%arg12 : memref<80x64xi32, #tpu.memory_space<vmem>>) offsets(%dma_start3A_105 : memref<80xi32, #tpu.memory_space<vmem>>) semaphore(%arg19 : memref<!tpu.dma_semaphore, #tpu.memory_space<semaphore_mem>>)
      %add3A_109 = arith.constant 1 : i32
      %add3A_110 = arith.addi %mul3A_56, %add3A_109 : i32
      %mul3A_111 = arith.constant 80 : i32
      %mul3A_112 = arith.muli %add3A_110, %mul3A_111 : i32
      %scan3A_113 = arith.constant 0 : i32
      %scan3A_114 = arith.constant 0 : i32
      %scan3A_115 = arith.constant 5 : i32
      %scan3A_116 = arith.addi %scan3A_114, %scan3A_115 : i32
      %scan3A_117 = arith.constant 1 : i32
      scf.for %scan3A_119 = %scan3A_114 to %scan3A_116 step %scan3A_117  : i32 {
        %mul3A_120 = arith.constant 16 : i32
        %mul3A_121 = arith.muli %scan3A_119, %mul3A_120 : i32
        %add3A_122 = arith.constant 0 : i32
        %add3A_123 = arith.addi %mul3A_121, %add3A_122 : i32
        %get3A = arith.index_cast %add3A_123 : i32 to index
        %get3A_124 = arith.constant 0 : index
        %get3A_125 = tpu.vector_load %arg13[%get3A, %get3A_124] {strides = array<i32>} : memref<80x64xi32, #tpu.memory_space<vmem>>, vector<16xi32>,
        %get3A_126 = arith.index_cast %add3A_123 : i32 to index
        %get3A_127 = arith.constant 0 : index
        %get3A_128 = tpu.vector_load %arg14[%get3A_126, %get3A_127] {strides = array<i32>} : memref<80x64xi32, #tpu.memory_space<vmem>>, vector<16xi32>,
        %shift_left3A = arith.constant 16 : i32
        %shift_left3A_129 = vector.broadcast %shift_left3A : i32 to vector<16xi32>
        %shift_left3A_130 = arith.shli %get3A_125, %shift_left3A_129 : vector<16xi32>
        %bitcast3A = vector.bitcast %shift_left3A_130 : vector<16xi32> to vector<16xf32>
        %shift_left3A_131 = arith.constant 16 : i32
        %shift_left3A_132 = vector.broadcast %shift_left3A_131 : i32 to vector<16xi32>
        %shift_left3A_133 = arith.shli %get3A_128, %shift_left3A_132 : vector<16xi32>
        %bitcast3A_134 = vector.bitcast %shift_left3A_133 : vector<16xi32> to vector<16xf32>
        %and3A = arith.andi %get3A_125, %broadcast_in_dim3A_22 : vector<16xi32>
        %bitcast3A_135 = vector.bitcast %and3A : vector<16xi32> to vector<16xf32>
        %and3A_136 = arith.andi %get3A_128, %broadcast_in_dim3A_22 : vector<16xi32>
        %bitcast3A_137 = vector.bitcast %and3A_136 : vector<16xi32> to vector<16xf32>
        %mul3A_138 = arith.mulf %bitcast3A, %bitcast3A_134 : vector<16xf32>
        %mul3A_139 = arith.mulf %bitcast3A_135, %bitcast3A_137 : vector<16xf32>
        %add3A_140 = arith.addf %mul3A_138, %mul3A_139 : vector<16xf32>
        %get3A_141 = arith.index_cast %add3A_123 : i32 to index
        %get3A_142 = arith.constant 16 : index
        %get3A_143 = tpu.vector_load %arg13[%get3A_141, %get3A_142] {strides = array<i32>} : memref<80x64xi32, #tpu.memory_space<vmem>>, vector<16xi32>,
        %get3A_144 = arith.index_cast %add3A_123 : i32 to index
        %get3A_145 = arith.constant 16 : index
        %get3A_146 = tpu.vector_load %arg14[%get3A_144, %get3A_145] {strides = array<i32>} : memref<80x64xi32, #tpu.memory_space<vmem>>, vector<16xi32>,
        %shift_left3A_147 = arith.constant 16 : i32
        %shift_left3A_148 = vector.broadcast %shift_left3A_147 : i32 to vector<16xi32>
        %shift_left3A_149 = arith.shli %get3A_143, %shift_left3A_148 : vector<16xi32>
        %bitcast3A_150 = vector.bitcast %shift_left3A_149 : vector<16xi32> to vector<16xf32>
        %shift_left3A_151 = arith.constant 16 : i32
        %shift_left3A_152 = vector.broadcast %shift_left3A_151 : i32 to vector<16xi32>
        %shift_left3A_153 = arith.shli %get3A_146, %shift_left3A_152 : vector<16xi32>
        %bitcast3A_154 = vector.bitcast %shift_left3A_153 : vector<16xi32> to vector<16xf32>
        %and3A_155 = arith.andi %get3A_143, %broadcast_in_dim3A_22 : vector<16xi32>
        %bitcast3A_156 = vector.bitcast %and3A_155 : vector<16xi32> to vector<16xf32>
        %and3A_157 = arith.andi %get3A_146, %broadcast_in_dim3A_22 : vector<16xi32>
        %bitcast3A_158 = vector.bitcast %and3A_157 : vector<16xi32> to vector<16xf32>
        %mul3A_159 = arith.mulf %bitcast3A_150, %bitcast3A_154 : vector<16xf32>
        %mul3A_160 = arith.mulf %bitcast3A_156, %bitcast3A_158 : vector<16xf32>
        %add3A_161 = arith.addf %mul3A_159, %mul3A_160 : vector<16xf32>
        %get3A_162 = arith.index_cast %add3A_123 : i32 to index
        %get3A_163 = arith.constant 32 : index
        %get3A_164 = tpu.vector_load %arg13[%get3A_162, %get3A_163] {strides = array<i32>} : memref<80x64xi32, #tpu.memory_space<vmem>>, vector<16xi32>,
        %get3A_165 = arith.index_cast %add3A_123 : i32 to index
        %get3A_166 = arith.constant 32 : index
        %get3A_167 = tpu.vector_load %arg14[%get3A_165, %get3A_166] {strides = array<i32>} : memref<80x64xi32, #tpu.memory_space<vmem>>, vector<16xi32>,
        %shift_left3A_168 = arith.constant 16 : i32
        %shift_left3A_169 = vector.broadcast %shift_left3A_168 : i32 to vector<16xi32>
        %shift_left3A_170 = arith.shli %get3A_164, %shift_left3A_169 : vector<16xi32>
        %bitcast3A_171 = vector.bitcast %shift_left3A_170 : vector<16xi32> to vector<16xf32>
        %shift_left3A_172 = arith.constant 16 : i32
        %shift_left3A_173 = vector.broadcast %shift_left3A_172 : i32 to vector<16xi32>
        %shift_left3A_174 = arith.shli %get3A_167, %shift_left3A_173 : vector<16xi32>
        %bitcast3A_175 = vector.bitcast %shift_left3A_174 : vector<16xi32> to vector<16xf32>
        %and3A_176 = arith.andi %get3A_164, %broadcast_in_dim3A_22 : vector<16xi32>
        %bitcast3A_177 = vector.bitcast %and3A_176 : vector<16xi32> to vector<16xf32>
        %and3A_178 = arith.andi %get3A_167, %broadcast_in_dim3A_22 : vector<16xi32>
        %bitcast3A_179 = vector.bitcast %and3A_178 : vector<16xi32> to vector<16xf32>
        %mul3A_180 = arith.mulf %bitcast3A_171, %bitcast3A_175 : vector<16xf32>
        %mul3A_181 = arith.mulf %bitcast3A_177, %bitcast3A_179 : vector<16xf32>
        %add3A_182 = arith.addf %mul3A_180, %mul3A_181 : vector<16xf32>
        %get3A_183 = arith.index_cast %add3A_123 : i32 to index
        %get3A_184 = arith.constant 48 : index
        %get3A_185 = tpu.vector_load %arg13[%get3A_183, %get3A_184] {strides = array<i32>} : memref<80x64xi32, #tpu.memory_space<vmem>>, vector<16xi32>,
        %get3A_186 = arith.index_cast %add3A_123 : i32 to index
        %get3A_187 = arith.constant 48 : index
        %get3A_188 = tpu.vector_load %arg14[%get3A_186, %get3A_187] {strides = array<i32>} : memref<80x64xi32, #tpu.memory_space<vmem>>, vector<16xi32>,
        %shift_left3A_189 = arith.constant 16 : i32
        %shift_left3A_190 = vector.broadcast %shift_left3A_189 : i32 to vector<16xi32>
        %shift_left3A_191 = arith.shli %get3A_185, %shift_left3A_190 : vector<16xi32>
        %bitcast3A_192 = vector.bitcast %shift_left3A_191 : vector<16xi32> to vector<16xf32>
        %shift_left3A_193 = arith.constant 16 : i32
        %shift_left3A_194 = vector.broadcast %shift_left3A_193 : i32 to vector<16xi32>
        %shift_left3A_195 = arith.shli %get3A_188, %shift_left3A_194 : vector<16xi32>
        %bitcast3A_196 = vector.bitcast %shift_left3A_195 : vector<16xi32> to vector<16xf32>
        %and3A_197 = arith.andi %get3A_185, %broadcast_in_dim3A_22 : vector<16xi32>
        %bitcast3A_198 = vector.bitcast %and3A_197 : vector<16xi32> to vector<16xf32>
        %and3A_199 = arith.andi %get3A_188, %broadcast_in_dim3A_22 : vector<16xi32>
        %bitcast3A_200 = vector.bitcast %and3A_199 : vector<16xi32> to vector<16xf32>
        %mul3A_201 = arith.mulf %bitcast3A_192, %bitcast3A_196 : vector<16xf32>
        %mul3A_202 = arith.mulf %bitcast3A_198, %bitcast3A_200 : vector<16xf32>
        %add3A_203 = arith.addf %mul3A_201, %mul3A_202 : vector<16xf32>
        %add3A_204 = arith.addf %add3A_140, %add3A_161 : vector<16xf32>
        %add3A_205 = arith.addf %add3A_182, %add3A_203 : vector<16xf32>
        %add3A_206 = arith.addf %add3A_204, %add3A_205 : vector<16xf32>
        %swap3A = arith.constant 0 : index
        %swap3A_207 = tpu.vector_load %arg16[%swap3A] {strides = array<i32>} : memref<256xf32, #tpu.memory_space<vmem>>, vector<16xf32>,
        tpu.vector_store %arg16[%swap3A], %add3A_206 {strides = array<i32>} : memref<256xf32, #tpu.memory_space<vmem>>, vector<16xf32>,
        %add3A_208 = arith.constant 1 : i32
        %add3A_209 = arith.addi %mul3A_121, %add3A_208 : i32
        %get3A_210 = arith.index_cast %add3A_209 : i32 to index
        %get3A_211 = arith.constant 0 : index
        %get3A_212 = tpu.vector_load %arg13[%get3A_210, %get3A_211] {strides = array<i32>} : memref<80x64xi32, #tpu.memory_space<vmem>>, vector<16xi32>,
        %get3A_213 = arith.index_cast %add3A_209 : i32 to index
        %get3A_214 = arith.constant 0 : index
        %get3A_215 = tpu.vector_load %arg14[%get3A_213, %get3A_214] {strides = array<i32>} : memref<80x64xi32, #tpu.memory_space<vmem>>, vector<16xi32>,
        %shift_left3A_216 = arith.constant 16 : i32
        %shift_left3A_217 = vector.broadcast %shift_left3A_216 : i32 to vector<16xi32>
        %shift_left3A_218 = arith.shli %get3A_212, %shift_left3A_217 : vector<16xi32>
        %bitcast3A_219 = vector.bitcast %shift_left3A_218 : vector<16xi32> to vector<16xf32>
        %shift_left3A_220 = arith.constant 16 : i32
        %shift_left3A_221 = vector.broadcast %shift_left3A_220 : i32 to vector<16xi32>
        %shift_left3A_222 = arith.shli %get3A_215, %shift_left3A_221 : vector<16xi32>
        %bitcast3A_223 = vector.bitcast %shift_left3A_222 : vector<16xi32> to vector<16xf32>
        %and3A_224 = arith.andi %get3A_212, %broadcast_in_dim3A_22 : vector<16xi32>
        %bitcast3A_225 = vector.bitcast %and3A_224 : vector<16xi32> to vector<16xf32>
        %and3A_226 = arith.andi %get3A_215, %broadcast_in_dim3A_22 : vector<16xi32>
        %bitcast3A_227 = vector.bitcast %and3A_226 : vector<16xi32> to vector<16xf32>
        %mul3A_228 = arith.mulf %bitcast3A_219, %bitcast3A_223 : vector<16xf32>
        %mul3A_229 = arith.mulf %bitcast3A_225, %bitcast3A_227 : vector<16xf32>
        %add3A_230 = arith.addf %mul3A_228, %mul3A_229 : vector<16xf32>
        %get3A_231 = arith.index_cast %add3A_209 : i32 to index
        %get3A_232 = arith.constant 16 : index
        %get3A_233 = tpu.vector_load %arg13[%get3A_231, %get3A_232] {strides = array<i32>} : memref<80x64xi32, #tpu.memory_space<vmem>>, vector<16xi32>,
        %get3A_234 = arith.index_cast %add3A_209 : i32 to index
        %get3A_235 = arith.constant 16 : index
        %get3A_236 = tpu.vector_load %arg14[%get3A_234, %get3A_235] {strides = array<i32>} : memref<80x64xi32, #tpu.memory_space<vmem>>, vector<16xi32>,
        %shift_left3A_237 = arith.constant 16 : i32
        %shift_left3A_238 = vector.broadcast %shift_left3A_237 : i32 to vector<16xi32>
        %shift_left3A_239 = arith.shli %get3A_233, %shift_left3A_238 : vector<16xi32>
        %bitcast3A_240 = vector.bitcast %shift_left3A_239 : vector<16xi32> to vector<16xf32>
        %shift_left3A_241 = arith.constant 16 : i32
        %shift_left3A_242 = vector.broadcast %shift_left3A_241 : i32 to vector<16xi32>
        %shift_left3A_243 = arith.shli %get3A_236, %shift_left3A_242 : vector<16xi32>
        %bitcast3A_244 = vector.bitcast %shift_left3A_243 : vector<16xi32> to vector<16xf32>
        %and3A_245 = arith.andi %get3A_233, %broadcast_in_dim3A_22 : vector<16xi32>
        %bitcast3A_246 = vector.bitcast %and3A_245 : vector<16xi32> to vector<16xf32>
        %and3A_247 = arith.andi %get3A_236, %broadcast_in_dim3A_22 : vector<16xi32>
        %bitcast3A_248 = vector.bitcast %and3A_247 : vector<16xi32> to vector<16xf32>
        %mul3A_249 = arith.mulf %bitcast3A_240, %bitcast3A_244 : vector<16xf32>
        %mul3A_250 = arith.mulf %bitcast3A_246, %bitcast3A_248 : vector<16xf32>
        %add3A_251 = arith.addf %mul3A_249, %mul3A_250 : vector<16xf32>
        %get3A_252 = arith.index_cast %add3A_209 : i32 to index
        %get3A_253 = arith.constant 32 : index
        %get3A_254 = tpu.vector_load %arg13[%get3A_252, %get3A_253] {strides = array<i32>} : memref<80x64xi32, #tpu.memory_space<vmem>>, vector<16xi32>,
        %get3A_255 = arith.index_cast %add3A_209 : i32 to index
        %get3A_256 = arith.constant 32 : index
        %get3A_257 = tpu.vector_load %arg14[%get3A_255, %get3A_256] {strides = array<i32>} : memref<80x64xi32, #tpu.memory_space<vmem>>, vector<16xi32>,
        %shift_left3A_258 = arith.constant 16 : i32
        %shift_left3A_259 = vector.broadcast %shift_left3A_258 : i32 to vector<16xi32>
        %shift_left3A_260 = arith.shli %get3A_254, %shift_left3A_259 : vector<16xi32>
        %bitcast3A_261 = vector.bitcast %shift_left3A_260 : vector<16xi32> to vector<16xf32>
        %shift_left3A_262 = arith.constant 16 : i32
        %shift_left3A_263 = vector.broadcast %shift_left3A_262 : i32 to vector<16xi32>
        %shift_left3A_264 = arith.shli %get3A_257, %shift_left3A_263 : vector<16xi32>
        %bitcast3A_265 = vector.bitcast %shift_left3A_264 : vector<16xi32> to vector<16xf32>
        %and3A_266 = arith.andi %get3A_254, %broadcast_in_dim3A_22 : vector<16xi32>
        %bitcast3A_267 = vector.bitcast %and3A_266 : vector<16xi32> to vector<16xf32>
        %and3A_268 = arith.andi %get3A_257, %broadcast_in_dim3A_22 : vector<16xi32>
        %bitcast3A_269 = vector.bitcast %and3A_268 : vector<16xi32> to vector<16xf32>
        %mul3A_270 = arith.mulf %bitcast3A_261, %bitcast3A_265 : vector<16xf32>
        %mul3A_271 = arith.mulf %bitcast3A_267, %bitcast3A_269 : vector<16xf32>
        %add3A_272 = arith.addf %mul3A_270, %mul3A_271 : vector<16xf32>
        %get3A_273 = arith.index_cast %add3A_209 : i32 to index
        %get3A_274 = arith.constant 48 : index
        %get3A_275 = tpu.vector_load %arg13[%get3A_273, %get3A_274] {strides = array<i32>} : memref<80x64xi32, #tpu.memory_space<vmem>>, vector<16xi32>,
        %get3A_276 = arith.index_cast %add3A_209 : i32 to index
        %get3A_277 = arith.constant 48 : index
        %get3A_278 = tpu.vector_load %arg14[%get3A_276, %get3A_277] {strides = array<i32>} : memref<80x64xi32, #tpu.memory_space<vmem>>, vector<16xi32>,
        %shift_left3A_279 = arith.constant 16 : i32
        %shift_left3A_280 = vector.broadcast %shift_left3A_279 : i32 to vector<16xi32>
        %shift_left3A_281 = arith.shli %get3A_275, %shift_left3A_280 : vector<16xi32>
        %bitcast3A_282 = vector.bitcast %shift_left3A_281 : vector<16xi32> to vector<16xf32>
        %shift_left3A_283 = arith.constant 16 : i32
        %shift_left3A_284 = vector.broadcast %shift_left3A_283 : i32 to vector<16xi32>
        %shift_left3A_285 = arith.shli %get3A_278, %shift_left3A_284 : vector<16xi32>
        %bitcast3A_286 = vector.bitcast %shift_left3A_285 : vector<16xi32> to vector<16xf32>
        %and3A_287 = arith.andi %get3A_275, %broadcast_in_dim3A_22 : vector<16xi32>
        %bitcast3A_288 = vector.bitcast %and3A_287 : vector<16xi32> to vector<16xf32>
        %and3A_289 = arith.andi %get3A_278, %broadcast_in_dim3A_22 : vector<16xi32>
        %bitcast3A_290 = vector.bitcast %and3A_289 : vector<16xi32> to vector<16xf32>
        %mul3A_291 = arith.mulf %bitcast3A_282, %bitcast3A_286 : vector<16xf32>
        %mul3A_292 = arith.mulf %bitcast3A_288, %bitcast3A_290 : vector<16xf32>
        %add3A_293 = arith.addf %mul3A_291, %mul3A_292 : vector<16xf32>
        %add3A_294 = arith.addf %add3A_230, %add3A_251 : vector<16xf32>
        %add3A_295 = arith.addf %add3A_272, %add3A_293 : vector<16xf32>
        %add3A_296 = arith.addf %add3A_294, %add3A_295 : vector<16xf32>
        %swap3A_297 = arith.constant 16 : index
        %swap3A_298 = tpu.vector_load %arg16[%swap3A_297] {strides = array<i32>} : memref<256xf32, #tpu.memory_space<vmem>>, vector<16xf32>,
        tpu.vector_store %arg16[%swap3A_297], %add3A_296 {strides = array<i32>} : memref<256xf32, #tpu.memory_space<vmem>>, vector<16xf32>,
        %add3A_299 = arith.constant 2 : i32
        %add3A_300 = arith.addi %mul3A_121, %add3A_299 : i32
        %get3A_301 = arith.index_cast %add3A_300 : i32 to index
        %get3A_302 = arith.constant 0 : index
        %get3A_303 = tpu.vector_load %arg13[%get3A_301, %get3A_302] {strides = array<i32>} : memref<80x64xi32, #tpu.memory_space<vmem>>, vector<16xi32>,
        %get3A_304 = arith.index_cast %add3A_300 : i32 to index
        %get3A_305 = arith.constant 0 : index
        %get3A_306 = tpu.vector_load %arg14[%get3A_304, %get3A_305] {strides = array<i32>} : memref<80x64xi32, #tpu.memory_space<vmem>>, vector<16xi32>,
        %shift_left3A_307 = arith.constant 16 : i32
        %shift_left3A_308 = vector.broadcast %shift_left3A_307 : i32 to vector<16xi32>
        %shift_left3A_309 = arith.shli %get3A_303, %shift_left3A_308 : vector<16xi32>
        %bitcast3A_310 = vector.bitcast %shift_left3A_309 : vector<16xi32> to vector<16xf32>
        %shift_left3A_311 = arith.constant 16 : i32
        %shift_left3A_312 = vector.broadcast %shift_left3A_311 : i32 to vector<16xi32>
        %shift_left3A_313 = arith.shli %get3A_306, %shift_left3A_312 : vector<16xi32>
        %bitcast3A_314 = vector.bitcast %shift_left3A_313 : vector<16xi32> to vector<16xf32>
        %and3A_315 = arith.andi %get3A_303, %broadcast_in_dim3A_22 : vector<16xi32>
        %bitcast3A_316 = vector.bitcast %and3A_315 : vector<16xi32> to vector<16xf32>
        %and3A_317 = arith.andi %get3A_306, %broadcast_in_dim3A_22 : vector<16xi32>
        %bitcast3A_318 = vector.bitcast %and3A_317 : vector<16xi32> to vector<16xf32>
        %mul3A_319 = arith.mulf %bitcast3A_310, %bitcast3A_314 : vector<16xf32>
        %mul3A_320 = arith.mulf %bitcast3A_316, %bitcast3A_318 : vector<16xf32>
        %add3A_321 = arith.addf %mul3A_319, %mul3A_320 : vector<16xf32>
        %get3A_322 = arith.index_cast %add3A_300 : i32 to index
        %get3A_323 = arith.constant 16 : index
        %get3A_324 = tpu.vector_load %arg13[%get3A_322, %get3A_323] {strides = array<i32>} : memref<80x64xi32, #tpu.memory_space<vmem>>, vector<16xi32>,
        %get3A_325 = arith.index_cast %add3A_300 : i32 to index
        %get3A_326 = arith.constant 16 : index
        %get3A_327 = tpu.vector_load %arg14[%get3A_325, %get3A_326] {strides = array<i32>} : memref<80x64xi32, #tpu.memory_space<vmem>>, vector<16xi32>,
        %shift_left3A_328 = arith.constant 16 : i32
        %shift_left3A_329 = vector.broadcast %shift_left3A_328 : i32 to vector<16xi32>
        %shift_left3A_330 = arith.shli %get3A_324, %shift_left3A_329 : vector<16xi32>
        %bitcast3A_331 = vector.bitcast %shift_left3A_330 : vector<16xi32> to vector<16xf32>
        %shift_left3A_332 = arith.constant 16 : i32
        %shift_left3A_333 = vector.broadcast %shift_left3A_332 : i32 to vector<16xi32>
        %shift_left3A_334 = arith.shli %get3A_327, %shift_left3A_333 : vector<16xi32>
        %bitcast3A_335 = vector.bitcast %shift_left3A_334 : vector<16xi32> to vector<16xf32>
        %and3A_336 = arith.andi %get3A_324, %broadcast_in_dim3A_22 : vector<16xi32>
        %bitcast3A_337 = vector.bitcast %and3A_336 : vector<16xi32> to vector<16xf32>
        %and3A_338 = arith.andi %get3A_327, %broadcast_in_dim3A_22 : vector<16xi32>
        %bitcast3A_339 = vector.bitcast %and3A_338 : vector<16xi32> to vector<16xf32>
        %mul3A_340 = arith.mulf %bitcast3A_331, %bitcast3A_335 : vector<16xf32>
        %mul3A_341 = arith.mulf %bitcast3A_337, %bitcast3A_339 : vector<16xf32>
        %add3A_342 = arith.addf %mul3A_340, %mul3A_341 : vector<16xf32>
        %get3A_343 = arith.index_cast %add3A_300 : i32 to index
        %get3A_344 = arith.constant 32 : index
        %get3A_345 = tpu.vector_load %arg13[%get3A_343, %get3A_344] {strides = array<i32>} : memref<80x64xi32, #tpu.memory_space<vmem>>, vector<16xi32>,
        %get3A_346 = arith.index_cast %add3A_300 : i32 to index
        %get3A_347 = arith.constant 32 : index
        %get3A_348 = tpu.vector_load %arg14[%get3A_346, %get3A_347] {strides = array<i32>} : memref<80x64xi32, #tpu.memory_space<vmem>>, vector<16xi32>,
        %shift_left3A_349 = arith.constant 16 : i32
        %shift_left3A_350 = vector.broadcast %shift_left3A_349 : i32 to vector<16xi32>
        %shift_left3A_351 = arith.shli %get3A_345, %shift_left3A_350 : vector<16xi32>
        %bitcast3A_352 = vector.bitcast %shift_left3A_351 : vector<16xi32> to vector<16xf32>
        %shift_left3A_353 = arith.constant 16 : i32
        %shift_left3A_354 = vector.broadcast %shift_left3A_353 : i32 to vector<16xi32>
        %shift_left3A_355 = arith.shli %get3A_348, %shift_left3A_354 : vector<16xi32>
        %bitcast3A_356 = vector.bitcast %shift_left3A_355 : vector<16xi32> to vector<16xf32>
        %and3A_357 = arith.andi %get3A_345, %broadcast_in_dim3A_22 : vector<16xi32>
        %bitcast3A_358 = vector.bitcast %and3A_357 : vector<16xi32> to vector<16xf32>
        %and3A_359 = arith.andi %get3A_348, %broadcast_in_dim3A_22 : vector<16xi32>
        %bitcast3A_360 = vector.bitcast %and3A_359 : vector<16xi32> to vector<16xf32>
        %mul3A_361 = arith.mulf %bitcast3A_352, %bitcast3A_356 : vector<16xf32>
        %mul3A_362 = arith.mulf %bitcast3A_358, %bitcast3A_360 : vector<16xf32>
        %add3A_363 = arith.addf %mul3A_361, %mul3A_362 : vector<16xf32>
        %get3A_364 = arith.index_cast %add3A_300 : i32 to index
        %get3A_365 = arith.constant 48 : index
        %get3A_366 = tpu.vector_load %arg13[%get3A_364, %get3A_365] {strides = array<i32>} : memref<80x64xi32, #tpu.memory_space<vmem>>, vector<16xi32>,
        %get3A_367 = arith.index_cast %add3A_300 : i32 to index
        %get3A_368 = arith.constant 48 : index
        %get3A_369 = tpu.vector_load %arg14[%get3A_367, %get3A_368] {strides = array<i32>} : memref<80x64xi32, #tpu.memory_space<vmem>>, vector<16xi32>,
        %shift_left3A_370 = arith.constant 16 : i32
        %shift_left3A_371 = vector.broadcast %shift_left3A_370 : i32 to vector<16xi32>
        %shift_left3A_372 = arith.shli %get3A_366, %shift_left3A_371 : vector<16xi32>
        %bitcast3A_373 = vector.bitcast %shift_left3A_372 : vector<16xi32> to vector<16xf32>
        %shift_left3A_374 = arith.constant 16 : i32
        %shift_left3A_375 = vector.broadcast %shift_left3A_374 : i32 to vector<16xi32>
        %shift_left3A_376 = arith.shli %get3A_369, %shift_left3A_375 : vector<16xi32>
        %bitcast3A_377 = vector.bitcast %shift_left3A_376 : vector<16xi32> to vector<16xf32>
        %and3A_378 = arith.andi %get3A_366, %broadcast_in_dim3A_22 : vector<16xi32>
        %bitcast3A_379 = vector.bitcast %and3A_378 : vector<16xi32> to vector<16xf32>
        %and3A_380 = arith.andi %get3A_369, %broadcast_in_dim3A_22 : vector<16xi32>
        %bitcast3A_381 = vector.bitcast %and3A_380 : vector<16xi32> to vector<16xf32>
        %mul3A_382 = arith.mulf %bitcast3A_373, %bitcast3A_377 : vector<16xf32>
        %mul3A_383 = arith.mulf %bitcast3A_379, %bitcast3A_381 : vector<16xf32>
        %add3A_384 = arith.addf %mul3A_382, %mul3A_383 : vector<16xf32>
        %add3A_385 = arith.addf %add3A_321, %add3A_342 : vector<16xf32>
        %add3A_386 = arith.addf %add3A_363, %add3A_384 : vector<16xf32>
        %add3A_387 = arith.addf %add3A_385, %add3A_386 : vector<16xf32>
        %swap3A_388 = arith.constant 32 : index
        %swap3A_389 = tpu.vector_load %arg16[%swap3A_388] {strides = array<i32>} : memref<256xf32, #tpu.memory_space<vmem>>, vector<16xf32>,
        tpu.vector_store %arg16[%swap3A_388], %add3A_387 {strides = array<i32>} : memref<256xf32, #tpu.memory_space<vmem>>, vector<16xf32>,
        %add3A_390 = arith.constant 3 : i32
        %add3A_391 = arith.addi %mul3A_121, %add3A_390 : i32
        %get3A_392 = arith.index_cast %add3A_391 : i32 to index
        %get3A_393 = arith.constant 0 : index
        %get3A_394 = tpu.vector_load %arg13[%get3A_392, %get3A_393] {strides = array<i32>} : memref<80x64xi32, #tpu.memory_space<vmem>>, vector<16xi32>,
        %get3A_395 = arith.index_cast %add3A_391 : i32 to index
        %get3A_396 = arith.constant 0 : index
        %get3A_397 = tpu.vector_load %arg14[%get3A_395, %get3A_396] {strides = array<i32>} : memref<80x64xi32, #tpu.memory_space<vmem>>, vector<16xi32>,
        %shift_left3A_398 = arith.constant 16 : i32
        %shift_left3A_399 = vector.broadcast %shift_left3A_398 : i32 to vector<16xi32>
        %shift_left3A_400 = arith.shli %get3A_394, %shift_left3A_399 : vector<16xi32>
        %bitcast3A_401 = vector.bitcast %shift_left3A_400 : vector<16xi32> to vector<16xf32>
        %shift_left3A_402 = arith.constant 16 : i32
        %shift_left3A_403 = vector.broadcast %shift_left3A_402 : i32 to vector<16xi32>
        %shift_left3A_404 = arith.shli %get3A_397, %shift_left3A_403 : vector<16xi32>
        %bitcast3A_405 = vector.bitcast %shift_left3A_404 : vector<16xi32> to vector<16xf32>
        %and3A_406 = arith.andi %get3A_394, %broadcast_in_dim3A_22 : vector<16xi32>
        %bitcast3A_407 = vector.bitcast %and3A_406 : vector<16xi32> to vector<16xf32>
        %and3A_408 = arith.andi %get3A_397, %broadcast_in_dim3A_22 : vector<16xi32>
        %bitcast3A_409 = vector.bitcast %and3A_408 : vector<16xi32> to vector<16xf32>
        %mul3A_410 = arith.mulf %bitcast3A_401, %bitcast3A_405 : vector<16xf32>
        %mul3A_411 = arith.mulf %bitcast3A_407, %bitcast3A_409 : vector<16xf32>
        %add3A_412 = arith.addf %mul3A_410, %mul3A_411 : vector<16xf32>
        %get3A_413 = arith.index_cast %add3A_391 : i32 to index
        %get3A_414 = arith.constant 16 : index
        %get3A_415 = tpu.vector_load %arg13[%get3A_413, %get3A_414] {strides = array<i32>} : memref<80x64xi32, #tpu.memory_space<vmem>>, vector<16xi32>,
        %get3A_416 = arith.index_cast %add3A_391 : i32 to index
        %get3A_417 = arith.constant 16 : index
        %get3A_418 = tpu.vector_load %arg14[%get3A_416, %get3A_417] {strides = array<i32>} : memref<80x64xi32, #tpu.memory_space<vmem>>, vector<16xi32>,
        %shift_left3A_419 = arith.constant 16 : i32
        %shift_left3A_420 = vector.broadcast %shift_left3A_419 : i32 to vector<16xi32>
        %shift_left3A_421 = arith.shli %get3A_415, %shift_left3A_420 : vector<16xi32>
        %bitcast3A_422 = vector.bitcast %shift_left3A_421 : vector<16xi32> to vector<16xf32>
        %shift_left3A_423 = arith.constant 16 : i32
        %shift_left3A_424 = vector.broadcast %shift_left3A_423 : i32 to vector<16xi32>
        %shift_left3A_425 = arith.shli %get3A_418, %shift_left3A_424 : vector<16xi32>
        %bitcast3A_426 = vector.bitcast %shift_left3A_425 : vector<16xi32> to vector<16xf32>
        %and3A_427 = arith.andi %get3A_415, %broadcast_in_dim3A_22 : vector<16xi32>
        %bitcast3A_428 = vector.bitcast %and3A_427 : vector<16xi32> to vector<16xf32>
        %and3A_429 = arith.andi %get3A_418, %broadcast_in_dim3A_22 : vector<16xi32>
        %bitcast3A_430 = vector.bitcast %and3A_429 : vector<16xi32> to vector<16xf32>
        %mul3A_431 = arith.mulf %bitcast3A_422, %bitcast3A_426 : vector<16xf32>
        %mul3A_432 = arith.mulf %bitcast3A_428, %bitcast3A_430 : vector<16xf32>
        %add3A_433 = arith.addf %mul3A_431, %mul3A_432 : vector<16xf32>
        %get3A_434 = arith.index_cast %add3A_391 : i32 to index
        %get3A_435 = arith.constant 32 : index
        %get3A_436 = tpu.vector_load %arg13[%get3A_434, %get3A_435] {strides = array<i32>} : memref<80x64xi32, #tpu.memory_space<vmem>>, vector<16xi32>,
        %get3A_437 = arith.index_cast %add3A_391 : i32 to index
        %get3A_438 = arith.constant 32 : index
        %get3A_439 = tpu.vector_load %arg14[%get3A_437, %get3A_438] {strides = array<i32>} : memref<80x64xi32, #tpu.memory_space<vmem>>, vector<16xi32>,
        %shift_left3A_440 = arith.constant 16 : i32
        %shift_left3A_441 = vector.broadcast %shift_left3A_440 : i32 to vector<16xi32>
        %shift_left3A_442 = arith.shli %get3A_436, %shift_left3A_441 : vector<16xi32>
        %bitcast3A_443 = vector.bitcast %shift_left3A_442 : vector<16xi32> to vector<16xf32>
        %shift_left3A_444 = arith.constant 16 : i32
        %shift_left3A_445 = vector.broadcast %shift_left3A_444 : i32 to vector<16xi32>
        %shift_left3A_446 = arith.shli %get3A_439, %shift_left3A_445 : vector<16xi32>
        %bitcast3A_447 = vector.bitcast %shift_left3A_446 : vector<16xi32> to vector<16xf32>
        %and3A_448 = arith.andi %get3A_436, %broadcast_in_dim3A_22 : vector<16xi32>
        %bitcast3A_449 = vector.bitcast %and3A_448 : vector<16xi32> to vector<16xf32>
        %and3A_450 = arith.andi %get3A_439, %broadcast_in_dim3A_22 : vector<16xi32>
        %bitcast3A_451 = vector.bitcast %and3A_450 : vector<16xi32> to vector<16xf32>
        %mul3A_452 = arith.mulf %bitcast3A_443, %bitcast3A_447 : vector<16xf32>
        %mul3A_453 = arith.mulf %bitcast3A_449, %bitcast3A_451 : vector<16xf32>
        %add3A_454 = arith.addf %mul3A_452, %mul3A_453 : vector<16xf32>
        %get3A_455 = arith.index_cast %add3A_391 : i32 to index
        %get3A_456 = arith.constant 48 : index
        %get3A_457 = tpu.vector_load %arg13[%get3A_455, %get3A_456] {strides = array<i32>} : memref<80x64xi32, #tpu.memory_space<vmem>>, vector<16xi32>,
        %get3A_458 = arith.index_cast %add3A_391 : i32 to index
        %get3A_459 = arith.constant 48 : index
        %get3A_460 = tpu.vector_load %arg14[%get3A_458, %get3A_459] {strides = array<i32>} : memref<80x64xi32, #tpu.memory_space<vmem>>, vector<16xi32>,
        %shift_left3A_461 = arith.constant 16 : i32
        %shift_left3A_462 = vector.broadcast %shift_left3A_461 : i32 to vector<16xi32>
        %shift_left3A_463 = arith.shli %get3A_457, %shift_left3A_462 : vector<16xi32>
        %bitcast3A_464 = vector.bitcast %shift_left3A_463 : vector<16xi32> to vector<16xf32>
        %shift_left3A_465 = arith.constant 16 : i32
        %shift_left3A_466 = vector.broadcast %shift_left3A_465 : i32 to vector<16xi32>
        %shift_left3A_467 = arith.shli %get3A_460, %shift_left3A_466 : vector<16xi32>
        %bitcast3A_468 = vector.bitcast %shift_left3A_467 : vector<16xi32> to vector<16xf32>
        %and3A_469 = arith.andi %get3A_457, %broadcast_in_dim3A_22 : vector<16xi32>
        %bitcast3A_470 = vector.bitcast %and3A_469 : vector<16xi32> to vector<16xf32>
        %and3A_471 = arith.andi %get3A_460, %broadcast_in_dim3A_22 : vector<16xi32>
        %bitcast3A_472 = vector.bitcast %and3A_471 : vector<16xi32> to vector<16xf32>
        %mul3A_473 = arith.mulf %bitcast3A_464, %bitcast3A_468 : vector<16xf32>
        %mul3A_474 = arith.mulf %bitcast3A_470, %bitcast3A_472 : vector<16xf32>
        %add3A_475 = arith.addf %mul3A_473, %mul3A_474 : vector<16xf32>
        %add3A_476 = arith.addf %add3A_412, %add3A_433 : vector<16xf32>
        %add3A_477 = arith.addf %add3A_454, %add3A_475 : vector<16xf32>
        %add3A_478 = arith.addf %add3A_476, %add3A_477 : vector<16xf32>
        %swap3A_479 = arith.constant 48 : index
        %swap3A_480 = tpu.vector_load %arg16[%swap3A_479] {strides = array<i32>} : memref<256xf32, #tpu.memory_space<vmem>>, vector<16xf32>,
        tpu.vector_store %arg16[%swap3A_479], %add3A_478 {strides = array<i32>} : memref<256xf32, #tpu.memory_space<vmem>>, vector<16xf32>,
        %add3A_481 = arith.constant 4 : i32
        %add3A_482 = arith.addi %mul3A_121, %add3A_481 : i32
        %get3A_483 = arith.index_cast %add3A_482 : i32 to index
        %get3A_484 = arith.constant 0 : index
        %get3A_485 = tpu.vector_load %arg13[%get3A_483, %get3A_484] {strides = array<i32>} : memref<80x64xi32, #tpu.memory_space<vmem>>, vector<16xi32>,
        %get3A_486 = arith.index_cast %add3A_482 : i32 to index
        %get3A_487 = arith.constant 0 : index
        %get3A_488 = tpu.vector_load %arg14[%get3A_486, %get3A_487] {strides = array<i32>} : memref<80x64xi32, #tpu.memory_space<vmem>>, vector<16xi32>,
        %shift_left3A_489 = arith.constant 16 : i32
        %shift_left3A_490 = vector.broadcast %shift_left3A_489 : i32 to vector<16xi32>
        %shift_left3A_491 = arith.shli %get3A_485, %shift_left3A_490 : vector<16xi32>
        %bitcast3A_492 = vector.bitcast %shift_left3A_491 : vector<16xi32> to vector<16xf32>
        %shift_left3A_493 = arith.constant 16 : i32
        %shift_left3A_494 = vector.broadcast %shift_left3A_493 : i32 to vector<16xi32>
        %shift_left3A_495 = arith.shli %get3A_488, %shift_left3A_494 : vector<16xi32>
        %bitcast3A_496 = vector.bitcast %shift_left3A_495 : vector<16xi32> to vector<16xf32>
        %and3A_497 = arith.andi %get3A_485, %broadcast_in_dim3A_22 : vector<16xi32>
        %bitcast3A_498 = vector.bitcast %and3A_497 : vector<16xi32> to vector<16xf32>
        %and3A_499 = arith.andi %get3A_488, %broadcast_in_dim3A_22 : vector<16xi32>
        %bitcast3A_500 = vector.bitcast %and3A_499 : vector<16xi32> to vector<16xf32>
        %mul3A_501 = arith.mulf %bitcast3A_492, %bitcast3A_496 : vector<16xf32>
        %mul3A_502 = arith.mulf %bitcast3A_498, %bitcast3A_500 : vector<16xf32>
        %add3A_503 = arith.addf %mul3A_501, %mul3A_502 : vector<16xf32>
        %get3A_504 = arith.index_cast %add3A_482 : i32 to index
        %get3A_505 = arith.constant 16 : index
        %get3A_506 = tpu.vector_load %arg13[%get3A_504, %get3A_505] {strides = array<i32>} : memref<80x64xi32, #tpu.memory_space<vmem>>, vector<16xi32>,
        %get3A_507 = arith.index_cast %add3A_482 : i32 to index
        %get3A_508 = arith.constant 16 : index
        %get3A_509 = tpu.vector_load %arg14[%get3A_507, %get3A_508] {strides = array<i32>} : memref<80x64xi32, #tpu.memory_space<vmem>>, vector<16xi32>,
        %shift_left3A_510 = arith.constant 16 : i32
        %shift_left3A_511 = vector.broadcast %shift_left3A_510 : i32 to vector<16xi32>
        %shift_left3A_512 = arith.shli %get3A_506, %shift_left3A_511 : vector<16xi32>
        %bitcast3A_513 = vector.bitcast %shift_left3A_512 : vector<16xi32> to vector<16xf32>
        %shift_left3A_514 = arith.constant 16 : i32
        %shift_left3A_515 = vector.broadcast %shift_left3A_514 : i32 to vector<16xi32>
        %shift_left3A_516 = arith.shli %get3A_509, %shift_left3A_515 : vector<16xi32>
        %bitcast3A_517 = vector.bitcast %shift_left3A_516 : vector<16xi32> to vector<16xf32>
        %and3A_518 = arith.andi %get3A_506, %broadcast_in_dim3A_22 : vector<16xi32>
        %bitcast3A_519 = vector.bitcast %and3A_518 : vector<16xi32> to vector<16xf32>
        %and3A_520 = arith.andi %get3A_509, %broadcast_in_dim3A_22 : vector<16xi32>
        %bitcast3A_521 = vector.bitcast %and3A_520 : vector<16xi32> to vector<16xf32>
        %mul3A_522 = arith.mulf %bitcast3A_513, %bitcast3A_517 : vector<16xf32>
        %mul3A_523 = arith.mulf %bitcast3A_519, %bitcast3A_521 : vector<16xf32>
        %add3A_524 = arith.addf %mul3A_522, %mul3A_523 : vector<16xf32>
        %get3A_525 = arith.index_cast %add3A_482 : i32 to index
        %get3A_526 = arith.constant 32 : index
        %get3A_527 = tpu.vector_load %arg13[%get3A_525, %get3A_526] {strides = array<i32>} : memref<80x64xi32, #tpu.memory_space<vmem>>, vector<16xi32>,
        %get3A_528 = arith.index_cast %add3A_482 : i32 to index
        %get3A_529 = arith.constant 32 : index
        %get3A_530 = tpu.vector_load %arg14[%get3A_528, %get3A_529] {strides = array<i32>} : memref<80x64xi32, #tpu.memory_space<vmem>>, vector<16xi32>,
        %shift_left3A_531 = arith.constant 16 : i32
        %shift_left3A_532 = vector.broadcast %shift_left3A_531 : i32 to vector<16xi32>
        %shift_left3A_533 = arith.shli %get3A_527, %shift_left3A_532 : vector<16xi32>
        %bitcast3A_534 = vector.bitcast %shift_left3A_533 : vector<16xi32> to vector<16xf32>
        %shift_left3A_535 = arith.constant 16 : i32
        %shift_left3A_536 = vector.broadcast %shift_left3A_535 : i32 to vector<16xi32>
        %shift_left3A_537 = arith.shli %get3A_530, %shift_left3A_536 : vector<16xi32>
        %bitcast3A_538 = vector.bitcast %shift_left3A_537 : vector<16xi32> to vector<16xf32>
        %and3A_539 = arith.andi %get3A_527, %broadcast_in_dim3A_22 : vector<16xi32>
        %bitcast3A_540 = vector.bitcast %and3A_539 : vector<16xi32> to vector<16xf32>
        %and3A_541 = arith.andi %get3A_530, %broadcast_in_dim3A_22 : vector<16xi32>
        %bitcast3A_542 = vector.bitcast %and3A_541 : vector<16xi32> to vector<16xf32>
        %mul3A_543 = arith.mulf %bitcast3A_534, %bitcast3A_538 : vector<16xf32>
        %mul3A_544 = arith.mulf %bitcast3A_540, %bitcast3A_542 : vector<16xf32>
        %add3A_545 = arith.addf %mul3A_543, %mul3A_544 : vector<16xf32>
        %get3A_546 = arith.index_cast %add3A_482 : i32 to index
        %get3A_547 = arith.constant 48 : index
        %get3A_548 = tpu.vector_load %arg13[%get3A_546, %get3A_547] {strides = array<i32>} : memref<80x64xi32, #tpu.memory_space<vmem>>, vector<16xi32>,
        %get3A_549 = arith.index_cast %add3A_482 : i32 to index
        %get3A_550 = arith.constant 48 : index
        %get3A_551 = tpu.vector_load %arg14[%get3A_549, %get3A_550] {strides = array<i32>} : memref<80x64xi32, #tpu.memory_space<vmem>>, vector<16xi32>,
        %shift_left3A_552 = arith.constant 16 : i32
        %shift_left3A_553 = vector.broadcast %shift_left3A_552 : i32 to vector<16xi32>
        %shift_left3A_554 = arith.shli %get3A_548, %shift_left3A_553 : vector<16xi32>
        %bitcast3A_555 = vector.bitcast %shift_left3A_554 : vector<16xi32> to vector<16xf32>
        %shift_left3A_556 = arith.constant 16 : i32
        %shift_left3A_557 = vector.broadcast %shift_left3A_556 : i32 to vector<16xi32>
        %shift_left3A_558 = arith.shli %get3A_551, %shift_left3A_557 : vector<16xi32>
        %bitcast3A_559 = vector.bitcast %shift_left3A_558 : vector<16xi32> to vector<16xf32>
        %and3A_560 = arith.andi %get3A_548, %broadcast_in_dim3A_22 : vector<16xi32>
        %bitcast3A_561 = vector.bitcast %and3A_560 : vector<16xi32> to vector<16xf32>
        %and3A_562 = arith.andi %get3A_551, %broadcast_in_dim3A_22 : vector<16xi32>
        %bitcast3A_563 = vector.bitcast %and3A_562 : vector<16xi32> to vector<16xf32>
        %mul3A_564 = arith.mulf %bitcast3A_555, %bitcast3A_559 : vector<16xf32>
        %mul3A_565 = arith.mulf %bitcast3A_561, %bitcast3A_563 : vector<16xf32>
        %add3A_566 = arith.addf %mul3A_564, %mul3A_565 : vector<16xf32>
        %add3A_567 = arith.addf %add3A_503, %add3A_524 : vector<16xf32>
        %add3A_568 = arith.addf %add3A_545, %add3A_566 : vector<16xf32>
        %add3A_569 = arith.addf %add3A_567, %add3A_568 : vector<16xf32>
        %swap3A_570 = arith.constant 64 : index
        %swap3A_571 = tpu.vector_load %arg16[%swap3A_570] {strides = array<i32>} : memref<256xf32, #tpu.memory_space<vmem>>, vector<16xf32>,
        tpu.vector_store %arg16[%swap3A_570], %add3A_569 {strides = array<i32>} : memref<256xf32, #tpu.memory_space<vmem>>, vector<16xf32>,
        %add3A_572 = arith.constant 5 : i32
        %add3A_573 = arith.addi %mul3A_121, %add3A_572 : i32
        %get3A_574 = arith.index_cast %add3A_573 : i32 to index
        %get3A_575 = arith.constant 0 : index
        %get3A_576 = tpu.vector_load %arg13[%get3A_574, %get3A_575] {strides = array<i32>} : memref<80x64xi32, #tpu.memory_space<vmem>>, vector<16xi32>,
        %get3A_577 = arith.index_cast %add3A_573 : i32 to index
        %get3A_578 = arith.constant 0 : index
        %get3A_579 = tpu.vector_load %arg14[%get3A_577, %get3A_578] {strides = array<i32>} : memref<80x64xi32, #tpu.memory_space<vmem>>, vector<16xi32>,
        %shift_left3A_580 = arith.constant 16 : i32
        %shift_left3A_581 = vector.broadcast %shift_left3A_580 : i32 to vector<16xi32>
        %shift_left3A_582 = arith.shli %get3A_576, %shift_left3A_581 : vector<16xi32>
        %bitcast3A_583 = vector.bitcast %shift_left3A_582 : vector<16xi32> to vector<16xf32>
        %shift_left3A_584 = arith.constant 16 : i32
        %shift_left3A_585 = vector.broadcast %shift_left3A_584 : i32 to vector<16xi32>
        %shift_left3A_586 = arith.shli %get3A_579, %shift_left3A_585 : vector<16xi32>
        %bitcast3A_587 = vector.bitcast %shift_left3A_586 : vector<16xi32> to vector<16xf32>
        %and3A_588 = arith.andi %get3A_576, %broadcast_in_dim3A_22 : vector<16xi32>
        %bitcast3A_589 = vector.bitcast %and3A_588 : vector<16xi32> to vector<16xf32>
        %and3A_590 = arith.andi %get3A_579, %broadcast_in_dim3A_22 : vector<16xi32>
        %bitcast3A_591 = vector.bitcast %and3A_590 : vector<16xi32> to vector<16xf32>
        %mul3A_592 = arith.mulf %bitcast3A_583, %bitcast3A_587 : vector<16xf32>
        %mul3A_593 = arith.mulf %bitcast3A_589, %bitcast3A_591 : vector<16xf32>
        %add3A_594 = arith.addf %mul3A_592, %mul3A_593 : vector<16xf32>
        %get3A_595 = arith.index_cast %add3A_573 : i32 to index
        %get3A_596 = arith.constant 16 : index
        %get3A_597 = tpu.vector_load %arg13[%get3A_595, %get3A_596] {strides = array<i32>} : memref<80x64xi32, #tpu.memory_space<vmem>>, vector<16xi32>,
        %get3A_598 = arith.index_cast %add3A_573 : i32 to index
        %get3A_599 = arith.constant 16 : index
        %get3A_600 = tpu.vector_load %arg14[%get3A_598, %get3A_599] {strides = array<i32>} : memref<80x64xi32, #tpu.memory_space<vmem>>, vector<16xi32>,
        %shift_left3A_601 = arith.constant 16 : i32
        %shift_left3A_602 = vector.broadcast %shift_left3A_601 : i32 to vector<16xi32>
        %shift_left3A_603 = arith.shli %get3A_597, %shift_left3A_602 : vector<16xi32>
        %bitcast3A_604 = vector.bitcast %shift_left3A_603 : vector<16xi32> to vector<16xf32>
        %shift_left3A_605 = arith.constant 16 : i32
        %shift_left3A_606 = vector.broadcast %shift_left3A_605 : i32 to vector<16xi32>
        %shift_left3A_607 = arith.shli %get3A_600, %shift_left3A_606 : vector<16xi32>
        %bitcast3A_608 = vector.bitcast %shift_left3A_607 : vector<16xi32> to vector<16xf32>
        %and3A_609 = arith.andi %get3A_597, %broadcast_in_dim3A_22 : vector<16xi32>
        %bitcast3A_610 = vector.bitcast %and3A_609 : vector<16xi32> to vector<16xf32>
        %and3A_611 = arith.andi %get3A_600, %broadcast_in_dim3A_22 : vector<16xi32>
        %bitcast3A_612 = vector.bitcast %and3A_611 : vector<16xi32> to vector<16xf32>
        %mul3A_613 = arith.mulf %bitcast3A_604, %bitcast3A_608 : vector<16xf32>
        %mul3A_614 = arith.mulf %bitcast3A_610, %bitcast3A_612 : vector<16xf32>
        %add3A_615 = arith.addf %mul3A_613, %mul3A_614 : vector<16xf32>
        %get3A_616 = arith.index_cast %add3A_573 : i32 to index
        %get3A_617 = arith.constant 32 : index
        %get3A_618 = tpu.vector_load %arg13[%get3A_616, %get3A_617] {strides = array<i32>} : memref<80x64xi32, #tpu.memory_space<vmem>>, vector<16xi32>,
        %get3A_619 = arith.index_cast %add3A_573 : i32 to index
        %get3A_620 = arith.constant 32 : index
        %get3A_621 = tpu.vector_load %arg14[%get3A_619, %get3A_620] {strides = array<i32>} : memref<80x64xi32, #tpu.memory_space<vmem>>, vector<16xi32>,
        %shift_left3A_622 = arith.constant 16 : i32
        %shift_left3A_623 = vector.broadcast %shift_left3A_622 : i32 to vector<16xi32>
        %shift_left3A_624 = arith.shli %get3A_618, %shift_left3A_623 : vector<16xi32>
        %bitcast3A_625 = vector.bitcast %shift_left3A_624 : vector<16xi32> to vector<16xf32>
        %shift_left3A_626 = arith.constant 16 : i32
        %shift_left3A_627 = vector.broadcast %shift_left3A_626 : i32 to vector<16xi32>
        %shift_left3A_628 = arith.shli %get3A_621, %shift_left3A_627 : vector<16xi32>
        %bitcast3A_629 = vector.bitcast %shift_left3A_628 : vector<16xi32> to vector<16xf32>
        %and3A_630 = arith.andi %get3A_618, %broadcast_in_dim3A_22 : vector<16xi32>
        %bitcast3A_631 = vector.bitcast %and3A_630 : vector<16xi32> to vector<16xf32>
        %and3A_632 = arith.andi %get3A_621, %broadcast_in_dim3A_22 : vector<16xi32>
        %bitcast3A_633 = vector.bitcast %and3A_632 : vector<16xi32> to vector<16xf32>
        %mul3A_634 = arith.mulf %bitcast3A_625, %bitcast3A_629 : vector<16xf32>
        %mul3A_635 = arith.mulf %bitcast3A_631, %bitcast3A_633 : vector<16xf32>
        %add3A_636 = arith.addf %mul3A_634, %mul3A_635 : vector<16xf32>
        %get3A_637 = arith.index_cast %add3A_573 : i32 to index
        %get3A_638 = arith.constant 48 : index
        %get3A_639 = tpu.vector_load %arg13[%get3A_637, %get3A_638] {strides = array<i32>} : memref<80x64xi32, #tpu.memory_space<vmem>>, vector<16xi32>,
        %get3A_640 = arith.index_cast %add3A_573 : i32 to index
        %get3A_641 = arith.constant 48 : index
        %get3A_642 = tpu.vector_load %arg14[%get3A_640, %get3A_641] {strides = array<i32>} : memref<80x64xi32, #tpu.memory_space<vmem>>, vector<16xi32>,
        %shift_left3A_643 = arith.constant 16 : i32
        %shift_left3A_644 = vector.broadcast %shift_left3A_643 : i32 to vector<16xi32>
        %shift_left3A_645 = arith.shli %get3A_639, %shift_left3A_644 : vector<16xi32>
        %bitcast3A_646 = vector.bitcast %shift_left3A_645 : vector<16xi32> to vector<16xf32>
        %shift_left3A_647 = arith.constant 16 : i32
        %shift_left3A_648 = vector.broadcast %shift_left3A_647 : i32 to vector<16xi32>
        %shift_left3A_649 = arith.shli %get3A_642, %shift_left3A_648 : vector<16xi32>
        %bitcast3A_650 = vector.bitcast %shift_left3A_649 : vector<16xi32> to vector<16xf32>
        %and3A_651 = arith.andi %get3A_639, %broadcast_in_dim3A_22 : vector<16xi32>
        %bitcast3A_652 = vector.bitcast %and3A_651 : vector<16xi32> to vector<16xf32>
        %and3A_653 = arith.andi %get3A_642, %broadcast_in_dim3A_22 : vector<16xi32>
        %bitcast3A_654 = vector.bitcast %and3A_653 : vector<16xi32> to vector<16xf32>
        %mul3A_655 = arith.mulf %bitcast3A_646, %bitcast3A_650 : vector<16xf32>
        %mul3A_656 = arith.mulf %bitcast3A_652, %bitcast3A_654 : vector<16xf32>
        %add3A_657 = arith.addf %mul3A_655, %mul3A_656 : vector<16xf32>
        %add3A_658 = arith.addf %add3A_594, %add3A_615 : vector<16xf32>
        %add3A_659 = arith.addf %add3A_636, %add3A_657 : vector<16xf32>
        %add3A_660 = arith.addf %add3A_658, %add3A_659 : vector<16xf32>
        %swap3A_661 = arith.constant 80 : index
        %swap3A_662 = tpu.vector_load %arg16[%swap3A_661] {strides = array<i32>} : memref<256xf32, #tpu.memory_space<vmem>>, vector<16xf32>,
        tpu.vector_store %arg16[%swap3A_661], %add3A_660 {strides = array<i32>} : memref<256xf32, #tpu.memory_space<vmem>>, vector<16xf32>,
        %add3A_663 = arith.constant 6 : i32
        %add3A_664 = arith.addi %mul3A_121, %add3A_663 : i32
        %get3A_665 = arith.index_cast %add3A_664 : i32 to index
        %get3A_666 = arith.constant 0 : index
        %get3A_667 = tpu.vector_load %arg13[%get3A_665, %get3A_666] {strides = array<i32>} : memref<80x64xi32, #tpu.memory_space<vmem>>, vector<16xi32>,
        %get3A_668 = arith.index_cast %add3A_664 : i32 to index
        %get3A_669 = arith.constant 0 : index
        %get3A_670 = tpu.vector_load %arg14[%get3A_668, %get3A_669] {strides = array<i32>} : memref<80x64xi32, #tpu.memory_space<vmem>>, vector<16xi32>,
        %shift_left3A_671 = arith.constant 16 : i32
        %shift_left3A_672 = vector.broadcast %shift_left3A_671 : i32 to vector<16xi32>
        %shift_left3A_673 = arith.shli %get3A_667, %shift_left3A_672 : vector<16xi32>
        %bitcast3A_674 = vector.bitcast %shift_left3A_673 : vector<16xi32> to vector<16xf32>
        %shift_left3A_675 = arith.constant 16 : i32
        %shift_left3A_676 = vector.broadcast %shift_left3A_675 : i32 to vector<16xi32>
        %shift_left3A_677 = arith.shli %get3A_670, %shift_left3A_676 : vector<16xi32>
        %bitcast3A_678 = vector.bitcast %shift_left3A_677 : vector<16xi32> to vector<16xf32>
        %and3A_679 = arith.andi %get3A_667, %broadcast_in_dim3A_22 : vector<16xi32>
        %bitcast3A_680 = vector.bitcast %and3A_679 : vector<16xi32> to vector<16xf32>
        %and3A_681 = arith.andi %get3A_670, %broadcast_in_dim3A_22 : vector<16xi32>
        %bitcast3A_682 = vector.bitcast %and3A_681 : vector<16xi32> to vector<16xf32>
        %mul3A_683 = arith.mulf %bitcast3A_674, %bitcast3A_678 : vector<16xf32>
        %mul3A_684 = arith.mulf %bitcast3A_680, %bitcast3A_682 : vector<16xf32>
        %add3A_685 = arith.addf %mul3A_683, %mul3A_684 : vector<16xf32>
        %get3A_686 = arith.index_cast %add3A_664 : i32 to index
        %get3A_687 = arith.constant 16 : index
        %get3A_688 = tpu.vector_load %arg13[%get3A_686, %get3A_687] {strides = array<i32>} : memref<80x64xi32, #tpu.memory_space<vmem>>, vector<16xi32>,
        %get3A_689 = arith.index_cast %add3A_664 : i32 to index
        %get3A_690 = arith.constant 16 : index
        %get3A_691 = tpu.vector_load %arg14[%get3A_689, %get3A_690] {strides = array<i32>} : memref<80x64xi32, #tpu.memory_space<vmem>>, vector<16xi32>,
        %shift_left3A_692 = arith.constant 16 : i32
        %shift_left3A_693 = vector.broadcast %shift_left3A_692 : i32 to vector<16xi32>
        %shift_left3A_694 = arith.shli %get3A_688, %shift_left3A_693 : vector<16xi32>
        %bitcast3A_695 = vector.bitcast %shift_left3A_694 : vector<16xi32> to vector<16xf32>
        %shift_left3A_696 = arith.constant 16 : i32
        %shift_left3A_697 = vector.broadcast %shift_left3A_696 : i32 to vector<16xi32>
        %shift_left3A_698 = arith.shli %get3A_691, %shift_left3A_697 : vector<16xi32>
        %bitcast3A_699 = vector.bitcast %shift_left3A_698 : vector<16xi32> to vector<16xf32>
        %and3A_700 = arith.andi %get3A_688, %broadcast_in_dim3A_22 : vector<16xi32>
        %bitcast3A_701 = vector.bitcast %and3A_700 : vector<16xi32> to vector<16xf32>
        %and3A_702 = arith.andi %get3A_691, %broadcast_in_dim3A_22 : vector<16xi32>
        %bitcast3A_703 = vector.bitcast %and3A_702 : vector<16xi32> to vector<16xf32>
        %mul3A_704 = arith.mulf %bitcast3A_695, %bitcast3A_699 : vector<16xf32>
        %mul3A_705 = arith.mulf %bitcast3A_701, %bitcast3A_703 : vector<16xf32>
        %add3A_706 = arith.addf %mul3A_704, %mul3A_705 : vector<16xf32>
        %get3A_707 = arith.index_cast %add3A_664 : i32 to index
        %get3A_708 = arith.constant 32 : index
        %get3A_709 = tpu.vector_load %arg13[%get3A_707, %get3A_708] {strides = array<i32>} : memref<80x64xi32, #tpu.memory_space<vmem>>, vector<16xi32>,
        %get3A_710 = arith.index_cast %add3A_664 : i32 to index
        %get3A_711 = arith.constant 32 : index
        %get3A_712 = tpu.vector_load %arg14[%get3A_710, %get3A_711] {strides = array<i32>} : memref<80x64xi32, #tpu.memory_space<vmem>>, vector<16xi32>,
        %shift_left3A_713 = arith.constant 16 : i32
        %shift_left3A_714 = vector.broadcast %shift_left3A_713 : i32 to vector<16xi32>
        %shift_left3A_715 = arith.shli %get3A_709, %shift_left3A_714 : vector<16xi32>
        %bitcast3A_716 = vector.bitcast %shift_left3A_715 : vector<16xi32> to vector<16xf32>
        %shift_left3A_717 = arith.constant 16 : i32
        %shift_left3A_718 = vector.broadcast %shift_left3A_717 : i32 to vector<16xi32>
        %shift_left3A_719 = arith.shli %get3A_712, %shift_left3A_718 : vector<16xi32>
        %bitcast3A_720 = vector.bitcast %shift_left3A_719 : vector<16xi32> to vector<16xf32>
        %and3A_721 = arith.andi %get3A_709, %broadcast_in_dim3A_22 : vector<16xi32>
        %bitcast3A_722 = vector.bitcast %and3A_721 : vector<16xi32> to vector<16xf32>
        %and3A_723 = arith.andi %get3A_712, %broadcast_in_dim3A_22 : vector<16xi32>
        %bitcast3A_724 = vector.bitcast %and3A_723 : vector<16xi32> to vector<16xf32>
        %mul3A_725 = arith.mulf %bitcast3A_716, %bitcast3A_720 : vector<16xf32>
        %mul3A_726 = arith.mulf %bitcast3A_722, %bitcast3A_724 : vector<16xf32>
        %add3A_727 = arith.addf %mul3A_725, %mul3A_726 : vector<16xf32>
        %get3A_728 = arith.index_cast %add3A_664 : i32 to index
        %get3A_729 = arith.constant 48 : index
        %get3A_730 = tpu.vector_load %arg13[%get3A_728, %get3A_729] {strides = array<i32>} : memref<80x64xi32, #tpu.memory_space<vmem>>, vector<16xi32>,
        %get3A_731 = arith.index_cast %add3A_664 : i32 to index
        %get3A_732 = arith.constant 48 : index
        %get3A_733 = tpu.vector_load %arg14[%get3A_731, %get3A_732] {strides = array<i32>} : memref<80x64xi32, #tpu.memory_space<vmem>>, vector<16xi32>,
        %shift_left3A_734 = arith.constant 16 : i32
        %shift_left3A_735 = vector.broadcast %shift_left3A_734 : i32 to vector<16xi32>
        %shift_left3A_736 = arith.shli %get3A_730, %shift_left3A_735 : vector<16xi32>
        %bitcast3A_737 = vector.bitcast %shift_left3A_736 : vector<16xi32> to vector<16xf32>
        %shift_left3A_738 = arith.constant 16 : i32
        %shift_left3A_739 = vector.broadcast %shift_left3A_738 : i32 to vector<16xi32>
        %shift_left3A_740 = arith.shli %get3A_733, %shift_left3A_739 : vector<16xi32>
        %bitcast3A_741 = vector.bitcast %shift_left3A_740 : vector<16xi32> to vector<16xf32>
        %and3A_742 = arith.andi %get3A_730, %broadcast_in_dim3A_22 : vector<16xi32>
        %bitcast3A_743 = vector.bitcast %and3A_742 : vector<16xi32> to vector<16xf32>
        %and3A_744 = arith.andi %get3A_733, %broadcast_in_dim3A_22 : vector<16xi32>
        %bitcast3A_745 = vector.bitcast %and3A_744 : vector<16xi32> to vector<16xf32>
        %mul3A_746 = arith.mulf %bitcast3A_737, %bitcast3A_741 : vector<16xf32>
        %mul3A_747 = arith.mulf %bitcast3A_743, %bitcast3A_745 : vector<16xf32>
        %add3A_748 = arith.addf %mul3A_746, %mul3A_747 : vector<16xf32>
        %add3A_749 = arith.addf %add3A_685, %add3A_706 : vector<16xf32>
        %add3A_750 = arith.addf %add3A_727, %add3A_748 : vector<16xf32>
        %add3A_751 = arith.addf %add3A_749, %add3A_750 : vector<16xf32>
        %swap3A_752 = arith.constant 96 : index
        %swap3A_753 = tpu.vector_load %arg16[%swap3A_752] {strides = array<i32>} : memref<256xf32, #tpu.memory_space<vmem>>, vector<16xf32>,
        tpu.vector_store %arg16[%swap3A_752], %add3A_751 {strides = array<i32>} : memref<256xf32, #tpu.memory_space<vmem>>, vector<16xf32>,
        %add3A_754 = arith.constant 7 : i32
        %add3A_755 = arith.addi %mul3A_121, %add3A_754 : i32
        %get3A_756 = arith.index_cast %add3A_755 : i32 to index
        %get3A_757 = arith.constant 0 : index
        %get3A_758 = tpu.vector_load %arg13[%get3A_756, %get3A_757] {strides = array<i32>} : memref<80x64xi32, #tpu.memory_space<vmem>>, vector<16xi32>,
        %get3A_759 = arith.index_cast %add3A_755 : i32 to index
        %get3A_760 = arith.constant 0 : index
        %get3A_761 = tpu.vector_load %arg14[%get3A_759, %get3A_760] {strides = array<i32>} : memref<80x64xi32, #tpu.memory_space<vmem>>, vector<16xi32>,
        %shift_left3A_762 = arith.constant 16 : i32
        %shift_left3A_763 = vector.broadcast %shift_left3A_762 : i32 to vector<16xi32>
        %shift_left3A_764 = arith.shli %get3A_758, %shift_left3A_763 : vector<16xi32>
        %bitcast3A_765 = vector.bitcast %shift_left3A_764 : vector<16xi32> to vector<16xf32>
        %shift_left3A_766 = arith.constant 16 : i32
        %shift_left3A_767 = vector.broadcast %shift_left3A_766 : i32 to vector<16xi32>
        %shift_left3A_768 = arith.shli %get3A_761, %shift_left3A_767 : vector<16xi32>
        %bitcast3A_769 = vector.bitcast %shift_left3A_768 : vector<16xi32> to vector<16xf32>
        %and3A_770 = arith.andi %get3A_758, %broadcast_in_dim3A_22 : vector<16xi32>
        %bitcast3A_771 = vector.bitcast %and3A_770 : vector<16xi32> to vector<16xf32>
        %and3A_772 = arith.andi %get3A_761, %broadcast_in_dim3A_22 : vector<16xi32>
        %bitcast3A_773 = vector.bitcast %and3A_772 : vector<16xi32> to vector<16xf32>
        %mul3A_774 = arith.mulf %bitcast3A_765, %bitcast3A_769 : vector<16xf32>
        %mul3A_775 = arith.mulf %bitcast3A_771, %bitcast3A_773 : vector<16xf32>
        %add3A_776 = arith.addf %mul3A_774, %mul3A_775 : vector<16xf32>
        %get3A_777 = arith.index_cast %add3A_755 : i32 to index
        %get3A_778 = arith.constant 16 : index
        %get3A_779 = tpu.vector_load %arg13[%get3A_777, %get3A_778] {strides = array<i32>} : memref<80x64xi32, #tpu.memory_space<vmem>>, vector<16xi32>,
        %get3A_780 = arith.index_cast %add3A_755 : i32 to index
        %get3A_781 = arith.constant 16 : index
        %get3A_782 = tpu.vector_load %arg14[%get3A_780, %get3A_781] {strides = array<i32>} : memref<80x64xi32, #tpu.memory_space<vmem>>, vector<16xi32>,
        %shift_left3A_783 = arith.constant 16 : i32
        %shift_left3A_784 = vector.broadcast %shift_left3A_783 : i32 to vector<16xi32>
        %shift_left3A_785 = arith.shli %get3A_779, %shift_left3A_784 : vector<16xi32>
        %bitcast3A_786 = vector.bitcast %shift_left3A_785 : vector<16xi32> to vector<16xf32>
        %shift_left3A_787 = arith.constant 16 : i32
        %shift_left3A_788 = vector.broadcast %shift_left3A_787 : i32 to vector<16xi32>
        %shift_left3A_789 = arith.shli %get3A_782, %shift_left3A_788 : vector<16xi32>
        %bitcast3A_790 = vector.bitcast %shift_left3A_789 : vector<16xi32> to vector<16xf32>
        %and3A_791 = arith.andi %get3A_779, %broadcast_in_dim3A_22 : vector<16xi32>
        %bitcast3A_792 = vector.bitcast %and3A_791 : vector<16xi32> to vector<16xf32>
        %and3A_793 = arith.andi %get3A_782, %broadcast_in_dim3A_22 : vector<16xi32>
        %bitcast3A_794 = vector.bitcast %and3A_793 : vector<16xi32> to vector<16xf32>
        %mul3A_795 = arith.mulf %bitcast3A_786, %bitcast3A_790 : vector<16xf32>
        %mul3A_796 = arith.mulf %bitcast3A_792, %bitcast3A_794 : vector<16xf32>
        %add3A_797 = arith.addf %mul3A_795, %mul3A_796 : vector<16xf32>
        %get3A_798 = arith.index_cast %add3A_755 : i32 to index
        %get3A_799 = arith.constant 32 : index
        %get3A_800 = tpu.vector_load %arg13[%get3A_798, %get3A_799] {strides = array<i32>} : memref<80x64xi32, #tpu.memory_space<vmem>>, vector<16xi32>,
        %get3A_801 = arith.index_cast %add3A_755 : i32 to index
        %get3A_802 = arith.constant 32 : index
        %get3A_803 = tpu.vector_load %arg14[%get3A_801, %get3A_802] {strides = array<i32>} : memref<80x64xi32, #tpu.memory_space<vmem>>, vector<16xi32>,
        %shift_left3A_804 = arith.constant 16 : i32
        %shift_left3A_805 = vector.broadcast %shift_left3A_804 : i32 to vector<16xi32>
        %shift_left3A_806 = arith.shli %get3A_800, %shift_left3A_805 : vector<16xi32>
        %bitcast3A_807 = vector.bitcast %shift_left3A_806 : vector<16xi32> to vector<16xf32>
        %shift_left3A_808 = arith.constant 16 : i32
        %shift_left3A_809 = vector.broadcast %shift_left3A_808 : i32 to vector<16xi32>
        %shift_left3A_810 = arith.shli %get3A_803, %shift_left3A_809 : vector<16xi32>
        %bitcast3A_811 = vector.bitcast %shift_left3A_810 : vector<16xi32> to vector<16xf32>
        %and3A_812 = arith.andi %get3A_800, %broadcast_in_dim3A_22 : vector<16xi32>
        %bitcast3A_813 = vector.bitcast %and3A_812 : vector<16xi32> to vector<16xf32>
        %and3A_814 = arith.andi %get3A_803, %broadcast_in_dim3A_22 : vector<16xi32>
        %bitcast3A_815 = vector.bitcast %and3A_814 : vector<16xi32> to vector<16xf32>
        %mul3A_816 = arith.mulf %bitcast3A_807, %bitcast3A_811 : vector<16xf32>
        %mul3A_817 = arith.mulf %bitcast3A_813, %bitcast3A_815 : vector<16xf32>
        %add3A_818 = arith.addf %mul3A_816, %mul3A_817 : vector<16xf32>
        %get3A_819 = arith.index_cast %add3A_755 : i32 to index
        %get3A_820 = arith.constant 48 : index
        %get3A_821 = tpu.vector_load %arg13[%get3A_819, %get3A_820] {strides = array<i32>} : memref<80x64xi32, #tpu.memory_space<vmem>>, vector<16xi32>,
        %get3A_822 = arith.index_cast %add3A_755 : i32 to index
        %get3A_823 = arith.constant 48 : index
        %get3A_824 = tpu.vector_load %arg14[%get3A_822, %get3A_823] {strides = array<i32>} : memref<80x64xi32, #tpu.memory_space<vmem>>, vector<16xi32>,
        %shift_left3A_825 = arith.constant 16 : i32
        %shift_left3A_826 = vector.broadcast %shift_left3A_825 : i32 to vector<16xi32>
        %shift_left3A_827 = arith.shli %get3A_821, %shift_left3A_826 : vector<16xi32>
        %bitcast3A_828 = vector.bitcast %shift_left3A_827 : vector<16xi32> to vector<16xf32>
        %shift_left3A_829 = arith.constant 16 : i32
        %shift_left3A_830 = vector.broadcast %shift_left3A_829 : i32 to vector<16xi32>
        %shift_left3A_831 = arith.shli %get3A_824, %shift_left3A_830 : vector<16xi32>
        %bitcast3A_832 = vector.bitcast %shift_left3A_831 : vector<16xi32> to vector<16xf32>
        %and3A_833 = arith.andi %get3A_821, %broadcast_in_dim3A_22 : vector<16xi32>
        %bitcast3A_834 = vector.bitcast %and3A_833 : vector<16xi32> to vector<16xf32>
        %and3A_835 = arith.andi %get3A_824, %broadcast_in_dim3A_22 : vector<16xi32>
        %bitcast3A_836 = vector.bitcast %and3A_835 : vector<16xi32> to vector<16xf32>
        %mul3A_837 = arith.mulf %bitcast3A_828, %bitcast3A_832 : vector<16xf32>
        %mul3A_838 = arith.mulf %bitcast3A_834, %bitcast3A_836 : vector<16xf32>
        %add3A_839 = arith.addf %mul3A_837, %mul3A_838 : vector<16xf32>
        %add3A_840 = arith.addf %add3A_776, %add3A_797 : vector<16xf32>
        %add3A_841 = arith.addf %add3A_818, %add3A_839 : vector<16xf32>
        %add3A_842 = arith.addf %add3A_840, %add3A_841 : vector<16xf32>
        %swap3A_843 = arith.constant 112 : index
        %swap3A_844 = tpu.vector_load %arg16[%swap3A_843] {strides = array<i32>} : memref<256xf32, #tpu.memory_space<vmem>>, vector<16xf32>,
        tpu.vector_store %arg16[%swap3A_843], %add3A_842 {strides = array<i32>} : memref<256xf32, #tpu.memory_space<vmem>>, vector<16xf32>,
        %add3A_845 = arith.constant 8 : i32
        %add3A_846 = arith.addi %mul3A_121, %add3A_845 : i32
        %get3A_847 = arith.index_cast %add3A_846 : i32 to index
        %get3A_848 = arith.constant 0 : index
        %get3A_849 = tpu.vector_load %arg13[%get3A_847, %get3A_848] {strides = array<i32>} : memref<80x64xi32, #tpu.memory_space<vmem>>, vector<16xi32>,
        %get3A_850 = arith.index_cast %add3A_846 : i32 to index
        %get3A_851 = arith.constant 0 : index
        %get3A_852 = tpu.vector_load %arg14[%get3A_850, %get3A_851] {strides = array<i32>} : memref<80x64xi32, #tpu.memory_space<vmem>>, vector<16xi32>,
        %shift_left3A_853 = arith.constant 16 : i32
        %shift_left3A_854 = vector.broadcast %shift_left3A_853 : i32 to vector<16xi32>
        %shift_left3A_855 = arith.shli %get3A_849, %shift_left3A_854 : vector<16xi32>
        %bitcast3A_856 = vector.bitcast %shift_left3A_855 : vector<16xi32> to vector<16xf32>
        %shift_left3A_857 = arith.constant 16 : i32
        %shift_left3A_858 = vector.broadcast %shift_left3A_857 : i32 to vector<16xi32>
        %shift_left3A_859 = arith.shli %get3A_852, %shift_left3A_858 : vector<16xi32>
        %bitcast3A_860 = vector.bitcast %shift_left3A_859 : vector<16xi32> to vector<16xf32>
        %and3A_861 = arith.andi %get3A_849, %broadcast_in_dim3A_22 : vector<16xi32>
        %bitcast3A_862 = vector.bitcast %and3A_861 : vector<16xi32> to vector<16xf32>
        %and3A_863 = arith.andi %get3A_852, %broadcast_in_dim3A_22 : vector<16xi32>
        %bitcast3A_864 = vector.bitcast %and3A_863 : vector<16xi32> to vector<16xf32>
        %mul3A_865 = arith.mulf %bitcast3A_856, %bitcast3A_860 : vector<16xf32>
        %mul3A_866 = arith.mulf %bitcast3A_862, %bitcast3A_864 : vector<16xf32>
        %add3A_867 = arith.addf %mul3A_865, %mul3A_866 : vector<16xf32>
        %get3A_868 = arith.index_cast %add3A_846 : i32 to index
        %get3A_869 = arith.constant 16 : index
        %get3A_870 = tpu.vector_load %arg13[%get3A_868, %get3A_869] {strides = array<i32>} : memref<80x64xi32, #tpu.memory_space<vmem>>, vector<16xi32>,
        %get3A_871 = arith.index_cast %add3A_846 : i32 to index
        %get3A_872 = arith.constant 16 : index
        %get3A_873 = tpu.vector_load %arg14[%get3A_871, %get3A_872] {strides = array<i32>} : memref<80x64xi32, #tpu.memory_space<vmem>>, vector<16xi32>,
        %shift_left3A_874 = arith.constant 16 : i32
        %shift_left3A_875 = vector.broadcast %shift_left3A_874 : i32 to vector<16xi32>
        %shift_left3A_876 = arith.shli %get3A_870, %shift_left3A_875 : vector<16xi32>
        %bitcast3A_877 = vector.bitcast %shift_left3A_876 : vector<16xi32> to vector<16xf32>
        %shift_left3A_878 = arith.constant 16 : i32
        %shift_left3A_879 = vector.broadcast %shift_left3A_878 : i32 to vector<16xi32>
        %shift_left3A_880 = arith.shli %get3A_873, %shift_left3A_879 : vector<16xi32>
        %bitcast3A_881 = vector.bitcast %shift_left3A_880 : vector<16xi32> to vector<16xf32>
        %and3A_882 = arith.andi %get3A_870, %broadcast_in_dim3A_22 : vector<16xi32>
        %bitcast3A_883 = vector.bitcast %and3A_882 : vector<16xi32> to vector<16xf32>
        %and3A_884 = arith.andi %get3A_873, %broadcast_in_dim3A_22 : vector<16xi32>
        %bitcast3A_885 = vector.bitcast %and3A_884 : vector<16xi32> to vector<16xf32>
        %mul3A_886 = arith.mulf %bitcast3A_877, %bitcast3A_881 : vector<16xf32>
        %mul3A_887 = arith.mulf %bitcast3A_883, %bitcast3A_885 : vector<16xf32>
        %add3A_888 = arith.addf %mul3A_886, %mul3A_887 : vector<16xf32>
        %get3A_889 = arith.index_cast %add3A_846 : i32 to index
        %get3A_890 = arith.constant 32 : index
        %get3A_891 = tpu.vector_load %arg13[%get3A_889, %get3A_890] {strides = array<i32>} : memref<80x64xi32, #tpu.memory_space<vmem>>, vector<16xi32>,
        %get3A_892 = arith.index_cast %add3A_846 : i32 to index
        %get3A_893 = arith.constant 32 : index
        %get3A_894 = tpu.vector_load %arg14[%get3A_892, %get3A_893] {strides = array<i32>} : memref<80x64xi32, #tpu.memory_space<vmem>>, vector<16xi32>,
        %shift_left3A_895 = arith.constant 16 : i32
        %shift_left3A_896 = vector.broadcast %shift_left3A_895 : i32 to vector<16xi32>
        %shift_left3A_897 = arith.shli %get3A_891, %shift_left3A_896 : vector<16xi32>
        %bitcast3A_898 = vector.bitcast %shift_left3A_897 : vector<16xi32> to vector<16xf32>
        %shift_left3A_899 = arith.constant 16 : i32
        %shift_left3A_900 = vector.broadcast %shift_left3A_899 : i32 to vector<16xi32>
        %shift_left3A_901 = arith.shli %get3A_894, %shift_left3A_900 : vector<16xi32>
        %bitcast3A_902 = vector.bitcast %shift_left3A_901 : vector<16xi32> to vector<16xf32>
        %and3A_903 = arith.andi %get3A_891, %broadcast_in_dim3A_22 : vector<16xi32>
        %bitcast3A_904 = vector.bitcast %and3A_903 : vector<16xi32> to vector<16xf32>
        %and3A_905 = arith.andi %get3A_894, %broadcast_in_dim3A_22 : vector<16xi32>
        %bitcast3A_906 = vector.bitcast %and3A_905 : vector<16xi32> to vector<16xf32>
        %mul3A_907 = arith.mulf %bitcast3A_898, %bitcast3A_902 : vector<16xf32>
        %mul3A_908 = arith.mulf %bitcast3A_904, %bitcast3A_906 : vector<16xf32>
        %add3A_909 = arith.addf %mul3A_907, %mul3A_908 : vector<16xf32>
        %get3A_910 = arith.index_cast %add3A_846 : i32 to index
        %get3A_911 = arith.constant 48 : index
        %get3A_912 = tpu.vector_load %arg13[%get3A_910, %get3A_911] {strides = array<i32>} : memref<80x64xi32, #tpu.memory_space<vmem>>, vector<16xi32>,
        %get3A_913 = arith.index_cast %add3A_846 : i32 to index
        %get3A_914 = arith.constant 48 : index
        %get3A_915 = tpu.vector_load %arg14[%get3A_913, %get3A_914] {strides = array<i32>} : memref<80x64xi32, #tpu.memory_space<vmem>>, vector<16xi32>,
        %shift_left3A_916 = arith.constant 16 : i32
        %shift_left3A_917 = vector.broadcast %shift_left3A_916 : i32 to vector<16xi32>
        %shift_left3A_918 = arith.shli %get3A_912, %shift_left3A_917 : vector<16xi32>
        %bitcast3A_919 = vector.bitcast %shift_left3A_918 : vector<16xi32> to vector<16xf32>
        %shift_left3A_920 = arith.constant 16 : i32
        %shift_left3A_921 = vector.broadcast %shift_left3A_920 : i32 to vector<16xi32>
        %shift_left3A_922 = arith.shli %get3A_915, %shift_left3A_921 : vector<16xi32>
        %bitcast3A_923 = vector.bitcast %shift_left3A_922 : vector<16xi32> to vector<16xf32>
        %and3A_924 = arith.andi %get3A_912, %broadcast_in_dim3A_22 : vector<16xi32>
        %bitcast3A_925 = vector.bitcast %and3A_924 : vector<16xi32> to vector<16xf32>
        %and3A_926 = arith.andi %get3A_915, %broadcast_in_dim3A_22 : vector<16xi32>
        %bitcast3A_927 = vector.bitcast %and3A_926 : vector<16xi32> to vector<16xf32>
        %mul3A_928 = arith.mulf %bitcast3A_919, %bitcast3A_923 : vector<16xf32>
        %mul3A_929 = arith.mulf %bitcast3A_925, %bitcast3A_927 : vector<16xf32>
        %add3A_930 = arith.addf %mul3A_928, %mul3A_929 : vector<16xf32>
        %add3A_931 = arith.addf %add3A_867, %add3A_888 : vector<16xf32>
        %add3A_932 = arith.addf %add3A_909, %add3A_930 : vector<16xf32>
        %add3A_933 = arith.addf %add3A_931, %add3A_932 : vector<16xf32>
        %swap3A_934 = arith.constant 128 : index
        %swap3A_935 = tpu.vector_load %arg16[%swap3A_934] {strides = array<i32>} : memref<256xf32, #tpu.memory_space<vmem>>, vector<16xf32>,
        tpu.vector_store %arg16[%swap3A_934], %add3A_933 {strides = array<i32>} : memref<256xf32, #tpu.memory_space<vmem>>, vector<16xf32>,
        %add3A_936 = arith.constant 9 : i32
        %add3A_937 = arith.addi %mul3A_121, %add3A_936 : i32
        %get3A_938 = arith.index_cast %add3A_937 : i32 to index
        %get3A_939 = arith.constant 0 : index
        %get3A_940 = tpu.vector_load %arg13[%get3A_938, %get3A_939] {strides = array<i32>} : memref<80x64xi32, #tpu.memory_space<vmem>>, vector<16xi32>,
        %get3A_941 = arith.index_cast %add3A_937 : i32 to index
        %get3A_942 = arith.constant 0 : index
        %get3A_943 = tpu.vector_load %arg14[%get3A_941, %get3A_942] {strides = array<i32>} : memref<80x64xi32, #tpu.memory_space<vmem>>, vector<16xi32>,
        %shift_left3A_944 = arith.constant 16 : i32
        %shift_left3A_945 = vector.broadcast %shift_left3A_944 : i32 to vector<16xi32>
        %shift_left3A_946 = arith.shli %get3A_940, %shift_left3A_945 : vector<16xi32>
        %bitcast3A_947 = vector.bitcast %shift_left3A_946 : vector<16xi32> to vector<16xf32>
        %shift_left3A_948 = arith.constant 16 : i32
        %shift_left3A_949 = vector.broadcast %shift_left3A_948 : i32 to vector<16xi32>
        %shift_left3A_950 = arith.shli %get3A_943, %shift_left3A_949 : vector<16xi32>
        %bitcast3A_951 = vector.bitcast %shift_left3A_950 : vector<16xi32> to vector<16xf32>
        %and3A_952 = arith.andi %get3A_940, %broadcast_in_dim3A_22 : vector<16xi32>
        %bitcast3A_953 = vector.bitcast %and3A_952 : vector<16xi32> to vector<16xf32>
        %and3A_954 = arith.andi %get3A_943, %broadcast_in_dim3A_22 : vector<16xi32>
        %bitcast3A_955 = vector.bitcast %and3A_954 : vector<16xi32> to vector<16xf32>
        %mul3A_956 = arith.mulf %bitcast3A_947, %bitcast3A_951 : vector<16xf32>
        %mul3A_957 = arith.mulf %bitcast3A_953, %bitcast3A_955 : vector<16xf32>
        %add3A_958 = arith.addf %mul3A_956, %mul3A_957 : vector<16xf32>
        %get3A_959 = arith.index_cast %add3A_937 : i32 to index
        %get3A_960 = arith.constant 16 : index
        %get3A_961 = tpu.vector_load %arg13[%get3A_959, %get3A_960] {strides = array<i32>} : memref<80x64xi32, #tpu.memory_space<vmem>>, vector<16xi32>,
        %get3A_962 = arith.index_cast %add3A_937 : i32 to index
        %get3A_963 = arith.constant 16 : index
        %get3A_964 = tpu.vector_load %arg14[%get3A_962, %get3A_963] {strides = array<i32>} : memref<80x64xi32, #tpu.memory_space<vmem>>, vector<16xi32>,
        %shift_left3A_965 = arith.constant 16 : i32
        %shift_left3A_966 = vector.broadcast %shift_left3A_965 : i32 to vector<16xi32>
        %shift_left3A_967 = arith.shli %get3A_961, %shift_left3A_966 : vector<16xi32>
        %bitcast3A_968 = vector.bitcast %shift_left3A_967 : vector<16xi32> to vector<16xf32>
        %shift_left3A_969 = arith.constant 16 : i32
        %shift_left3A_970 = vector.broadcast %shift_left3A_969 : i32 to vector<16xi32>
        %shift_left3A_971 = arith.shli %get3A_964, %shift_left3A_970 : vector<16xi32>
        %bitcast3A_972 = vector.bitcast %shift_left3A_971 : vector<16xi32> to vector<16xf32>
        %and3A_973 = arith.andi %get3A_961, %broadcast_in_dim3A_22 : vector<16xi32>
        %bitcast3A_974 = vector.bitcast %and3A_973 : vector<16xi32> to vector<16xf32>
        %and3A_975 = arith.andi %get3A_964, %broadcast_in_dim3A_22 : vector<16xi32>
        %bitcast3A_976 = vector.bitcast %and3A_975 : vector<16xi32> to vector<16xf32>
        %mul3A_977 = arith.mulf %bitcast3A_968, %bitcast3A_972 : vector<16xf32>
        %mul3A_978 = arith.mulf %bitcast3A_974, %bitcast3A_976 : vector<16xf32>
        %add3A_979 = arith.addf %mul3A_977, %mul3A_978 : vector<16xf32>
        %get3A_980 = arith.index_cast %add3A_937 : i32 to index
        %get3A_981 = arith.constant 32 : index
        %get3A_982 = tpu.vector_load %arg13[%get3A_980, %get3A_981] {strides = array<i32>} : memref<80x64xi32, #tpu.memory_space<vmem>>, vector<16xi32>,
        %get3A_983 = arith.index_cast %add3A_937 : i32 to index
        %get3A_984 = arith.constant 32 : index
        %get3A_985 = tpu.vector_load %arg14[%get3A_983, %get3A_984] {strides = array<i32>} : memref<80x64xi32, #tpu.memory_space<vmem>>, vector<16xi32>,
        %shift_left3A_986 = arith.constant 16 : i32
        %shift_left3A_987 = vector.broadcast %shift_left3A_986 : i32 to vector<16xi32>
        %shift_left3A_988 = arith.shli %get3A_982, %shift_left3A_987 : vector<16xi32>
        %bitcast3A_989 = vector.bitcast %shift_left3A_988 : vector<16xi32> to vector<16xf32>
        %shift_left3A_990 = arith.constant 16 : i32
        %shift_left3A_991 = vector.broadcast %shift_left3A_990 : i32 to vector<16xi32>
        %shift_left3A_992 = arith.shli %get3A_985, %shift_left3A_991 : vector<16xi32>
        %bitcast3A_993 = vector.bitcast %shift_left3A_992 : vector<16xi32> to vector<16xf32>
        %and3A_994 = arith.andi %get3A_982, %broadcast_in_dim3A_22 : vector<16xi32>
        %bitcast3A_995 = vector.bitcast %and3A_994 : vector<16xi32> to vector<16xf32>
        %and3A_996 = arith.andi %get3A_985, %broadcast_in_dim3A_22 : vector<16xi32>
        %bitcast3A_997 = vector.bitcast %and3A_996 : vector<16xi32> to vector<16xf32>
        %mul3A_998 = arith.mulf %bitcast3A_989, %bitcast3A_993 : vector<16xf32>
        %mul3A_999 = arith.mulf %bitcast3A_995, %bitcast3A_997 : vector<16xf32>
        %add3A_1000 = arith.addf %mul3A_998, %mul3A_999 : vector<16xf32>
        %get3A_1001 = arith.index_cast %add3A_937 : i32 to index
        %get3A_1002 = arith.constant 48 : index
        %get3A_1003 = tpu.vector_load %arg13[%get3A_1001, %get3A_1002] {strides = array<i32>} : memref<80x64xi32, #tpu.memory_space<vmem>>, vector<16xi32>,
        %get3A_1004 = arith.index_cast %add3A_937 : i32 to index
        %get3A_1005 = arith.constant 48 : index
        %get3A_1006 = tpu.vector_load %arg14[%get3A_1004, %get3A_1005] {strides = array<i32>} : memref<80x64xi32, #tpu.memory_space<vmem>>, vector<16xi32>,
        %shift_left3A_1007 = arith.constant 16 : i32
        %shift_left3A_1008 = vector.broadcast %shift_left3A_1007 : i32 to vector<16xi32>
        %shift_left3A_1009 = arith.shli %get3A_1003, %shift_left3A_1008 : vector<16xi32>
        %bitcast3A_1010 = vector.bitcast %shift_left3A_1009 : vector<16xi32> to vector<16xf32>
        %shift_left3A_1011 = arith.constant 16 : i32
        %shift_left3A_1012 = vector.broadcast %shift_left3A_1011 : i32 to vector<16xi32>
        %shift_left3A_1013 = arith.shli %get3A_1006, %shift_left3A_1012 : vector<16xi32>
        %bitcast3A_1014 = vector.bitcast %shift_left3A_1013 : vector<16xi32> to vector<16xf32>
        %and3A_1015 = arith.andi %get3A_1003, %broadcast_in_dim3A_22 : vector<16xi32>
        %bitcast3A_1016 = vector.bitcast %and3A_1015 : vector<16xi32> to vector<16xf32>
        %and3A_1017 = arith.andi %get3A_1006, %broadcast_in_dim3A_22 : vector<16xi32>
        %bitcast3A_1018 = vector.bitcast %and3A_1017 : vector<16xi32> to vector<16xf32>
        %mul3A_1019 = arith.mulf %bitcast3A_1010, %bitcast3A_1014 : vector<16xf32>
        %mul3A_1020 = arith.mulf %bitcast3A_1016, %bitcast3A_1018 : vector<16xf32>
        %add3A_1021 = arith.addf %mul3A_1019, %mul3A_1020 : vector<16xf32>
        %add3A_1022 = arith.addf %add3A_958, %add3A_979 : vector<16xf32>
        %add3A_1023 = arith.addf %add3A_1000, %add3A_1021 : vector<16xf32>
        %add3A_1024 = arith.addf %add3A_1022, %add3A_1023 : vector<16xf32>
        %swap3A_1025 = arith.constant 144 : index
        %swap3A_1026 = tpu.vector_load %arg16[%swap3A_1025] {strides = array<i32>} : memref<256xf32, #tpu.memory_space<vmem>>, vector<16xf32>,
        tpu.vector_store %arg16[%swap3A_1025], %add3A_1024 {strides = array<i32>} : memref<256xf32, #tpu.memory_space<vmem>>, vector<16xf32>,
        %add3A_1027 = arith.constant 10 : i32
        %add3A_1028 = arith.addi %mul3A_121, %add3A_1027 : i32
        %get3A_1029 = arith.index_cast %add3A_1028 : i32 to index
        %get3A_1030 = arith.constant 0 : index
        %get3A_1031 = tpu.vector_load %arg13[%get3A_1029, %get3A_1030] {strides = array<i32>} : memref<80x64xi32, #tpu.memory_space<vmem>>, vector<16xi32>,
        %get3A_1032 = arith.index_cast %add3A_1028 : i32 to index
        %get3A_1033 = arith.constant 0 : index
        %get3A_1034 = tpu.vector_load %arg14[%get3A_1032, %get3A_1033] {strides = array<i32>} : memref<80x64xi32, #tpu.memory_space<vmem>>, vector<16xi32>,
        %shift_left3A_1035 = arith.constant 16 : i32
        %shift_left3A_1036 = vector.broadcast %shift_left3A_1035 : i32 to vector<16xi32>
        %shift_left3A_1037 = arith.shli %get3A_1031, %shift_left3A_1036 : vector<16xi32>
        %bitcast3A_1038 = vector.bitcast %shift_left3A_1037 : vector<16xi32> to vector<16xf32>
        %shift_left3A_1039 = arith.constant 16 : i32
        %shift_left3A_1040 = vector.broadcast %shift_left3A_1039 : i32 to vector<16xi32>
        %shift_left3A_1041 = arith.shli %get3A_1034, %shift_left3A_1040 : vector<16xi32>
        %bitcast3A_1042 = vector.bitcast %shift_left3A_1041 : vector<16xi32> to vector<16xf32>
        %and3A_1043 = arith.andi %get3A_1031, %broadcast_in_dim3A_22 : vector<16xi32>
        %bitcast3A_1044 = vector.bitcast %and3A_1043 : vector<16xi32> to vector<16xf32>
        %and3A_1045 = arith.andi %get3A_1034, %broadcast_in_dim3A_22 : vector<16xi32>
        %bitcast3A_1046 = vector.bitcast %and3A_1045 : vector<16xi32> to vector<16xf32>
        %mul3A_1047 = arith.mulf %bitcast3A_1038, %bitcast3A_1042 : vector<16xf32>
        %mul3A_1048 = arith.mulf %bitcast3A_1044, %bitcast3A_1046 : vector<16xf32>
        %add3A_1049 = arith.addf %mul3A_1047, %mul3A_1048 : vector<16xf32>
        %get3A_1050 = arith.index_cast %add3A_1028 : i32 to index
        %get3A_1051 = arith.constant 16 : index
        %get3A_1052 = tpu.vector_load %arg13[%get3A_1050, %get3A_1051] {strides = array<i32>} : memref<80x64xi32, #tpu.memory_space<vmem>>, vector<16xi32>,
        %get3A_1053 = arith.index_cast %add3A_1028 : i32 to index
        %get3A_1054 = arith.constant 16 : index
        %get3A_1055 = tpu.vector_load %arg14[%get3A_1053, %get3A_1054] {strides = array<i32>} : memref<80x64xi32, #tpu.memory_space<vmem>>, vector<16xi32>,
        %shift_left3A_1056 = arith.constant 16 : i32
        %shift_left3A_1057 = vector.broadcast %shift_left3A_1056 : i32 to vector<16xi32>
        %shift_left3A_1058 = arith.shli %get3A_1052, %shift_left3A_1057 : vector<16xi32>
        %bitcast3A_1059 = vector.bitcast %shift_left3A_1058 : vector<16xi32> to vector<16xf32>
        %shift_left3A_1060 = arith.constant 16 : i32
        %shift_left3A_1061 = vector.broadcast %shift_left3A_1060 : i32 to vector<16xi32>
        %shift_left3A_1062 = arith.shli %get3A_1055, %shift_left3A_1061 : vector<16xi32>
        %bitcast3A_1063 = vector.bitcast %shift_left3A_1062 : vector<16xi32> to vector<16xf32>
        %and3A_1064 = arith.andi %get3A_1052, %broadcast_in_dim3A_22 : vector<16xi32>
        %bitcast3A_1065 = vector.bitcast %and3A_1064 : vector<16xi32> to vector<16xf32>
        %and3A_1066 = arith.andi %get3A_1055, %broadcast_in_dim3A_22 : vector<16xi32>
        %bitcast3A_1067 = vector.bitcast %and3A_1066 : vector<16xi32> to vector<16xf32>
        %mul3A_1068 = arith.mulf %bitcast3A_1059, %bitcast3A_1063 : vector<16xf32>
        %mul3A_1069 = arith.mulf %bitcast3A_1065, %bitcast3A_1067 : vector<16xf32>
        %add3A_1070 = arith.addf %mul3A_1068, %mul3A_1069 : vector<16xf32>
        %get3A_1071 = arith.index_cast %add3A_1028 : i32 to index
        %get3A_1072 = arith.constant 32 : index
        %get3A_1073 = tpu.vector_load %arg13[%get3A_1071, %get3A_1072] {strides = array<i32>} : memref<80x64xi32, #tpu.memory_space<vmem>>, vector<16xi32>,
        %get3A_1074 = arith.index_cast %add3A_1028 : i32 to index
        %get3A_1075 = arith.constant 32 : index
        %get3A_1076 = tpu.vector_load %arg14[%get3A_1074, %get3A_1075] {strides = array<i32>} : memref<80x64xi32, #tpu.memory_space<vmem>>, vector<16xi32>,
        %shift_left3A_1077 = arith.constant 16 : i32
        %shift_left3A_1078 = vector.broadcast %shift_left3A_1077 : i32 to vector<16xi32>
        %shift_left3A_1079 = arith.shli %get3A_1073, %shift_left3A_1078 : vector<16xi32>
        %bitcast3A_1080 = vector.bitcast %shift_left3A_1079 : vector<16xi32> to vector<16xf32>
        %shift_left3A_1081 = arith.constant 16 : i32
        %shift_left3A_1082 = vector.broadcast %shift_left3A_1081 : i32 to vector<16xi32>
        %shift_left3A_1083 = arith.shli %get3A_1076, %shift_left3A_1082 : vector<16xi32>
        %bitcast3A_1084 = vector.bitcast %shift_left3A_1083 : vector<16xi32> to vector<16xf32>
        %and3A_1085 = arith.andi %get3A_1073, %broadcast_in_dim3A_22 : vector<16xi32>
        %bitcast3A_1086 = vector.bitcast %and3A_1085 : vector<16xi32> to vector<16xf32>
        %and3A_1087 = arith.andi %get3A_1076, %broadcast_in_dim3A_22 : vector<16xi32>
        %bitcast3A_1088 = vector.bitcast %and3A_1087 : vector<16xi32> to vector<16xf32>
        %mul3A_1089 = arith.mulf %bitcast3A_1080, %bitcast3A_1084 : vector<16xf32>
        %mul3A_1090 = arith.mulf %bitcast3A_1086, %bitcast3A_1088 : vector<16xf32>
        %add3A_1091 = arith.addf %mul3A_1089, %mul3A_1090 : vector<16xf32>
        %get3A_1092 = arith.index_cast %add3A_1028 : i32 to index
        %get3A_1093 = arith.constant 48 : index
        %get3A_1094 = tpu.vector_load %arg13[%get3A_1092, %get3A_1093] {strides = array<i32>} : memref<80x64xi32, #tpu.memory_space<vmem>>, vector<16xi32>,
        %get3A_1095 = arith.index_cast %add3A_1028 : i32 to index
        %get3A_1096 = arith.constant 48 : index
        %get3A_1097 = tpu.vector_load %arg14[%get3A_1095, %get3A_1096] {strides = array<i32>} : memref<80x64xi32, #tpu.memory_space<vmem>>, vector<16xi32>,
        %shift_left3A_1098 = arith.constant 16 : i32
        %shift_left3A_1099 = vector.broadcast %shift_left3A_1098 : i32 to vector<16xi32>
        %shift_left3A_1100 = arith.shli %get3A_1094, %shift_left3A_1099 : vector<16xi32>
        %bitcast3A_1101 = vector.bitcast %shift_left3A_1100 : vector<16xi32> to vector<16xf32>
        %shift_left3A_1102 = arith.constant 16 : i32
        %shift_left3A_1103 = vector.broadcast %shift_left3A_1102 : i32 to vector<16xi32>
        %shift_left3A_1104 = arith.shli %get3A_1097, %shift_left3A_1103 : vector<16xi32>
        %bitcast3A_1105 = vector.bitcast %shift_left3A_1104 : vector<16xi32> to vector<16xf32>
        %and3A_1106 = arith.andi %get3A_1094, %broadcast_in_dim3A_22 : vector<16xi32>
        %bitcast3A_1107 = vector.bitcast %and3A_1106 : vector<16xi32> to vector<16xf32>
        %and3A_1108 = arith.andi %get3A_1097, %broadcast_in_dim3A_22 : vector<16xi32>
        %bitcast3A_1109 = vector.bitcast %and3A_1108 : vector<16xi32> to vector<16xf32>
        %mul3A_1110 = arith.mulf %bitcast3A_1101, %bitcast3A_1105 : vector<16xf32>
        %mul3A_1111 = arith.mulf %bitcast3A_1107, %bitcast3A_1109 : vector<16xf32>
        %add3A_1112 = arith.addf %mul3A_1110, %mul3A_1111 : vector<16xf32>
        %add3A_1113 = arith.addf %add3A_1049, %add3A_1070 : vector<16xf32>
        %add3A_1114 = arith.addf %add3A_1091, %add3A_1112 : vector<16xf32>
        %add3A_1115 = arith.addf %add3A_1113, %add3A_1114 : vector<16xf32>
        %swap3A_1116 = arith.constant 160 : index
        %swap3A_1117 = tpu.vector_load %arg16[%swap3A_1116] {strides = array<i32>} : memref<256xf32, #tpu.memory_space<vmem>>, vector<16xf32>,
        tpu.vector_store %arg16[%swap3A_1116], %add3A_1115 {strides = array<i32>} : memref<256xf32, #tpu.memory_space<vmem>>, vector<16xf32>,
        %add3A_1118 = arith.constant 11 : i32
        %add3A_1119 = arith.addi %mul3A_121, %add3A_1118 : i32
        %get3A_1120 = arith.index_cast %add3A_1119 : i32 to index
        %get3A_1121 = arith.constant 0 : index
        %get3A_1122 = tpu.vector_load %arg13[%get3A_1120, %get3A_1121] {strides = array<i32>} : memref<80x64xi32, #tpu.memory_space<vmem>>, vector<16xi32>,
        %get3A_1123 = arith.index_cast %add3A_1119 : i32 to index
        %get3A_1124 = arith.constant 0 : index
        %get3A_1125 = tpu.vector_load %arg14[%get3A_1123, %get3A_1124] {strides = array<i32>} : memref<80x64xi32, #tpu.memory_space<vmem>>, vector<16xi32>,
        %shift_left3A_1126 = arith.constant 16 : i32
        %shift_left3A_1127 = vector.broadcast %shift_left3A_1126 : i32 to vector<16xi32>
        %shift_left3A_1128 = arith.shli %get3A_1122, %shift_left3A_1127 : vector<16xi32>
        %bitcast3A_1129 = vector.bitcast %shift_left3A_1128 : vector<16xi32> to vector<16xf32>
        %shift_left3A_1130 = arith.constant 16 : i32
        %shift_left3A_1131 = vector.broadcast %shift_left3A_1130 : i32 to vector<16xi32>
        %shift_left3A_1132 = arith.shli %get3A_1125, %shift_left3A_1131 : vector<16xi32>
        %bitcast3A_1133 = vector.bitcast %shift_left3A_1132 : vector<16xi32> to vector<16xf32>
        %and3A_1134 = arith.andi %get3A_1122, %broadcast_in_dim3A_22 : vector<16xi32>
        %bitcast3A_1135 = vector.bitcast %and3A_1134 : vector<16xi32> to vector<16xf32>
        %and3A_1136 = arith.andi %get3A_1125, %broadcast_in_dim3A_22 : vector<16xi32>
        %bitcast3A_1137 = vector.bitcast %and3A_1136 : vector<16xi32> to vector<16xf32>
        %mul3A_1138 = arith.mulf %bitcast3A_1129, %bitcast3A_1133 : vector<16xf32>
        %mul3A_1139 = arith.mulf %bitcast3A_1135, %bitcast3A_1137 : vector<16xf32>
        %add3A_1140 = arith.addf %mul3A_1138, %mul3A_1139 : vector<16xf32>
        %get3A_1141 = arith.index_cast %add3A_1119 : i32 to index
        %get3A_1142 = arith.constant 16 : index
        %get3A_1143 = tpu.vector_load %arg13[%get3A_1141, %get3A_1142] {strides = array<i32>} : memref<80x64xi32, #tpu.memory_space<vmem>>, vector<16xi32>,
        %get3A_1144 = arith.index_cast %add3A_1119 : i32 to index
        %get3A_1145 = arith.constant 16 : index
        %get3A_1146 = tpu.vector_load %arg14[%get3A_1144, %get3A_1145] {strides = array<i32>} : memref<80x64xi32, #tpu.memory_space<vmem>>, vector<16xi32>,
        %shift_left3A_1147 = arith.constant 16 : i32
        %shift_left3A_1148 = vector.broadcast %shift_left3A_1147 : i32 to vector<16xi32>
        %shift_left3A_1149 = arith.shli %get3A_1143, %shift_left3A_1148 : vector<16xi32>
        %bitcast3A_1150 = vector.bitcast %shift_left3A_1149 : vector<16xi32> to vector<16xf32>
        %shift_left3A_1151 = arith.constant 16 : i32
        %shift_left3A_1152 = vector.broadcast %shift_left3A_1151 : i32 to vector<16xi32>
        %shift_left3A_1153 = arith.shli %get3A_1146, %shift_left3A_1152 : vector<16xi32>
        %bitcast3A_1154 = vector.bitcast %shift_left3A_1153 : vector<16xi32> to vector<16xf32>
        %and3A_1155 = arith.andi %get3A_1143, %broadcast_in_dim3A_22 : vector<16xi32>
        %bitcast3A_1156 = vector.bitcast %and3A_1155 : vector<16xi32> to vector<16xf32>
        %and3A_1157 = arith.andi %get3A_1146, %broadcast_in_dim3A_22 : vector<16xi32>
        %bitcast3A_1158 = vector.bitcast %and3A_1157 : vector<16xi32> to vector<16xf32>
        %mul3A_1159 = arith.mulf %bitcast3A_1150, %bitcast3A_1154 : vector<16xf32>
        %mul3A_1160 = arith.mulf %bitcast3A_1156, %bitcast3A_1158 : vector<16xf32>
        %add3A_1161 = arith.addf %mul3A_1159, %mul3A_1160 : vector<16xf32>
        %get3A_1162 = arith.index_cast %add3A_1119 : i32 to index
        %get3A_1163 = arith.constant 32 : index
        %get3A_1164 = tpu.vector_load %arg13[%get3A_1162, %get3A_1163] {strides = array<i32>} : memref<80x64xi32, #tpu.memory_space<vmem>>, vector<16xi32>,
        %get3A_1165 = arith.index_cast %add3A_1119 : i32 to index
        %get3A_1166 = arith.constant 32 : index
        %get3A_1167 = tpu.vector_load %arg14[%get3A_1165, %get3A_1166] {strides = array<i32>} : memref<80x64xi32, #tpu.memory_space<vmem>>, vector<16xi32>,
        %shift_left3A_1168 = arith.constant 16 : i32
        %shift_left3A_1169 = vector.broadcast %shift_left3A_1168 : i32 to vector<16xi32>
        %shift_left3A_1170 = arith.shli %get3A_1164, %shift_left3A_1169 : vector<16xi32>
        %bitcast3A_1171 = vector.bitcast %shift_left3A_1170 : vector<16xi32> to vector<16xf32>
        %shift_left3A_1172 = arith.constant 16 : i32
        %shift_left3A_1173 = vector.broadcast %shift_left3A_1172 : i32 to vector<16xi32>
        %shift_left3A_1174 = arith.shli %get3A_1167, %shift_left3A_1173 : vector<16xi32>
        %bitcast3A_1175 = vector.bitcast %shift_left3A_1174 : vector<16xi32> to vector<16xf32>
        %and3A_1176 = arith.andi %get3A_1164, %broadcast_in_dim3A_22 : vector<16xi32>
        %bitcast3A_1177 = vector.bitcast %and3A_1176 : vector<16xi32> to vector<16xf32>
        %and3A_1178 = arith.andi %get3A_1167, %broadcast_in_dim3A_22 : vector<16xi32>
        %bitcast3A_1179 = vector.bitcast %and3A_1178 : vector<16xi32> to vector<16xf32>
        %mul3A_1180 = arith.mulf %bitcast3A_1171, %bitcast3A_1175 : vector<16xf32>
        %mul3A_1181 = arith.mulf %bitcast3A_1177, %bitcast3A_1179 : vector<16xf32>
        %add3A_1182 = arith.addf %mul3A_1180, %mul3A_1181 : vector<16xf32>
        %get3A_1183 = arith.index_cast %add3A_1119 : i32 to index
        %get3A_1184 = arith.constant 48 : index
        %get3A_1185 = tpu.vector_load %arg13[%get3A_1183, %get3A_1184] {strides = array<i32>} : memref<80x64xi32, #tpu.memory_space<vmem>>, vector<16xi32>,
        %get3A_1186 = arith.index_cast %add3A_1119 : i32 to index
        %get3A_1187 = arith.constant 48 : index
        %get3A_1188 = tpu.vector_load %arg14[%get3A_1186, %get3A_1187] {strides = array<i32>} : memref<80x64xi32, #tpu.memory_space<vmem>>, vector<16xi32>,
        %shift_left3A_1189 = arith.constant 16 : i32
        %shift_left3A_1190 = vector.broadcast %shift_left3A_1189 : i32 to vector<16xi32>
        %shift_left3A_1191 = arith.shli %get3A_1185, %shift_left3A_1190 : vector<16xi32>
        %bitcast3A_1192 = vector.bitcast %shift_left3A_1191 : vector<16xi32> to vector<16xf32>
        %shift_left3A_1193 = arith.constant 16 : i32
        %shift_left3A_1194 = vector.broadcast %shift_left3A_1193 : i32 to vector<16xi32>
        %shift_left3A_1195 = arith.shli %get3A_1188, %shift_left3A_1194 : vector<16xi32>
        %bitcast3A_1196 = vector.bitcast %shift_left3A_1195 : vector<16xi32> to vector<16xf32>
        %and3A_1197 = arith.andi %get3A_1185, %broadcast_in_dim3A_22 : vector<16xi32>
        %bitcast3A_1198 = vector.bitcast %and3A_1197 : vector<16xi32> to vector<16xf32>
        %and3A_1199 = arith.andi %get3A_1188, %broadcast_in_dim3A_22 : vector<16xi32>
        %bitcast3A_1200 = vector.bitcast %and3A_1199 : vector<16xi32> to vector<16xf32>
        %mul3A_1201 = arith.mulf %bitcast3A_1192, %bitcast3A_1196 : vector<16xf32>
        %mul3A_1202 = arith.mulf %bitcast3A_1198, %bitcast3A_1200 : vector<16xf32>
        %add3A_1203 = arith.addf %mul3A_1201, %mul3A_1202 : vector<16xf32>
        %add3A_1204 = arith.addf %add3A_1140, %add3A_1161 : vector<16xf32>
        %add3A_1205 = arith.addf %add3A_1182, %add3A_1203 : vector<16xf32>
        %add3A_1206 = arith.addf %add3A_1204, %add3A_1205 : vector<16xf32>
        %swap3A_1207 = arith.constant 176 : index
        %swap3A_1208 = tpu.vector_load %arg16[%swap3A_1207] {strides = array<i32>} : memref<256xf32, #tpu.memory_space<vmem>>, vector<16xf32>,
        tpu.vector_store %arg16[%swap3A_1207], %add3A_1206 {strides = array<i32>} : memref<256xf32, #tpu.memory_space<vmem>>, vector<16xf32>,
        %add3A_1209 = arith.constant 12 : i32
        %add3A_1210 = arith.addi %mul3A_121, %add3A_1209 : i32
        %get3A_1211 = arith.index_cast %add3A_1210 : i32 to index
        %get3A_1212 = arith.constant 0 : index
        %get3A_1213 = tpu.vector_load %arg13[%get3A_1211, %get3A_1212] {strides = array<i32>} : memref<80x64xi32, #tpu.memory_space<vmem>>, vector<16xi32>,
        %get3A_1214 = arith.index_cast %add3A_1210 : i32 to index
        %get3A_1215 = arith.constant 0 : index
        %get3A_1216 = tpu.vector_load %arg14[%get3A_1214, %get3A_1215] {strides = array<i32>} : memref<80x64xi32, #tpu.memory_space<vmem>>, vector<16xi32>,
        %shift_left3A_1217 = arith.constant 16 : i32
        %shift_left3A_1218 = vector.broadcast %shift_left3A_1217 : i32 to vector<16xi32>
        %shift_left3A_1219 = arith.shli %get3A_1213, %shift_left3A_1218 : vector<16xi32>
        %bitcast3A_1220 = vector.bitcast %shift_left3A_1219 : vector<16xi32> to vector<16xf32>
        %shift_left3A_1221 = arith.constant 16 : i32
        %shift_left3A_1222 = vector.broadcast %shift_left3A_1221 : i32 to vector<16xi32>
        %shift_left3A_1223 = arith.shli %get3A_1216, %shift_left3A_1222 : vector<16xi32>
        %bitcast3A_1224 = vector.bitcast %shift_left3A_1223 : vector<16xi32> to vector<16xf32>
        %and3A_1225 = arith.andi %get3A_1213, %broadcast_in_dim3A_22 : vector<16xi32>
        %bitcast3A_1226 = vector.bitcast %and3A_1225 : vector<16xi32> to vector<16xf32>
        %and3A_1227 = arith.andi %get3A_1216, %broadcast_in_dim3A_22 : vector<16xi32>
        %bitcast3A_1228 = vector.bitcast %and3A_1227 : vector<16xi32> to vector<16xf32>
        %mul3A_1229 = arith.mulf %bitcast3A_1220, %bitcast3A_1224 : vector<16xf32>
        %mul3A_1230 = arith.mulf %bitcast3A_1226, %bitcast3A_1228 : vector<16xf32>
        %add3A_1231 = arith.addf %mul3A_1229, %mul3A_1230 : vector<16xf32>
        %get3A_1232 = arith.index_cast %add3A_1210 : i32 to index
        %get3A_1233 = arith.constant 16 : index
        %get3A_1234 = tpu.vector_load %arg13[%get3A_1232, %get3A_1233] {strides = array<i32>} : memref<80x64xi32, #tpu.memory_space<vmem>>, vector<16xi32>,
        %get3A_1235 = arith.index_cast %add3A_1210 : i32 to index
        %get3A_1236 = arith.constant 16 : index
        %get3A_1237 = tpu.vector_load %arg14[%get3A_1235, %get3A_1236] {strides = array<i32>} : memref<80x64xi32, #tpu.memory_space<vmem>>, vector<16xi32>,
        %shift_left3A_1238 = arith.constant 16 : i32
        %shift_left3A_1239 = vector.broadcast %shift_left3A_1238 : i32 to vector<16xi32>
        %shift_left3A_1240 = arith.shli %get3A_1234, %shift_left3A_1239 : vector<16xi32>
        %bitcast3A_1241 = vector.bitcast %shift_left3A_1240 : vector<16xi32> to vector<16xf32>
        %shift_left3A_1242 = arith.constant 16 : i32
        %shift_left3A_1243 = vector.broadcast %shift_left3A_1242 : i32 to vector<16xi32>
        %shift_left3A_1244 = arith.shli %get3A_1237, %shift_left3A_1243 : vector<16xi32>
        %bitcast3A_1245 = vector.bitcast %shift_left3A_1244 : vector<16xi32> to vector<16xf32>
        %and3A_1246 = arith.andi %get3A_1234, %broadcast_in_dim3A_22 : vector<16xi32>
        %bitcast3A_1247 = vector.bitcast %and3A_1246 : vector<16xi32> to vector<16xf32>
        %and3A_1248 = arith.andi %get3A_1237, %broadcast_in_dim3A_22 : vector<16xi32>
        %bitcast3A_1249 = vector.bitcast %and3A_1248 : vector<16xi32> to vector<16xf32>
        %mul3A_1250 = arith.mulf %bitcast3A_1241, %bitcast3A_1245 : vector<16xf32>
        %mul3A_1251 = arith.mulf %bitcast3A_1247, %bitcast3A_1249 : vector<16xf32>
        %add3A_1252 = arith.addf %mul3A_1250, %mul3A_1251 : vector<16xf32>
        %get3A_1253 = arith.index_cast %add3A_1210 : i32 to index
        %get3A_1254 = arith.constant 32 : index
        %get3A_1255 = tpu.vector_load %arg13[%get3A_1253, %get3A_1254] {strides = array<i32>} : memref<80x64xi32, #tpu.memory_space<vmem>>, vector<16xi32>,
        %get3A_1256 = arith.index_cast %add3A_1210 : i32 to index
        %get3A_1257 = arith.constant 32 : index
        %get3A_1258 = tpu.vector_load %arg14[%get3A_1256, %get3A_1257] {strides = array<i32>} : memref<80x64xi32, #tpu.memory_space<vmem>>, vector<16xi32>,
        %shift_left3A_1259 = arith.constant 16 : i32
        %shift_left3A_1260 = vector.broadcast %shift_left3A_1259 : i32 to vector<16xi32>
        %shift_left3A_1261 = arith.shli %get3A_1255, %shift_left3A_1260 : vector<16xi32>
        %bitcast3A_1262 = vector.bitcast %shift_left3A_1261 : vector<16xi32> to vector<16xf32>
        %shift_left3A_1263 = arith.constant 16 : i32
        %shift_left3A_1264 = vector.broadcast %shift_left3A_1263 : i32 to vector<16xi32>
        %shift_left3A_1265 = arith.shli %get3A_1258, %shift_left3A_1264 : vector<16xi32>
        %bitcast3A_1266 = vector.bitcast %shift_left3A_1265 : vector<16xi32> to vector<16xf32>
        %and3A_1267 = arith.andi %get3A_1255, %broadcast_in_dim3A_22 : vector<16xi32>
        %bitcast3A_1268 = vector.bitcast %and3A_1267 : vector<16xi32> to vector<16xf32>
        %and3A_1269 = arith.andi %get3A_1258, %broadcast_in_dim3A_22 : vector<16xi32>
        %bitcast3A_1270 = vector.bitcast %and3A_1269 : vector<16xi32> to vector<16xf32>
        %mul3A_1271 = arith.mulf %bitcast3A_1262, %bitcast3A_1266 : vector<16xf32>
        %mul3A_1272 = arith.mulf %bitcast3A_1268, %bitcast3A_1270 : vector<16xf32>
        %add3A_1273 = arith.addf %mul3A_1271, %mul3A_1272 : vector<16xf32>
        %get3A_1274 = arith.index_cast %add3A_1210 : i32 to index
        %get3A_1275 = arith.constant 48 : index
        %get3A_1276 = tpu.vector_load %arg13[%get3A_1274, %get3A_1275] {strides = array<i32>} : memref<80x64xi32, #tpu.memory_space<vmem>>, vector<16xi32>,
        %get3A_1277 = arith.index_cast %add3A_1210 : i32 to index
        %get3A_1278 = arith.constant 48 : index
        %get3A_1279 = tpu.vector_load %arg14[%get3A_1277, %get3A_1278] {strides = array<i32>} : memref<80x64xi32, #tpu.memory_space<vmem>>, vector<16xi32>,
        %shift_left3A_1280 = arith.constant 16 : i32
        %shift_left3A_1281 = vector.broadcast %shift_left3A_1280 : i32 to vector<16xi32>
        %shift_left3A_1282 = arith.shli %get3A_1276, %shift_left3A_1281 : vector<16xi32>
        %bitcast3A_1283 = vector.bitcast %shift_left3A_1282 : vector<16xi32> to vector<16xf32>
        %shift_left3A_1284 = arith.constant 16 : i32
        %shift_left3A_1285 = vector.broadcast %shift_left3A_1284 : i32 to vector<16xi32>
        %shift_left3A_1286 = arith.shli %get3A_1279, %shift_left3A_1285 : vector<16xi32>
        %bitcast3A_1287 = vector.bitcast %shift_left3A_1286 : vector<16xi32> to vector<16xf32>
        %and3A_1288 = arith.andi %get3A_1276, %broadcast_in_dim3A_22 : vector<16xi32>
        %bitcast3A_1289 = vector.bitcast %and3A_1288 : vector<16xi32> to vector<16xf32>
        %and3A_1290 = arith.andi %get3A_1279, %broadcast_in_dim3A_22 : vector<16xi32>
        %bitcast3A_1291 = vector.bitcast %and3A_1290 : vector<16xi32> to vector<16xf32>
        %mul3A_1292 = arith.mulf %bitcast3A_1283, %bitcast3A_1287 : vector<16xf32>
        %mul3A_1293 = arith.mulf %bitcast3A_1289, %bitcast3A_1291 : vector<16xf32>
        %add3A_1294 = arith.addf %mul3A_1292, %mul3A_1293 : vector<16xf32>
        %add3A_1295 = arith.addf %add3A_1231, %add3A_1252 : vector<16xf32>
        %add3A_1296 = arith.addf %add3A_1273, %add3A_1294 : vector<16xf32>
        %add3A_1297 = arith.addf %add3A_1295, %add3A_1296 : vector<16xf32>
        %swap3A_1298 = arith.constant 192 : index
        %swap3A_1299 = tpu.vector_load %arg16[%swap3A_1298] {strides = array<i32>} : memref<256xf32, #tpu.memory_space<vmem>>, vector<16xf32>,
        tpu.vector_store %arg16[%swap3A_1298], %add3A_1297 {strides = array<i32>} : memref<256xf32, #tpu.memory_space<vmem>>, vector<16xf32>,
        %add3A_1300 = arith.constant 13 : i32
        %add3A_1301 = arith.addi %mul3A_121, %add3A_1300 : i32
        %get3A_1302 = arith.index_cast %add3A_1301 : i32 to index
        %get3A_1303 = arith.constant 0 : index
        %get3A_1304 = tpu.vector_load %arg13[%get3A_1302, %get3A_1303] {strides = array<i32>} : memref<80x64xi32, #tpu.memory_space<vmem>>, vector<16xi32>,
        %get3A_1305 = arith.index_cast %add3A_1301 : i32 to index
        %get3A_1306 = arith.constant 0 : index
        %get3A_1307 = tpu.vector_load %arg14[%get3A_1305, %get3A_1306] {strides = array<i32>} : memref<80x64xi32, #tpu.memory_space<vmem>>, vector<16xi32>,
        %shift_left3A_1308 = arith.constant 16 : i32
        %shift_left3A_1309 = vector.broadcast %shift_left3A_1308 : i32 to vector<16xi32>
        %shift_left3A_1310 = arith.shli %get3A_1304, %shift_left3A_1309 : vector<16xi32>
        %bitcast3A_1311 = vector.bitcast %shift_left3A_1310 : vector<16xi32> to vector<16xf32>
        %shift_left3A_1312 = arith.constant 16 : i32
        %shift_left3A_1313 = vector.broadcast %shift_left3A_1312 : i32 to vector<16xi32>
        %shift_left3A_1314 = arith.shli %get3A_1307, %shift_left3A_1313 : vector<16xi32>
        %bitcast3A_1315 = vector.bitcast %shift_left3A_1314 : vector<16xi32> to vector<16xf32>
        %and3A_1316 = arith.andi %get3A_1304, %broadcast_in_dim3A_22 : vector<16xi32>
        %bitcast3A_1317 = vector.bitcast %and3A_1316 : vector<16xi32> to vector<16xf32>
        %and3A_1318 = arith.andi %get3A_1307, %broadcast_in_dim3A_22 : vector<16xi32>
        %bitcast3A_1319 = vector.bitcast %and3A_1318 : vector<16xi32> to vector<16xf32>
        %mul3A_1320 = arith.mulf %bitcast3A_1311, %bitcast3A_1315 : vector<16xf32>
        %mul3A_1321 = arith.mulf %bitcast3A_1317, %bitcast3A_1319 : vector<16xf32>
        %add3A_1322 = arith.addf %mul3A_1320, %mul3A_1321 : vector<16xf32>
        %get3A_1323 = arith.index_cast %add3A_1301 : i32 to index
        %get3A_1324 = arith.constant 16 : index
        %get3A_1325 = tpu.vector_load %arg13[%get3A_1323, %get3A_1324] {strides = array<i32>} : memref<80x64xi32, #tpu.memory_space<vmem>>, vector<16xi32>,
        %get3A_1326 = arith.index_cast %add3A_1301 : i32 to index
        %get3A_1327 = arith.constant 16 : index
        %get3A_1328 = tpu.vector_load %arg14[%get3A_1326, %get3A_1327] {strides = array<i32>} : memref<80x64xi32, #tpu.memory_space<vmem>>, vector<16xi32>,
        %shift_left3A_1329 = arith.constant 16 : i32
        %shift_left3A_1330 = vector.broadcast %shift_left3A_1329 : i32 to vector<16xi32>
        %shift_left3A_1331 = arith.shli %get3A_1325, %shift_left3A_1330 : vector<16xi32>
        %bitcast3A_1332 = vector.bitcast %shift_left3A_1331 : vector<16xi32> to vector<16xf32>
        %shift_left3A_1333 = arith.constant 16 : i32
        %shift_left3A_1334 = vector.broadcast %shift_left3A_1333 : i32 to vector<16xi32>
        %shift_left3A_1335 = arith.shli %get3A_1328, %shift_left3A_1334 : vector<16xi32>
        %bitcast3A_1336 = vector.bitcast %shift_left3A_1335 : vector<16xi32> to vector<16xf32>
        %and3A_1337 = arith.andi %get3A_1325, %broadcast_in_dim3A_22 : vector<16xi32>
        %bitcast3A_1338 = vector.bitcast %and3A_1337 : vector<16xi32> to vector<16xf32>
        %and3A_1339 = arith.andi %get3A_1328, %broadcast_in_dim3A_22 : vector<16xi32>
        %bitcast3A_1340 = vector.bitcast %and3A_1339 : vector<16xi32> to vector<16xf32>
        %mul3A_1341 = arith.mulf %bitcast3A_1332, %bitcast3A_1336 : vector<16xf32>
        %mul3A_1342 = arith.mulf %bitcast3A_1338, %bitcast3A_1340 : vector<16xf32>
        %add3A_1343 = arith.addf %mul3A_1341, %mul3A_1342 : vector<16xf32>
        %get3A_1344 = arith.index_cast %add3A_1301 : i32 to index
        %get3A_1345 = arith.constant 32 : index
        %get3A_1346 = tpu.vector_load %arg13[%get3A_1344, %get3A_1345] {strides = array<i32>} : memref<80x64xi32, #tpu.memory_space<vmem>>, vector<16xi32>,
        %get3A_1347 = arith.index_cast %add3A_1301 : i32 to index
        %get3A_1348 = arith.constant 32 : index
        %get3A_1349 = tpu.vector_load %arg14[%get3A_1347, %get3A_1348] {strides = array<i32>} : memref<80x64xi32, #tpu.memory_space<vmem>>, vector<16xi32>,
        %shift_left3A_1350 = arith.constant 16 : i32
        %shift_left3A_1351 = vector.broadcast %shift_left3A_1350 : i32 to vector<16xi32>
        %shift_left3A_1352 = arith.shli %get3A_1346, %shift_left3A_1351 : vector<16xi32>
        %bitcast3A_1353 = vector.bitcast %shift_left3A_1352 : vector<16xi32> to vector<16xf32>
        %shift_left3A_1354 = arith.constant 16 : i32
        %shift_left3A_1355 = vector.broadcast %shift_left3A_1354 : i32 to vector<16xi32>
        %shift_left3A_1356 = arith.shli %get3A_1349, %shift_left3A_1355 : vector<16xi32>
        %bitcast3A_1357 = vector.bitcast %shift_left3A_1356 : vector<16xi32> to vector<16xf32>
        %and3A_1358 = arith.andi %get3A_1346, %broadcast_in_dim3A_22 : vector<16xi32>
        %bitcast3A_1359 = vector.bitcast %and3A_1358 : vector<16xi32> to vector<16xf32>
        %and3A_1360 = arith.andi %get3A_1349, %broadcast_in_dim3A_22 : vector<16xi32>
        %bitcast3A_1361 = vector.bitcast %and3A_1360 : vector<16xi32> to vector<16xf32>
        %mul3A_1362 = arith.mulf %bitcast3A_1353, %bitcast3A_1357 : vector<16xf32>
        %mul3A_1363 = arith.mulf %bitcast3A_1359, %bitcast3A_1361 : vector<16xf32>
        %add3A_1364 = arith.addf %mul3A_1362, %mul3A_1363 : vector<16xf32>
        %get3A_1365 = arith.index_cast %add3A_1301 : i32 to index
        %get3A_1366 = arith.constant 48 : index
        %get3A_1367 = tpu.vector_load %arg13[%get3A_1365, %get3A_1366] {strides = array<i32>} : memref<80x64xi32, #tpu.memory_space<vmem>>, vector<16xi32>,
        %get3A_1368 = arith.index_cast %add3A_1301 : i32 to index
        %get3A_1369 = arith.constant 48 : index
        %get3A_1370 = tpu.vector_load %arg14[%get3A_1368, %get3A_1369] {strides = array<i32>} : memref<80x64xi32, #tpu.memory_space<vmem>>, vector<16xi32>,
        %shift_left3A_1371 = arith.constant 16 : i32
        %shift_left3A_1372 = vector.broadcast %shift_left3A_1371 : i32 to vector<16xi32>
        %shift_left3A_1373 = arith.shli %get3A_1367, %shift_left3A_1372 : vector<16xi32>
        %bitcast3A_1374 = vector.bitcast %shift_left3A_1373 : vector<16xi32> to vector<16xf32>
        %shift_left3A_1375 = arith.constant 16 : i32
        %shift_left3A_1376 = vector.broadcast %shift_left3A_1375 : i32 to vector<16xi32>
        %shift_left3A_1377 = arith.shli %get3A_1370, %shift_left3A_1376 : vector<16xi32>
        %bitcast3A_1378 = vector.bitcast %shift_left3A_1377 : vector<16xi32> to vector<16xf32>
        %and3A_1379 = arith.andi %get3A_1367, %broadcast_in_dim3A_22 : vector<16xi32>
        %bitcast3A_1380 = vector.bitcast %and3A_1379 : vector<16xi32> to vector<16xf32>
        %and3A_1381 = arith.andi %get3A_1370, %broadcast_in_dim3A_22 : vector<16xi32>
        %bitcast3A_1382 = vector.bitcast %and3A_1381 : vector<16xi32> to vector<16xf32>
        %mul3A_1383 = arith.mulf %bitcast3A_1374, %bitcast3A_1378 : vector<16xf32>
        %mul3A_1384 = arith.mulf %bitcast3A_1380, %bitcast3A_1382 : vector<16xf32>
        %add3A_1385 = arith.addf %mul3A_1383, %mul3A_1384 : vector<16xf32>
        %add3A_1386 = arith.addf %add3A_1322, %add3A_1343 : vector<16xf32>
        %add3A_1387 = arith.addf %add3A_1364, %add3A_1385 : vector<16xf32>
        %add3A_1388 = arith.addf %add3A_1386, %add3A_1387 : vector<16xf32>
        %swap3A_1389 = arith.constant 208 : index
        %swap3A_1390 = tpu.vector_load %arg16[%swap3A_1389] {strides = array<i32>} : memref<256xf32, #tpu.memory_space<vmem>>, vector<16xf32>,
        tpu.vector_store %arg16[%swap3A_1389], %add3A_1388 {strides = array<i32>} : memref<256xf32, #tpu.memory_space<vmem>>, vector<16xf32>,
        %add3A_1391 = arith.constant 14 : i32
        %add3A_1392 = arith.addi %mul3A_121, %add3A_1391 : i32
        %get3A_1393 = arith.index_cast %add3A_1392 : i32 to index
        %get3A_1394 = arith.constant 0 : index
        %get3A_1395 = tpu.vector_load %arg13[%get3A_1393, %get3A_1394] {strides = array<i32>} : memref<80x64xi32, #tpu.memory_space<vmem>>, vector<16xi32>,
        %get3A_1396 = arith.index_cast %add3A_1392 : i32 to index
        %get3A_1397 = arith.constant 0 : index
        %get3A_1398 = tpu.vector_load %arg14[%get3A_1396, %get3A_1397] {strides = array<i32>} : memref<80x64xi32, #tpu.memory_space<vmem>>, vector<16xi32>,
        %shift_left3A_1399 = arith.constant 16 : i32
        %shift_left3A_1400 = vector.broadcast %shift_left3A_1399 : i32 to vector<16xi32>
        %shift_left3A_1401 = arith.shli %get3A_1395, %shift_left3A_1400 : vector<16xi32>
        %bitcast3A_1402 = vector.bitcast %shift_left3A_1401 : vector<16xi32> to vector<16xf32>
        %shift_left3A_1403 = arith.constant 16 : i32
        %shift_left3A_1404 = vector.broadcast %shift_left3A_1403 : i32 to vector<16xi32>
        %shift_left3A_1405 = arith.shli %get3A_1398, %shift_left3A_1404 : vector<16xi32>
        %bitcast3A_1406 = vector.bitcast %shift_left3A_1405 : vector<16xi32> to vector<16xf32>
        %and3A_1407 = arith.andi %get3A_1395, %broadcast_in_dim3A_22 : vector<16xi32>
        %bitcast3A_1408 = vector.bitcast %and3A_1407 : vector<16xi32> to vector<16xf32>
        %and3A_1409 = arith.andi %get3A_1398, %broadcast_in_dim3A_22 : vector<16xi32>
        %bitcast3A_1410 = vector.bitcast %and3A_1409 : vector<16xi32> to vector<16xf32>
        %mul3A_1411 = arith.mulf %bitcast3A_1402, %bitcast3A_1406 : vector<16xf32>
        %mul3A_1412 = arith.mulf %bitcast3A_1408, %bitcast3A_1410 : vector<16xf32>
        %add3A_1413 = arith.addf %mul3A_1411, %mul3A_1412 : vector<16xf32>
        %get3A_1414 = arith.index_cast %add3A_1392 : i32 to index
        %get3A_1415 = arith.constant 16 : index
        %get3A_1416 = tpu.vector_load %arg13[%get3A_1414, %get3A_1415] {strides = array<i32>} : memref<80x64xi32, #tpu.memory_space<vmem>>, vector<16xi32>,
        %get3A_1417 = arith.index_cast %add3A_1392 : i32 to index
        %get3A_1418 = arith.constant 16 : index
        %get3A_1419 = tpu.vector_load %arg14[%get3A_1417, %get3A_1418] {strides = array<i32>} : memref<80x64xi32, #tpu.memory_space<vmem>>, vector<16xi32>,
        %shift_left3A_1420 = arith.constant 16 : i32
        %shift_left3A_1421 = vector.broadcast %shift_left3A_1420 : i32 to vector<16xi32>
        %shift_left3A_1422 = arith.shli %get3A_1416, %shift_left3A_1421 : vector<16xi32>
        %bitcast3A_1423 = vector.bitcast %shift_left3A_1422 : vector<16xi32> to vector<16xf32>
        %shift_left3A_1424 = arith.constant 16 : i32
        %shift_left3A_1425 = vector.broadcast %shift_left3A_1424 : i32 to vector<16xi32>
        %shift_left3A_1426 = arith.shli %get3A_1419, %shift_left3A_1425 : vector<16xi32>
        %bitcast3A_1427 = vector.bitcast %shift_left3A_1426 : vector<16xi32> to vector<16xf32>
        %and3A_1428 = arith.andi %get3A_1416, %broadcast_in_dim3A_22 : vector<16xi32>
        %bitcast3A_1429 = vector.bitcast %and3A_1428 : vector<16xi32> to vector<16xf32>
        %and3A_1430 = arith.andi %get3A_1419, %broadcast_in_dim3A_22 : vector<16xi32>
        %bitcast3A_1431 = vector.bitcast %and3A_1430 : vector<16xi32> to vector<16xf32>
        %mul3A_1432 = arith.mulf %bitcast3A_1423, %bitcast3A_1427 : vector<16xf32>
        %mul3A_1433 = arith.mulf %bitcast3A_1429, %bitcast3A_1431 : vector<16xf32>
        %add3A_1434 = arith.addf %mul3A_1432, %mul3A_1433 : vector<16xf32>
        %get3A_1435 = arith.index_cast %add3A_1392 : i32 to index
        %get3A_1436 = arith.constant 32 : index
        %get3A_1437 = tpu.vector_load %arg13[%get3A_1435, %get3A_1436] {strides = array<i32>} : memref<80x64xi32, #tpu.memory_space<vmem>>, vector<16xi32>,
        %get3A_1438 = arith.index_cast %add3A_1392 : i32 to index
        %get3A_1439 = arith.constant 32 : index
        %get3A_1440 = tpu.vector_load %arg14[%get3A_1438, %get3A_1439] {strides = array<i32>} : memref<80x64xi32, #tpu.memory_space<vmem>>, vector<16xi32>,
        %shift_left3A_1441 = arith.constant 16 : i32
        %shift_left3A_1442 = vector.broadcast %shift_left3A_1441 : i32 to vector<16xi32>
        %shift_left3A_1443 = arith.shli %get3A_1437, %shift_left3A_1442 : vector<16xi32>
        %bitcast3A_1444 = vector.bitcast %shift_left3A_1443 : vector<16xi32> to vector<16xf32>
        %shift_left3A_1445 = arith.constant 16 : i32
        %shift_left3A_1446 = vector.broadcast %shift_left3A_1445 : i32 to vector<16xi32>
        %shift_left3A_1447 = arith.shli %get3A_1440, %shift_left3A_1446 : vector<16xi32>
        %bitcast3A_1448 = vector.bitcast %shift_left3A_1447 : vector<16xi32> to vector<16xf32>
        %and3A_1449 = arith.andi %get3A_1437, %broadcast_in_dim3A_22 : vector<16xi32>
        %bitcast3A_1450 = vector.bitcast %and3A_1449 : vector<16xi32> to vector<16xf32>
        %and3A_1451 = arith.andi %get3A_1440, %broadcast_in_dim3A_22 : vector<16xi32>
        %bitcast3A_1452 = vector.bitcast %and3A_1451 : vector<16xi32> to vector<16xf32>
        %mul3A_1453 = arith.mulf %bitcast3A_1444, %bitcast3A_1448 : vector<16xf32>
        %mul3A_1454 = arith.mulf %bitcast3A_1450, %bitcast3A_1452 : vector<16xf32>
        %add3A_1455 = arith.addf %mul3A_1453, %mul3A_1454 : vector<16xf32>
        %get3A_1456 = arith.index_cast %add3A_1392 : i32 to index
        %get3A_1457 = arith.constant 48 : index
        %get3A_1458 = tpu.vector_load %arg13[%get3A_1456, %get3A_1457] {strides = array<i32>} : memref<80x64xi32, #tpu.memory_space<vmem>>, vector<16xi32>,
        %get3A_1459 = arith.index_cast %add3A_1392 : i32 to index
        %get3A_1460 = arith.constant 48 : index
        %get3A_1461 = tpu.vector_load %arg14[%get3A_1459, %get3A_1460] {strides = array<i32>} : memref<80x64xi32, #tpu.memory_space<vmem>>, vector<16xi32>,
        %shift_left3A_1462 = arith.constant 16 : i32
        %shift_left3A_1463 = vector.broadcast %shift_left3A_1462 : i32 to vector<16xi32>
        %shift_left3A_1464 = arith.shli %get3A_1458, %shift_left3A_1463 : vector<16xi32>
        %bitcast3A_1465 = vector.bitcast %shift_left3A_1464 : vector<16xi32> to vector<16xf32>
        %shift_left3A_1466 = arith.constant 16 : i32
        %shift_left3A_1467 = vector.broadcast %shift_left3A_1466 : i32 to vector<16xi32>
        %shift_left3A_1468 = arith.shli %get3A_1461, %shift_left3A_1467 : vector<16xi32>
        %bitcast3A_1469 = vector.bitcast %shift_left3A_1468 : vector<16xi32> to vector<16xf32>
        %and3A_1470 = arith.andi %get3A_1458, %broadcast_in_dim3A_22 : vector<16xi32>
        %bitcast3A_1471 = vector.bitcast %and3A_1470 : vector<16xi32> to vector<16xf32>
        %and3A_1472 = arith.andi %get3A_1461, %broadcast_in_dim3A_22 : vector<16xi32>
        %bitcast3A_1473 = vector.bitcast %and3A_1472 : vector<16xi32> to vector<16xf32>
        %mul3A_1474 = arith.mulf %bitcast3A_1465, %bitcast3A_1469 : vector<16xf32>
        %mul3A_1475 = arith.mulf %bitcast3A_1471, %bitcast3A_1473 : vector<16xf32>
        %add3A_1476 = arith.addf %mul3A_1474, %mul3A_1475 : vector<16xf32>
        %add3A_1477 = arith.addf %add3A_1413, %add3A_1434 : vector<16xf32>
        %add3A_1478 = arith.addf %add3A_1455, %add3A_1476 : vector<16xf32>
        %add3A_1479 = arith.addf %add3A_1477, %add3A_1478 : vector<16xf32>
        %swap3A_1480 = arith.constant 224 : index
        %swap3A_1481 = tpu.vector_load %arg16[%swap3A_1480] {strides = array<i32>} : memref<256xf32, #tpu.memory_space<vmem>>, vector<16xf32>,
        tpu.vector_store %arg16[%swap3A_1480], %add3A_1479 {strides = array<i32>} : memref<256xf32, #tpu.memory_space<vmem>>, vector<16xf32>,
        %add3A_1482 = arith.constant 15 : i32
        %add3A_1483 = arith.addi %mul3A_121, %add3A_1482 : i32
        %get3A_1484 = arith.index_cast %add3A_1483 : i32 to index
        %get3A_1485 = arith.constant 0 : index
        %get3A_1486 = tpu.vector_load %arg13[%get3A_1484, %get3A_1485] {strides = array<i32>} : memref<80x64xi32, #tpu.memory_space<vmem>>, vector<16xi32>,
        %get3A_1487 = arith.index_cast %add3A_1483 : i32 to index
        %get3A_1488 = arith.constant 0 : index
        %get3A_1489 = tpu.vector_load %arg14[%get3A_1487, %get3A_1488] {strides = array<i32>} : memref<80x64xi32, #tpu.memory_space<vmem>>, vector<16xi32>,
        %shift_left3A_1490 = arith.constant 16 : i32
        %shift_left3A_1491 = vector.broadcast %shift_left3A_1490 : i32 to vector<16xi32>
        %shift_left3A_1492 = arith.shli %get3A_1486, %shift_left3A_1491 : vector<16xi32>
        %bitcast3A_1493 = vector.bitcast %shift_left3A_1492 : vector<16xi32> to vector<16xf32>
        %shift_left3A_1494 = arith.constant 16 : i32
        %shift_left3A_1495 = vector.broadcast %shift_left3A_1494 : i32 to vector<16xi32>
        %shift_left3A_1496 = arith.shli %get3A_1489, %shift_left3A_1495 : vector<16xi32>
        %bitcast3A_1497 = vector.bitcast %shift_left3A_1496 : vector<16xi32> to vector<16xf32>
        %and3A_1498 = arith.andi %get3A_1486, %broadcast_in_dim3A_22 : vector<16xi32>
        %bitcast3A_1499 = vector.bitcast %and3A_1498 : vector<16xi32> to vector<16xf32>
        %and3A_1500 = arith.andi %get3A_1489, %broadcast_in_dim3A_22 : vector<16xi32>
        %bitcast3A_1501 = vector.bitcast %and3A_1500 : vector<16xi32> to vector<16xf32>
        %mul3A_1502 = arith.mulf %bitcast3A_1493, %bitcast3A_1497 : vector<16xf32>
        %mul3A_1503 = arith.mulf %bitcast3A_1499, %bitcast3A_1501 : vector<16xf32>
        %add3A_1504 = arith.addf %mul3A_1502, %mul3A_1503 : vector<16xf32>
        %get3A_1505 = arith.index_cast %add3A_1483 : i32 to index
        %get3A_1506 = arith.constant 16 : index
        %get3A_1507 = tpu.vector_load %arg13[%get3A_1505, %get3A_1506] {strides = array<i32>} : memref<80x64xi32, #tpu.memory_space<vmem>>, vector<16xi32>,
        %get3A_1508 = arith.index_cast %add3A_1483 : i32 to index
        %get3A_1509 = arith.constant 16 : index
        %get3A_1510 = tpu.vector_load %arg14[%get3A_1508, %get3A_1509] {strides = array<i32>} : memref<80x64xi32, #tpu.memory_space<vmem>>, vector<16xi32>,
        %shift_left3A_1511 = arith.constant 16 : i32
        %shift_left3A_1512 = vector.broadcast %shift_left3A_1511 : i32 to vector<16xi32>
        %shift_left3A_1513 = arith.shli %get3A_1507, %shift_left3A_1512 : vector<16xi32>
        %bitcast3A_1514 = vector.bitcast %shift_left3A_1513 : vector<16xi32> to vector<16xf32>
        %shift_left3A_1515 = arith.constant 16 : i32
        %shift_left3A_1516 = vector.broadcast %shift_left3A_1515 : i32 to vector<16xi32>
        %shift_left3A_1517 = arith.shli %get3A_1510, %shift_left3A_1516 : vector<16xi32>
        %bitcast3A_1518 = vector.bitcast %shift_left3A_1517 : vector<16xi32> to vector<16xf32>
        %and3A_1519 = arith.andi %get3A_1507, %broadcast_in_dim3A_22 : vector<16xi32>
        %bitcast3A_1520 = vector.bitcast %and3A_1519 : vector<16xi32> to vector<16xf32>
        %and3A_1521 = arith.andi %get3A_1510, %broadcast_in_dim3A_22 : vector<16xi32>
        %bitcast3A_1522 = vector.bitcast %and3A_1521 : vector<16xi32> to vector<16xf32>
        %mul3A_1523 = arith.mulf %bitcast3A_1514, %bitcast3A_1518 : vector<16xf32>
        %mul3A_1524 = arith.mulf %bitcast3A_1520, %bitcast3A_1522 : vector<16xf32>
        %add3A_1525 = arith.addf %mul3A_1523, %mul3A_1524 : vector<16xf32>
        %get3A_1526 = arith.index_cast %add3A_1483 : i32 to index
        %get3A_1527 = arith.constant 32 : index
        %get3A_1528 = tpu.vector_load %arg13[%get3A_1526, %get3A_1527] {strides = array<i32>} : memref<80x64xi32, #tpu.memory_space<vmem>>, vector<16xi32>,
        %get3A_1529 = arith.index_cast %add3A_1483 : i32 to index
        %get3A_1530 = arith.constant 32 : index
        %get3A_1531 = tpu.vector_load %arg14[%get3A_1529, %get3A_1530] {strides = array<i32>} : memref<80x64xi32, #tpu.memory_space<vmem>>, vector<16xi32>,
        %shift_left3A_1532 = arith.constant 16 : i32
        %shift_left3A_1533 = vector.broadcast %shift_left3A_1532 : i32 to vector<16xi32>
        %shift_left3A_1534 = arith.shli %get3A_1528, %shift_left3A_1533 : vector<16xi32>
        %bitcast3A_1535 = vector.bitcast %shift_left3A_1534 : vector<16xi32> to vector<16xf32>
        %shift_left3A_1536 = arith.constant 16 : i32
        %shift_left3A_1537 = vector.broadcast %shift_left3A_1536 : i32 to vector<16xi32>
        %shift_left3A_1538 = arith.shli %get3A_1531, %shift_left3A_1537 : vector<16xi32>
        %bitcast3A_1539 = vector.bitcast %shift_left3A_1538 : vector<16xi32> to vector<16xf32>
        %and3A_1540 = arith.andi %get3A_1528, %broadcast_in_dim3A_22 : vector<16xi32>
        %bitcast3A_1541 = vector.bitcast %and3A_1540 : vector<16xi32> to vector<16xf32>
        %and3A_1542 = arith.andi %get3A_1531, %broadcast_in_dim3A_22 : vector<16xi32>
        %bitcast3A_1543 = vector.bitcast %and3A_1542 : vector<16xi32> to vector<16xf32>
        %mul3A_1544 = arith.mulf %bitcast3A_1535, %bitcast3A_1539 : vector<16xf32>
        %mul3A_1545 = arith.mulf %bitcast3A_1541, %bitcast3A_1543 : vector<16xf32>
        %add3A_1546 = arith.addf %mul3A_1544, %mul3A_1545 : vector<16xf32>
        %get3A_1547 = arith.index_cast %add3A_1483 : i32 to index
        %get3A_1548 = arith.constant 48 : index
        %get3A_1549 = tpu.vector_load %arg13[%get3A_1547, %get3A_1548] {strides = array<i32>} : memref<80x64xi32, #tpu.memory_space<vmem>>, vector<16xi32>,
        %get3A_1550 = arith.index_cast %add3A_1483 : i32 to index
        %get3A_1551 = arith.constant 48 : index
        %get3A_1552 = tpu.vector_load %arg14[%get3A_1550, %get3A_1551] {strides = array<i32>} : memref<80x64xi32, #tpu.memory_space<vmem>>, vector<16xi32>,
        %shift_left3A_1553 = arith.constant 16 : i32
        %shift_left3A_1554 = vector.broadcast %shift_left3A_1553 : i32 to vector<16xi32>
        %shift_left3A_1555 = arith.shli %get3A_1549, %shift_left3A_1554 : vector<16xi32>
        %bitcast3A_1556 = vector.bitcast %shift_left3A_1555 : vector<16xi32> to vector<16xf32>
        %shift_left3A_1557 = arith.constant 16 : i32
        %shift_left3A_1558 = vector.broadcast %shift_left3A_1557 : i32 to vector<16xi32>
        %shift_left3A_1559 = arith.shli %get3A_1552, %shift_left3A_1558 : vector<16xi32>
        %bitcast3A_1560 = vector.bitcast %shift_left3A_1559 : vector<16xi32> to vector<16xf32>
        %and3A_1561 = arith.andi %get3A_1549, %broadcast_in_dim3A_22 : vector<16xi32>
        %bitcast3A_1562 = vector.bitcast %and3A_1561 : vector<16xi32> to vector<16xf32>
        %and3A_1563 = arith.andi %get3A_1552, %broadcast_in_dim3A_22 : vector<16xi32>
        %bitcast3A_1564 = vector.bitcast %and3A_1563 : vector<16xi32> to vector<16xf32>
        %mul3A_1565 = arith.mulf %bitcast3A_1556, %bitcast3A_1560 : vector<16xf32>
        %mul3A_1566 = arith.mulf %bitcast3A_1562, %bitcast3A_1564 : vector<16xf32>
        %add3A_1567 = arith.addf %mul3A_1565, %mul3A_1566 : vector<16xf32>
        %add3A_1568 = arith.addf %add3A_1504, %add3A_1525 : vector<16xf32>
        %add3A_1569 = arith.addf %add3A_1546, %add3A_1567 : vector<16xf32>
        %add3A_1570 = arith.addf %add3A_1568, %add3A_1569 : vector<16xf32>
        %swap3A_1571 = arith.constant 240 : index
        %swap3A_1572 = tpu.vector_load %arg16[%swap3A_1571] {strides = array<i32>} : memref<256xf32, #tpu.memory_space<vmem>>, vector<16xf32>,
        tpu.vector_store %arg16[%swap3A_1571], %add3A_1570 {strides = array<i32>} : memref<256xf32, #tpu.memory_space<vmem>>, vector<16xf32>,
        %add3A_1573 = arith.constant 0 : i32
        %add3A_1574 = vector.broadcast %add3A_1573 : i32 to vector<16xi32>
        %add3A_1575 = arith.addi %mul3A_21, %add3A_1574 : vector<16xi32>
        %gather3A = tpu.vector_load_idx %arg16[%add3A_1575] : memref<256xf32, #tpu.memory_space<vmem>>[vector<16xi32>], vector<16xf32>,
        %add3A_1576 = arith.constant 1 : i32
        %add3A_1577 = vector.broadcast %add3A_1576 : i32 to vector<16xi32>
        %add3A_1578 = arith.addi %mul3A_21, %add3A_1577 : vector<16xi32>
        %gather3A_1579 = tpu.vector_load_idx %arg16[%add3A_1578] : memref<256xf32, #tpu.memory_space<vmem>>[vector<16xi32>], vector<16xf32>,
        %add3A_1580 = arith.constant 2 : i32
        %add3A_1581 = vector.broadcast %add3A_1580 : i32 to vector<16xi32>
        %add3A_1582 = arith.addi %mul3A_21, %add3A_1581 : vector<16xi32>
        %gather3A_1583 = tpu.vector_load_idx %arg16[%add3A_1582] : memref<256xf32, #tpu.memory_space<vmem>>[vector<16xi32>], vector<16xf32>,
        %add3A_1584 = arith.constant 3 : i32
        %add3A_1585 = vector.broadcast %add3A_1584 : i32 to vector<16xi32>
        %add3A_1586 = arith.addi %mul3A_21, %add3A_1585 : vector<16xi32>
        %gather3A_1587 = tpu.vector_load_idx %arg16[%add3A_1586] : memref<256xf32, #tpu.memory_space<vmem>>[vector<16xi32>], vector<16xf32>,
        %add3A_1588 = arith.constant 4 : i32
        %add3A_1589 = vector.broadcast %add3A_1588 : i32 to vector<16xi32>
        %add3A_1590 = arith.addi %mul3A_21, %add3A_1589 : vector<16xi32>
        %gather3A_1591 = tpu.vector_load_idx %arg16[%add3A_1590] : memref<256xf32, #tpu.memory_space<vmem>>[vector<16xi32>], vector<16xf32>,
        %add3A_1592 = arith.constant 5 : i32
        %add3A_1593 = vector.broadcast %add3A_1592 : i32 to vector<16xi32>
        %add3A_1594 = arith.addi %mul3A_21, %add3A_1593 : vector<16xi32>
        %gather3A_1595 = tpu.vector_load_idx %arg16[%add3A_1594] : memref<256xf32, #tpu.memory_space<vmem>>[vector<16xi32>], vector<16xf32>,
        %add3A_1596 = arith.constant 6 : i32
        %add3A_1597 = vector.broadcast %add3A_1596 : i32 to vector<16xi32>
        %add3A_1598 = arith.addi %mul3A_21, %add3A_1597 : vector<16xi32>
        %gather3A_1599 = tpu.vector_load_idx %arg16[%add3A_1598] : memref<256xf32, #tpu.memory_space<vmem>>[vector<16xi32>], vector<16xf32>,
        %add3A_1600 = arith.constant 7 : i32
        %add3A_1601 = vector.broadcast %add3A_1600 : i32 to vector<16xi32>
        %add3A_1602 = arith.addi %mul3A_21, %add3A_1601 : vector<16xi32>
        %gather3A_1603 = tpu.vector_load_idx %arg16[%add3A_1602] : memref<256xf32, #tpu.memory_space<vmem>>[vector<16xi32>], vector<16xf32>,
        %add3A_1604 = arith.constant 8 : i32
        %add3A_1605 = vector.broadcast %add3A_1604 : i32 to vector<16xi32>
        %add3A_1606 = arith.addi %mul3A_21, %add3A_1605 : vector<16xi32>
        %gather3A_1607 = tpu.vector_load_idx %arg16[%add3A_1606] : memref<256xf32, #tpu.memory_space<vmem>>[vector<16xi32>], vector<16xf32>,
        %add3A_1608 = arith.constant 9 : i32
        %add3A_1609 = vector.broadcast %add3A_1608 : i32 to vector<16xi32>
        %add3A_1610 = arith.addi %mul3A_21, %add3A_1609 : vector<16xi32>
        %gather3A_1611 = tpu.vector_load_idx %arg16[%add3A_1610] : memref<256xf32, #tpu.memory_space<vmem>>[vector<16xi32>], vector<16xf32>,
        %add3A_1612 = arith.constant 10 : i32
        %add3A_1613 = vector.broadcast %add3A_1612 : i32 to vector<16xi32>
        %add3A_1614 = arith.addi %mul3A_21, %add3A_1613 : vector<16xi32>
        %gather3A_1615 = tpu.vector_load_idx %arg16[%add3A_1614] : memref<256xf32, #tpu.memory_space<vmem>>[vector<16xi32>], vector<16xf32>,
        %add3A_1616 = arith.constant 11 : i32
        %add3A_1617 = vector.broadcast %add3A_1616 : i32 to vector<16xi32>
        %add3A_1618 = arith.addi %mul3A_21, %add3A_1617 : vector<16xi32>
        %gather3A_1619 = tpu.vector_load_idx %arg16[%add3A_1618] : memref<256xf32, #tpu.memory_space<vmem>>[vector<16xi32>], vector<16xf32>,
        %add3A_1620 = arith.constant 12 : i32
        %add3A_1621 = vector.broadcast %add3A_1620 : i32 to vector<16xi32>
        %add3A_1622 = arith.addi %mul3A_21, %add3A_1621 : vector<16xi32>
        %gather3A_1623 = tpu.vector_load_idx %arg16[%add3A_1622] : memref<256xf32, #tpu.memory_space<vmem>>[vector<16xi32>], vector<16xf32>,
        %add3A_1624 = arith.constant 13 : i32
        %add3A_1625 = vector.broadcast %add3A_1624 : i32 to vector<16xi32>
        %add3A_1626 = arith.addi %mul3A_21, %add3A_1625 : vector<16xi32>
        %gather3A_1627 = tpu.vector_load_idx %arg16[%add3A_1626] : memref<256xf32, #tpu.memory_space<vmem>>[vector<16xi32>], vector<16xf32>,
        %add3A_1628 = arith.constant 14 : i32
        %add3A_1629 = vector.broadcast %add3A_1628 : i32 to vector<16xi32>
        %add3A_1630 = arith.addi %mul3A_21, %add3A_1629 : vector<16xi32>
        %gather3A_1631 = tpu.vector_load_idx %arg16[%add3A_1630] : memref<256xf32, #tpu.memory_space<vmem>>[vector<16xi32>], vector<16xf32>,
        %add3A_1632 = arith.constant 15 : i32
        %add3A_1633 = vector.broadcast %add3A_1632 : i32 to vector<16xi32>
        %add3A_1634 = arith.addi %mul3A_21, %add3A_1633 : vector<16xi32>
        %gather3A_1635 = tpu.vector_load_idx %arg16[%add3A_1634] : memref<256xf32, #tpu.memory_space<vmem>>[vector<16xi32>], vector<16xf32>,
        %add3A_1636 = arith.addf %gather3A, %gather3A_1579 : vector<16xf32>
        %add3A_1637 = arith.addf %gather3A_1583, %gather3A_1587 : vector<16xf32>
        %add3A_1638 = arith.addf %gather3A_1591, %gather3A_1595 : vector<16xf32>
        %add3A_1639 = arith.addf %gather3A_1599, %gather3A_1603 : vector<16xf32>
        %add3A_1640 = arith.addf %gather3A_1607, %gather3A_1611 : vector<16xf32>
        %add3A_1641 = arith.addf %gather3A_1615, %gather3A_1619 : vector<16xf32>
        %add3A_1642 = arith.addf %gather3A_1623, %gather3A_1627 : vector<16xf32>
        %add3A_1643 = arith.addf %gather3A_1631, %gather3A_1635 : vector<16xf32>
        %add3A_1644 = arith.addf %add3A_1636, %add3A_1637 : vector<16xf32>
        %add3A_1645 = arith.addf %add3A_1638, %add3A_1639 : vector<16xf32>
        %add3A_1646 = arith.addf %add3A_1640, %add3A_1641 : vector<16xf32>
        %add3A_1647 = arith.addf %add3A_1642, %add3A_1643 : vector<16xf32>
        %add3A_1648 = arith.addf %add3A_1644, %add3A_1645 : vector<16xf32>
        %add3A_1649 = arith.addf %add3A_1646, %add3A_1647 : vector<16xf32>
        %add3A_1650 = arith.addf %add3A_1648, %add3A_1649 : vector<16xf32>
        %add3A_1651 = arith.addi %mul3A_112, %mul3A_121 : i32
        %swap3A_1652 = arith.index_cast %add3A_1651 : i32 to index
        %swap3A_1653 = tpu.vector_load %arg17[%swap3A_1652] {strides = array<i32>} : memref<10000xf32, #tpu.memory_space<vmem>>, vector<16xf32>,
        tpu.vector_store %arg17[%swap3A_1652], %add3A_1650 {strides = array<i32>} : memref<10000xf32, #tpu.memory_space<vmem>>, vector<16xf32>,
      }
      %scan3A_118 = arith.constant 5 : i32
    }
    %scan3A_37 = arith.constant 62 : i32
    %dma_wait3A_38 = arith.constant 0 : i32
    %dma_wait3A_39 = tpu.memref_slice %arg9[%dma_wait3A_38] : memref<10000xi32, #tpu.memory_space<vmem>> -> memref<80xi32, #tpu.memory_space<vmem>>
    %dma_wait3A_40 = arith.constant 0 : i32
    %dma_wait3A_41 = arith.constant 0 : i32
    %dma_wait3A_42 = tpu.memref_slice %arg7[%dma_wait3A_40, %dma_wait3A_41] : memref<10000x64xi32, #tpu.memory_space<vmem_shared>> -> memref<10000x64xi32, #tpu.memory_space<vmem_shared>>
    tpu.wait_indirect_dma semaphore(%arg18 : memref<!tpu.dma_semaphore, #tpu.memory_space<semaphore_mem>>) src(%dma_wait3A_42 : memref<10000x64xi32, #tpu.memory_space<vmem_shared>>) dst(%arg11 : memref<80x64xi32, #tpu.memory_space<vmem>>)
    %dma_wait3A_43 = arith.constant 0 : i32
    %dma_wait3A_44 = tpu.memref_slice %arg10[%dma_wait3A_43] : memref<10000xi32, #tpu.memory_space<vmem>> -> memref<80xi32, #tpu.memory_space<vmem>>
    %dma_wait3A_45 = arith.constant 0 : i32
    %dma_wait3A_46 = arith.constant 0 : i32
    %dma_wait3A_47 = tpu.memref_slice %arg8[%dma_wait3A_45, %dma_wait3A_46] : memref<10000x64xi32, #tpu.memory_space<vmem_shared>> -> memref<10000x64xi32, #tpu.memory_space<vmem_shared>>
    tpu.wait_indirect_dma semaphore(%arg19 : memref<!tpu.dma_semaphore, #tpu.memory_space<semaphore_mem>>) src(%dma_wait3A_47 : memref<10000x64xi32, #tpu.memory_space<vmem_shared>>) dst(%arg12 : memref<80x64xi32, #tpu.memory_space<vmem>>)
    %scan3A_48 = arith.constant 0 : i32
    %scan3A_49 = arith.constant 0 : i32
    %scan3A_50 = arith.constant 5 : i32
    %scan3A_51 = arith.addi %scan3A_49, %scan3A_50 : i32
    %scan3A_52 = arith.constant 1 : i32
    scf.for %scan3A_54 = %scan3A_49 to %scan3A_51 step %scan3A_52  : i32 {
      %mul3A_55 = arith.constant 16 : i32
      %mul3A_56 = arith.muli %scan3A_54, %mul3A_55 : i32
      %add3A_57 = arith.constant 0 : i32
      %add3A_58 = arith.addi %mul3A_56, %add3A_57 : i32
      %get3A = arith.index_cast %add3A_58 : i32 to index
      %get3A_59 = arith.constant 0 : index
      %get3A_60 = tpu.vector_load %arg11[%get3A, %get3A_59] {strides = array<i32>} : memref<80x64xi32, #tpu.memory_space<vmem>>, vector<16xi32>,
      %get3A_61 = arith.index_cast %add3A_58 : i32 to index
      %get3A_62 = arith.constant 0 : index
      %get3A_63 = tpu.vector_load %arg12[%get3A_61, %get3A_62] {strides = array<i32>} : memref<80x64xi32, #tpu.memory_space<vmem>>, vector<16xi32>,
      %shift_left3A = arith.constant 16 : i32
      %shift_left3A_64 = vector.broadcast %shift_left3A : i32 to vector<16xi32>
      %shift_left3A_65 = arith.shli %get3A_60, %shift_left3A_64 : vector<16xi32>
      %bitcast3A = vector.bitcast %shift_left3A_65 : vector<16xi32> to vector<16xf32>
      %shift_left3A_66 = arith.constant 16 : i32
      %shift_left3A_67 = vector.broadcast %shift_left3A_66 : i32 to vector<16xi32>
      %shift_left3A_68 = arith.shli %get3A_63, %shift_left3A_67 : vector<16xi32>
      %bitcast3A_69 = vector.bitcast %shift_left3A_68 : vector<16xi32> to vector<16xf32>
      %and3A = arith.andi %get3A_60, %broadcast_in_dim3A_22 : vector<16xi32>
      %bitcast3A_70 = vector.bitcast %and3A : vector<16xi32> to vector<16xf32>
      %and3A_71 = arith.andi %get3A_63, %broadcast_in_dim3A_22 : vector<16xi32>
      %bitcast3A_72 = vector.bitcast %and3A_71 : vector<16xi32> to vector<16xf32>
      %mul3A_73 = arith.mulf %bitcast3A, %bitcast3A_69 : vector<16xf32>
      %mul3A_74 = arith.mulf %bitcast3A_70, %bitcast3A_72 : vector<16xf32>
      %add3A_75 = arith.addf %mul3A_73, %mul3A_74 : vector<16xf32>
      %get3A_76 = arith.index_cast %add3A_58 : i32 to index
      %get3A_77 = arith.constant 16 : index
      %get3A_78 = tpu.vector_load %arg11[%get3A_76, %get3A_77] {strides = array<i32>} : memref<80x64xi32, #tpu.memory_space<vmem>>, vector<16xi32>,
      %get3A_79 = arith.index_cast %add3A_58 : i32 to index
      %get3A_80 = arith.constant 16 : index
      %get3A_81 = tpu.vector_load %arg12[%get3A_79, %get3A_80] {strides = array<i32>} : memref<80x64xi32, #tpu.memory_space<vmem>>, vector<16xi32>,
      %shift_left3A_82 = arith.constant 16 : i32
      %shift_left3A_83 = vector.broadcast %shift_left3A_82 : i32 to vector<16xi32>
      %shift_left3A_84 = arith.shli %get3A_78, %shift_left3A_83 : vector<16xi32>
      %bitcast3A_85 = vector.bitcast %shift_left3A_84 : vector<16xi32> to vector<16xf32>
      %shift_left3A_86 = arith.constant 16 : i32
      %shift_left3A_87 = vector.broadcast %shift_left3A_86 : i32 to vector<16xi32>
      %shift_left3A_88 = arith.shli %get3A_81, %shift_left3A_87 : vector<16xi32>
      %bitcast3A_89 = vector.bitcast %shift_left3A_88 : vector<16xi32> to vector<16xf32>
      %and3A_90 = arith.andi %get3A_78, %broadcast_in_dim3A_22 : vector<16xi32>
      %bitcast3A_91 = vector.bitcast %and3A_90 : vector<16xi32> to vector<16xf32>
      %and3A_92 = arith.andi %get3A_81, %broadcast_in_dim3A_22 : vector<16xi32>
      %bitcast3A_93 = vector.bitcast %and3A_92 : vector<16xi32> to vector<16xf32>
      %mul3A_94 = arith.mulf %bitcast3A_85, %bitcast3A_89 : vector<16xf32>
      %mul3A_95 = arith.mulf %bitcast3A_91, %bitcast3A_93 : vector<16xf32>
      %add3A_96 = arith.addf %mul3A_94, %mul3A_95 : vector<16xf32>
      %get3A_97 = arith.index_cast %add3A_58 : i32 to index
      %get3A_98 = arith.constant 32 : index
      %get3A_99 = tpu.vector_load %arg11[%get3A_97, %get3A_98] {strides = array<i32>} : memref<80x64xi32, #tpu.memory_space<vmem>>, vector<16xi32>,
      %get3A_100 = arith.index_cast %add3A_58 : i32 to index
      %get3A_101 = arith.constant 32 : index
      %get3A_102 = tpu.vector_load %arg12[%get3A_100, %get3A_101] {strides = array<i32>} : memref<80x64xi32, #tpu.memory_space<vmem>>, vector<16xi32>,
      %shift_left3A_103 = arith.constant 16 : i32
      %shift_left3A_104 = vector.broadcast %shift_left3A_103 : i32 to vector<16xi32>
      %shift_left3A_105 = arith.shli %get3A_99, %shift_left3A_104 : vector<16xi32>
      %bitcast3A_106 = vector.bitcast %shift_left3A_105 : vector<16xi32> to vector<16xf32>
      %shift_left3A_107 = arith.constant 16 : i32
      %shift_left3A_108 = vector.broadcast %shift_left3A_107 : i32 to vector<16xi32>
      %shift_left3A_109 = arith.shli %get3A_102, %shift_left3A_108 : vector<16xi32>
      %bitcast3A_110 = vector.bitcast %shift_left3A_109 : vector<16xi32> to vector<16xf32>
      %and3A_111 = arith.andi %get3A_99, %broadcast_in_dim3A_22 : vector<16xi32>
      %bitcast3A_112 = vector.bitcast %and3A_111 : vector<16xi32> to vector<16xf32>
      %and3A_113 = arith.andi %get3A_102, %broadcast_in_dim3A_22 : vector<16xi32>
      %bitcast3A_114 = vector.bitcast %and3A_113 : vector<16xi32> to vector<16xf32>
      %mul3A_115 = arith.mulf %bitcast3A_106, %bitcast3A_110 : vector<16xf32>
      %mul3A_116 = arith.mulf %bitcast3A_112, %bitcast3A_114 : vector<16xf32>
      %add3A_117 = arith.addf %mul3A_115, %mul3A_116 : vector<16xf32>
      %get3A_118 = arith.index_cast %add3A_58 : i32 to index
      %get3A_119 = arith.constant 48 : index
      %get3A_120 = tpu.vector_load %arg11[%get3A_118, %get3A_119] {strides = array<i32>} : memref<80x64xi32, #tpu.memory_space<vmem>>, vector<16xi32>,
      %get3A_121 = arith.index_cast %add3A_58 : i32 to index
      %get3A_122 = arith.constant 48 : index
      %get3A_123 = tpu.vector_load %arg12[%get3A_121, %get3A_122] {strides = array<i32>} : memref<80x64xi32, #tpu.memory_space<vmem>>, vector<16xi32>,
      %shift_left3A_124 = arith.constant 16 : i32
      %shift_left3A_125 = vector.broadcast %shift_left3A_124 : i32 to vector<16xi32>
      %shift_left3A_126 = arith.shli %get3A_120, %shift_left3A_125 : vector<16xi32>
      %bitcast3A_127 = vector.bitcast %shift_left3A_126 : vector<16xi32> to vector<16xf32>
      %shift_left3A_128 = arith.constant 16 : i32
      %shift_left3A_129 = vector.broadcast %shift_left3A_128 : i32 to vector<16xi32>
      %shift_left3A_130 = arith.shli %get3A_123, %shift_left3A_129 : vector<16xi32>
      %bitcast3A_131 = vector.bitcast %shift_left3A_130 : vector<16xi32> to vector<16xf32>
      %and3A_132 = arith.andi %get3A_120, %broadcast_in_dim3A_22 : vector<16xi32>
      %bitcast3A_133 = vector.bitcast %and3A_132 : vector<16xi32> to vector<16xf32>
      %and3A_134 = arith.andi %get3A_123, %broadcast_in_dim3A_22 : vector<16xi32>
      %bitcast3A_135 = vector.bitcast %and3A_134 : vector<16xi32> to vector<16xf32>
      %mul3A_136 = arith.mulf %bitcast3A_127, %bitcast3A_131 : vector<16xf32>
      %mul3A_137 = arith.mulf %bitcast3A_133, %bitcast3A_135 : vector<16xf32>
      %add3A_138 = arith.addf %mul3A_136, %mul3A_137 : vector<16xf32>
      %add3A_139 = arith.addf %add3A_75, %add3A_96 : vector<16xf32>
      %add3A_140 = arith.addf %add3A_117, %add3A_138 : vector<16xf32>
      %add3A_141 = arith.addf %add3A_139, %add3A_140 : vector<16xf32>
      %swap3A = arith.constant 0 : index
      %swap3A_142 = tpu.vector_load %arg15[%swap3A] {strides = array<i32>} : memref<256xf32, #tpu.memory_space<vmem>>, vector<16xf32>,
      tpu.vector_store %arg15[%swap3A], %add3A_141 {strides = array<i32>} : memref<256xf32, #tpu.memory_space<vmem>>, vector<16xf32>,
      %add3A_143 = arith.constant 1 : i32
      %add3A_144 = arith.addi %mul3A_56, %add3A_143 : i32
      %get3A_145 = arith.index_cast %add3A_144 : i32 to index
      %get3A_146 = arith.constant 0 : index
      %get3A_147 = tpu.vector_load %arg11[%get3A_145, %get3A_146] {strides = array<i32>} : memref<80x64xi32, #tpu.memory_space<vmem>>, vector<16xi32>,
      %get3A_148 = arith.index_cast %add3A_144 : i32 to index
      %get3A_149 = arith.constant 0 : index
      %get3A_150 = tpu.vector_load %arg12[%get3A_148, %get3A_149] {strides = array<i32>} : memref<80x64xi32, #tpu.memory_space<vmem>>, vector<16xi32>,
      %shift_left3A_151 = arith.constant 16 : i32
      %shift_left3A_152 = vector.broadcast %shift_left3A_151 : i32 to vector<16xi32>
      %shift_left3A_153 = arith.shli %get3A_147, %shift_left3A_152 : vector<16xi32>
      %bitcast3A_154 = vector.bitcast %shift_left3A_153 : vector<16xi32> to vector<16xf32>
      %shift_left3A_155 = arith.constant 16 : i32
      %shift_left3A_156 = vector.broadcast %shift_left3A_155 : i32 to vector<16xi32>
      %shift_left3A_157 = arith.shli %get3A_150, %shift_left3A_156 : vector<16xi32>
      %bitcast3A_158 = vector.bitcast %shift_left3A_157 : vector<16xi32> to vector<16xf32>
      %and3A_159 = arith.andi %get3A_147, %broadcast_in_dim3A_22 : vector<16xi32>
      %bitcast3A_160 = vector.bitcast %and3A_159 : vector<16xi32> to vector<16xf32>
      %and3A_161 = arith.andi %get3A_150, %broadcast_in_dim3A_22 : vector<16xi32>
      %bitcast3A_162 = vector.bitcast %and3A_161 : vector<16xi32> to vector<16xf32>
      %mul3A_163 = arith.mulf %bitcast3A_154, %bitcast3A_158 : vector<16xf32>
      %mul3A_164 = arith.mulf %bitcast3A_160, %bitcast3A_162 : vector<16xf32>
      %add3A_165 = arith.addf %mul3A_163, %mul3A_164 : vector<16xf32>
      %get3A_166 = arith.index_cast %add3A_144 : i32 to index
      %get3A_167 = arith.constant 16 : index
      %get3A_168 = tpu.vector_load %arg11[%get3A_166, %get3A_167] {strides = array<i32>} : memref<80x64xi32, #tpu.memory_space<vmem>>, vector<16xi32>,
      %get3A_169 = arith.index_cast %add3A_144 : i32 to index
      %get3A_170 = arith.constant 16 : index
      %get3A_171 = tpu.vector_load %arg12[%get3A_169, %get3A_170] {strides = array<i32>} : memref<80x64xi32, #tpu.memory_space<vmem>>, vector<16xi32>,
      %shift_left3A_172 = arith.constant 16 : i32
      %shift_left3A_173 = vector.broadcast %shift_left3A_172 : i32 to vector<16xi32>
      %shift_left3A_174 = arith.shli %get3A_168, %shift_left3A_173 : vector<16xi32>
      %bitcast3A_175 = vector.bitcast %shift_left3A_174 : vector<16xi32> to vector<16xf32>
      %shift_left3A_176 = arith.constant 16 : i32
      %shift_left3A_177 = vector.broadcast %shift_left3A_176 : i32 to vector<16xi32>
      %shift_left3A_178 = arith.shli %get3A_171, %shift_left3A_177 : vector<16xi32>
      %bitcast3A_179 = vector.bitcast %shift_left3A_178 : vector<16xi32> to vector<16xf32>
      %and3A_180 = arith.andi %get3A_168, %broadcast_in_dim3A_22 : vector<16xi32>
      %bitcast3A_181 = vector.bitcast %and3A_180 : vector<16xi32> to vector<16xf32>
      %and3A_182 = arith.andi %get3A_171, %broadcast_in_dim3A_22 : vector<16xi32>
      %bitcast3A_183 = vector.bitcast %and3A_182 : vector<16xi32> to vector<16xf32>
      %mul3A_184 = arith.mulf %bitcast3A_175, %bitcast3A_179 : vector<16xf32>
      %mul3A_185 = arith.mulf %bitcast3A_181, %bitcast3A_183 : vector<16xf32>
      %add3A_186 = arith.addf %mul3A_184, %mul3A_185 : vector<16xf32>
      %get3A_187 = arith.index_cast %add3A_144 : i32 to index
      %get3A_188 = arith.constant 32 : index
      %get3A_189 = tpu.vector_load %arg11[%get3A_187, %get3A_188] {strides = array<i32>} : memref<80x64xi32, #tpu.memory_space<vmem>>, vector<16xi32>,
      %get3A_190 = arith.index_cast %add3A_144 : i32 to index
      %get3A_191 = arith.constant 32 : index
      %get3A_192 = tpu.vector_load %arg12[%get3A_190, %get3A_191] {strides = array<i32>} : memref<80x64xi32, #tpu.memory_space<vmem>>, vector<16xi32>,
      %shift_left3A_193 = arith.constant 16 : i32
      %shift_left3A_194 = vector.broadcast %shift_left3A_193 : i32 to vector<16xi32>
      %shift_left3A_195 = arith.shli %get3A_189, %shift_left3A_194 : vector<16xi32>
      %bitcast3A_196 = vector.bitcast %shift_left3A_195 : vector<16xi32> to vector<16xf32>
      %shift_left3A_197 = arith.constant 16 : i32
      %shift_left3A_198 = vector.broadcast %shift_left3A_197 : i32 to vector<16xi32>
      %shift_left3A_199 = arith.shli %get3A_192, %shift_left3A_198 : vector<16xi32>
      %bitcast3A_200 = vector.bitcast %shift_left3A_199 : vector<16xi32> to vector<16xf32>
      %and3A_201 = arith.andi %get3A_189, %broadcast_in_dim3A_22 : vector<16xi32>
      %bitcast3A_202 = vector.bitcast %and3A_201 : vector<16xi32> to vector<16xf32>
      %and3A_203 = arith.andi %get3A_192, %broadcast_in_dim3A_22 : vector<16xi32>
      %bitcast3A_204 = vector.bitcast %and3A_203 : vector<16xi32> to vector<16xf32>
      %mul3A_205 = arith.mulf %bitcast3A_196, %bitcast3A_200 : vector<16xf32>
      %mul3A_206 = arith.mulf %bitcast3A_202, %bitcast3A_204 : vector<16xf32>
      %add3A_207 = arith.addf %mul3A_205, %mul3A_206 : vector<16xf32>
      %get3A_208 = arith.index_cast %add3A_144 : i32 to index
      %get3A_209 = arith.constant 48 : index
      %get3A_210 = tpu.vector_load %arg11[%get3A_208, %get3A_209] {strides = array<i32>} : memref<80x64xi32, #tpu.memory_space<vmem>>, vector<16xi32>,
      %get3A_211 = arith.index_cast %add3A_144 : i32 to index
      %get3A_212 = arith.constant 48 : index
      %get3A_213 = tpu.vector_load %arg12[%get3A_211, %get3A_212] {strides = array<i32>} : memref<80x64xi32, #tpu.memory_space<vmem>>, vector<16xi32>,
      %shift_left3A_214 = arith.constant 16 : i32
      %shift_left3A_215 = vector.broadcast %shift_left3A_214 : i32 to vector<16xi32>
      %shift_left3A_216 = arith.shli %get3A_210, %shift_left3A_215 : vector<16xi32>
      %bitcast3A_217 = vector.bitcast %shift_left3A_216 : vector<16xi32> to vector<16xf32>
      %shift_left3A_218 = arith.constant 16 : i32
      %shift_left3A_219 = vector.broadcast %shift_left3A_218 : i32 to vector<16xi32>
      %shift_left3A_220 = arith.shli %get3A_213, %shift_left3A_219 : vector<16xi32>
      %bitcast3A_221 = vector.bitcast %shift_left3A_220 : vector<16xi32> to vector<16xf32>
      %and3A_222 = arith.andi %get3A_210, %broadcast_in_dim3A_22 : vector<16xi32>
      %bitcast3A_223 = vector.bitcast %and3A_222 : vector<16xi32> to vector<16xf32>
      %and3A_224 = arith.andi %get3A_213, %broadcast_in_dim3A_22 : vector<16xi32>
      %bitcast3A_225 = vector.bitcast %and3A_224 : vector<16xi32> to vector<16xf32>
      %mul3A_226 = arith.mulf %bitcast3A_217, %bitcast3A_221 : vector<16xf32>
      %mul3A_227 = arith.mulf %bitcast3A_223, %bitcast3A_225 : vector<16xf32>
      %add3A_228 = arith.addf %mul3A_226, %mul3A_227 : vector<16xf32>
      %add3A_229 = arith.addf %add3A_165, %add3A_186 : vector<16xf32>
      %add3A_230 = arith.addf %add3A_207, %add3A_228 : vector<16xf32>
      %add3A_231 = arith.addf %add3A_229, %add3A_230 : vector<16xf32>
      %swap3A_232 = arith.constant 16 : index
      %swap3A_233 = tpu.vector_load %arg15[%swap3A_232] {strides = array<i32>} : memref<256xf32, #tpu.memory_space<vmem>>, vector<16xf32>,
      tpu.vector_store %arg15[%swap3A_232], %add3A_231 {strides = array<i32>} : memref<256xf32, #tpu.memory_space<vmem>>, vector<16xf32>,
      %add3A_234 = arith.constant 2 : i32
      %add3A_235 = arith.addi %mul3A_56, %add3A_234 : i32
      %get3A_236 = arith.index_cast %add3A_235 : i32 to index
      %get3A_237 = arith.constant 0 : index
      %get3A_238 = tpu.vector_load %arg11[%get3A_236, %get3A_237] {strides = array<i32>} : memref<80x64xi32, #tpu.memory_space<vmem>>, vector<16xi32>,
      %get3A_239 = arith.index_cast %add3A_235 : i32 to index
      %get3A_240 = arith.constant 0 : index
      %get3A_241 = tpu.vector_load %arg12[%get3A_239, %get3A_240] {strides = array<i32>} : memref<80x64xi32, #tpu.memory_space<vmem>>, vector<16xi32>,
      %shift_left3A_242 = arith.constant 16 : i32
      %shift_left3A_243 = vector.broadcast %shift_left3A_242 : i32 to vector<16xi32>
      %shift_left3A_244 = arith.shli %get3A_238, %shift_left3A_243 : vector<16xi32>
      %bitcast3A_245 = vector.bitcast %shift_left3A_244 : vector<16xi32> to vector<16xf32>
      %shift_left3A_246 = arith.constant 16 : i32
      %shift_left3A_247 = vector.broadcast %shift_left3A_246 : i32 to vector<16xi32>
      %shift_left3A_248 = arith.shli %get3A_241, %shift_left3A_247 : vector<16xi32>
      %bitcast3A_249 = vector.bitcast %shift_left3A_248 : vector<16xi32> to vector<16xf32>
      %and3A_250 = arith.andi %get3A_238, %broadcast_in_dim3A_22 : vector<16xi32>
      %bitcast3A_251 = vector.bitcast %and3A_250 : vector<16xi32> to vector<16xf32>
      %and3A_252 = arith.andi %get3A_241, %broadcast_in_dim3A_22 : vector<16xi32>
      %bitcast3A_253 = vector.bitcast %and3A_252 : vector<16xi32> to vector<16xf32>
      %mul3A_254 = arith.mulf %bitcast3A_245, %bitcast3A_249 : vector<16xf32>
      %mul3A_255 = arith.mulf %bitcast3A_251, %bitcast3A_253 : vector<16xf32>
      %add3A_256 = arith.addf %mul3A_254, %mul3A_255 : vector<16xf32>
      %get3A_257 = arith.index_cast %add3A_235 : i32 to index
      %get3A_258 = arith.constant 16 : index
      %get3A_259 = tpu.vector_load %arg11[%get3A_257, %get3A_258] {strides = array<i32>} : memref<80x64xi32, #tpu.memory_space<vmem>>, vector<16xi32>,
      %get3A_260 = arith.index_cast %add3A_235 : i32 to index
      %get3A_261 = arith.constant 16 : index
      %get3A_262 = tpu.vector_load %arg12[%get3A_260, %get3A_261] {strides = array<i32>} : memref<80x64xi32, #tpu.memory_space<vmem>>, vector<16xi32>,
      %shift_left3A_263 = arith.constant 16 : i32
      %shift_left3A_264 = vector.broadcast %shift_left3A_263 : i32 to vector<16xi32>
      %shift_left3A_265 = arith.shli %get3A_259, %shift_left3A_264 : vector<16xi32>
      %bitcast3A_266 = vector.bitcast %shift_left3A_265 : vector<16xi32> to vector<16xf32>
      %shift_left3A_267 = arith.constant 16 : i32
      %shift_left3A_268 = vector.broadcast %shift_left3A_267 : i32 to vector<16xi32>
      %shift_left3A_269 = arith.shli %get3A_262, %shift_left3A_268 : vector<16xi32>
      %bitcast3A_270 = vector.bitcast %shift_left3A_269 : vector<16xi32> to vector<16xf32>
      %and3A_271 = arith.andi %get3A_259, %broadcast_in_dim3A_22 : vector<16xi32>
      %bitcast3A_272 = vector.bitcast %and3A_271 : vector<16xi32> to vector<16xf32>
      %and3A_273 = arith.andi %get3A_262, %broadcast_in_dim3A_22 : vector<16xi32>
      %bitcast3A_274 = vector.bitcast %and3A_273 : vector<16xi32> to vector<16xf32>
      %mul3A_275 = arith.mulf %bitcast3A_266, %bitcast3A_270 : vector<16xf32>
      %mul3A_276 = arith.mulf %bitcast3A_272, %bitcast3A_274 : vector<16xf32>
      %add3A_277 = arith.addf %mul3A_275, %mul3A_276 : vector<16xf32>
      %get3A_278 = arith.index_cast %add3A_235 : i32 to index
      %get3A_279 = arith.constant 32 : index
      %get3A_280 = tpu.vector_load %arg11[%get3A_278, %get3A_279] {strides = array<i32>} : memref<80x64xi32, #tpu.memory_space<vmem>>, vector<16xi32>,
      %get3A_281 = arith.index_cast %add3A_235 : i32 to index
      %get3A_282 = arith.constant 32 : index
      %get3A_283 = tpu.vector_load %arg12[%get3A_281, %get3A_282] {strides = array<i32>} : memref<80x64xi32, #tpu.memory_space<vmem>>, vector<16xi32>,
      %shift_left3A_284 = arith.constant 16 : i32
      %shift_left3A_285 = vector.broadcast %shift_left3A_284 : i32 to vector<16xi32>
      %shift_left3A_286 = arith.shli %get3A_280, %shift_left3A_285 : vector<16xi32>
      %bitcast3A_287 = vector.bitcast %shift_left3A_286 : vector<16xi32> to vector<16xf32>
      %shift_left3A_288 = arith.constant 16 : i32
      %shift_left3A_289 = vector.broadcast %shift_left3A_288 : i32 to vector<16xi32>
      %shift_left3A_290 = arith.shli %get3A_283, %shift_left3A_289 : vector<16xi32>
      %bitcast3A_291 = vector.bitcast %shift_left3A_290 : vector<16xi32> to vector<16xf32>
      %and3A_292 = arith.andi %get3A_280, %broadcast_in_dim3A_22 : vector<16xi32>
      %bitcast3A_293 = vector.bitcast %and3A_292 : vector<16xi32> to vector<16xf32>
      %and3A_294 = arith.andi %get3A_283, %broadcast_in_dim3A_22 : vector<16xi32>
      %bitcast3A_295 = vector.bitcast %and3A_294 : vector<16xi32> to vector<16xf32>
      %mul3A_296 = arith.mulf %bitcast3A_287, %bitcast3A_291 : vector<16xf32>
      %mul3A_297 = arith.mulf %bitcast3A_293, %bitcast3A_295 : vector<16xf32>
      %add3A_298 = arith.addf %mul3A_296, %mul3A_297 : vector<16xf32>
      %get3A_299 = arith.index_cast %add3A_235 : i32 to index
      %get3A_300 = arith.constant 48 : index
      %get3A_301 = tpu.vector_load %arg11[%get3A_299, %get3A_300] {strides = array<i32>} : memref<80x64xi32, #tpu.memory_space<vmem>>, vector<16xi32>,
      %get3A_302 = arith.index_cast %add3A_235 : i32 to index
      %get3A_303 = arith.constant 48 : index
      %get3A_304 = tpu.vector_load %arg12[%get3A_302, %get3A_303] {strides = array<i32>} : memref<80x64xi32, #tpu.memory_space<vmem>>, vector<16xi32>,
      %shift_left3A_305 = arith.constant 16 : i32
      %shift_left3A_306 = vector.broadcast %shift_left3A_305 : i32 to vector<16xi32>
      %shift_left3A_307 = arith.shli %get3A_301, %shift_left3A_306 : vector<16xi32>
      %bitcast3A_308 = vector.bitcast %shift_left3A_307 : vector<16xi32> to vector<16xf32>
      %shift_left3A_309 = arith.constant 16 : i32
      %shift_left3A_310 = vector.broadcast %shift_left3A_309 : i32 to vector<16xi32>
      %shift_left3A_311 = arith.shli %get3A_304, %shift_left3A_310 : vector<16xi32>
      %bitcast3A_312 = vector.bitcast %shift_left3A_311 : vector<16xi32> to vector<16xf32>
      %and3A_313 = arith.andi %get3A_301, %broadcast_in_dim3A_22 : vector<16xi32>
      %bitcast3A_314 = vector.bitcast %and3A_313 : vector<16xi32> to vector<16xf32>
      %and3A_315 = arith.andi %get3A_304, %broadcast_in_dim3A_22 : vector<16xi32>
      %bitcast3A_316 = vector.bitcast %and3A_315 : vector<16xi32> to vector<16xf32>
      %mul3A_317 = arith.mulf %bitcast3A_308, %bitcast3A_312 : vector<16xf32>
      %mul3A_318 = arith.mulf %bitcast3A_314, %bitcast3A_316 : vector<16xf32>
      %add3A_319 = arith.addf %mul3A_317, %mul3A_318 : vector<16xf32>
      %add3A_320 = arith.addf %add3A_256, %add3A_277 : vector<16xf32>
      %add3A_321 = arith.addf %add3A_298, %add3A_319 : vector<16xf32>
      %add3A_322 = arith.addf %add3A_320, %add3A_321 : vector<16xf32>
      %swap3A_323 = arith.constant 32 : index
      %swap3A_324 = tpu.vector_load %arg15[%swap3A_323] {strides = array<i32>} : memref<256xf32, #tpu.memory_space<vmem>>, vector<16xf32>,
      tpu.vector_store %arg15[%swap3A_323], %add3A_322 {strides = array<i32>} : memref<256xf32, #tpu.memory_space<vmem>>, vector<16xf32>,
      %add3A_325 = arith.constant 3 : i32
      %add3A_326 = arith.addi %mul3A_56, %add3A_325 : i32
      %get3A_327 = arith.index_cast %add3A_326 : i32 to index
      %get3A_328 = arith.constant 0 : index
      %get3A_329 = tpu.vector_load %arg11[%get3A_327, %get3A_328] {strides = array<i32>} : memref<80x64xi32, #tpu.memory_space<vmem>>, vector<16xi32>,
      %get3A_330 = arith.index_cast %add3A_326 : i32 to index
      %get3A_331 = arith.constant 0 : index
      %get3A_332 = tpu.vector_load %arg12[%get3A_330, %get3A_331] {strides = array<i32>} : memref<80x64xi32, #tpu.memory_space<vmem>>, vector<16xi32>,
      %shift_left3A_333 = arith.constant 16 : i32
      %shift_left3A_334 = vector.broadcast %shift_left3A_333 : i32 to vector<16xi32>
      %shift_left3A_335 = arith.shli %get3A_329, %shift_left3A_334 : vector<16xi32>
      %bitcast3A_336 = vector.bitcast %shift_left3A_335 : vector<16xi32> to vector<16xf32>
      %shift_left3A_337 = arith.constant 16 : i32
      %shift_left3A_338 = vector.broadcast %shift_left3A_337 : i32 to vector<16xi32>
      %shift_left3A_339 = arith.shli %get3A_332, %shift_left3A_338 : vector<16xi32>
      %bitcast3A_340 = vector.bitcast %shift_left3A_339 : vector<16xi32> to vector<16xf32>
      %and3A_341 = arith.andi %get3A_329, %broadcast_in_dim3A_22 : vector<16xi32>
      %bitcast3A_342 = vector.bitcast %and3A_341 : vector<16xi32> to vector<16xf32>
      %and3A_343 = arith.andi %get3A_332, %broadcast_in_dim3A_22 : vector<16xi32>
      %bitcast3A_344 = vector.bitcast %and3A_343 : vector<16xi32> to vector<16xf32>
      %mul3A_345 = arith.mulf %bitcast3A_336, %bitcast3A_340 : vector<16xf32>
      %mul3A_346 = arith.mulf %bitcast3A_342, %bitcast3A_344 : vector<16xf32>
      %add3A_347 = arith.addf %mul3A_345, %mul3A_346 : vector<16xf32>
      %get3A_348 = arith.index_cast %add3A_326 : i32 to index
      %get3A_349 = arith.constant 16 : index
      %get3A_350 = tpu.vector_load %arg11[%get3A_348, %get3A_349] {strides = array<i32>} : memref<80x64xi32, #tpu.memory_space<vmem>>, vector<16xi32>,
      %get3A_351 = arith.index_cast %add3A_326 : i32 to index
      %get3A_352 = arith.constant 16 : index
      %get3A_353 = tpu.vector_load %arg12[%get3A_351, %get3A_352] {strides = array<i32>} : memref<80x64xi32, #tpu.memory_space<vmem>>, vector<16xi32>,
      %shift_left3A_354 = arith.constant 16 : i32
      %shift_left3A_355 = vector.broadcast %shift_left3A_354 : i32 to vector<16xi32>
      %shift_left3A_356 = arith.shli %get3A_350, %shift_left3A_355 : vector<16xi32>
      %bitcast3A_357 = vector.bitcast %shift_left3A_356 : vector<16xi32> to vector<16xf32>
      %shift_left3A_358 = arith.constant 16 : i32
      %shift_left3A_359 = vector.broadcast %shift_left3A_358 : i32 to vector<16xi32>
      %shift_left3A_360 = arith.shli %get3A_353, %shift_left3A_359 : vector<16xi32>
      %bitcast3A_361 = vector.bitcast %shift_left3A_360 : vector<16xi32> to vector<16xf32>
      %and3A_362 = arith.andi %get3A_350, %broadcast_in_dim3A_22 : vector<16xi32>
      %bitcast3A_363 = vector.bitcast %and3A_362 : vector<16xi32> to vector<16xf32>
      %and3A_364 = arith.andi %get3A_353, %broadcast_in_dim3A_22 : vector<16xi32>
      %bitcast3A_365 = vector.bitcast %and3A_364 : vector<16xi32> to vector<16xf32>
      %mul3A_366 = arith.mulf %bitcast3A_357, %bitcast3A_361 : vector<16xf32>
      %mul3A_367 = arith.mulf %bitcast3A_363, %bitcast3A_365 : vector<16xf32>
      %add3A_368 = arith.addf %mul3A_366, %mul3A_367 : vector<16xf32>
      %get3A_369 = arith.index_cast %add3A_326 : i32 to index
      %get3A_370 = arith.constant 32 : index
      %get3A_371 = tpu.vector_load %arg11[%get3A_369, %get3A_370] {strides = array<i32>} : memref<80x64xi32, #tpu.memory_space<vmem>>, vector<16xi32>,
      %get3A_372 = arith.index_cast %add3A_326 : i32 to index
      %get3A_373 = arith.constant 32 : index
      %get3A_374 = tpu.vector_load %arg12[%get3A_372, %get3A_373] {strides = array<i32>} : memref<80x64xi32, #tpu.memory_space<vmem>>, vector<16xi32>,
      %shift_left3A_375 = arith.constant 16 : i32
      %shift_left3A_376 = vector.broadcast %shift_left3A_375 : i32 to vector<16xi32>
      %shift_left3A_377 = arith.shli %get3A_371, %shift_left3A_376 : vector<16xi32>
      %bitcast3A_378 = vector.bitcast %shift_left3A_377 : vector<16xi32> to vector<16xf32>
      %shift_left3A_379 = arith.constant 16 : i32
      %shift_left3A_380 = vector.broadcast %shift_left3A_379 : i32 to vector<16xi32>
      %shift_left3A_381 = arith.shli %get3A_374, %shift_left3A_380 : vector<16xi32>
      %bitcast3A_382 = vector.bitcast %shift_left3A_381 : vector<16xi32> to vector<16xf32>
      %and3A_383 = arith.andi %get3A_371, %broadcast_in_dim3A_22 : vector<16xi32>
      %bitcast3A_384 = vector.bitcast %and3A_383 : vector<16xi32> to vector<16xf32>
      %and3A_385 = arith.andi %get3A_374, %broadcast_in_dim3A_22 : vector<16xi32>
      %bitcast3A_386 = vector.bitcast %and3A_385 : vector<16xi32> to vector<16xf32>
      %mul3A_387 = arith.mulf %bitcast3A_378, %bitcast3A_382 : vector<16xf32>
      %mul3A_388 = arith.mulf %bitcast3A_384, %bitcast3A_386 : vector<16xf32>
      %add3A_389 = arith.addf %mul3A_387, %mul3A_388 : vector<16xf32>
      %get3A_390 = arith.index_cast %add3A_326 : i32 to index
      %get3A_391 = arith.constant 48 : index
      %get3A_392 = tpu.vector_load %arg11[%get3A_390, %get3A_391] {strides = array<i32>} : memref<80x64xi32, #tpu.memory_space<vmem>>, vector<16xi32>,
      %get3A_393 = arith.index_cast %add3A_326 : i32 to index
      %get3A_394 = arith.constant 48 : index
      %get3A_395 = tpu.vector_load %arg12[%get3A_393, %get3A_394] {strides = array<i32>} : memref<80x64xi32, #tpu.memory_space<vmem>>, vector<16xi32>,
      %shift_left3A_396 = arith.constant 16 : i32
      %shift_left3A_397 = vector.broadcast %shift_left3A_396 : i32 to vector<16xi32>
      %shift_left3A_398 = arith.shli %get3A_392, %shift_left3A_397 : vector<16xi32>
      %bitcast3A_399 = vector.bitcast %shift_left3A_398 : vector<16xi32> to vector<16xf32>
      %shift_left3A_400 = arith.constant 16 : i32
      %shift_left3A_401 = vector.broadcast %shift_left3A_400 : i32 to vector<16xi32>
      %shift_left3A_402 = arith.shli %get3A_395, %shift_left3A_401 : vector<16xi32>
      %bitcast3A_403 = vector.bitcast %shift_left3A_402 : vector<16xi32> to vector<16xf32>
      %and3A_404 = arith.andi %get3A_392, %broadcast_in_dim3A_22 : vector<16xi32>
      %bitcast3A_405 = vector.bitcast %and3A_404 : vector<16xi32> to vector<16xf32>
      %and3A_406 = arith.andi %get3A_395, %broadcast_in_dim3A_22 : vector<16xi32>
      %bitcast3A_407 = vector.bitcast %and3A_406 : vector<16xi32> to vector<16xf32>
      %mul3A_408 = arith.mulf %bitcast3A_399, %bitcast3A_403 : vector<16xf32>
      %mul3A_409 = arith.mulf %bitcast3A_405, %bitcast3A_407 : vector<16xf32>
      %add3A_410 = arith.addf %mul3A_408, %mul3A_409 : vector<16xf32>
      %add3A_411 = arith.addf %add3A_347, %add3A_368 : vector<16xf32>
      %add3A_412 = arith.addf %add3A_389, %add3A_410 : vector<16xf32>
      %add3A_413 = arith.addf %add3A_411, %add3A_412 : vector<16xf32>
      %swap3A_414 = arith.constant 48 : index
      %swap3A_415 = tpu.vector_load %arg15[%swap3A_414] {strides = array<i32>} : memref<256xf32, #tpu.memory_space<vmem>>, vector<16xf32>,
      tpu.vector_store %arg15[%swap3A_414], %add3A_413 {strides = array<i32>} : memref<256xf32, #tpu.memory_space<vmem>>, vector<16xf32>,
      %add3A_416 = arith.constant 4 : i32
      %add3A_417 = arith.addi %mul3A_56, %add3A_416 : i32
      %get3A_418 = arith.index_cast %add3A_417 : i32 to index
      %get3A_419 = arith.constant 0 : index
      %get3A_420 = tpu.vector_load %arg11[%get3A_418, %get3A_419] {strides = array<i32>} : memref<80x64xi32, #tpu.memory_space<vmem>>, vector<16xi32>,
      %get3A_421 = arith.index_cast %add3A_417 : i32 to index
      %get3A_422 = arith.constant 0 : index
      %get3A_423 = tpu.vector_load %arg12[%get3A_421, %get3A_422] {strides = array<i32>} : memref<80x64xi32, #tpu.memory_space<vmem>>, vector<16xi32>,
      %shift_left3A_424 = arith.constant 16 : i32
      %shift_left3A_425 = vector.broadcast %shift_left3A_424 : i32 to vector<16xi32>
      %shift_left3A_426 = arith.shli %get3A_420, %shift_left3A_425 : vector<16xi32>
      %bitcast3A_427 = vector.bitcast %shift_left3A_426 : vector<16xi32> to vector<16xf32>
      %shift_left3A_428 = arith.constant 16 : i32
      %shift_left3A_429 = vector.broadcast %shift_left3A_428 : i32 to vector<16xi32>
      %shift_left3A_430 = arith.shli %get3A_423, %shift_left3A_429 : vector<16xi32>
      %bitcast3A_431 = vector.bitcast %shift_left3A_430 : vector<16xi32> to vector<16xf32>
      %and3A_432 = arith.andi %get3A_420, %broadcast_in_dim3A_22 : vector<16xi32>
      %bitcast3A_433 = vector.bitcast %and3A_432 : vector<16xi32> to vector<16xf32>
      %and3A_434 = arith.andi %get3A_423, %broadcast_in_dim3A_22 : vector<16xi32>
      %bitcast3A_435 = vector.bitcast %and3A_434 : vector<16xi32> to vector<16xf32>
      %mul3A_436 = arith.mulf %bitcast3A_427, %bitcast3A_431 : vector<16xf32>
      %mul3A_437 = arith.mulf %bitcast3A_433, %bitcast3A_435 : vector<16xf32>
      %add3A_438 = arith.addf %mul3A_436, %mul3A_437 : vector<16xf32>
      %get3A_439 = arith.index_cast %add3A_417 : i32 to index
      %get3A_440 = arith.constant 16 : index
      %get3A_441 = tpu.vector_load %arg11[%get3A_439, %get3A_440] {strides = array<i32>} : memref<80x64xi32, #tpu.memory_space<vmem>>, vector<16xi32>,
      %get3A_442 = arith.index_cast %add3A_417 : i32 to index
      %get3A_443 = arith.constant 16 : index
      %get3A_444 = tpu.vector_load %arg12[%get3A_442, %get3A_443] {strides = array<i32>} : memref<80x64xi32, #tpu.memory_space<vmem>>, vector<16xi32>,
      %shift_left3A_445 = arith.constant 16 : i32
      %shift_left3A_446 = vector.broadcast %shift_left3A_445 : i32 to vector<16xi32>
      %shift_left3A_447 = arith.shli %get3A_441, %shift_left3A_446 : vector<16xi32>
      %bitcast3A_448 = vector.bitcast %shift_left3A_447 : vector<16xi32> to vector<16xf32>
      %shift_left3A_449 = arith.constant 16 : i32
      %shift_left3A_450 = vector.broadcast %shift_left3A_449 : i32 to vector<16xi32>
      %shift_left3A_451 = arith.shli %get3A_444, %shift_left3A_450 : vector<16xi32>
      %bitcast3A_452 = vector.bitcast %shift_left3A_451 : vector<16xi32> to vector<16xf32>
      %and3A_453 = arith.andi %get3A_441, %broadcast_in_dim3A_22 : vector<16xi32>
      %bitcast3A_454 = vector.bitcast %and3A_453 : vector<16xi32> to vector<16xf32>
      %and3A_455 = arith.andi %get3A_444, %broadcast_in_dim3A_22 : vector<16xi32>
      %bitcast3A_456 = vector.bitcast %and3A_455 : vector<16xi32> to vector<16xf32>
      %mul3A_457 = arith.mulf %bitcast3A_448, %bitcast3A_452 : vector<16xf32>
      %mul3A_458 = arith.mulf %bitcast3A_454, %bitcast3A_456 : vector<16xf32>
      %add3A_459 = arith.addf %mul3A_457, %mul3A_458 : vector<16xf32>
      %get3A_460 = arith.index_cast %add3A_417 : i32 to index
      %get3A_461 = arith.constant 32 : index
      %get3A_462 = tpu.vector_load %arg11[%get3A_460, %get3A_461] {strides = array<i32>} : memref<80x64xi32, #tpu.memory_space<vmem>>, vector<16xi32>,
      %get3A_463 = arith.index_cast %add3A_417 : i32 to index
      %get3A_464 = arith.constant 32 : index
      %get3A_465 = tpu.vector_load %arg12[%get3A_463, %get3A_464] {strides = array<i32>} : memref<80x64xi32, #tpu.memory_space<vmem>>, vector<16xi32>,
      %shift_left3A_466 = arith.constant 16 : i32
      %shift_left3A_467 = vector.broadcast %shift_left3A_466 : i32 to vector<16xi32>
      %shift_left3A_468 = arith.shli %get3A_462, %shift_left3A_467 : vector<16xi32>
      %bitcast3A_469 = vector.bitcast %shift_left3A_468 : vector<16xi32> to vector<16xf32>
      %shift_left3A_470 = arith.constant 16 : i32
      %shift_left3A_471 = vector.broadcast %shift_left3A_470 : i32 to vector<16xi32>
      %shift_left3A_472 = arith.shli %get3A_465, %shift_left3A_471 : vector<16xi32>
      %bitcast3A_473 = vector.bitcast %shift_left3A_472 : vector<16xi32> to vector<16xf32>
      %and3A_474 = arith.andi %get3A_462, %broadcast_in_dim3A_22 : vector<16xi32>
      %bitcast3A_475 = vector.bitcast %and3A_474 : vector<16xi32> to vector<16xf32>
      %and3A_476 = arith.andi %get3A_465, %broadcast_in_dim3A_22 : vector<16xi32>
      %bitcast3A_477 = vector.bitcast %and3A_476 : vector<16xi32> to vector<16xf32>
      %mul3A_478 = arith.mulf %bitcast3A_469, %bitcast3A_473 : vector<16xf32>
      %mul3A_479 = arith.mulf %bitcast3A_475, %bitcast3A_477 : vector<16xf32>
      %add3A_480 = arith.addf %mul3A_478, %mul3A_479 : vector<16xf32>
      %get3A_481 = arith.index_cast %add3A_417 : i32 to index
      %get3A_482 = arith.constant 48 : index
      %get3A_483 = tpu.vector_load %arg11[%get3A_481, %get3A_482] {strides = array<i32>} : memref<80x64xi32, #tpu.memory_space<vmem>>, vector<16xi32>,
      %get3A_484 = arith.index_cast %add3A_417 : i32 to index
      %get3A_485 = arith.constant 48 : index
      %get3A_486 = tpu.vector_load %arg12[%get3A_484, %get3A_485] {strides = array<i32>} : memref<80x64xi32, #tpu.memory_space<vmem>>, vector<16xi32>,
      %shift_left3A_487 = arith.constant 16 : i32
      %shift_left3A_488 = vector.broadcast %shift_left3A_487 : i32 to vector<16xi32>
      %shift_left3A_489 = arith.shli %get3A_483, %shift_left3A_488 : vector<16xi32>
      %bitcast3A_490 = vector.bitcast %shift_left3A_489 : vector<16xi32> to vector<16xf32>
      %shift_left3A_491 = arith.constant 16 : i32
      %shift_left3A_492 = vector.broadcast %shift_left3A_491 : i32 to vector<16xi32>
      %shift_left3A_493 = arith.shli %get3A_486, %shift_left3A_492 : vector<16xi32>
      %bitcast3A_494 = vector.bitcast %shift_left3A_493 : vector<16xi32> to vector<16xf32>
      %and3A_495 = arith.andi %get3A_483, %broadcast_in_dim3A_22 : vector<16xi32>
      %bitcast3A_496 = vector.bitcast %and3A_495 : vector<16xi32> to vector<16xf32>
      %and3A_497 = arith.andi %get3A_486, %broadcast_in_dim3A_22 : vector<16xi32>
      %bitcast3A_498 = vector.bitcast %and3A_497 : vector<16xi32> to vector<16xf32>
      %mul3A_499 = arith.mulf %bitcast3A_490, %bitcast3A_494 : vector<16xf32>
      %mul3A_500 = arith.mulf %bitcast3A_496, %bitcast3A_498 : vector<16xf32>
      %add3A_501 = arith.addf %mul3A_499, %mul3A_500 : vector<16xf32>
      %add3A_502 = arith.addf %add3A_438, %add3A_459 : vector<16xf32>
      %add3A_503 = arith.addf %add3A_480, %add3A_501 : vector<16xf32>
      %add3A_504 = arith.addf %add3A_502, %add3A_503 : vector<16xf32>
      %swap3A_505 = arith.constant 64 : index
      %swap3A_506 = tpu.vector_load %arg15[%swap3A_505] {strides = array<i32>} : memref<256xf32, #tpu.memory_space<vmem>>, vector<16xf32>,
      tpu.vector_store %arg15[%swap3A_505], %add3A_504 {strides = array<i32>} : memref<256xf32, #tpu.memory_space<vmem>>, vector<16xf32>,
      %add3A_507 = arith.constant 5 : i32
      %add3A_508 = arith.addi %mul3A_56, %add3A_507 : i32
      %get3A_509 = arith.index_cast %add3A_508 : i32 to index
      %get3A_510 = arith.constant 0 : index
      %get3A_511 = tpu.vector_load %arg11[%get3A_509, %get3A_510] {strides = array<i32>} : memref<80x64xi32, #tpu.memory_space<vmem>>, vector<16xi32>,
      %get3A_512 = arith.index_cast %add3A_508 : i32 to index
      %get3A_513 = arith.constant 0 : index
      %get3A_514 = tpu.vector_load %arg12[%get3A_512, %get3A_513] {strides = array<i32>} : memref<80x64xi32, #tpu.memory_space<vmem>>, vector<16xi32>,
      %shift_left3A_515 = arith.constant 16 : i32
      %shift_left3A_516 = vector.broadcast %shift_left3A_515 : i32 to vector<16xi32>
      %shift_left3A_517 = arith.shli %get3A_511, %shift_left3A_516 : vector<16xi32>
      %bitcast3A_518 = vector.bitcast %shift_left3A_517 : vector<16xi32> to vector<16xf32>
      %shift_left3A_519 = arith.constant 16 : i32
      %shift_left3A_520 = vector.broadcast %shift_left3A_519 : i32 to vector<16xi32>
      %shift_left3A_521 = arith.shli %get3A_514, %shift_left3A_520 : vector<16xi32>
      %bitcast3A_522 = vector.bitcast %shift_left3A_521 : vector<16xi32> to vector<16xf32>
      %and3A_523 = arith.andi %get3A_511, %broadcast_in_dim3A_22 : vector<16xi32>
      %bitcast3A_524 = vector.bitcast %and3A_523 : vector<16xi32> to vector<16xf32>
      %and3A_525 = arith.andi %get3A_514, %broadcast_in_dim3A_22 : vector<16xi32>
      %bitcast3A_526 = vector.bitcast %and3A_525 : vector<16xi32> to vector<16xf32>
      %mul3A_527 = arith.mulf %bitcast3A_518, %bitcast3A_522 : vector<16xf32>
      %mul3A_528 = arith.mulf %bitcast3A_524, %bitcast3A_526 : vector<16xf32>
      %add3A_529 = arith.addf %mul3A_527, %mul3A_528 : vector<16xf32>
      %get3A_530 = arith.index_cast %add3A_508 : i32 to index
      %get3A_531 = arith.constant 16 : index
      %get3A_532 = tpu.vector_load %arg11[%get3A_530, %get3A_531] {strides = array<i32>} : memref<80x64xi32, #tpu.memory_space<vmem>>, vector<16xi32>,
      %get3A_533 = arith.index_cast %add3A_508 : i32 to index
      %get3A_534 = arith.constant 16 : index
      %get3A_535 = tpu.vector_load %arg12[%get3A_533, %get3A_534] {strides = array<i32>} : memref<80x64xi32, #tpu.memory_space<vmem>>, vector<16xi32>,
      %shift_left3A_536 = arith.constant 16 : i32
      %shift_left3A_537 = vector.broadcast %shift_left3A_536 : i32 to vector<16xi32>
      %shift_left3A_538 = arith.shli %get3A_532, %shift_left3A_537 : vector<16xi32>
      %bitcast3A_539 = vector.bitcast %shift_left3A_538 : vector<16xi32> to vector<16xf32>
      %shift_left3A_540 = arith.constant 16 : i32
      %shift_left3A_541 = vector.broadcast %shift_left3A_540 : i32 to vector<16xi32>
      %shift_left3A_542 = arith.shli %get3A_535, %shift_left3A_541 : vector<16xi32>
      %bitcast3A_543 = vector.bitcast %shift_left3A_542 : vector<16xi32> to vector<16xf32>
      %and3A_544 = arith.andi %get3A_532, %broadcast_in_dim3A_22 : vector<16xi32>
      %bitcast3A_545 = vector.bitcast %and3A_544 : vector<16xi32> to vector<16xf32>
      %and3A_546 = arith.andi %get3A_535, %broadcast_in_dim3A_22 : vector<16xi32>
      %bitcast3A_547 = vector.bitcast %and3A_546 : vector<16xi32> to vector<16xf32>
      %mul3A_548 = arith.mulf %bitcast3A_539, %bitcast3A_543 : vector<16xf32>
      %mul3A_549 = arith.mulf %bitcast3A_545, %bitcast3A_547 : vector<16xf32>
      %add3A_550 = arith.addf %mul3A_548, %mul3A_549 : vector<16xf32>
      %get3A_551 = arith.index_cast %add3A_508 : i32 to index
      %get3A_552 = arith.constant 32 : index
      %get3A_553 = tpu.vector_load %arg11[%get3A_551, %get3A_552] {strides = array<i32>} : memref<80x64xi32, #tpu.memory_space<vmem>>, vector<16xi32>,
      %get3A_554 = arith.index_cast %add3A_508 : i32 to index
      %get3A_555 = arith.constant 32 : index
      %get3A_556 = tpu.vector_load %arg12[%get3A_554, %get3A_555] {strides = array<i32>} : memref<80x64xi32, #tpu.memory_space<vmem>>, vector<16xi32>,
      %shift_left3A_557 = arith.constant 16 : i32
      %shift_left3A_558 = vector.broadcast %shift_left3A_557 : i32 to vector<16xi32>
      %shift_left3A_559 = arith.shli %get3A_553, %shift_left3A_558 : vector<16xi32>
      %bitcast3A_560 = vector.bitcast %shift_left3A_559 : vector<16xi32> to vector<16xf32>
      %shift_left3A_561 = arith.constant 16 : i32
      %shift_left3A_562 = vector.broadcast %shift_left3A_561 : i32 to vector<16xi32>
      %shift_left3A_563 = arith.shli %get3A_556, %shift_left3A_562 : vector<16xi32>
      %bitcast3A_564 = vector.bitcast %shift_left3A_563 : vector<16xi32> to vector<16xf32>
      %and3A_565 = arith.andi %get3A_553, %broadcast_in_dim3A_22 : vector<16xi32>
      %bitcast3A_566 = vector.bitcast %and3A_565 : vector<16xi32> to vector<16xf32>
      %and3A_567 = arith.andi %get3A_556, %broadcast_in_dim3A_22 : vector<16xi32>
      %bitcast3A_568 = vector.bitcast %and3A_567 : vector<16xi32> to vector<16xf32>
      %mul3A_569 = arith.mulf %bitcast3A_560, %bitcast3A_564 : vector<16xf32>
      %mul3A_570 = arith.mulf %bitcast3A_566, %bitcast3A_568 : vector<16xf32>
      %add3A_571 = arith.addf %mul3A_569, %mul3A_570 : vector<16xf32>
      %get3A_572 = arith.index_cast %add3A_508 : i32 to index
      %get3A_573 = arith.constant 48 : index
      %get3A_574 = tpu.vector_load %arg11[%get3A_572, %get3A_573] {strides = array<i32>} : memref<80x64xi32, #tpu.memory_space<vmem>>, vector<16xi32>,
      %get3A_575 = arith.index_cast %add3A_508 : i32 to index
      %get3A_576 = arith.constant 48 : index
      %get3A_577 = tpu.vector_load %arg12[%get3A_575, %get3A_576] {strides = array<i32>} : memref<80x64xi32, #tpu.memory_space<vmem>>, vector<16xi32>,
      %shift_left3A_578 = arith.constant 16 : i32
      %shift_left3A_579 = vector.broadcast %shift_left3A_578 : i32 to vector<16xi32>
      %shift_left3A_580 = arith.shli %get3A_574, %shift_left3A_579 : vector<16xi32>
      %bitcast3A_581 = vector.bitcast %shift_left3A_580 : vector<16xi32> to vector<16xf32>
      %shift_left3A_582 = arith.constant 16 : i32
      %shift_left3A_583 = vector.broadcast %shift_left3A_582 : i32 to vector<16xi32>
      %shift_left3A_584 = arith.shli %get3A_577, %shift_left3A_583 : vector<16xi32>
      %bitcast3A_585 = vector.bitcast %shift_left3A_584 : vector<16xi32> to vector<16xf32>
      %and3A_586 = arith.andi %get3A_574, %broadcast_in_dim3A_22 : vector<16xi32>
      %bitcast3A_587 = vector.bitcast %and3A_586 : vector<16xi32> to vector<16xf32>
      %and3A_588 = arith.andi %get3A_577, %broadcast_in_dim3A_22 : vector<16xi32>
      %bitcast3A_589 = vector.bitcast %and3A_588 : vector<16xi32> to vector<16xf32>
      %mul3A_590 = arith.mulf %bitcast3A_581, %bitcast3A_585 : vector<16xf32>
      %mul3A_591 = arith.mulf %bitcast3A_587, %bitcast3A_589 : vector<16xf32>
      %add3A_592 = arith.addf %mul3A_590, %mul3A_591 : vector<16xf32>
      %add3A_593 = arith.addf %add3A_529, %add3A_550 : vector<16xf32>
      %add3A_594 = arith.addf %add3A_571, %add3A_592 : vector<16xf32>
      %add3A_595 = arith.addf %add3A_593, %add3A_594 : vector<16xf32>
      %swap3A_596 = arith.constant 80 : index
      %swap3A_597 = tpu.vector_load %arg15[%swap3A_596] {strides = array<i32>} : memref<256xf32, #tpu.memory_space<vmem>>, vector<16xf32>,
      tpu.vector_store %arg15[%swap3A_596], %add3A_595 {strides = array<i32>} : memref<256xf32, #tpu.memory_space<vmem>>, vector<16xf32>,
      %add3A_598 = arith.constant 6 : i32
      %add3A_599 = arith.addi %mul3A_56, %add3A_598 : i32
      %get3A_600 = arith.index_cast %add3A_599 : i32 to index
      %get3A_601 = arith.constant 0 : index
      %get3A_602 = tpu.vector_load %arg11[%get3A_600, %get3A_601] {strides = array<i32>} : memref<80x64xi32, #tpu.memory_space<vmem>>, vector<16xi32>,
      %get3A_603 = arith.index_cast %add3A_599 : i32 to index
      %get3A_604 = arith.constant 0 : index
      %get3A_605 = tpu.vector_load %arg12[%get3A_603, %get3A_604] {strides = array<i32>} : memref<80x64xi32, #tpu.memory_space<vmem>>, vector<16xi32>,
      %shift_left3A_606 = arith.constant 16 : i32
      %shift_left3A_607 = vector.broadcast %shift_left3A_606 : i32 to vector<16xi32>
      %shift_left3A_608 = arith.shli %get3A_602, %shift_left3A_607 : vector<16xi32>
      %bitcast3A_609 = vector.bitcast %shift_left3A_608 : vector<16xi32> to vector<16xf32>
      %shift_left3A_610 = arith.constant 16 : i32
      %shift_left3A_611 = vector.broadcast %shift_left3A_610 : i32 to vector<16xi32>
      %shift_left3A_612 = arith.shli %get3A_605, %shift_left3A_611 : vector<16xi32>
      %bitcast3A_613 = vector.bitcast %shift_left3A_612 : vector<16xi32> to vector<16xf32>
      %and3A_614 = arith.andi %get3A_602, %broadcast_in_dim3A_22 : vector<16xi32>
      %bitcast3A_615 = vector.bitcast %and3A_614 : vector<16xi32> to vector<16xf32>
      %and3A_616 = arith.andi %get3A_605, %broadcast_in_dim3A_22 : vector<16xi32>
      %bitcast3A_617 = vector.bitcast %and3A_616 : vector<16xi32> to vector<16xf32>
      %mul3A_618 = arith.mulf %bitcast3A_609, %bitcast3A_613 : vector<16xf32>
      %mul3A_619 = arith.mulf %bitcast3A_615, %bitcast3A_617 : vector<16xf32>
      %add3A_620 = arith.addf %mul3A_618, %mul3A_619 : vector<16xf32>
      %get3A_621 = arith.index_cast %add3A_599 : i32 to index
      %get3A_622 = arith.constant 16 : index
      %get3A_623 = tpu.vector_load %arg11[%get3A_621, %get3A_622] {strides = array<i32>} : memref<80x64xi32, #tpu.memory_space<vmem>>, vector<16xi32>,
      %get3A_624 = arith.index_cast %add3A_599 : i32 to index
      %get3A_625 = arith.constant 16 : index
      %get3A_626 = tpu.vector_load %arg12[%get3A_624, %get3A_625] {strides = array<i32>} : memref<80x64xi32, #tpu.memory_space<vmem>>, vector<16xi32>,
      %shift_left3A_627 = arith.constant 16 : i32
      %shift_left3A_628 = vector.broadcast %shift_left3A_627 : i32 to vector<16xi32>
      %shift_left3A_629 = arith.shli %get3A_623, %shift_left3A_628 : vector<16xi32>
      %bitcast3A_630 = vector.bitcast %shift_left3A_629 : vector<16xi32> to vector<16xf32>
      %shift_left3A_631 = arith.constant 16 : i32
      %shift_left3A_632 = vector.broadcast %shift_left3A_631 : i32 to vector<16xi32>
      %shift_left3A_633 = arith.shli %get3A_626, %shift_left3A_632 : vector<16xi32>
      %bitcast3A_634 = vector.bitcast %shift_left3A_633 : vector<16xi32> to vector<16xf32>
      %and3A_635 = arith.andi %get3A_623, %broadcast_in_dim3A_22 : vector<16xi32>
      %bitcast3A_636 = vector.bitcast %and3A_635 : vector<16xi32> to vector<16xf32>
      %and3A_637 = arith.andi %get3A_626, %broadcast_in_dim3A_22 : vector<16xi32>
      %bitcast3A_638 = vector.bitcast %and3A_637 : vector<16xi32> to vector<16xf32>
      %mul3A_639 = arith.mulf %bitcast3A_630, %bitcast3A_634 : vector<16xf32>
      %mul3A_640 = arith.mulf %bitcast3A_636, %bitcast3A_638 : vector<16xf32>
      %add3A_641 = arith.addf %mul3A_639, %mul3A_640 : vector<16xf32>
      %get3A_642 = arith.index_cast %add3A_599 : i32 to index
      %get3A_643 = arith.constant 32 : index
      %get3A_644 = tpu.vector_load %arg11[%get3A_642, %get3A_643] {strides = array<i32>} : memref<80x64xi32, #tpu.memory_space<vmem>>, vector<16xi32>,
      %get3A_645 = arith.index_cast %add3A_599 : i32 to index
      %get3A_646 = arith.constant 32 : index
      %get3A_647 = tpu.vector_load %arg12[%get3A_645, %get3A_646] {strides = array<i32>} : memref<80x64xi32, #tpu.memory_space<vmem>>, vector<16xi32>,
      %shift_left3A_648 = arith.constant 16 : i32
      %shift_left3A_649 = vector.broadcast %shift_left3A_648 : i32 to vector<16xi32>
      %shift_left3A_650 = arith.shli %get3A_644, %shift_left3A_649 : vector<16xi32>
      %bitcast3A_651 = vector.bitcast %shift_left3A_650 : vector<16xi32> to vector<16xf32>
      %shift_left3A_652 = arith.constant 16 : i32
      %shift_left3A_653 = vector.broadcast %shift_left3A_652 : i32 to vector<16xi32>
      %shift_left3A_654 = arith.shli %get3A_647, %shift_left3A_653 : vector<16xi32>
      %bitcast3A_655 = vector.bitcast %shift_left3A_654 : vector<16xi32> to vector<16xf32>
      %and3A_656 = arith.andi %get3A_644, %broadcast_in_dim3A_22 : vector<16xi32>
      %bitcast3A_657 = vector.bitcast %and3A_656 : vector<16xi32> to vector<16xf32>
      %and3A_658 = arith.andi %get3A_647, %broadcast_in_dim3A_22 : vector<16xi32>
      %bitcast3A_659 = vector.bitcast %and3A_658 : vector<16xi32> to vector<16xf32>
      %mul3A_660 = arith.mulf %bitcast3A_651, %bitcast3A_655 : vector<16xf32>
      %mul3A_661 = arith.mulf %bitcast3A_657, %bitcast3A_659 : vector<16xf32>
      %add3A_662 = arith.addf %mul3A_660, %mul3A_661 : vector<16xf32>
      %get3A_663 = arith.index_cast %add3A_599 : i32 to index
      %get3A_664 = arith.constant 48 : index
      %get3A_665 = tpu.vector_load %arg11[%get3A_663, %get3A_664] {strides = array<i32>} : memref<80x64xi32, #tpu.memory_space<vmem>>, vector<16xi32>,
      %get3A_666 = arith.index_cast %add3A_599 : i32 to index
      %get3A_667 = arith.constant 48 : index
      %get3A_668 = tpu.vector_load %arg12[%get3A_666, %get3A_667] {strides = array<i32>} : memref<80x64xi32, #tpu.memory_space<vmem>>, vector<16xi32>,
      %shift_left3A_669 = arith.constant 16 : i32
      %shift_left3A_670 = vector.broadcast %shift_left3A_669 : i32 to vector<16xi32>
      %shift_left3A_671 = arith.shli %get3A_665, %shift_left3A_670 : vector<16xi32>
      %bitcast3A_672 = vector.bitcast %shift_left3A_671 : vector<16xi32> to vector<16xf32>
      %shift_left3A_673 = arith.constant 16 : i32
      %shift_left3A_674 = vector.broadcast %shift_left3A_673 : i32 to vector<16xi32>
      %shift_left3A_675 = arith.shli %get3A_668, %shift_left3A_674 : vector<16xi32>
      %bitcast3A_676 = vector.bitcast %shift_left3A_675 : vector<16xi32> to vector<16xf32>
      %and3A_677 = arith.andi %get3A_665, %broadcast_in_dim3A_22 : vector<16xi32>
      %bitcast3A_678 = vector.bitcast %and3A_677 : vector<16xi32> to vector<16xf32>
      %and3A_679 = arith.andi %get3A_668, %broadcast_in_dim3A_22 : vector<16xi32>
      %bitcast3A_680 = vector.bitcast %and3A_679 : vector<16xi32> to vector<16xf32>
      %mul3A_681 = arith.mulf %bitcast3A_672, %bitcast3A_676 : vector<16xf32>
      %mul3A_682 = arith.mulf %bitcast3A_678, %bitcast3A_680 : vector<16xf32>
      %add3A_683 = arith.addf %mul3A_681, %mul3A_682 : vector<16xf32>
      %add3A_684 = arith.addf %add3A_620, %add3A_641 : vector<16xf32>
      %add3A_685 = arith.addf %add3A_662, %add3A_683 : vector<16xf32>
      %add3A_686 = arith.addf %add3A_684, %add3A_685 : vector<16xf32>
      %swap3A_687 = arith.constant 96 : index
      %swap3A_688 = tpu.vector_load %arg15[%swap3A_687] {strides = array<i32>} : memref<256xf32, #tpu.memory_space<vmem>>, vector<16xf32>,
      tpu.vector_store %arg15[%swap3A_687], %add3A_686 {strides = array<i32>} : memref<256xf32, #tpu.memory_space<vmem>>, vector<16xf32>,
      %add3A_689 = arith.constant 7 : i32
      %add3A_690 = arith.addi %mul3A_56, %add3A_689 : i32
      %get3A_691 = arith.index_cast %add3A_690 : i32 to index
      %get3A_692 = arith.constant 0 : index
      %get3A_693 = tpu.vector_load %arg11[%get3A_691, %get3A_692] {strides = array<i32>} : memref<80x64xi32, #tpu.memory_space<vmem>>, vector<16xi32>,
      %get3A_694 = arith.index_cast %add3A_690 : i32 to index
      %get3A_695 = arith.constant 0 : index
      %get3A_696 = tpu.vector_load %arg12[%get3A_694, %get3A_695] {strides = array<i32>} : memref<80x64xi32, #tpu.memory_space<vmem>>, vector<16xi32>,
      %shift_left3A_697 = arith.constant 16 : i32
      %shift_left3A_698 = vector.broadcast %shift_left3A_697 : i32 to vector<16xi32>
      %shift_left3A_699 = arith.shli %get3A_693, %shift_left3A_698 : vector<16xi32>
      %bitcast3A_700 = vector.bitcast %shift_left3A_699 : vector<16xi32> to vector<16xf32>
      %shift_left3A_701 = arith.constant 16 : i32
      %shift_left3A_702 = vector.broadcast %shift_left3A_701 : i32 to vector<16xi32>
      %shift_left3A_703 = arith.shli %get3A_696, %shift_left3A_702 : vector<16xi32>
      %bitcast3A_704 = vector.bitcast %shift_left3A_703 : vector<16xi32> to vector<16xf32>
      %and3A_705 = arith.andi %get3A_693, %broadcast_in_dim3A_22 : vector<16xi32>
      %bitcast3A_706 = vector.bitcast %and3A_705 : vector<16xi32> to vector<16xf32>
      %and3A_707 = arith.andi %get3A_696, %broadcast_in_dim3A_22 : vector<16xi32>
      %bitcast3A_708 = vector.bitcast %and3A_707 : vector<16xi32> to vector<16xf32>
      %mul3A_709 = arith.mulf %bitcast3A_700, %bitcast3A_704 : vector<16xf32>
      %mul3A_710 = arith.mulf %bitcast3A_706, %bitcast3A_708 : vector<16xf32>
      %add3A_711 = arith.addf %mul3A_709, %mul3A_710 : vector<16xf32>
      %get3A_712 = arith.index_cast %add3A_690 : i32 to index
      %get3A_713 = arith.constant 16 : index
      %get3A_714 = tpu.vector_load %arg11[%get3A_712, %get3A_713] {strides = array<i32>} : memref<80x64xi32, #tpu.memory_space<vmem>>, vector<16xi32>,
      %get3A_715 = arith.index_cast %add3A_690 : i32 to index
      %get3A_716 = arith.constant 16 : index
      %get3A_717 = tpu.vector_load %arg12[%get3A_715, %get3A_716] {strides = array<i32>} : memref<80x64xi32, #tpu.memory_space<vmem>>, vector<16xi32>,
      %shift_left3A_718 = arith.constant 16 : i32
      %shift_left3A_719 = vector.broadcast %shift_left3A_718 : i32 to vector<16xi32>
      %shift_left3A_720 = arith.shli %get3A_714, %shift_left3A_719 : vector<16xi32>
      %bitcast3A_721 = vector.bitcast %shift_left3A_720 : vector<16xi32> to vector<16xf32>
      %shift_left3A_722 = arith.constant 16 : i32
      %shift_left3A_723 = vector.broadcast %shift_left3A_722 : i32 to vector<16xi32>
      %shift_left3A_724 = arith.shli %get3A_717, %shift_left3A_723 : vector<16xi32>
      %bitcast3A_725 = vector.bitcast %shift_left3A_724 : vector<16xi32> to vector<16xf32>
      %and3A_726 = arith.andi %get3A_714, %broadcast_in_dim3A_22 : vector<16xi32>
      %bitcast3A_727 = vector.bitcast %and3A_726 : vector<16xi32> to vector<16xf32>
      %and3A_728 = arith.andi %get3A_717, %broadcast_in_dim3A_22 : vector<16xi32>
      %bitcast3A_729 = vector.bitcast %and3A_728 : vector<16xi32> to vector<16xf32>
      %mul3A_730 = arith.mulf %bitcast3A_721, %bitcast3A_725 : vector<16xf32>
      %mul3A_731 = arith.mulf %bitcast3A_727, %bitcast3A_729 : vector<16xf32>
      %add3A_732 = arith.addf %mul3A_730, %mul3A_731 : vector<16xf32>
      %get3A_733 = arith.index_cast %add3A_690 : i32 to index
      %get3A_734 = arith.constant 32 : index
      %get3A_735 = tpu.vector_load %arg11[%get3A_733, %get3A_734] {strides = array<i32>} : memref<80x64xi32, #tpu.memory_space<vmem>>, vector<16xi32>,
      %get3A_736 = arith.index_cast %add3A_690 : i32 to index
      %get3A_737 = arith.constant 32 : index
      %get3A_738 = tpu.vector_load %arg12[%get3A_736, %get3A_737] {strides = array<i32>} : memref<80x64xi32, #tpu.memory_space<vmem>>, vector<16xi32>,
      %shift_left3A_739 = arith.constant 16 : i32
      %shift_left3A_740 = vector.broadcast %shift_left3A_739 : i32 to vector<16xi32>
      %shift_left3A_741 = arith.shli %get3A_735, %shift_left3A_740 : vector<16xi32>
      %bitcast3A_742 = vector.bitcast %shift_left3A_741 : vector<16xi32> to vector<16xf32>
      %shift_left3A_743 = arith.constant 16 : i32
      %shift_left3A_744 = vector.broadcast %shift_left3A_743 : i32 to vector<16xi32>
      %shift_left3A_745 = arith.shli %get3A_738, %shift_left3A_744 : vector<16xi32>
      %bitcast3A_746 = vector.bitcast %shift_left3A_745 : vector<16xi32> to vector<16xf32>
      %and3A_747 = arith.andi %get3A_735, %broadcast_in_dim3A_22 : vector<16xi32>
      %bitcast3A_748 = vector.bitcast %and3A_747 : vector<16xi32> to vector<16xf32>
      %and3A_749 = arith.andi %get3A_738, %broadcast_in_dim3A_22 : vector<16xi32>
      %bitcast3A_750 = vector.bitcast %and3A_749 : vector<16xi32> to vector<16xf32>
      %mul3A_751 = arith.mulf %bitcast3A_742, %bitcast3A_746 : vector<16xf32>
      %mul3A_752 = arith.mulf %bitcast3A_748, %bitcast3A_750 : vector<16xf32>
      %add3A_753 = arith.addf %mul3A_751, %mul3A_752 : vector<16xf32>
      %get3A_754 = arith.index_cast %add3A_690 : i32 to index
      %get3A_755 = arith.constant 48 : index
      %get3A_756 = tpu.vector_load %arg11[%get3A_754, %get3A_755] {strides = array<i32>} : memref<80x64xi32, #tpu.memory_space<vmem>>, vector<16xi32>,
      %get3A_757 = arith.index_cast %add3A_690 : i32 to index
      %get3A_758 = arith.constant 48 : index
      %get3A_759 = tpu.vector_load %arg12[%get3A_757, %get3A_758] {strides = array<i32>} : memref<80x64xi32, #tpu.memory_space<vmem>>, vector<16xi32>,
      %shift_left3A_760 = arith.constant 16 : i32
      %shift_left3A_761 = vector.broadcast %shift_left3A_760 : i32 to vector<16xi32>
      %shift_left3A_762 = arith.shli %get3A_756, %shift_left3A_761 : vector<16xi32>
      %bitcast3A_763 = vector.bitcast %shift_left3A_762 : vector<16xi32> to vector<16xf32>
      %shift_left3A_764 = arith.constant 16 : i32
      %shift_left3A_765 = vector.broadcast %shift_left3A_764 : i32 to vector<16xi32>
      %shift_left3A_766 = arith.shli %get3A_759, %shift_left3A_765 : vector<16xi32>
      %bitcast3A_767 = vector.bitcast %shift_left3A_766 : vector<16xi32> to vector<16xf32>
      %and3A_768 = arith.andi %get3A_756, %broadcast_in_dim3A_22 : vector<16xi32>
      %bitcast3A_769 = vector.bitcast %and3A_768 : vector<16xi32> to vector<16xf32>
      %and3A_770 = arith.andi %get3A_759, %broadcast_in_dim3A_22 : vector<16xi32>
      %bitcast3A_771 = vector.bitcast %and3A_770 : vector<16xi32> to vector<16xf32>
      %mul3A_772 = arith.mulf %bitcast3A_763, %bitcast3A_767 : vector<16xf32>
      %mul3A_773 = arith.mulf %bitcast3A_769, %bitcast3A_771 : vector<16xf32>
      %add3A_774 = arith.addf %mul3A_772, %mul3A_773 : vector<16xf32>
      %add3A_775 = arith.addf %add3A_711, %add3A_732 : vector<16xf32>
      %add3A_776 = arith.addf %add3A_753, %add3A_774 : vector<16xf32>
      %add3A_777 = arith.addf %add3A_775, %add3A_776 : vector<16xf32>
      %swap3A_778 = arith.constant 112 : index
      %swap3A_779 = tpu.vector_load %arg15[%swap3A_778] {strides = array<i32>} : memref<256xf32, #tpu.memory_space<vmem>>, vector<16xf32>,
      tpu.vector_store %arg15[%swap3A_778], %add3A_777 {strides = array<i32>} : memref<256xf32, #tpu.memory_space<vmem>>, vector<16xf32>,
      %add3A_780 = arith.constant 8 : i32
      %add3A_781 = arith.addi %mul3A_56, %add3A_780 : i32
      %get3A_782 = arith.index_cast %add3A_781 : i32 to index
      %get3A_783 = arith.constant 0 : index
      %get3A_784 = tpu.vector_load %arg11[%get3A_782, %get3A_783] {strides = array<i32>} : memref<80x64xi32, #tpu.memory_space<vmem>>, vector<16xi32>,
      %get3A_785 = arith.index_cast %add3A_781 : i32 to index
      %get3A_786 = arith.constant 0 : index
      %get3A_787 = tpu.vector_load %arg12[%get3A_785, %get3A_786] {strides = array<i32>} : memref<80x64xi32, #tpu.memory_space<vmem>>, vector<16xi32>,
      %shift_left3A_788 = arith.constant 16 : i32
      %shift_left3A_789 = vector.broadcast %shift_left3A_788 : i32 to vector<16xi32>
      %shift_left3A_790 = arith.shli %get3A_784, %shift_left3A_789 : vector<16xi32>
      %bitcast3A_791 = vector.bitcast %shift_left3A_790 : vector<16xi32> to vector<16xf32>
      %shift_left3A_792 = arith.constant 16 : i32
      %shift_left3A_793 = vector.broadcast %shift_left3A_792 : i32 to vector<16xi32>
      %shift_left3A_794 = arith.shli %get3A_787, %shift_left3A_793 : vector<16xi32>
      %bitcast3A_795 = vector.bitcast %shift_left3A_794 : vector<16xi32> to vector<16xf32>
      %and3A_796 = arith.andi %get3A_784, %broadcast_in_dim3A_22 : vector<16xi32>
      %bitcast3A_797 = vector.bitcast %and3A_796 : vector<16xi32> to vector<16xf32>
      %and3A_798 = arith.andi %get3A_787, %broadcast_in_dim3A_22 : vector<16xi32>
      %bitcast3A_799 = vector.bitcast %and3A_798 : vector<16xi32> to vector<16xf32>
      %mul3A_800 = arith.mulf %bitcast3A_791, %bitcast3A_795 : vector<16xf32>
      %mul3A_801 = arith.mulf %bitcast3A_797, %bitcast3A_799 : vector<16xf32>
      %add3A_802 = arith.addf %mul3A_800, %mul3A_801 : vector<16xf32>
      %get3A_803 = arith.index_cast %add3A_781 : i32 to index
      %get3A_804 = arith.constant 16 : index
      %get3A_805 = tpu.vector_load %arg11[%get3A_803, %get3A_804] {strides = array<i32>} : memref<80x64xi32, #tpu.memory_space<vmem>>, vector<16xi32>,
      %get3A_806 = arith.index_cast %add3A_781 : i32 to index
      %get3A_807 = arith.constant 16 : index
      %get3A_808 = tpu.vector_load %arg12[%get3A_806, %get3A_807] {strides = array<i32>} : memref<80x64xi32, #tpu.memory_space<vmem>>, vector<16xi32>,
      %shift_left3A_809 = arith.constant 16 : i32
      %shift_left3A_810 = vector.broadcast %shift_left3A_809 : i32 to vector<16xi32>
      %shift_left3A_811 = arith.shli %get3A_805, %shift_left3A_810 : vector<16xi32>
      %bitcast3A_812 = vector.bitcast %shift_left3A_811 : vector<16xi32> to vector<16xf32>
      %shift_left3A_813 = arith.constant 16 : i32
      %shift_left3A_814 = vector.broadcast %shift_left3A_813 : i32 to vector<16xi32>
      %shift_left3A_815 = arith.shli %get3A_808, %shift_left3A_814 : vector<16xi32>
      %bitcast3A_816 = vector.bitcast %shift_left3A_815 : vector<16xi32> to vector<16xf32>
      %and3A_817 = arith.andi %get3A_805, %broadcast_in_dim3A_22 : vector<16xi32>
      %bitcast3A_818 = vector.bitcast %and3A_817 : vector<16xi32> to vector<16xf32>
      %and3A_819 = arith.andi %get3A_808, %broadcast_in_dim3A_22 : vector<16xi32>
      %bitcast3A_820 = vector.bitcast %and3A_819 : vector<16xi32> to vector<16xf32>
      %mul3A_821 = arith.mulf %bitcast3A_812, %bitcast3A_816 : vector<16xf32>
      %mul3A_822 = arith.mulf %bitcast3A_818, %bitcast3A_820 : vector<16xf32>
      %add3A_823 = arith.addf %mul3A_821, %mul3A_822 : vector<16xf32>
      %get3A_824 = arith.index_cast %add3A_781 : i32 to index
      %get3A_825 = arith.constant 32 : index
      %get3A_826 = tpu.vector_load %arg11[%get3A_824, %get3A_825] {strides = array<i32>} : memref<80x64xi32, #tpu.memory_space<vmem>>, vector<16xi32>,
      %get3A_827 = arith.index_cast %add3A_781 : i32 to index
      %get3A_828 = arith.constant 32 : index
      %get3A_829 = tpu.vector_load %arg12[%get3A_827, %get3A_828] {strides = array<i32>} : memref<80x64xi32, #tpu.memory_space<vmem>>, vector<16xi32>,
      %shift_left3A_830 = arith.constant 16 : i32
      %shift_left3A_831 = vector.broadcast %shift_left3A_830 : i32 to vector<16xi32>
      %shift_left3A_832 = arith.shli %get3A_826, %shift_left3A_831 : vector<16xi32>
      %bitcast3A_833 = vector.bitcast %shift_left3A_832 : vector<16xi32> to vector<16xf32>
      %shift_left3A_834 = arith.constant 16 : i32
      %shift_left3A_835 = vector.broadcast %shift_left3A_834 : i32 to vector<16xi32>
      %shift_left3A_836 = arith.shli %get3A_829, %shift_left3A_835 : vector<16xi32>
      %bitcast3A_837 = vector.bitcast %shift_left3A_836 : vector<16xi32> to vector<16xf32>
      %and3A_838 = arith.andi %get3A_826, %broadcast_in_dim3A_22 : vector<16xi32>
      %bitcast3A_839 = vector.bitcast %and3A_838 : vector<16xi32> to vector<16xf32>
      %and3A_840 = arith.andi %get3A_829, %broadcast_in_dim3A_22 : vector<16xi32>
      %bitcast3A_841 = vector.bitcast %and3A_840 : vector<16xi32> to vector<16xf32>
      %mul3A_842 = arith.mulf %bitcast3A_833, %bitcast3A_837 : vector<16xf32>
      %mul3A_843 = arith.mulf %bitcast3A_839, %bitcast3A_841 : vector<16xf32>
      %add3A_844 = arith.addf %mul3A_842, %mul3A_843 : vector<16xf32>
      %get3A_845 = arith.index_cast %add3A_781 : i32 to index
      %get3A_846 = arith.constant 48 : index
      %get3A_847 = tpu.vector_load %arg11[%get3A_845, %get3A_846] {strides = array<i32>} : memref<80x64xi32, #tpu.memory_space<vmem>>, vector<16xi32>,
      %get3A_848 = arith.index_cast %add3A_781 : i32 to index
      %get3A_849 = arith.constant 48 : index
      %get3A_850 = tpu.vector_load %arg12[%get3A_848, %get3A_849] {strides = array<i32>} : memref<80x64xi32, #tpu.memory_space<vmem>>, vector<16xi32>,
      %shift_left3A_851 = arith.constant 16 : i32
      %shift_left3A_852 = vector.broadcast %shift_left3A_851 : i32 to vector<16xi32>
      %shift_left3A_853 = arith.shli %get3A_847, %shift_left3A_852 : vector<16xi32>
      %bitcast3A_854 = vector.bitcast %shift_left3A_853 : vector<16xi32> to vector<16xf32>
      %shift_left3A_855 = arith.constant 16 : i32
      %shift_left3A_856 = vector.broadcast %shift_left3A_855 : i32 to vector<16xi32>
      %shift_left3A_857 = arith.shli %get3A_850, %shift_left3A_856 : vector<16xi32>
      %bitcast3A_858 = vector.bitcast %shift_left3A_857 : vector<16xi32> to vector<16xf32>
      %and3A_859 = arith.andi %get3A_847, %broadcast_in_dim3A_22 : vector<16xi32>
      %bitcast3A_860 = vector.bitcast %and3A_859 : vector<16xi32> to vector<16xf32>
      %and3A_861 = arith.andi %get3A_850, %broadcast_in_dim3A_22 : vector<16xi32>
      %bitcast3A_862 = vector.bitcast %and3A_861 : vector<16xi32> to vector<16xf32>
      %mul3A_863 = arith.mulf %bitcast3A_854, %bitcast3A_858 : vector<16xf32>
      %mul3A_864 = arith.mulf %bitcast3A_860, %bitcast3A_862 : vector<16xf32>
      %add3A_865 = arith.addf %mul3A_863, %mul3A_864 : vector<16xf32>
      %add3A_866 = arith.addf %add3A_802, %add3A_823 : vector<16xf32>
      %add3A_867 = arith.addf %add3A_844, %add3A_865 : vector<16xf32>
      %add3A_868 = arith.addf %add3A_866, %add3A_867 : vector<16xf32>
      %swap3A_869 = arith.constant 128 : index
      %swap3A_870 = tpu.vector_load %arg15[%swap3A_869] {strides = array<i32>} : memref<256xf32, #tpu.memory_space<vmem>>, vector<16xf32>,
      tpu.vector_store %arg15[%swap3A_869], %add3A_868 {strides = array<i32>} : memref<256xf32, #tpu.memory_space<vmem>>, vector<16xf32>,
      %add3A_871 = arith.constant 9 : i32
      %add3A_872 = arith.addi %mul3A_56, %add3A_871 : i32
      %get3A_873 = arith.index_cast %add3A_872 : i32 to index
      %get3A_874 = arith.constant 0 : index
      %get3A_875 = tpu.vector_load %arg11[%get3A_873, %get3A_874] {strides = array<i32>} : memref<80x64xi32, #tpu.memory_space<vmem>>, vector<16xi32>,
      %get3A_876 = arith.index_cast %add3A_872 : i32 to index
      %get3A_877 = arith.constant 0 : index
      %get3A_878 = tpu.vector_load %arg12[%get3A_876, %get3A_877] {strides = array<i32>} : memref<80x64xi32, #tpu.memory_space<vmem>>, vector<16xi32>,
      %shift_left3A_879 = arith.constant 16 : i32
      %shift_left3A_880 = vector.broadcast %shift_left3A_879 : i32 to vector<16xi32>
      %shift_left3A_881 = arith.shli %get3A_875, %shift_left3A_880 : vector<16xi32>
      %bitcast3A_882 = vector.bitcast %shift_left3A_881 : vector<16xi32> to vector<16xf32>
      %shift_left3A_883 = arith.constant 16 : i32
      %shift_left3A_884 = vector.broadcast %shift_left3A_883 : i32 to vector<16xi32>
      %shift_left3A_885 = arith.shli %get3A_878, %shift_left3A_884 : vector<16xi32>
      %bitcast3A_886 = vector.bitcast %shift_left3A_885 : vector<16xi32> to vector<16xf32>
      %and3A_887 = arith.andi %get3A_875, %broadcast_in_dim3A_22 : vector<16xi32>
      %bitcast3A_888 = vector.bitcast %and3A_887 : vector<16xi32> to vector<16xf32>
      %and3A_889 = arith.andi %get3A_878, %broadcast_in_dim3A_22 : vector<16xi32>
      %bitcast3A_890 = vector.bitcast %and3A_889 : vector<16xi32> to vector<16xf32>
      %mul3A_891 = arith.mulf %bitcast3A_882, %bitcast3A_886 : vector<16xf32>
      %mul3A_892 = arith.mulf %bitcast3A_888, %bitcast3A_890 : vector<16xf32>
      %add3A_893 = arith.addf %mul3A_891, %mul3A_892 : vector<16xf32>
      %get3A_894 = arith.index_cast %add3A_872 : i32 to index
      %get3A_895 = arith.constant 16 : index
      %get3A_896 = tpu.vector_load %arg11[%get3A_894, %get3A_895] {strides = array<i32>} : memref<80x64xi32, #tpu.memory_space<vmem>>, vector<16xi32>,
      %get3A_897 = arith.index_cast %add3A_872 : i32 to index
      %get3A_898 = arith.constant 16 : index
      %get3A_899 = tpu.vector_load %arg12[%get3A_897, %get3A_898] {strides = array<i32>} : memref<80x64xi32, #tpu.memory_space<vmem>>, vector<16xi32>,
      %shift_left3A_900 = arith.constant 16 : i32
      %shift_left3A_901 = vector.broadcast %shift_left3A_900 : i32 to vector<16xi32>
      %shift_left3A_902 = arith.shli %get3A_896, %shift_left3A_901 : vector<16xi32>
      %bitcast3A_903 = vector.bitcast %shift_left3A_902 : vector<16xi32> to vector<16xf32>
      %shift_left3A_904 = arith.constant 16 : i32
      %shift_left3A_905 = vector.broadcast %shift_left3A_904 : i32 to vector<16xi32>
      %shift_left3A_906 = arith.shli %get3A_899, %shift_left3A_905 : vector<16xi32>
      %bitcast3A_907 = vector.bitcast %shift_left3A_906 : vector<16xi32> to vector<16xf32>
      %and3A_908 = arith.andi %get3A_896, %broadcast_in_dim3A_22 : vector<16xi32>
      %bitcast3A_909 = vector.bitcast %and3A_908 : vector<16xi32> to vector<16xf32>
      %and3A_910 = arith.andi %get3A_899, %broadcast_in_dim3A_22 : vector<16xi32>
      %bitcast3A_911 = vector.bitcast %and3A_910 : vector<16xi32> to vector<16xf32>
      %mul3A_912 = arith.mulf %bitcast3A_903, %bitcast3A_907 : vector<16xf32>
      %mul3A_913 = arith.mulf %bitcast3A_909, %bitcast3A_911 : vector<16xf32>
      %add3A_914 = arith.addf %mul3A_912, %mul3A_913 : vector<16xf32>
      %get3A_915 = arith.index_cast %add3A_872 : i32 to index
      %get3A_916 = arith.constant 32 : index
      %get3A_917 = tpu.vector_load %arg11[%get3A_915, %get3A_916] {strides = array<i32>} : memref<80x64xi32, #tpu.memory_space<vmem>>, vector<16xi32>,
      %get3A_918 = arith.index_cast %add3A_872 : i32 to index
      %get3A_919 = arith.constant 32 : index
      %get3A_920 = tpu.vector_load %arg12[%get3A_918, %get3A_919] {strides = array<i32>} : memref<80x64xi32, #tpu.memory_space<vmem>>, vector<16xi32>,
      %shift_left3A_921 = arith.constant 16 : i32
      %shift_left3A_922 = vector.broadcast %shift_left3A_921 : i32 to vector<16xi32>
      %shift_left3A_923 = arith.shli %get3A_917, %shift_left3A_922 : vector<16xi32>
      %bitcast3A_924 = vector.bitcast %shift_left3A_923 : vector<16xi32> to vector<16xf32>
      %shift_left3A_925 = arith.constant 16 : i32
      %shift_left3A_926 = vector.broadcast %shift_left3A_925 : i32 to vector<16xi32>
      %shift_left3A_927 = arith.shli %get3A_920, %shift_left3A_926 : vector<16xi32>
      %bitcast3A_928 = vector.bitcast %shift_left3A_927 : vector<16xi32> to vector<16xf32>
      %and3A_929 = arith.andi %get3A_917, %broadcast_in_dim3A_22 : vector<16xi32>
      %bitcast3A_930 = vector.bitcast %and3A_929 : vector<16xi32> to vector<16xf32>
      %and3A_931 = arith.andi %get3A_920, %broadcast_in_dim3A_22 : vector<16xi32>
      %bitcast3A_932 = vector.bitcast %and3A_931 : vector<16xi32> to vector<16xf32>
      %mul3A_933 = arith.mulf %bitcast3A_924, %bitcast3A_928 : vector<16xf32>
      %mul3A_934 = arith.mulf %bitcast3A_930, %bitcast3A_932 : vector<16xf32>
      %add3A_935 = arith.addf %mul3A_933, %mul3A_934 : vector<16xf32>
      %get3A_936 = arith.index_cast %add3A_872 : i32 to index
      %get3A_937 = arith.constant 48 : index
      %get3A_938 = tpu.vector_load %arg11[%get3A_936, %get3A_937] {strides = array<i32>} : memref<80x64xi32, #tpu.memory_space<vmem>>, vector<16xi32>,
      %get3A_939 = arith.index_cast %add3A_872 : i32 to index
      %get3A_940 = arith.constant 48 : index
      %get3A_941 = tpu.vector_load %arg12[%get3A_939, %get3A_940] {strides = array<i32>} : memref<80x64xi32, #tpu.memory_space<vmem>>, vector<16xi32>,
      %shift_left3A_942 = arith.constant 16 : i32
      %shift_left3A_943 = vector.broadcast %shift_left3A_942 : i32 to vector<16xi32>
      %shift_left3A_944 = arith.shli %get3A_938, %shift_left3A_943 : vector<16xi32>
      %bitcast3A_945 = vector.bitcast %shift_left3A_944 : vector<16xi32> to vector<16xf32>
      %shift_left3A_946 = arith.constant 16 : i32
      %shift_left3A_947 = vector.broadcast %shift_left3A_946 : i32 to vector<16xi32>
      %shift_left3A_948 = arith.shli %get3A_941, %shift_left3A_947 : vector<16xi32>
      %bitcast3A_949 = vector.bitcast %shift_left3A_948 : vector<16xi32> to vector<16xf32>
      %and3A_950 = arith.andi %get3A_938, %broadcast_in_dim3A_22 : vector<16xi32>
      %bitcast3A_951 = vector.bitcast %and3A_950 : vector<16xi32> to vector<16xf32>
      %and3A_952 = arith.andi %get3A_941, %broadcast_in_dim3A_22 : vector<16xi32>
      %bitcast3A_953 = vector.bitcast %and3A_952 : vector<16xi32> to vector<16xf32>
      %mul3A_954 = arith.mulf %bitcast3A_945, %bitcast3A_949 : vector<16xf32>
      %mul3A_955 = arith.mulf %bitcast3A_951, %bitcast3A_953 : vector<16xf32>
      %add3A_956 = arith.addf %mul3A_954, %mul3A_955 : vector<16xf32>
      %add3A_957 = arith.addf %add3A_893, %add3A_914 : vector<16xf32>
      %add3A_958 = arith.addf %add3A_935, %add3A_956 : vector<16xf32>
      %add3A_959 = arith.addf %add3A_957, %add3A_958 : vector<16xf32>
      %swap3A_960 = arith.constant 144 : index
      %swap3A_961 = tpu.vector_load %arg15[%swap3A_960] {strides = array<i32>} : memref<256xf32, #tpu.memory_space<vmem>>, vector<16xf32>,
      tpu.vector_store %arg15[%swap3A_960], %add3A_959 {strides = array<i32>} : memref<256xf32, #tpu.memory_space<vmem>>, vector<16xf32>,
      %add3A_962 = arith.constant 10 : i32
      %add3A_963 = arith.addi %mul3A_56, %add3A_962 : i32
      %get3A_964 = arith.index_cast %add3A_963 : i32 to index
      %get3A_965 = arith.constant 0 : index
      %get3A_966 = tpu.vector_load %arg11[%get3A_964, %get3A_965] {strides = array<i32>} : memref<80x64xi32, #tpu.memory_space<vmem>>, vector<16xi32>,
      %get3A_967 = arith.index_cast %add3A_963 : i32 to index
      %get3A_968 = arith.constant 0 : index
      %get3A_969 = tpu.vector_load %arg12[%get3A_967, %get3A_968] {strides = array<i32>} : memref<80x64xi32, #tpu.memory_space<vmem>>, vector<16xi32>,
      %shift_left3A_970 = arith.constant 16 : i32
      %shift_left3A_971 = vector.broadcast %shift_left3A_970 : i32 to vector<16xi32>
      %shift_left3A_972 = arith.shli %get3A_966, %shift_left3A_971 : vector<16xi32>
      %bitcast3A_973 = vector.bitcast %shift_left3A_972 : vector<16xi32> to vector<16xf32>
      %shift_left3A_974 = arith.constant 16 : i32
      %shift_left3A_975 = vector.broadcast %shift_left3A_974 : i32 to vector<16xi32>
      %shift_left3A_976 = arith.shli %get3A_969, %shift_left3A_975 : vector<16xi32>
      %bitcast3A_977 = vector.bitcast %shift_left3A_976 : vector<16xi32> to vector<16xf32>
      %and3A_978 = arith.andi %get3A_966, %broadcast_in_dim3A_22 : vector<16xi32>
      %bitcast3A_979 = vector.bitcast %and3A_978 : vector<16xi32> to vector<16xf32>
      %and3A_980 = arith.andi %get3A_969, %broadcast_in_dim3A_22 : vector<16xi32>
      %bitcast3A_981 = vector.bitcast %and3A_980 : vector<16xi32> to vector<16xf32>
      %mul3A_982 = arith.mulf %bitcast3A_973, %bitcast3A_977 : vector<16xf32>
      %mul3A_983 = arith.mulf %bitcast3A_979, %bitcast3A_981 : vector<16xf32>
      %add3A_984 = arith.addf %mul3A_982, %mul3A_983 : vector<16xf32>
      %get3A_985 = arith.index_cast %add3A_963 : i32 to index
      %get3A_986 = arith.constant 16 : index
      %get3A_987 = tpu.vector_load %arg11[%get3A_985, %get3A_986] {strides = array<i32>} : memref<80x64xi32, #tpu.memory_space<vmem>>, vector<16xi32>,
      %get3A_988 = arith.index_cast %add3A_963 : i32 to index
      %get3A_989 = arith.constant 16 : index
      %get3A_990 = tpu.vector_load %arg12[%get3A_988, %get3A_989] {strides = array<i32>} : memref<80x64xi32, #tpu.memory_space<vmem>>, vector<16xi32>,
      %shift_left3A_991 = arith.constant 16 : i32
      %shift_left3A_992 = vector.broadcast %shift_left3A_991 : i32 to vector<16xi32>
      %shift_left3A_993 = arith.shli %get3A_987, %shift_left3A_992 : vector<16xi32>
      %bitcast3A_994 = vector.bitcast %shift_left3A_993 : vector<16xi32> to vector<16xf32>
      %shift_left3A_995 = arith.constant 16 : i32
      %shift_left3A_996 = vector.broadcast %shift_left3A_995 : i32 to vector<16xi32>
      %shift_left3A_997 = arith.shli %get3A_990, %shift_left3A_996 : vector<16xi32>
      %bitcast3A_998 = vector.bitcast %shift_left3A_997 : vector<16xi32> to vector<16xf32>
      %and3A_999 = arith.andi %get3A_987, %broadcast_in_dim3A_22 : vector<16xi32>
      %bitcast3A_1000 = vector.bitcast %and3A_999 : vector<16xi32> to vector<16xf32>
      %and3A_1001 = arith.andi %get3A_990, %broadcast_in_dim3A_22 : vector<16xi32>
      %bitcast3A_1002 = vector.bitcast %and3A_1001 : vector<16xi32> to vector<16xf32>
      %mul3A_1003 = arith.mulf %bitcast3A_994, %bitcast3A_998 : vector<16xf32>
      %mul3A_1004 = arith.mulf %bitcast3A_1000, %bitcast3A_1002 : vector<16xf32>
      %add3A_1005 = arith.addf %mul3A_1003, %mul3A_1004 : vector<16xf32>
      %get3A_1006 = arith.index_cast %add3A_963 : i32 to index
      %get3A_1007 = arith.constant 32 : index
      %get3A_1008 = tpu.vector_load %arg11[%get3A_1006, %get3A_1007] {strides = array<i32>} : memref<80x64xi32, #tpu.memory_space<vmem>>, vector<16xi32>,
      %get3A_1009 = arith.index_cast %add3A_963 : i32 to index
      %get3A_1010 = arith.constant 32 : index
      %get3A_1011 = tpu.vector_load %arg12[%get3A_1009, %get3A_1010] {strides = array<i32>} : memref<80x64xi32, #tpu.memory_space<vmem>>, vector<16xi32>,
      %shift_left3A_1012 = arith.constant 16 : i32
      %shift_left3A_1013 = vector.broadcast %shift_left3A_1012 : i32 to vector<16xi32>
      %shift_left3A_1014 = arith.shli %get3A_1008, %shift_left3A_1013 : vector<16xi32>
      %bitcast3A_1015 = vector.bitcast %shift_left3A_1014 : vector<16xi32> to vector<16xf32>
      %shift_left3A_1016 = arith.constant 16 : i32
      %shift_left3A_1017 = vector.broadcast %shift_left3A_1016 : i32 to vector<16xi32>
      %shift_left3A_1018 = arith.shli %get3A_1011, %shift_left3A_1017 : vector<16xi32>
      %bitcast3A_1019 = vector.bitcast %shift_left3A_1018 : vector<16xi32> to vector<16xf32>
      %and3A_1020 = arith.andi %get3A_1008, %broadcast_in_dim3A_22 : vector<16xi32>
      %bitcast3A_1021 = vector.bitcast %and3A_1020 : vector<16xi32> to vector<16xf32>
      %and3A_1022 = arith.andi %get3A_1011, %broadcast_in_dim3A_22 : vector<16xi32>
      %bitcast3A_1023 = vector.bitcast %and3A_1022 : vector<16xi32> to vector<16xf32>
      %mul3A_1024 = arith.mulf %bitcast3A_1015, %bitcast3A_1019 : vector<16xf32>
      %mul3A_1025 = arith.mulf %bitcast3A_1021, %bitcast3A_1023 : vector<16xf32>
      %add3A_1026 = arith.addf %mul3A_1024, %mul3A_1025 : vector<16xf32>
      %get3A_1027 = arith.index_cast %add3A_963 : i32 to index
      %get3A_1028 = arith.constant 48 : index
      %get3A_1029 = tpu.vector_load %arg11[%get3A_1027, %get3A_1028] {strides = array<i32>} : memref<80x64xi32, #tpu.memory_space<vmem>>, vector<16xi32>,
      %get3A_1030 = arith.index_cast %add3A_963 : i32 to index
      %get3A_1031 = arith.constant 48 : index
      %get3A_1032 = tpu.vector_load %arg12[%get3A_1030, %get3A_1031] {strides = array<i32>} : memref<80x64xi32, #tpu.memory_space<vmem>>, vector<16xi32>,
      %shift_left3A_1033 = arith.constant 16 : i32
      %shift_left3A_1034 = vector.broadcast %shift_left3A_1033 : i32 to vector<16xi32>
      %shift_left3A_1035 = arith.shli %get3A_1029, %shift_left3A_1034 : vector<16xi32>
      %bitcast3A_1036 = vector.bitcast %shift_left3A_1035 : vector<16xi32> to vector<16xf32>
      %shift_left3A_1037 = arith.constant 16 : i32
      %shift_left3A_1038 = vector.broadcast %shift_left3A_1037 : i32 to vector<16xi32>
      %shift_left3A_1039 = arith.shli %get3A_1032, %shift_left3A_1038 : vector<16xi32>
      %bitcast3A_1040 = vector.bitcast %shift_left3A_1039 : vector<16xi32> to vector<16xf32>
      %and3A_1041 = arith.andi %get3A_1029, %broadcast_in_dim3A_22 : vector<16xi32>
      %bitcast3A_1042 = vector.bitcast %and3A_1041 : vector<16xi32> to vector<16xf32>
      %and3A_1043 = arith.andi %get3A_1032, %broadcast_in_dim3A_22 : vector<16xi32>
      %bitcast3A_1044 = vector.bitcast %and3A_1043 : vector<16xi32> to vector<16xf32>
      %mul3A_1045 = arith.mulf %bitcast3A_1036, %bitcast3A_1040 : vector<16xf32>
      %mul3A_1046 = arith.mulf %bitcast3A_1042, %bitcast3A_1044 : vector<16xf32>
      %add3A_1047 = arith.addf %mul3A_1045, %mul3A_1046 : vector<16xf32>
      %add3A_1048 = arith.addf %add3A_984, %add3A_1005 : vector<16xf32>
      %add3A_1049 = arith.addf %add3A_1026, %add3A_1047 : vector<16xf32>
      %add3A_1050 = arith.addf %add3A_1048, %add3A_1049 : vector<16xf32>
      %swap3A_1051 = arith.constant 160 : index
      %swap3A_1052 = tpu.vector_load %arg15[%swap3A_1051] {strides = array<i32>} : memref<256xf32, #tpu.memory_space<vmem>>, vector<16xf32>,
      tpu.vector_store %arg15[%swap3A_1051], %add3A_1050 {strides = array<i32>} : memref<256xf32, #tpu.memory_space<vmem>>, vector<16xf32>,
      %add3A_1053 = arith.constant 11 : i32
      %add3A_1054 = arith.addi %mul3A_56, %add3A_1053 : i32
      %get3A_1055 = arith.index_cast %add3A_1054 : i32 to index
      %get3A_1056 = arith.constant 0 : index
      %get3A_1057 = tpu.vector_load %arg11[%get3A_1055, %get3A_1056] {strides = array<i32>} : memref<80x64xi32, #tpu.memory_space<vmem>>, vector<16xi32>,
      %get3A_1058 = arith.index_cast %add3A_1054 : i32 to index
      %get3A_1059 = arith.constant 0 : index
      %get3A_1060 = tpu.vector_load %arg12[%get3A_1058, %get3A_1059] {strides = array<i32>} : memref<80x64xi32, #tpu.memory_space<vmem>>, vector<16xi32>,
      %shift_left3A_1061 = arith.constant 16 : i32
      %shift_left3A_1062 = vector.broadcast %shift_left3A_1061 : i32 to vector<16xi32>
      %shift_left3A_1063 = arith.shli %get3A_1057, %shift_left3A_1062 : vector<16xi32>
      %bitcast3A_1064 = vector.bitcast %shift_left3A_1063 : vector<16xi32> to vector<16xf32>
      %shift_left3A_1065 = arith.constant 16 : i32
      %shift_left3A_1066 = vector.broadcast %shift_left3A_1065 : i32 to vector<16xi32>
      %shift_left3A_1067 = arith.shli %get3A_1060, %shift_left3A_1066 : vector<16xi32>
      %bitcast3A_1068 = vector.bitcast %shift_left3A_1067 : vector<16xi32> to vector<16xf32>
      %and3A_1069 = arith.andi %get3A_1057, %broadcast_in_dim3A_22 : vector<16xi32>
      %bitcast3A_1070 = vector.bitcast %and3A_1069 : vector<16xi32> to vector<16xf32>
      %and3A_1071 = arith.andi %get3A_1060, %broadcast_in_dim3A_22 : vector<16xi32>
      %bitcast3A_1072 = vector.bitcast %and3A_1071 : vector<16xi32> to vector<16xf32>
      %mul3A_1073 = arith.mulf %bitcast3A_1064, %bitcast3A_1068 : vector<16xf32>
      %mul3A_1074 = arith.mulf %bitcast3A_1070, %bitcast3A_1072 : vector<16xf32>
      %add3A_1075 = arith.addf %mul3A_1073, %mul3A_1074 : vector<16xf32>
      %get3A_1076 = arith.index_cast %add3A_1054 : i32 to index
      %get3A_1077 = arith.constant 16 : index
      %get3A_1078 = tpu.vector_load %arg11[%get3A_1076, %get3A_1077] {strides = array<i32>} : memref<80x64xi32, #tpu.memory_space<vmem>>, vector<16xi32>,
      %get3A_1079 = arith.index_cast %add3A_1054 : i32 to index
      %get3A_1080 = arith.constant 16 : index
      %get3A_1081 = tpu.vector_load %arg12[%get3A_1079, %get3A_1080] {strides = array<i32>} : memref<80x64xi32, #tpu.memory_space<vmem>>, vector<16xi32>,
      %shift_left3A_1082 = arith.constant 16 : i32
      %shift_left3A_1083 = vector.broadcast %shift_left3A_1082 : i32 to vector<16xi32>
      %shift_left3A_1084 = arith.shli %get3A_1078, %shift_left3A_1083 : vector<16xi32>
      %bitcast3A_1085 = vector.bitcast %shift_left3A_1084 : vector<16xi32> to vector<16xf32>
      %shift_left3A_1086 = arith.constant 16 : i32
      %shift_left3A_1087 = vector.broadcast %shift_left3A_1086 : i32 to vector<16xi32>
      %shift_left3A_1088 = arith.shli %get3A_1081, %shift_left3A_1087 : vector<16xi32>
      %bitcast3A_1089 = vector.bitcast %shift_left3A_1088 : vector<16xi32> to vector<16xf32>
      %and3A_1090 = arith.andi %get3A_1078, %broadcast_in_dim3A_22 : vector<16xi32>
      %bitcast3A_1091 = vector.bitcast %and3A_1090 : vector<16xi32> to vector<16xf32>
      %and3A_1092 = arith.andi %get3A_1081, %broadcast_in_dim3A_22 : vector<16xi32>
      %bitcast3A_1093 = vector.bitcast %and3A_1092 : vector<16xi32> to vector<16xf32>
      %mul3A_1094 = arith.mulf %bitcast3A_1085, %bitcast3A_1089 : vector<16xf32>
      %mul3A_1095 = arith.mulf %bitcast3A_1091, %bitcast3A_1093 : vector<16xf32>
      %add3A_1096 = arith.addf %mul3A_1094, %mul3A_1095 : vector<16xf32>
      %get3A_1097 = arith.index_cast %add3A_1054 : i32 to index
      %get3A_1098 = arith.constant 32 : index
      %get3A_1099 = tpu.vector_load %arg11[%get3A_1097, %get3A_1098] {strides = array<i32>} : memref<80x64xi32, #tpu.memory_space<vmem>>, vector<16xi32>,
      %get3A_1100 = arith.index_cast %add3A_1054 : i32 to index
      %get3A_1101 = arith.constant 32 : index
      %get3A_1102 = tpu.vector_load %arg12[%get3A_1100, %get3A_1101] {strides = array<i32>} : memref<80x64xi32, #tpu.memory_space<vmem>>, vector<16xi32>,
      %shift_left3A_1103 = arith.constant 16 : i32
      %shift_left3A_1104 = vector.broadcast %shift_left3A_1103 : i32 to vector<16xi32>
      %shift_left3A_1105 = arith.shli %get3A_1099, %shift_left3A_1104 : vector<16xi32>
      %bitcast3A_1106 = vector.bitcast %shift_left3A_1105 : vector<16xi32> to vector<16xf32>
      %shift_left3A_1107 = arith.constant 16 : i32
      %shift_left3A_1108 = vector.broadcast %shift_left3A_1107 : i32 to vector<16xi32>
      %shift_left3A_1109 = arith.shli %get3A_1102, %shift_left3A_1108 : vector<16xi32>
      %bitcast3A_1110 = vector.bitcast %shift_left3A_1109 : vector<16xi32> to vector<16xf32>
      %and3A_1111 = arith.andi %get3A_1099, %broadcast_in_dim3A_22 : vector<16xi32>
      %bitcast3A_1112 = vector.bitcast %and3A_1111 : vector<16xi32> to vector<16xf32>
      %and3A_1113 = arith.andi %get3A_1102, %broadcast_in_dim3A_22 : vector<16xi32>
      %bitcast3A_1114 = vector.bitcast %and3A_1113 : vector<16xi32> to vector<16xf32>
      %mul3A_1115 = arith.mulf %bitcast3A_1106, %bitcast3A_1110 : vector<16xf32>
      %mul3A_1116 = arith.mulf %bitcast3A_1112, %bitcast3A_1114 : vector<16xf32>
      %add3A_1117 = arith.addf %mul3A_1115, %mul3A_1116 : vector<16xf32>
      %get3A_1118 = arith.index_cast %add3A_1054 : i32 to index
      %get3A_1119 = arith.constant 48 : index
      %get3A_1120 = tpu.vector_load %arg11[%get3A_1118, %get3A_1119] {strides = array<i32>} : memref<80x64xi32, #tpu.memory_space<vmem>>, vector<16xi32>,
      %get3A_1121 = arith.index_cast %add3A_1054 : i32 to index
      %get3A_1122 = arith.constant 48 : index
      %get3A_1123 = tpu.vector_load %arg12[%get3A_1121, %get3A_1122] {strides = array<i32>} : memref<80x64xi32, #tpu.memory_space<vmem>>, vector<16xi32>,
      %shift_left3A_1124 = arith.constant 16 : i32
      %shift_left3A_1125 = vector.broadcast %shift_left3A_1124 : i32 to vector<16xi32>
      %shift_left3A_1126 = arith.shli %get3A_1120, %shift_left3A_1125 : vector<16xi32>
      %bitcast3A_1127 = vector.bitcast %shift_left3A_1126 : vector<16xi32> to vector<16xf32>
      %shift_left3A_1128 = arith.constant 16 : i32
      %shift_left3A_1129 = vector.broadcast %shift_left3A_1128 : i32 to vector<16xi32>
      %shift_left3A_1130 = arith.shli %get3A_1123, %shift_left3A_1129 : vector<16xi32>
      %bitcast3A_1131 = vector.bitcast %shift_left3A_1130 : vector<16xi32> to vector<16xf32>
      %and3A_1132 = arith.andi %get3A_1120, %broadcast_in_dim3A_22 : vector<16xi32>
      %bitcast3A_1133 = vector.bitcast %and3A_1132 : vector<16xi32> to vector<16xf32>
      %and3A_1134 = arith.andi %get3A_1123, %broadcast_in_dim3A_22 : vector<16xi32>
      %bitcast3A_1135 = vector.bitcast %and3A_1134 : vector<16xi32> to vector<16xf32>
      %mul3A_1136 = arith.mulf %bitcast3A_1127, %bitcast3A_1131 : vector<16xf32>
      %mul3A_1137 = arith.mulf %bitcast3A_1133, %bitcast3A_1135 : vector<16xf32>
      %add3A_1138 = arith.addf %mul3A_1136, %mul3A_1137 : vector<16xf32>
      %add3A_1139 = arith.addf %add3A_1075, %add3A_1096 : vector<16xf32>
      %add3A_1140 = arith.addf %add3A_1117, %add3A_1138 : vector<16xf32>
      %add3A_1141 = arith.addf %add3A_1139, %add3A_1140 : vector<16xf32>
      %swap3A_1142 = arith.constant 176 : index
      %swap3A_1143 = tpu.vector_load %arg15[%swap3A_1142] {strides = array<i32>} : memref<256xf32, #tpu.memory_space<vmem>>, vector<16xf32>,
      tpu.vector_store %arg15[%swap3A_1142], %add3A_1141 {strides = array<i32>} : memref<256xf32, #tpu.memory_space<vmem>>, vector<16xf32>,
      %add3A_1144 = arith.constant 12 : i32
      %add3A_1145 = arith.addi %mul3A_56, %add3A_1144 : i32
      %get3A_1146 = arith.index_cast %add3A_1145 : i32 to index
      %get3A_1147 = arith.constant 0 : index
      %get3A_1148 = tpu.vector_load %arg11[%get3A_1146, %get3A_1147] {strides = array<i32>} : memref<80x64xi32, #tpu.memory_space<vmem>>, vector<16xi32>,
      %get3A_1149 = arith.index_cast %add3A_1145 : i32 to index
      %get3A_1150 = arith.constant 0 : index
      %get3A_1151 = tpu.vector_load %arg12[%get3A_1149, %get3A_1150] {strides = array<i32>} : memref<80x64xi32, #tpu.memory_space<vmem>>, vector<16xi32>,
      %shift_left3A_1152 = arith.constant 16 : i32
      %shift_left3A_1153 = vector.broadcast %shift_left3A_1152 : i32 to vector<16xi32>
      %shift_left3A_1154 = arith.shli %get3A_1148, %shift_left3A_1153 : vector<16xi32>
      %bitcast3A_1155 = vector.bitcast %shift_left3A_1154 : vector<16xi32> to vector<16xf32>
      %shift_left3A_1156 = arith.constant 16 : i32
      %shift_left3A_1157 = vector.broadcast %shift_left3A_1156 : i32 to vector<16xi32>
      %shift_left3A_1158 = arith.shli %get3A_1151, %shift_left3A_1157 : vector<16xi32>
      %bitcast3A_1159 = vector.bitcast %shift_left3A_1158 : vector<16xi32> to vector<16xf32>
      %and3A_1160 = arith.andi %get3A_1148, %broadcast_in_dim3A_22 : vector<16xi32>
      %bitcast3A_1161 = vector.bitcast %and3A_1160 : vector<16xi32> to vector<16xf32>
      %and3A_1162 = arith.andi %get3A_1151, %broadcast_in_dim3A_22 : vector<16xi32>
      %bitcast3A_1163 = vector.bitcast %and3A_1162 : vector<16xi32> to vector<16xf32>
      %mul3A_1164 = arith.mulf %bitcast3A_1155, %bitcast3A_1159 : vector<16xf32>
      %mul3A_1165 = arith.mulf %bitcast3A_1161, %bitcast3A_1163 : vector<16xf32>
      %add3A_1166 = arith.addf %mul3A_1164, %mul3A_1165 : vector<16xf32>
      %get3A_1167 = arith.index_cast %add3A_1145 : i32 to index
      %get3A_1168 = arith.constant 16 : index
      %get3A_1169 = tpu.vector_load %arg11[%get3A_1167, %get3A_1168] {strides = array<i32>} : memref<80x64xi32, #tpu.memory_space<vmem>>, vector<16xi32>,
      %get3A_1170 = arith.index_cast %add3A_1145 : i32 to index
      %get3A_1171 = arith.constant 16 : index
      %get3A_1172 = tpu.vector_load %arg12[%get3A_1170, %get3A_1171] {strides = array<i32>} : memref<80x64xi32, #tpu.memory_space<vmem>>, vector<16xi32>,
      %shift_left3A_1173 = arith.constant 16 : i32
      %shift_left3A_1174 = vector.broadcast %shift_left3A_1173 : i32 to vector<16xi32>
      %shift_left3A_1175 = arith.shli %get3A_1169, %shift_left3A_1174 : vector<16xi32>
      %bitcast3A_1176 = vector.bitcast %shift_left3A_1175 : vector<16xi32> to vector<16xf32>
      %shift_left3A_1177 = arith.constant 16 : i32
      %shift_left3A_1178 = vector.broadcast %shift_left3A_1177 : i32 to vector<16xi32>
      %shift_left3A_1179 = arith.shli %get3A_1172, %shift_left3A_1178 : vector<16xi32>
      %bitcast3A_1180 = vector.bitcast %shift_left3A_1179 : vector<16xi32> to vector<16xf32>
      %and3A_1181 = arith.andi %get3A_1169, %broadcast_in_dim3A_22 : vector<16xi32>
      %bitcast3A_1182 = vector.bitcast %and3A_1181 : vector<16xi32> to vector<16xf32>
      %and3A_1183 = arith.andi %get3A_1172, %broadcast_in_dim3A_22 : vector<16xi32>
      %bitcast3A_1184 = vector.bitcast %and3A_1183 : vector<16xi32> to vector<16xf32>
      %mul3A_1185 = arith.mulf %bitcast3A_1176, %bitcast3A_1180 : vector<16xf32>
      %mul3A_1186 = arith.mulf %bitcast3A_1182, %bitcast3A_1184 : vector<16xf32>
      %add3A_1187 = arith.addf %mul3A_1185, %mul3A_1186 : vector<16xf32>
      %get3A_1188 = arith.index_cast %add3A_1145 : i32 to index
      %get3A_1189 = arith.constant 32 : index
      %get3A_1190 = tpu.vector_load %arg11[%get3A_1188, %get3A_1189] {strides = array<i32>} : memref<80x64xi32, #tpu.memory_space<vmem>>, vector<16xi32>,
      %get3A_1191 = arith.index_cast %add3A_1145 : i32 to index
      %get3A_1192 = arith.constant 32 : index
      %get3A_1193 = tpu.vector_load %arg12[%get3A_1191, %get3A_1192] {strides = array<i32>} : memref<80x64xi32, #tpu.memory_space<vmem>>, vector<16xi32>,
      %shift_left3A_1194 = arith.constant 16 : i32
      %shift_left3A_1195 = vector.broadcast %shift_left3A_1194 : i32 to vector<16xi32>
      %shift_left3A_1196 = arith.shli %get3A_1190, %shift_left3A_1195 : vector<16xi32>
      %bitcast3A_1197 = vector.bitcast %shift_left3A_1196 : vector<16xi32> to vector<16xf32>
      %shift_left3A_1198 = arith.constant 16 : i32
      %shift_left3A_1199 = vector.broadcast %shift_left3A_1198 : i32 to vector<16xi32>
      %shift_left3A_1200 = arith.shli %get3A_1193, %shift_left3A_1199 : vector<16xi32>
      %bitcast3A_1201 = vector.bitcast %shift_left3A_1200 : vector<16xi32> to vector<16xf32>
      %and3A_1202 = arith.andi %get3A_1190, %broadcast_in_dim3A_22 : vector<16xi32>
      %bitcast3A_1203 = vector.bitcast %and3A_1202 : vector<16xi32> to vector<16xf32>
      %and3A_1204 = arith.andi %get3A_1193, %broadcast_in_dim3A_22 : vector<16xi32>
      %bitcast3A_1205 = vector.bitcast %and3A_1204 : vector<16xi32> to vector<16xf32>
      %mul3A_1206 = arith.mulf %bitcast3A_1197, %bitcast3A_1201 : vector<16xf32>
      %mul3A_1207 = arith.mulf %bitcast3A_1203, %bitcast3A_1205 : vector<16xf32>
      %add3A_1208 = arith.addf %mul3A_1206, %mul3A_1207 : vector<16xf32>
      %get3A_1209 = arith.index_cast %add3A_1145 : i32 to index
      %get3A_1210 = arith.constant 48 : index
      %get3A_1211 = tpu.vector_load %arg11[%get3A_1209, %get3A_1210] {strides = array<i32>} : memref<80x64xi32, #tpu.memory_space<vmem>>, vector<16xi32>,
      %get3A_1212 = arith.index_cast %add3A_1145 : i32 to index
      %get3A_1213 = arith.constant 48 : index
      %get3A_1214 = tpu.vector_load %arg12[%get3A_1212, %get3A_1213] {strides = array<i32>} : memref<80x64xi32, #tpu.memory_space<vmem>>, vector<16xi32>,
      %shift_left3A_1215 = arith.constant 16 : i32
      %shift_left3A_1216 = vector.broadcast %shift_left3A_1215 : i32 to vector<16xi32>
      %shift_left3A_1217 = arith.shli %get3A_1211, %shift_left3A_1216 : vector<16xi32>
      %bitcast3A_1218 = vector.bitcast %shift_left3A_1217 : vector<16xi32> to vector<16xf32>
      %shift_left3A_1219 = arith.constant 16 : i32
      %shift_left3A_1220 = vector.broadcast %shift_left3A_1219 : i32 to vector<16xi32>
      %shift_left3A_1221 = arith.shli %get3A_1214, %shift_left3A_1220 : vector<16xi32>
      %bitcast3A_1222 = vector.bitcast %shift_left3A_1221 : vector<16xi32> to vector<16xf32>
      %and3A_1223 = arith.andi %get3A_1211, %broadcast_in_dim3A_22 : vector<16xi32>
      %bitcast3A_1224 = vector.bitcast %and3A_1223 : vector<16xi32> to vector<16xf32>
      %and3A_1225 = arith.andi %get3A_1214, %broadcast_in_dim3A_22 : vector<16xi32>
      %bitcast3A_1226 = vector.bitcast %and3A_1225 : vector<16xi32> to vector<16xf32>
      %mul3A_1227 = arith.mulf %bitcast3A_1218, %bitcast3A_1222 : vector<16xf32>
      %mul3A_1228 = arith.mulf %bitcast3A_1224, %bitcast3A_1226 : vector<16xf32>
      %add3A_1229 = arith.addf %mul3A_1227, %mul3A_1228 : vector<16xf32>
      %add3A_1230 = arith.addf %add3A_1166, %add3A_1187 : vector<16xf32>
      %add3A_1231 = arith.addf %add3A_1208, %add3A_1229 : vector<16xf32>
      %add3A_1232 = arith.addf %add3A_1230, %add3A_1231 : vector<16xf32>
      %swap3A_1233 = arith.constant 192 : index
      %swap3A_1234 = tpu.vector_load %arg15[%swap3A_1233] {strides = array<i32>} : memref<256xf32, #tpu.memory_space<vmem>>, vector<16xf32>,
      tpu.vector_store %arg15[%swap3A_1233], %add3A_1232 {strides = array<i32>} : memref<256xf32, #tpu.memory_space<vmem>>, vector<16xf32>,
      %add3A_1235 = arith.constant 13 : i32
      %add3A_1236 = arith.addi %mul3A_56, %add3A_1235 : i32
      %get3A_1237 = arith.index_cast %add3A_1236 : i32 to index
      %get3A_1238 = arith.constant 0 : index
      %get3A_1239 = tpu.vector_load %arg11[%get3A_1237, %get3A_1238] {strides = array<i32>} : memref<80x64xi32, #tpu.memory_space<vmem>>, vector<16xi32>,
      %get3A_1240 = arith.index_cast %add3A_1236 : i32 to index
      %get3A_1241 = arith.constant 0 : index
      %get3A_1242 = tpu.vector_load %arg12[%get3A_1240, %get3A_1241] {strides = array<i32>} : memref<80x64xi32, #tpu.memory_space<vmem>>, vector<16xi32>,
      %shift_left3A_1243 = arith.constant 16 : i32
      %shift_left3A_1244 = vector.broadcast %shift_left3A_1243 : i32 to vector<16xi32>
      %shift_left3A_1245 = arith.shli %get3A_1239, %shift_left3A_1244 : vector<16xi32>
      %bitcast3A_1246 = vector.bitcast %shift_left3A_1245 : vector<16xi32> to vector<16xf32>
      %shift_left3A_1247 = arith.constant 16 : i32
      %shift_left3A_1248 = vector.broadcast %shift_left3A_1247 : i32 to vector<16xi32>
      %shift_left3A_1249 = arith.shli %get3A_1242, %shift_left3A_1248 : vector<16xi32>
      %bitcast3A_1250 = vector.bitcast %shift_left3A_1249 : vector<16xi32> to vector<16xf32>
      %and3A_1251 = arith.andi %get3A_1239, %broadcast_in_dim3A_22 : vector<16xi32>
      %bitcast3A_1252 = vector.bitcast %and3A_1251 : vector<16xi32> to vector<16xf32>
      %and3A_1253 = arith.andi %get3A_1242, %broadcast_in_dim3A_22 : vector<16xi32>
      %bitcast3A_1254 = vector.bitcast %and3A_1253 : vector<16xi32> to vector<16xf32>
      %mul3A_1255 = arith.mulf %bitcast3A_1246, %bitcast3A_1250 : vector<16xf32>
      %mul3A_1256 = arith.mulf %bitcast3A_1252, %bitcast3A_1254 : vector<16xf32>
      %add3A_1257 = arith.addf %mul3A_1255, %mul3A_1256 : vector<16xf32>
      %get3A_1258 = arith.index_cast %add3A_1236 : i32 to index
      %get3A_1259 = arith.constant 16 : index
      %get3A_1260 = tpu.vector_load %arg11[%get3A_1258, %get3A_1259] {strides = array<i32>} : memref<80x64xi32, #tpu.memory_space<vmem>>, vector<16xi32>,
      %get3A_1261 = arith.index_cast %add3A_1236 : i32 to index
      %get3A_1262 = arith.constant 16 : index
      %get3A_1263 = tpu.vector_load %arg12[%get3A_1261, %get3A_1262] {strides = array<i32>} : memref<80x64xi32, #tpu.memory_space<vmem>>, vector<16xi32>,
      %shift_left3A_1264 = arith.constant 16 : i32
      %shift_left3A_1265 = vector.broadcast %shift_left3A_1264 : i32 to vector<16xi32>
      %shift_left3A_1266 = arith.shli %get3A_1260, %shift_left3A_1265 : vector<16xi32>
      %bitcast3A_1267 = vector.bitcast %shift_left3A_1266 : vector<16xi32> to vector<16xf32>
      %shift_left3A_1268 = arith.constant 16 : i32
      %shift_left3A_1269 = vector.broadcast %shift_left3A_1268 : i32 to vector<16xi32>
      %shift_left3A_1270 = arith.shli %get3A_1263, %shift_left3A_1269 : vector<16xi32>
      %bitcast3A_1271 = vector.bitcast %shift_left3A_1270 : vector<16xi32> to vector<16xf32>
      %and3A_1272 = arith.andi %get3A_1260, %broadcast_in_dim3A_22 : vector<16xi32>
      %bitcast3A_1273 = vector.bitcast %and3A_1272 : vector<16xi32> to vector<16xf32>
      %and3A_1274 = arith.andi %get3A_1263, %broadcast_in_dim3A_22 : vector<16xi32>
      %bitcast3A_1275 = vector.bitcast %and3A_1274 : vector<16xi32> to vector<16xf32>
      %mul3A_1276 = arith.mulf %bitcast3A_1267, %bitcast3A_1271 : vector<16xf32>
      %mul3A_1277 = arith.mulf %bitcast3A_1273, %bitcast3A_1275 : vector<16xf32>
      %add3A_1278 = arith.addf %mul3A_1276, %mul3A_1277 : vector<16xf32>
      %get3A_1279 = arith.index_cast %add3A_1236 : i32 to index
      %get3A_1280 = arith.constant 32 : index
      %get3A_1281 = tpu.vector_load %arg11[%get3A_1279, %get3A_1280] {strides = array<i32>} : memref<80x64xi32, #tpu.memory_space<vmem>>, vector<16xi32>,
      %get3A_1282 = arith.index_cast %add3A_1236 : i32 to index
      %get3A_1283 = arith.constant 32 : index
      %get3A_1284 = tpu.vector_load %arg12[%get3A_1282, %get3A_1283] {strides = array<i32>} : memref<80x64xi32, #tpu.memory_space<vmem>>, vector<16xi32>,
      %shift_left3A_1285 = arith.constant 16 : i32
      %shift_left3A_1286 = vector.broadcast %shift_left3A_1285 : i32 to vector<16xi32>
      %shift_left3A_1287 = arith.shli %get3A_1281, %shift_left3A_1286 : vector<16xi32>
      %bitcast3A_1288 = vector.bitcast %shift_left3A_1287 : vector<16xi32> to vector<16xf32>
      %shift_left3A_1289 = arith.constant 16 : i32
      %shift_left3A_1290 = vector.broadcast %shift_left3A_1289 : i32 to vector<16xi32>
      %shift_left3A_1291 = arith.shli %get3A_1284, %shift_left3A_1290 : vector<16xi32>
      %bitcast3A_1292 = vector.bitcast %shift_left3A_1291 : vector<16xi32> to vector<16xf32>
      %and3A_1293 = arith.andi %get3A_1281, %broadcast_in_dim3A_22 : vector<16xi32>
      %bitcast3A_1294 = vector.bitcast %and3A_1293 : vector<16xi32> to vector<16xf32>
      %and3A_1295 = arith.andi %get3A_1284, %broadcast_in_dim3A_22 : vector<16xi32>
      %bitcast3A_1296 = vector.bitcast %and3A_1295 : vector<16xi32> to vector<16xf32>
      %mul3A_1297 = arith.mulf %bitcast3A_1288, %bitcast3A_1292 : vector<16xf32>
      %mul3A_1298 = arith.mulf %bitcast3A_1294, %bitcast3A_1296 : vector<16xf32>
      %add3A_1299 = arith.addf %mul3A_1297, %mul3A_1298 : vector<16xf32>
      %get3A_1300 = arith.index_cast %add3A_1236 : i32 to index
      %get3A_1301 = arith.constant 48 : index
      %get3A_1302 = tpu.vector_load %arg11[%get3A_1300, %get3A_1301] {strides = array<i32>} : memref<80x64xi32, #tpu.memory_space<vmem>>, vector<16xi32>,
      %get3A_1303 = arith.index_cast %add3A_1236 : i32 to index
      %get3A_1304 = arith.constant 48 : index
      %get3A_1305 = tpu.vector_load %arg12[%get3A_1303, %get3A_1304] {strides = array<i32>} : memref<80x64xi32, #tpu.memory_space<vmem>>, vector<16xi32>,
      %shift_left3A_1306 = arith.constant 16 : i32
      %shift_left3A_1307 = vector.broadcast %shift_left3A_1306 : i32 to vector<16xi32>
      %shift_left3A_1308 = arith.shli %get3A_1302, %shift_left3A_1307 : vector<16xi32>
      %bitcast3A_1309 = vector.bitcast %shift_left3A_1308 : vector<16xi32> to vector<16xf32>
      %shift_left3A_1310 = arith.constant 16 : i32
      %shift_left3A_1311 = vector.broadcast %shift_left3A_1310 : i32 to vector<16xi32>
      %shift_left3A_1312 = arith.shli %get3A_1305, %shift_left3A_1311 : vector<16xi32>
      %bitcast3A_1313 = vector.bitcast %shift_left3A_1312 : vector<16xi32> to vector<16xf32>
      %and3A_1314 = arith.andi %get3A_1302, %broadcast_in_dim3A_22 : vector<16xi32>
      %bitcast3A_1315 = vector.bitcast %and3A_1314 : vector<16xi32> to vector<16xf32>
      %and3A_1316 = arith.andi %get3A_1305, %broadcast_in_dim3A_22 : vector<16xi32>
      %bitcast3A_1317 = vector.bitcast %and3A_1316 : vector<16xi32> to vector<16xf32>
      %mul3A_1318 = arith.mulf %bitcast3A_1309, %bitcast3A_1313 : vector<16xf32>
      %mul3A_1319 = arith.mulf %bitcast3A_1315, %bitcast3A_1317 : vector<16xf32>
      %add3A_1320 = arith.addf %mul3A_1318, %mul3A_1319 : vector<16xf32>
      %add3A_1321 = arith.addf %add3A_1257, %add3A_1278 : vector<16xf32>
      %add3A_1322 = arith.addf %add3A_1299, %add3A_1320 : vector<16xf32>
      %add3A_1323 = arith.addf %add3A_1321, %add3A_1322 : vector<16xf32>
      %swap3A_1324 = arith.constant 208 : index
      %swap3A_1325 = tpu.vector_load %arg15[%swap3A_1324] {strides = array<i32>} : memref<256xf32, #tpu.memory_space<vmem>>, vector<16xf32>,
      tpu.vector_store %arg15[%swap3A_1324], %add3A_1323 {strides = array<i32>} : memref<256xf32, #tpu.memory_space<vmem>>, vector<16xf32>,
      %add3A_1326 = arith.constant 14 : i32
      %add3A_1327 = arith.addi %mul3A_56, %add3A_1326 : i32
      %get3A_1328 = arith.index_cast %add3A_1327 : i32 to index
      %get3A_1329 = arith.constant 0 : index
      %get3A_1330 = tpu.vector_load %arg11[%get3A_1328, %get3A_1329] {strides = array<i32>} : memref<80x64xi32, #tpu.memory_space<vmem>>, vector<16xi32>,
      %get3A_1331 = arith.index_cast %add3A_1327 : i32 to index
      %get3A_1332 = arith.constant 0 : index
      %get3A_1333 = tpu.vector_load %arg12[%get3A_1331, %get3A_1332] {strides = array<i32>} : memref<80x64xi32, #tpu.memory_space<vmem>>, vector<16xi32>,
      %shift_left3A_1334 = arith.constant 16 : i32
      %shift_left3A_1335 = vector.broadcast %shift_left3A_1334 : i32 to vector<16xi32>
      %shift_left3A_1336 = arith.shli %get3A_1330, %shift_left3A_1335 : vector<16xi32>
      %bitcast3A_1337 = vector.bitcast %shift_left3A_1336 : vector<16xi32> to vector<16xf32>
      %shift_left3A_1338 = arith.constant 16 : i32
      %shift_left3A_1339 = vector.broadcast %shift_left3A_1338 : i32 to vector<16xi32>
      %shift_left3A_1340 = arith.shli %get3A_1333, %shift_left3A_1339 : vector<16xi32>
      %bitcast3A_1341 = vector.bitcast %shift_left3A_1340 : vector<16xi32> to vector<16xf32>
      %and3A_1342 = arith.andi %get3A_1330, %broadcast_in_dim3A_22 : vector<16xi32>
      %bitcast3A_1343 = vector.bitcast %and3A_1342 : vector<16xi32> to vector<16xf32>
      %and3A_1344 = arith.andi %get3A_1333, %broadcast_in_dim3A_22 : vector<16xi32>
      %bitcast3A_1345 = vector.bitcast %and3A_1344 : vector<16xi32> to vector<16xf32>
      %mul3A_1346 = arith.mulf %bitcast3A_1337, %bitcast3A_1341 : vector<16xf32>
      %mul3A_1347 = arith.mulf %bitcast3A_1343, %bitcast3A_1345 : vector<16xf32>
      %add3A_1348 = arith.addf %mul3A_1346, %mul3A_1347 : vector<16xf32>
      %get3A_1349 = arith.index_cast %add3A_1327 : i32 to index
      %get3A_1350 = arith.constant 16 : index
      %get3A_1351 = tpu.vector_load %arg11[%get3A_1349, %get3A_1350] {strides = array<i32>} : memref<80x64xi32, #tpu.memory_space<vmem>>, vector<16xi32>,
      %get3A_1352 = arith.index_cast %add3A_1327 : i32 to index
      %get3A_1353 = arith.constant 16 : index
      %get3A_1354 = tpu.vector_load %arg12[%get3A_1352, %get3A_1353] {strides = array<i32>} : memref<80x64xi32, #tpu.memory_space<vmem>>, vector<16xi32>,
      %shift_left3A_1355 = arith.constant 16 : i32
      %shift_left3A_1356 = vector.broadcast %shift_left3A_1355 : i32 to vector<16xi32>
      %shift_left3A_1357 = arith.shli %get3A_1351, %shift_left3A_1356 : vector<16xi32>
      %bitcast3A_1358 = vector.bitcast %shift_left3A_1357 : vector<16xi32> to vector<16xf32>
      %shift_left3A_1359 = arith.constant 16 : i32
      %shift_left3A_1360 = vector.broadcast %shift_left3A_1359 : i32 to vector<16xi32>
      %shift_left3A_1361 = arith.shli %get3A_1354, %shift_left3A_1360 : vector<16xi32>
      %bitcast3A_1362 = vector.bitcast %shift_left3A_1361 : vector<16xi32> to vector<16xf32>
      %and3A_1363 = arith.andi %get3A_1351, %broadcast_in_dim3A_22 : vector<16xi32>
      %bitcast3A_1364 = vector.bitcast %and3A_1363 : vector<16xi32> to vector<16xf32>
      %and3A_1365 = arith.andi %get3A_1354, %broadcast_in_dim3A_22 : vector<16xi32>
      %bitcast3A_1366 = vector.bitcast %and3A_1365 : vector<16xi32> to vector<16xf32>
      %mul3A_1367 = arith.mulf %bitcast3A_1358, %bitcast3A_1362 : vector<16xf32>
      %mul3A_1368 = arith.mulf %bitcast3A_1364, %bitcast3A_1366 : vector<16xf32>
      %add3A_1369 = arith.addf %mul3A_1367, %mul3A_1368 : vector<16xf32>
      %get3A_1370 = arith.index_cast %add3A_1327 : i32 to index
      %get3A_1371 = arith.constant 32 : index
      %get3A_1372 = tpu.vector_load %arg11[%get3A_1370, %get3A_1371] {strides = array<i32>} : memref<80x64xi32, #tpu.memory_space<vmem>>, vector<16xi32>,
      %get3A_1373 = arith.index_cast %add3A_1327 : i32 to index
      %get3A_1374 = arith.constant 32 : index
      %get3A_1375 = tpu.vector_load %arg12[%get3A_1373, %get3A_1374] {strides = array<i32>} : memref<80x64xi32, #tpu.memory_space<vmem>>, vector<16xi32>,
      %shift_left3A_1376 = arith.constant 16 : i32
      %shift_left3A_1377 = vector.broadcast %shift_left3A_1376 : i32 to vector<16xi32>
      %shift_left3A_1378 = arith.shli %get3A_1372, %shift_left3A_1377 : vector<16xi32>
      %bitcast3A_1379 = vector.bitcast %shift_left3A_1378 : vector<16xi32> to vector<16xf32>
      %shift_left3A_1380 = arith.constant 16 : i32
      %shift_left3A_1381 = vector.broadcast %shift_left3A_1380 : i32 to vector<16xi32>
      %shift_left3A_1382 = arith.shli %get3A_1375, %shift_left3A_1381 : vector<16xi32>
      %bitcast3A_1383 = vector.bitcast %shift_left3A_1382 : vector<16xi32> to vector<16xf32>
      %and3A_1384 = arith.andi %get3A_1372, %broadcast_in_dim3A_22 : vector<16xi32>
      %bitcast3A_1385 = vector.bitcast %and3A_1384 : vector<16xi32> to vector<16xf32>
      %and3A_1386 = arith.andi %get3A_1375, %broadcast_in_dim3A_22 : vector<16xi32>
      %bitcast3A_1387 = vector.bitcast %and3A_1386 : vector<16xi32> to vector<16xf32>
      %mul3A_1388 = arith.mulf %bitcast3A_1379, %bitcast3A_1383 : vector<16xf32>
      %mul3A_1389 = arith.mulf %bitcast3A_1385, %bitcast3A_1387 : vector<16xf32>
      %add3A_1390 = arith.addf %mul3A_1388, %mul3A_1389 : vector<16xf32>
      %get3A_1391 = arith.index_cast %add3A_1327 : i32 to index
      %get3A_1392 = arith.constant 48 : index
      %get3A_1393 = tpu.vector_load %arg11[%get3A_1391, %get3A_1392] {strides = array<i32>} : memref<80x64xi32, #tpu.memory_space<vmem>>, vector<16xi32>,
      %get3A_1394 = arith.index_cast %add3A_1327 : i32 to index
      %get3A_1395 = arith.constant 48 : index
      %get3A_1396 = tpu.vector_load %arg12[%get3A_1394, %get3A_1395] {strides = array<i32>} : memref<80x64xi32, #tpu.memory_space<vmem>>, vector<16xi32>,
      %shift_left3A_1397 = arith.constant 16 : i32
      %shift_left3A_1398 = vector.broadcast %shift_left3A_1397 : i32 to vector<16xi32>
      %shift_left3A_1399 = arith.shli %get3A_1393, %shift_left3A_1398 : vector<16xi32>
      %bitcast3A_1400 = vector.bitcast %shift_left3A_1399 : vector<16xi32> to vector<16xf32>
      %shift_left3A_1401 = arith.constant 16 : i32
      %shift_left3A_1402 = vector.broadcast %shift_left3A_1401 : i32 to vector<16xi32>
      %shift_left3A_1403 = arith.shli %get3A_1396, %shift_left3A_1402 : vector<16xi32>
      %bitcast3A_1404 = vector.bitcast %shift_left3A_1403 : vector<16xi32> to vector<16xf32>
      %and3A_1405 = arith.andi %get3A_1393, %broadcast_in_dim3A_22 : vector<16xi32>
      %bitcast3A_1406 = vector.bitcast %and3A_1405 : vector<16xi32> to vector<16xf32>
      %and3A_1407 = arith.andi %get3A_1396, %broadcast_in_dim3A_22 : vector<16xi32>
      %bitcast3A_1408 = vector.bitcast %and3A_1407 : vector<16xi32> to vector<16xf32>
      %mul3A_1409 = arith.mulf %bitcast3A_1400, %bitcast3A_1404 : vector<16xf32>
      %mul3A_1410 = arith.mulf %bitcast3A_1406, %bitcast3A_1408 : vector<16xf32>
      %add3A_1411 = arith.addf %mul3A_1409, %mul3A_1410 : vector<16xf32>
      %add3A_1412 = arith.addf %add3A_1348, %add3A_1369 : vector<16xf32>
      %add3A_1413 = arith.addf %add3A_1390, %add3A_1411 : vector<16xf32>
      %add3A_1414 = arith.addf %add3A_1412, %add3A_1413 : vector<16xf32>
      %swap3A_1415 = arith.constant 224 : index
      %swap3A_1416 = tpu.vector_load %arg15[%swap3A_1415] {strides = array<i32>} : memref<256xf32, #tpu.memory_space<vmem>>, vector<16xf32>,
      tpu.vector_store %arg15[%swap3A_1415], %add3A_1414 {strides = array<i32>} : memref<256xf32, #tpu.memory_space<vmem>>, vector<16xf32>,
      %add3A_1417 = arith.constant 15 : i32
      %add3A_1418 = arith.addi %mul3A_56, %add3A_1417 : i32
      %get3A_1419 = arith.index_cast %add3A_1418 : i32 to index
      %get3A_1420 = arith.constant 0 : index
      %get3A_1421 = tpu.vector_load %arg11[%get3A_1419, %get3A_1420] {strides = array<i32>} : memref<80x64xi32, #tpu.memory_space<vmem>>, vector<16xi32>,
      %get3A_1422 = arith.index_cast %add3A_1418 : i32 to index
      %get3A_1423 = arith.constant 0 : index
      %get3A_1424 = tpu.vector_load %arg12[%get3A_1422, %get3A_1423] {strides = array<i32>} : memref<80x64xi32, #tpu.memory_space<vmem>>, vector<16xi32>,
      %shift_left3A_1425 = arith.constant 16 : i32
      %shift_left3A_1426 = vector.broadcast %shift_left3A_1425 : i32 to vector<16xi32>
      %shift_left3A_1427 = arith.shli %get3A_1421, %shift_left3A_1426 : vector<16xi32>
      %bitcast3A_1428 = vector.bitcast %shift_left3A_1427 : vector<16xi32> to vector<16xf32>
      %shift_left3A_1429 = arith.constant 16 : i32
      %shift_left3A_1430 = vector.broadcast %shift_left3A_1429 : i32 to vector<16xi32>
      %shift_left3A_1431 = arith.shli %get3A_1424, %shift_left3A_1430 : vector<16xi32>
      %bitcast3A_1432 = vector.bitcast %shift_left3A_1431 : vector<16xi32> to vector<16xf32>
      %and3A_1433 = arith.andi %get3A_1421, %broadcast_in_dim3A_22 : vector<16xi32>
      %bitcast3A_1434 = vector.bitcast %and3A_1433 : vector<16xi32> to vector<16xf32>
      %and3A_1435 = arith.andi %get3A_1424, %broadcast_in_dim3A_22 : vector<16xi32>
      %bitcast3A_1436 = vector.bitcast %and3A_1435 : vector<16xi32> to vector<16xf32>
      %mul3A_1437 = arith.mulf %bitcast3A_1428, %bitcast3A_1432 : vector<16xf32>
      %mul3A_1438 = arith.mulf %bitcast3A_1434, %bitcast3A_1436 : vector<16xf32>
      %add3A_1439 = arith.addf %mul3A_1437, %mul3A_1438 : vector<16xf32>
      %get3A_1440 = arith.index_cast %add3A_1418 : i32 to index
      %get3A_1441 = arith.constant 16 : index
      %get3A_1442 = tpu.vector_load %arg11[%get3A_1440, %get3A_1441] {strides = array<i32>} : memref<80x64xi32, #tpu.memory_space<vmem>>, vector<16xi32>,
      %get3A_1443 = arith.index_cast %add3A_1418 : i32 to index
      %get3A_1444 = arith.constant 16 : index
      %get3A_1445 = tpu.vector_load %arg12[%get3A_1443, %get3A_1444] {strides = array<i32>} : memref<80x64xi32, #tpu.memory_space<vmem>>, vector<16xi32>,
      %shift_left3A_1446 = arith.constant 16 : i32
      %shift_left3A_1447 = vector.broadcast %shift_left3A_1446 : i32 to vector<16xi32>
      %shift_left3A_1448 = arith.shli %get3A_1442, %shift_left3A_1447 : vector<16xi32>
      %bitcast3A_1449 = vector.bitcast %shift_left3A_1448 : vector<16xi32> to vector<16xf32>
      %shift_left3A_1450 = arith.constant 16 : i32
      %shift_left3A_1451 = vector.broadcast %shift_left3A_1450 : i32 to vector<16xi32>
      %shift_left3A_1452 = arith.shli %get3A_1445, %shift_left3A_1451 : vector<16xi32>
      %bitcast3A_1453 = vector.bitcast %shift_left3A_1452 : vector<16xi32> to vector<16xf32>
      %and3A_1454 = arith.andi %get3A_1442, %broadcast_in_dim3A_22 : vector<16xi32>
      %bitcast3A_1455 = vector.bitcast %and3A_1454 : vector<16xi32> to vector<16xf32>
      %and3A_1456 = arith.andi %get3A_1445, %broadcast_in_dim3A_22 : vector<16xi32>
      %bitcast3A_1457 = vector.bitcast %and3A_1456 : vector<16xi32> to vector<16xf32>
      %mul3A_1458 = arith.mulf %bitcast3A_1449, %bitcast3A_1453 : vector<16xf32>
      %mul3A_1459 = arith.mulf %bitcast3A_1455, %bitcast3A_1457 : vector<16xf32>
      %add3A_1460 = arith.addf %mul3A_1458, %mul3A_1459 : vector<16xf32>
      %get3A_1461 = arith.index_cast %add3A_1418 : i32 to index
      %get3A_1462 = arith.constant 32 : index
      %get3A_1463 = tpu.vector_load %arg11[%get3A_1461, %get3A_1462] {strides = array<i32>} : memref<80x64xi32, #tpu.memory_space<vmem>>, vector<16xi32>,
      %get3A_1464 = arith.index_cast %add3A_1418 : i32 to index
      %get3A_1465 = arith.constant 32 : index
      %get3A_1466 = tpu.vector_load %arg12[%get3A_1464, %get3A_1465] {strides = array<i32>} : memref<80x64xi32, #tpu.memory_space<vmem>>, vector<16xi32>,
      %shift_left3A_1467 = arith.constant 16 : i32
      %shift_left3A_1468 = vector.broadcast %shift_left3A_1467 : i32 to vector<16xi32>
      %shift_left3A_1469 = arith.shli %get3A_1463, %shift_left3A_1468 : vector<16xi32>
      %bitcast3A_1470 = vector.bitcast %shift_left3A_1469 : vector<16xi32> to vector<16xf32>
      %shift_left3A_1471 = arith.constant 16 : i32
      %shift_left3A_1472 = vector.broadcast %shift_left3A_1471 : i32 to vector<16xi32>
      %shift_left3A_1473 = arith.shli %get3A_1466, %shift_left3A_1472 : vector<16xi32>
      %bitcast3A_1474 = vector.bitcast %shift_left3A_1473 : vector<16xi32> to vector<16xf32>
      %and3A_1475 = arith.andi %get3A_1463, %broadcast_in_dim3A_22 : vector<16xi32>
      %bitcast3A_1476 = vector.bitcast %and3A_1475 : vector<16xi32> to vector<16xf32>
      %and3A_1477 = arith.andi %get3A_1466, %broadcast_in_dim3A_22 : vector<16xi32>
      %bitcast3A_1478 = vector.bitcast %and3A_1477 : vector<16xi32> to vector<16xf32>
      %mul3A_1479 = arith.mulf %bitcast3A_1470, %bitcast3A_1474 : vector<16xf32>
      %mul3A_1480 = arith.mulf %bitcast3A_1476, %bitcast3A_1478 : vector<16xf32>
      %add3A_1481 = arith.addf %mul3A_1479, %mul3A_1480 : vector<16xf32>
      %get3A_1482 = arith.index_cast %add3A_1418 : i32 to index
      %get3A_1483 = arith.constant 48 : index
      %get3A_1484 = tpu.vector_load %arg11[%get3A_1482, %get3A_1483] {strides = array<i32>} : memref<80x64xi32, #tpu.memory_space<vmem>>, vector<16xi32>,
      %get3A_1485 = arith.index_cast %add3A_1418 : i32 to index
      %get3A_1486 = arith.constant 48 : index
      %get3A_1487 = tpu.vector_load %arg12[%get3A_1485, %get3A_1486] {strides = array<i32>} : memref<80x64xi32, #tpu.memory_space<vmem>>, vector<16xi32>,
      %shift_left3A_1488 = arith.constant 16 : i32
      %shift_left3A_1489 = vector.broadcast %shift_left3A_1488 : i32 to vector<16xi32>
      %shift_left3A_1490 = arith.shli %get3A_1484, %shift_left3A_1489 : vector<16xi32>
      %bitcast3A_1491 = vector.bitcast %shift_left3A_1490 : vector<16xi32> to vector<16xf32>
      %shift_left3A_1492 = arith.constant 16 : i32
      %shift_left3A_1493 = vector.broadcast %shift_left3A_1492 : i32 to vector<16xi32>
      %shift_left3A_1494 = arith.shli %get3A_1487, %shift_left3A_1493 : vector<16xi32>
      %bitcast3A_1495 = vector.bitcast %shift_left3A_1494 : vector<16xi32> to vector<16xf32>
      %and3A_1496 = arith.andi %get3A_1484, %broadcast_in_dim3A_22 : vector<16xi32>
      %bitcast3A_1497 = vector.bitcast %and3A_1496 : vector<16xi32> to vector<16xf32>
      %and3A_1498 = arith.andi %get3A_1487, %broadcast_in_dim3A_22 : vector<16xi32>
      %bitcast3A_1499 = vector.bitcast %and3A_1498 : vector<16xi32> to vector<16xf32>
      %mul3A_1500 = arith.mulf %bitcast3A_1491, %bitcast3A_1495 : vector<16xf32>
      %mul3A_1501 = arith.mulf %bitcast3A_1497, %bitcast3A_1499 : vector<16xf32>
      %add3A_1502 = arith.addf %mul3A_1500, %mul3A_1501 : vector<16xf32>
      %add3A_1503 = arith.addf %add3A_1439, %add3A_1460 : vector<16xf32>
      %add3A_1504 = arith.addf %add3A_1481, %add3A_1502 : vector<16xf32>
      %add3A_1505 = arith.addf %add3A_1503, %add3A_1504 : vector<16xf32>
      %swap3A_1506 = arith.constant 240 : index
      %swap3A_1507 = tpu.vector_load %arg15[%swap3A_1506] {strides = array<i32>} : memref<256xf32, #tpu.memory_space<vmem>>, vector<16xf32>,
      tpu.vector_store %arg15[%swap3A_1506], %add3A_1505 {strides = array<i32>} : memref<256xf32, #tpu.memory_space<vmem>>, vector<16xf32>,
      %add3A_1508 = arith.constant 0 : i32
      %add3A_1509 = vector.broadcast %add3A_1508 : i32 to vector<16xi32>
      %add3A_1510 = arith.addi %mul3A_21, %add3A_1509 : vector<16xi32>
      %gather3A = tpu.vector_load_idx %arg15[%add3A_1510] : memref<256xf32, #tpu.memory_space<vmem>>[vector<16xi32>], vector<16xf32>,
      %add3A_1511 = arith.constant 1 : i32
      %add3A_1512 = vector.broadcast %add3A_1511 : i32 to vector<16xi32>
      %add3A_1513 = arith.addi %mul3A_21, %add3A_1512 : vector<16xi32>
      %gather3A_1514 = tpu.vector_load_idx %arg15[%add3A_1513] : memref<256xf32, #tpu.memory_space<vmem>>[vector<16xi32>], vector<16xf32>,
      %add3A_1515 = arith.constant 2 : i32
      %add3A_1516 = vector.broadcast %add3A_1515 : i32 to vector<16xi32>
      %add3A_1517 = arith.addi %mul3A_21, %add3A_1516 : vector<16xi32>
      %gather3A_1518 = tpu.vector_load_idx %arg15[%add3A_1517] : memref<256xf32, #tpu.memory_space<vmem>>[vector<16xi32>], vector<16xf32>,
      %add3A_1519 = arith.constant 3 : i32
      %add3A_1520 = vector.broadcast %add3A_1519 : i32 to vector<16xi32>
      %add3A_1521 = arith.addi %mul3A_21, %add3A_1520 : vector<16xi32>
      %gather3A_1522 = tpu.vector_load_idx %arg15[%add3A_1521] : memref<256xf32, #tpu.memory_space<vmem>>[vector<16xi32>], vector<16xf32>,
      %add3A_1523 = arith.constant 4 : i32
      %add3A_1524 = vector.broadcast %add3A_1523 : i32 to vector<16xi32>
      %add3A_1525 = arith.addi %mul3A_21, %add3A_1524 : vector<16xi32>
      %gather3A_1526 = tpu.vector_load_idx %arg15[%add3A_1525] : memref<256xf32, #tpu.memory_space<vmem>>[vector<16xi32>], vector<16xf32>,
      %add3A_1527 = arith.constant 5 : i32
      %add3A_1528 = vector.broadcast %add3A_1527 : i32 to vector<16xi32>
      %add3A_1529 = arith.addi %mul3A_21, %add3A_1528 : vector<16xi32>
      %gather3A_1530 = tpu.vector_load_idx %arg15[%add3A_1529] : memref<256xf32, #tpu.memory_space<vmem>>[vector<16xi32>], vector<16xf32>,
      %add3A_1531 = arith.constant 6 : i32
      %add3A_1532 = vector.broadcast %add3A_1531 : i32 to vector<16xi32>
      %add3A_1533 = arith.addi %mul3A_21, %add3A_1532 : vector<16xi32>
      %gather3A_1534 = tpu.vector_load_idx %arg15[%add3A_1533] : memref<256xf32, #tpu.memory_space<vmem>>[vector<16xi32>], vector<16xf32>,
      %add3A_1535 = arith.constant 7 : i32
      %add3A_1536 = vector.broadcast %add3A_1535 : i32 to vector<16xi32>
      %add3A_1537 = arith.addi %mul3A_21, %add3A_1536 : vector<16xi32>
      %gather3A_1538 = tpu.vector_load_idx %arg15[%add3A_1537] : memref<256xf32, #tpu.memory_space<vmem>>[vector<16xi32>], vector<16xf32>,
      %add3A_1539 = arith.constant 8 : i32
      %add3A_1540 = vector.broadcast %add3A_1539 : i32 to vector<16xi32>
      %add3A_1541 = arith.addi %mul3A_21, %add3A_1540 : vector<16xi32>
      %gather3A_1542 = tpu.vector_load_idx %arg15[%add3A_1541] : memref<256xf32, #tpu.memory_space<vmem>>[vector<16xi32>], vector<16xf32>,
      %add3A_1543 = arith.constant 9 : i32
      %add3A_1544 = vector.broadcast %add3A_1543 : i32 to vector<16xi32>
      %add3A_1545 = arith.addi %mul3A_21, %add3A_1544 : vector<16xi32>
      %gather3A_1546 = tpu.vector_load_idx %arg15[%add3A_1545] : memref<256xf32, #tpu.memory_space<vmem>>[vector<16xi32>], vector<16xf32>,
      %add3A_1547 = arith.constant 10 : i32
      %add3A_1548 = vector.broadcast %add3A_1547 : i32 to vector<16xi32>
      %add3A_1549 = arith.addi %mul3A_21, %add3A_1548 : vector<16xi32>
      %gather3A_1550 = tpu.vector_load_idx %arg15[%add3A_1549] : memref<256xf32, #tpu.memory_space<vmem>>[vector<16xi32>], vector<16xf32>,
      %add3A_1551 = arith.constant 11 : i32
      %add3A_1552 = vector.broadcast %add3A_1551 : i32 to vector<16xi32>
      %add3A_1553 = arith.addi %mul3A_21, %add3A_1552 : vector<16xi32>
      %gather3A_1554 = tpu.vector_load_idx %arg15[%add3A_1553] : memref<256xf32, #tpu.memory_space<vmem>>[vector<16xi32>], vector<16xf32>,
      %add3A_1555 = arith.constant 12 : i32
      %add3A_1556 = vector.broadcast %add3A_1555 : i32 to vector<16xi32>
      %add3A_1557 = arith.addi %mul3A_21, %add3A_1556 : vector<16xi32>
      %gather3A_1558 = tpu.vector_load_idx %arg15[%add3A_1557] : memref<256xf32, #tpu.memory_space<vmem>>[vector<16xi32>], vector<16xf32>,
      %add3A_1559 = arith.constant 13 : i32
      %add3A_1560 = vector.broadcast %add3A_1559 : i32 to vector<16xi32>
      %add3A_1561 = arith.addi %mul3A_21, %add3A_1560 : vector<16xi32>
      %gather3A_1562 = tpu.vector_load_idx %arg15[%add3A_1561] : memref<256xf32, #tpu.memory_space<vmem>>[vector<16xi32>], vector<16xf32>,
      %add3A_1563 = arith.constant 14 : i32
      %add3A_1564 = vector.broadcast %add3A_1563 : i32 to vector<16xi32>
      %add3A_1565 = arith.addi %mul3A_21, %add3A_1564 : vector<16xi32>
      %gather3A_1566 = tpu.vector_load_idx %arg15[%add3A_1565] : memref<256xf32, #tpu.memory_space<vmem>>[vector<16xi32>], vector<16xf32>,
      %add3A_1567 = arith.constant 15 : i32
      %add3A_1568 = vector.broadcast %add3A_1567 : i32 to vector<16xi32>
      %add3A_1569 = arith.addi %mul3A_21, %add3A_1568 : vector<16xi32>
      %gather3A_1570 = tpu.vector_load_idx %arg15[%add3A_1569] : memref<256xf32, #tpu.memory_space<vmem>>[vector<16xi32>], vector<16xf32>,
      %add3A_1571 = arith.addf %gather3A, %gather3A_1514 : vector<16xf32>
      %add3A_1572 = arith.addf %gather3A_1518, %gather3A_1522 : vector<16xf32>
      %add3A_1573 = arith.addf %gather3A_1526, %gather3A_1530 : vector<16xf32>
      %add3A_1574 = arith.addf %gather3A_1534, %gather3A_1538 : vector<16xf32>
      %add3A_1575 = arith.addf %gather3A_1542, %gather3A_1546 : vector<16xf32>
      %add3A_1576 = arith.addf %gather3A_1550, %gather3A_1554 : vector<16xf32>
      %add3A_1577 = arith.addf %gather3A_1558, %gather3A_1562 : vector<16xf32>
      %add3A_1578 = arith.addf %gather3A_1566, %gather3A_1570 : vector<16xf32>
      %add3A_1579 = arith.addf %add3A_1571, %add3A_1572 : vector<16xf32>
      %add3A_1580 = arith.addf %add3A_1573, %add3A_1574 : vector<16xf32>
      %add3A_1581 = arith.addf %add3A_1575, %add3A_1576 : vector<16xf32>
      %add3A_1582 = arith.addf %add3A_1577, %add3A_1578 : vector<16xf32>
      %add3A_1583 = arith.addf %add3A_1579, %add3A_1580 : vector<16xf32>
      %add3A_1584 = arith.addf %add3A_1581, %add3A_1582 : vector<16xf32>
      %add3A_1585 = arith.addf %add3A_1583, %add3A_1584 : vector<16xf32>
      %add3A_1586 = arith.constant 9920 : i32
      %add3A_1587 = arith.addi %add3A_1586, %mul3A_56 : i32
      %swap3A_1588 = arith.index_cast %add3A_1587 : i32 to index
      %swap3A_1589 = tpu.vector_load %arg17[%swap3A_1588] {strides = array<i32>} : memref<10000xf32, #tpu.memory_space<vmem>>, vector<16xf32>,
      tpu.vector_store %arg17[%swap3A_1588], %add3A_1585 {strides = array<i32>} : memref<10000xf32, #tpu.memory_space<vmem>>, vector<16xf32>,
    }
    %scan3A_53 = arith.constant 5 : i32
    "tpu.region"() ({
      %run_scoped3A = tpu.sem_alloc : memref<!tpu.dma_semaphore, #tpu.memory_space<semaphore_mem>>
      %dma_start3A_54 = tpu.memref_slice %arg6[%mul3A_2] : memref<320000xf32, #tpu.memory_space<hbm>> -> memref<10000xf32, #tpu.memory_space<hbm>>
      %dma_start3A_55 = tpu.memref_slice %arg6[%mul3A_2] : memref<320000xf32, #tpu.memory_space<hbm>> -> memref<10000xf32, #tpu.memory_space<hbm>>
      tpu.enqueue_dma source(%arg17 : memref<10000xf32, #tpu.memory_space<vmem>>) target(%dma_start3A_55 : memref<10000xf32, #tpu.memory_space<hbm>>) target_semaphore(%run_scoped3A : memref<!tpu.dma_semaphore, #tpu.memory_space<semaphore_mem>>)
      %dma_wait3A_56 = tpu.memref_slice %arg6[%mul3A_2] : memref<320000xf32, #tpu.memory_space<hbm>> -> memref<10000xf32, #tpu.memory_space<hbm>>
      %dma_wait3A_57 = tpu.memref_slice %arg6[%mul3A_2] : memref<320000xf32, #tpu.memory_space<hbm>> -> memref<10000xf32, #tpu.memory_space<hbm>>
      tpu.wait_dma2 semaphore(%run_scoped3A : memref<!tpu.dma_semaphore, #tpu.memory_space<semaphore_mem>>) src(%arg17 : memref<10000xf32, #tpu.memory_space<vmem>>) dst(%dma_wait3A_57 : memref<10000xf32, #tpu.memory_space<hbm>>)
      tpu.yield
    }) : () -> ()
    return
  }
}

module attributes {stable_mosaic.version = 14 : i64} {
  func.func @_qk_body(%arg0: memref<10000x128xf32, #tpu.memory_space<vmem>>, %arg1: memref<128x128xf32, #tpu.memory_space<vmem>>, %arg2: memref<1x128xf32, #tpu.memory_space<vmem>>, %arg3: memref<128x128xf32, #tpu.memory_space<vmem>>, %arg4: memref<1x128xf32, #tpu.memory_space<vmem>>, %arg5: memref<10000x64xi32, #tpu.memory_space<vmem>>, %arg6: memref<10000x64xi32, #tpu.memory_space<vmem>>) attributes {dimension_semantics = [], scalar_prefetch = 0 : i64, scratch_operands = 0 : i64, tpu.core_type = #tpu.core_type<tc>} {
    %get3A = arith.constant 0 : index
    %get3A_0 = arith.constant 0 : index
    %get3A_1 = vector.load %arg0[%get3A, %get3A_0] : memref<10000x128xf32, #tpu.memory_space<vmem>>, vector<10000x128xf32>
    %get3A_2 = arith.constant 0 : index
    %get3A_3 = arith.constant 0 : index
    %get3A_4 = vector.load %arg1[%get3A_2, %get3A_3] : memref<128x128xf32, #tpu.memory_space<vmem>>, vector<128x128xf32>
    %dot_general3A = arith.constant dense<0.000000e+00> : vector<10000x128xf32>
    %dot_general3A_5 = tpu.matmul %get3A_1, %get3A_4, %dot_general3A {dimension_numbers = #tpu.dot_dimension_numbers<[1], [0], [0], [1], [0, 0, 1, 1], [], []>, precision = #tpu.contract_precision<fp32>, transpose_lhs_hint = false} : vector<10000x128xf32>, vector<128x128xf32>, vector<10000x128xf32> -> vector<10000x128xf32>
    %get3A_6 = arith.constant 0 : index
    %get3A_7 = arith.constant 0 : index
    %get3A_8 = vector.load %arg3[%get3A_6, %get3A_7] : memref<128x128xf32, #tpu.memory_space<vmem>>, vector<128x128xf32>
    %dot_general3A_9 = arith.constant dense<0.000000e+00> : vector<10000x128xf32>
    %dot_general3A_10 = tpu.matmul %get3A_1, %get3A_8, %dot_general3A_9 {dimension_numbers = #tpu.dot_dimension_numbers<[1], [0], [0], [1], [0, 0, 1, 1], [], []>, precision = #tpu.contract_precision<fp32>, transpose_lhs_hint = false} : vector<10000x128xf32>, vector<128x128xf32>, vector<10000x128xf32> -> vector<10000x128xf32>
    %get3A_11 = arith.constant 0 : index
    %get3A_12 = arith.constant 0 : index
    %get3A_13 = vector.load %arg2[%get3A_11, %get3A_12] : memref<1x128xf32, #tpu.memory_space<vmem>>, vector<1x128xf32>
    %add3A = vector.broadcast %get3A_13 : vector<1x128xf32> to vector<10000x128xf32>
    %add3A_14 = arith.addf %dot_general3A_5, %add3A : vector<10000x128xf32>
    %mul3A = arith.constant 0.0883883461 : f32
    %mul3A_15 = vector.broadcast %mul3A : f32 to vector<10000x128xf32>
    %mul3A_16 = arith.mulf %add3A_14, %mul3A_15 : vector<10000x128xf32>
    %slice3A = vector.extract_strided_slice %mul3A_16 {offsets = [0, 0], sizes = [10000, 64], strides = [1, 1]} : vector<10000x128xf32> to vector<10000x64xf32>
    %bitcast_convert_type3A = tpu.bitcast %slice3A : vector<10000x64xf32> -> vector<10000x64xi32>
    %add3A_17 = arith.constant 32767 : i32
    %add3A_18 = vector.broadcast %add3A_17 : i32 to vector<10000x64xi32>
    %add3A_19 = arith.addi %bitcast_convert_type3A, %add3A_18 : vector<10000x64xi32>
    %shift_right_logical3A = arith.constant 16 : i32
    %shift_right_logical3A_20 = vector.broadcast %shift_right_logical3A : i32 to vector<10000x64xi32>
    %shift_right_logical3A_21 = arith.shrui %bitcast_convert_type3A, %shift_right_logical3A_20 : vector<10000x64xi32>
    %and3A = arith.constant 1 : i32
    %and3A_22 = vector.broadcast %and3A : i32 to vector<10000x64xi32>
    %and3A_23 = arith.andi %shift_right_logical3A_21, %and3A_22 : vector<10000x64xi32>
    %add3A_24 = arith.addi %add3A_19, %and3A_23 : vector<10000x64xi32>
    %and3A_25 = arith.constant -65536 : i32
    %and3A_26 = vector.broadcast %and3A_25 : i32 to vector<10000x64xi32>
    %and3A_27 = arith.andi %add3A_24, %and3A_26 : vector<10000x64xi32>
    %shift_right_logical3A_28 = arith.constant 16 : i32
    %shift_right_logical3A_29 = vector.broadcast %shift_right_logical3A_28 : i32 to vector<10000x64xi32>
    %shift_right_logical3A_30 = arith.shrui %and3A_27, %shift_right_logical3A_29 : vector<10000x64xi32>
    %slice3A_31 = vector.extract_strided_slice %mul3A_16 {offsets = [0, 64], sizes = [10000, 64], strides = [1, 1]} : vector<10000x128xf32> to vector<10000x64xf32>
    %bitcast_convert_type3A_32 = tpu.bitcast %slice3A_31 : vector<10000x64xf32> -> vector<10000x64xi32>
    %add3A_33 = arith.constant 32767 : i32
    %add3A_34 = vector.broadcast %add3A_33 : i32 to vector<10000x64xi32>
    %add3A_35 = arith.addi %bitcast_convert_type3A_32, %add3A_34 : vector<10000x64xi32>
    %shift_right_logical3A_36 = arith.constant 16 : i32
    %shift_right_logical3A_37 = vector.broadcast %shift_right_logical3A_36 : i32 to vector<10000x64xi32>
    %shift_right_logical3A_38 = arith.shrui %bitcast_convert_type3A_32, %shift_right_logical3A_37 : vector<10000x64xi32>
    %and3A_39 = arith.constant 1 : i32
    %and3A_40 = vector.broadcast %and3A_39 : i32 to vector<10000x64xi32>
    %and3A_41 = arith.andi %shift_right_logical3A_38, %and3A_40 : vector<10000x64xi32>
    %add3A_42 = arith.addi %add3A_35, %and3A_41 : vector<10000x64xi32>
    %and3A_43 = arith.constant -65536 : i32
    %and3A_44 = vector.broadcast %and3A_43 : i32 to vector<10000x64xi32>
    %and3A_45 = arith.andi %add3A_42, %and3A_44 : vector<10000x64xi32>
    %or3A = arith.ori %shift_right_logical3A_30, %and3A_45 : vector<10000x64xi32>
    %bitcast_convert_type3A_46 = tpu.bitcast %or3A : vector<10000x64xi32> -> vector<10000x64xi32>
    %swap3A = arith.constant 0 : index
    %swap3A_47 = arith.constant 0 : index
    %swap3A_48 = vector.load %arg5[%swap3A, %swap3A_47] : memref<10000x64xi32, #tpu.memory_space<vmem>>, vector<10000x64xi32>
    tpu.vector_store %arg5[%swap3A, %swap3A_47], %bitcast_convert_type3A_46 {strides = array<i32>} : memref<10000x64xi32, #tpu.memory_space<vmem>>, vector<10000x64xi32>,
    %get3A_49 = arith.constant 0 : index
    %get3A_50 = arith.constant 0 : index
    %get3A_51 = vector.load %arg4[%get3A_49, %get3A_50] : memref<1x128xf32, #tpu.memory_space<vmem>>, vector<1x128xf32>
    %add3A_52 = vector.broadcast %get3A_51 : vector<1x128xf32> to vector<10000x128xf32>
    %add3A_53 = arith.addf %dot_general3A_10, %add3A_52 : vector<10000x128xf32>
    %slice3A_54 = vector.extract_strided_slice %add3A_53 {offsets = [0, 0], sizes = [10000, 64], strides = [1, 1]} : vector<10000x128xf32> to vector<10000x64xf32>
    %bitcast_convert_type3A_55 = tpu.bitcast %slice3A_54 : vector<10000x64xf32> -> vector<10000x64xi32>
    %add3A_56 = arith.constant 32767 : i32
    %add3A_57 = vector.broadcast %add3A_56 : i32 to vector<10000x64xi32>
    %add3A_58 = arith.addi %bitcast_convert_type3A_55, %add3A_57 : vector<10000x64xi32>
    %shift_right_logical3A_59 = arith.constant 16 : i32
    %shift_right_logical3A_60 = vector.broadcast %shift_right_logical3A_59 : i32 to vector<10000x64xi32>
    %shift_right_logical3A_61 = arith.shrui %bitcast_convert_type3A_55, %shift_right_logical3A_60 : vector<10000x64xi32>
    %and3A_62 = arith.constant 1 : i32
    %and3A_63 = vector.broadcast %and3A_62 : i32 to vector<10000x64xi32>
    %and3A_64 = arith.andi %shift_right_logical3A_61, %and3A_63 : vector<10000x64xi32>
    %add3A_65 = arith.addi %add3A_58, %and3A_64 : vector<10000x64xi32>
    %and3A_66 = arith.constant -65536 : i32
    %and3A_67 = vector.broadcast %and3A_66 : i32 to vector<10000x64xi32>
    %and3A_68 = arith.andi %add3A_65, %and3A_67 : vector<10000x64xi32>
    %shift_right_logical3A_69 = arith.constant 16 : i32
    %shift_right_logical3A_70 = vector.broadcast %shift_right_logical3A_69 : i32 to vector<10000x64xi32>
    %shift_right_logical3A_71 = arith.shrui %and3A_68, %shift_right_logical3A_70 : vector<10000x64xi32>
    %slice3A_72 = vector.extract_strided_slice %add3A_53 {offsets = [0, 64], sizes = [10000, 64], strides = [1, 1]} : vector<10000x128xf32> to vector<10000x64xf32>
    %bitcast_convert_type3A_73 = tpu.bitcast %slice3A_72 : vector<10000x64xf32> -> vector<10000x64xi32>
    %add3A_74 = arith.constant 32767 : i32
    %add3A_75 = vector.broadcast %add3A_74 : i32 to vector<10000x64xi32>
    %add3A_76 = arith.addi %bitcast_convert_type3A_73, %add3A_75 : vector<10000x64xi32>
    %shift_right_logical3A_77 = arith.constant 16 : i32
    %shift_right_logical3A_78 = vector.broadcast %shift_right_logical3A_77 : i32 to vector<10000x64xi32>
    %shift_right_logical3A_79 = arith.shrui %bitcast_convert_type3A_73, %shift_right_logical3A_78 : vector<10000x64xi32>
    %and3A_80 = arith.constant 1 : i32
    %and3A_81 = vector.broadcast %and3A_80 : i32 to vector<10000x64xi32>
    %and3A_82 = arith.andi %shift_right_logical3A_79, %and3A_81 : vector<10000x64xi32>
    %add3A_83 = arith.addi %add3A_76, %and3A_82 : vector<10000x64xi32>
    %and3A_84 = arith.constant -65536 : i32
    %and3A_85 = vector.broadcast %and3A_84 : i32 to vector<10000x64xi32>
    %and3A_86 = arith.andi %add3A_83, %and3A_85 : vector<10000x64xi32>
    %or3A_87 = arith.ori %shift_right_logical3A_71, %and3A_86 : vector<10000x64xi32>
    %bitcast_convert_type3A_88 = tpu.bitcast %or3A_87 : vector<10000x64xi32> -> vector<10000x64xi32>
    %swap3A_89 = arith.constant 0 : index
    %swap3A_90 = arith.constant 0 : index
    %swap3A_91 = vector.load %arg6[%swap3A_89, %swap3A_90] : memref<10000x64xi32, #tpu.memory_space<vmem>>, vector<10000x64xi32>
    tpu.vector_store %arg6[%swap3A_89, %swap3A_90], %bitcast_convert_type3A_88 {strides = array<i32>} : memref<10000x64xi32, #tpu.memory_space<vmem>>, vector<10000x64xi32>,
    return
  }
}

</mosaic_0001>

<sc_bundles>
// kernel: kernel.4.cloned.1.call-start
scs
__scs_entry_jumppad:
0x0: {  	(pc) =	sbr.rel $0x88, $3  }
0x1: {  	(tag) =	ssettag $0x0;
	lr =	simm.s32 $0x1  }
0x2: {  	[smem:$0x3F9B] =	sst lr;
	_ =	strace $0xD0000000  }
0x3: {  	_ = 	snop  }
0x4: {  	_ = 	snop  }
0x5: {  	_ = 	snop  }
0x6: {  	_ = 	snop  }
0x7: {  	_ = 	snop  }
__scs_overlays_trampoline_lowered:
0x8: {  	[smem:$0x3FAA] =	sst s0  }
0x9: {  	[smem:$0x3FAB] =	sst s1  }
0xa: {  	[smem:$0x3FAC] =	sst s2  }
0xb: {  	[smem:$0x3FAD] =	sst s3  }
0xc: {  	[smem:$0x3FAE] =	sst s4  }
0xd: {  	[smem:$0x3FAF] =	sst s5  }
0xe: {  	[smem:$0x3FB0] =	sst s6  }
0xf: {  	[smem:$0x3FB1] =	sst s7  }
0x10: {  	[smem:$0x3FB2] =	sst s8  }
0x11: {  	[smem:$0x3FB3] =	sst s9;
	s0 =	simm.s32 @!p0 $0x0  }
0x12: {  	s1 =	sld [smem:$0x3F99];
	s0 =	simm.s32 @p0 $0x1  }
0x13: {  	[smem:$0x3FB4] =	sst s0;
	s0 =	simm.s32 @!p1 $0x0  }
0x14: {  	s2 =	sld [smem:$0x3F98];
	s0 =	simm.s32 @p1 $0x1  }
0x15: {  	[smem:$0x3FB5] =	sst s0;
	s0 =	simm.s32 @!p2 $0x0  }
0x16: {  	s3 =	sld [smem:$0x3FDB];
	s0 =	simm.s32 @p2 $0x1  }
0x17: {  	s4 =	simm.s32 $0x1BF5;
	[smem:$0x3FB7] =	sst s0  }
0x18: {  	s0 =	sld [smem:$0x3F9A];
	_ =	swait.ge [sflag:s4], $0x0  }
0x19: {  	s7 =	sld [smem:$0x3F9B]  }
0x1a: {  	s8 =	sadd.s32 $0xFFFFE003, lr  }
0x1b: {  	s9 =	sadd.s32 $0xFFFFFEF7, lr;
	s5 =	simm.s32 $0xFFFFFFFF;
	p2 =	slt.u32 s8, $0xFFFFF086  }
0x1c: {  	p1 =	slt.u32 s9, $0xF7A;
	s5 =	simm.s32 @!p2 $0x0  }
0x1d: {  	s5 =	simm.s32 @p1 $0x1;
	p0 =	seq.s32 s7, s2  }
0x1e: {  	s7 =	smul.u32 @!p0 $0xF7A, s2;
	p2 =	seq.s32 @!p0 s5, $0x0  }
0x1f: {  	s9 =	smul.u32 $0xF7A, s1;
	s8 =	simm.s32 @!p0 $0x1BF5;
	p2 =	por !p2, p0  }
0x20: {  	[sflag:s8] =	ssyncset.s32 @!p0 $0xFFFFF086;
	s6 =	sadd.s32 @!p0 s3, s7;
	s7 =	simm.s32 @!p0 $0x108  }
0x21: {  	s3 =	sadd.s32 s3, s9;
	s6 =	sadd.s32 @!p0 $0x88, s6;
	s7 =	simm.s32 @p2 $0x1082  }
0x22: {  	[simem:s7], [sflag:s8] =	dma.local @!p0 [hbm:s6], $0xF7A  }
0x23: {  	s9 =	sor.u32 $0xD0000000, s2;
	s6 =	simm.s32 $0x108;
	_ =	swait.ge @!p0 [sflag:s8], $0x0  }
0x24: {  	s3 =	sadd.s32 $0x88, s3;
	s6 =	simm.s32 @!p1 $0x1082;
	[sflag:s4] =	ssyncset.s32 $0xFFFFF086  }
0x25: {  	[simem:s6], [sflag:s4] =	dma.local [hbm:s3], $0xF7A  }
0x26: {  	[smem:$0x3F9B] =	sst s1;
	(tag) =	ssettag s2;
	_ =	strace s9  }
0x27: {  	s1 =	sld [smem:$0x3FAB]  }
0x28: {  	s2 =	sld [smem:$0x3FAC]  }
0x29: {  	s4 =	sld [smem:$0x3FAE]  }
0x2a: {  	p0 =	seq.s32 s5, $0x0;
	s5 =	sld [smem:$0x3FAF]  }
0x2b: {  	s6 =	sld [smem:$0x3FB0]  }
0x2c: {  	s7 =	sld [smem:$0x3FB1]  }
0x2d: {  	s3 =	simm.s32 $0x108;
	s8 =	sld [smem:$0x3FB2]  }
0x2e: {  	s3 =	simm.s32 @!p0 $0x1082;
	s9 =	sld [smem:$0x3FB3]  }
0x2f: {  	lr =	sadd.s32 s0, s3;
	s0 =	sld [smem:$0x3FAA]  }
0x30: {  	s3 =	sld [smem:$0x3FAD]  }
0x31: {  	[smem:$0x3FB6] =	sst s10  }
0x32: {  	s10 =	sld [smem:$0x3FB4];
	_ =	sdelay $0x3  }
0x33: {  	p0 =	seq.s32 s10, $0x1;
	s10 =	sld [smem:$0x3FB6];
	_ =	sdelay $0x3  }
0x34: {  	[smem:$0x3FB6] =	sst s10  }
0x35: {  	s10 =	sld [smem:$0x3FB5];
	_ =	sdelay $0x3  }
0x36: {  	p1 =	seq.s32 s10, $0x1;
	s10 =	sld [smem:$0x3FB6];
	_ =	sdelay $0x3  }
0x37: {  	[smem:$0x3FB6] =	sst s10  }
0x38: {  	s10 =	sld [smem:$0x3FB7]  }
0x39: {  	_ = 	snop;
	(pc) =	sbr.ind lr, $3  }
0x3a: {  	_ = 	snop  }
0x3b: {  	_ = 	snop  }
0x3c: {  	p2 =	seq.s32 s10, $0x1;
	s10 =	sld [smem:$0x3FB6]  }
0x3d: {  	_ =	shalt  }
0x3e: {  	_ =	shalt  }
0x3f: {  	_ =	shalt  }
0x40: {  	_ =	shalt  }
0x41: {  	_ =	shalt  }
0x42: {  	_ =	shalt  }
0x43: {  	_ =	shalt  }
0x44: {  	_ =	shalt  }
0x45: {  	_ =	shalt  }
0x46: {  	_ =	shalt  }
0x47: {  	_ =	shalt  }
0x48: {  	_ =	shalt  }
0x49: {  	_ =	shalt  }
0x4a: {  	_ =	shalt  }
0x4b: {  	_ =	shalt  }
0x4c: {  	_ =	shalt  }
0x4d: {  	_ =	shalt  }
0x4e: {  	_ =	shalt  }
0x4f: {  	_ =	shalt  }
0x50: {  	_ =	shalt  }
0x51: {  	_ =	shalt  }
0x52: {  	_ =	shalt  }
0x53: {  	_ =	shalt  }
0x54: {  	_ =	shalt  }
0x55: {  	_ =	shalt  }
0x56: {  	_ =	shalt  }
0x57: {  	_ =	shalt  }
0x58: {  	_ =	shalt  }
0x59: {  	_ =	shalt  }
0x5a: {  	_ =	shalt  }
0x5b: {  	_ =	shalt  }
0x5c: {  	_ =	shalt  }
0x5d: {  	_ =	shalt  }
0x5e: {  	_ =	shalt  }
0x5f: {  	_ =	shalt  }
0x60: {  	_ =	shalt  }
0x61: {  	_ =	shalt  }
0x62: {  	_ =	shalt  }
0x63: {  	_ =	shalt  }
0x64: {  	_ =	shalt  }
0x65: {  	_ =	shalt  }
0x66: {  	_ =	shalt  }
0x67: {  	_ =	shalt  }
0x68: {  	_ =	shalt  }
0x69: {  	_ =	shalt  }
0x6a: {  	_ =	shalt  }
0x6b: {  	_ =	shalt  }
0x6c: {  	_ =	shalt  }
0x6d: {  	_ =	shalt  }
0x6e: {  	_ =	shalt  }
0x6f: {  	_ =	shalt  }
0x70: {  	_ =	shalt  }
0x71: {  	_ =	shalt  }
0x72: {  	_ =	shalt  }
0x73: {  	_ =	shalt  }
0x74: {  	_ =	shalt  }
0x75: {  	_ =	shalt  }
0x76: {  	_ =	shalt  }
0x77: {  	_ =	shalt  }
0x78: {  	_ =	shalt  }
0x79: {  	_ =	shalt  }
0x7a: {  	_ =	shalt  }
0x7b: {  	_ =	shalt  }
0x7c: {  	_ =	shalt  }
0x7d: {  	_ =	shalt  }
0x7e: {  	_ =	shalt  }
0x7f: {  	_ =	shalt  }
0x80: {  	_ =	shalt  }
0x81: {  	_ =	shalt  }
0x82: {  	_ =	shalt  }
0x83: {  	_ =	shalt  }
0x84: {  	_ =	shalt  }
0x85: {  	_ =	shalt  }
0x86: {  	_ =	shalt  }
0x87: {  	_ =	shalt  }
.Lfunc_end0:
.L_simem_size_0:
called_computation_lowered:
.L_overlay_start_0:
0x88: {  	s2 =	sld [smem:$0x3FD9]  }
0x89: {  	s3 =	sld [smem:$0x3FFE];
	_ =	sdelay $0x1  }
0x8a: {  	s1 =	srdreg.scid  }
0x8b: {  	s0 =	sand.u32 $0x1, s1  }
0x8c: {  	s17 =	sshll.u32 s0, $0xA;
	s2 =	sadd.s32 s3, s2  }
0x8d: {  	s2 =	sadd.s32 s2, s17  }
0x8e: {  	[smem:$0x3FC2] =	sst s2  }
0x8f: {  	_ = 	snop  }
0x90: {  	s2 =	sld [smem:$0x3FD0];
	(tm) =	ssettm $0x1  }
0x91: {  	s18 =	sld [smem:$0x3FFB];
	_ =	sdelay $0x3  }
0x92: {  	_ =	strace s18  }
0x93: {  	s3 =	sld [smem:$0x3FFC];
	_ =	sdelay $0x3  }
0x94: {  	_ =	strace s3  }
0x95: {  	s3 =	sld [smem:$0x3FFD];
	_ =	sdelay $0x3  }
0x96: {  	_ =	strace s3  }
0x97: {  	_ =	strace $0x8FFFFFFF  }
0x98: {  	s19 =	sld [smem:$0x3FDB];
	_ =	sdelay $0x1  }
0x99: {  	s4 =	simm.s32 $_scs_section_size  }
0x9a: {  	s5 =	simm.s32 $_size__tile_overlayer_lowered;
	s6 =	simm.s32 $_tile_overlayer_lowered  }
0x9b: {  	s22 =	simm.s32 $0x1BFF;
	s21 =	sshll.u32 s6, $0x1;
	s3 =	sadd.s32 s4, s19  }
0x9c: {  	s7 =	simm.s32 $0x0;
	s20 =	sshll.u32 s5, $0x1;
	s5 =	sadd.s32 s21, s3  }
0x9d: {  	[timem:s7], [sflag:s22] =	dma.local [hbm:s5], s20  }
0x9e: {  	_ =	swait.ge [sflag:s22], s20  }
0x9f: {  	s4 =	ssub.s32 $0x0, s20;
	[sflag:s22] =	ssyncset.done $0x0  }
0xa0: {  	[sflag:s22] =	ssyncadd.s32 s4;
	_ =	sdelay $0x1  }
0xa1: {  	s23 =	simm.s32 $0x1B8B  }
0xa2: {  	_ =	swait.ge [sflag:s23], $0x1  }
0xa3: {  	[sflag:s23] =	ssyncset.done $0x0  }
0xa4: {  	s25 =	simm.s32 $0x1B8E;
	s24 =	sld [smem:$0x3FFE];
	[sflag:s23] =	ssyncadd.s32 $0xFFFFFFFF  }
0xa5: {  	s26 =	simm.s32 $execute0_lowered;
	[smem:$0x3FD2] =	sst s25  }
0xa6: {  	s5 =	sshll.u32 s26, $0x1;
	_ =	strace $0x80000046;
	[dreg:$0x1] =	wrdreg $0xFFFFFFFF  }
0xa7: {  	s28 =	simm.s32 $_size_execute0_lowered;
	s3 =	sadd.s32 s3, s5;
	[dreg:$0x0] =	wrdreg $0x0  }
0xa8: {  	s5 =	sshll.u32 s28, $0x1;
	[dreg:$0x2] =	wrdreg s3  }
0xa9: {  	[dreg:$0x3] =	wrdreg s5  }
0xaa: {  	[dreg:$0x4] =	wrdreg $0xC0  }
0xab: {  	_ =	task [dreg:s7], $0x5FFFF  }
0xac: {  	[dreg:$0x1] =	wrdreg $0xFFFFFFFF  }
0xad: {  	[dreg:$0x0] =	wrdreg $0x60  }
0xae: {  	[dreg:$0x2] =	wrdreg s24  }
0xaf: {  	[dreg:$0x3] =	wrdreg s2  }
0xb0: {  	[dreg:$0x4] =	wrdreg $0x0  }
0xb1: {  	[dreg:$0x5] =	wrdreg $0x9C400  }
0xb2: {  	[dreg:$0x6] =	wrdreg $0x9  }
0xb3: {  	_ =	task.clear_ibuf [dreg:s7], $0x7FFFF;
	_ =	strace $0x90000046  }
0xb4: {  	s29 =	simm.s32 $0x9;
	_ =	strace $0x80000048  }
0xb5: {  	_ =	swait.ge [sflag:s29], $0x1  }
0xb6: {  	[sflag:s29] =	ssyncadd.s32 $0xFFFFFFFF  }
0xb7: {  	_ =	strace $0x90000048  }
0xb8: {  	_ =	sfence  }
0xb9: {  	s30 =	sld [smem:$0x0];
	_ =	sdelay $0x2  }
0xba: {  	s31 =	sshll.u32 s1, $0xD;
	s1 =	sshrl.u32 s1, $0x2  }
0xbb: {  	s3 =	sand.u32 $0x4000, s31;
	s1 =	sadd.s32 s1, s30  }
0xbc: {  	s0 =	sor.u32 s3, s0;
	s1 =	sshll.u32 s1, $0x11  }
0xbd: {  	s0 =	sor.u32 s1, s0  }
0xbe: {  	s0 =	sadd.s32 $0x8F2B, s0  }
0xbf: {  	[sflag:s0] =	ssyncadd.remote.s32 $0x1  }
0xc0: {  	_ =	sfence.sel $0xFFFF  }
0xc1: {  	[dreg:$0x0] =	wrdreg $0xFFFFFFFF;
	(pc) =	sbr.abs _section_cstart, $3  }
0xc2: {  	[dreg:$0x1] =	wrdreg $0xFFFFFFFF  }
0xc3: {  	_ =	task.clear_ibuf [dreg:s7], $0x2FFFF;
	_ =	strace $0x9FFFFFFF  }
0xc4: {  	(tm) =	ssettm $0x7FFFFFFF  }
0xc5: {  	_ =	shalt  }
tec
execute0_lowered:
.L_overlay_start_1:
0x0: {  	(tag) =	ssettag $0x1  }
0x1: {  	s0 =	rddreg [dreg:$0x0]  }
0x2: {  	s1 =	rddreg [dreg:$0x1]  }
0x3: {  	s2 =	rddreg [dreg:$0x2]  }
0x4: {  	s3 =	rddreg [dreg:$0x3]  }
0x5: {  	s4 =	simm.s32 $0x0;
	s10 =	stileid.u32;
	s5 =	srdreg.scid  }
0x6: {  	s16 =	simm.s32 $0x7;
	s18 =	simm.s32 $0x5;
	s19 =	simm.s32 $0x6  }
0x7: {  	s20 =	simm.s32 $0x50;
	s21 =	simm.s32 $0x186A0;
	s22 =	simm.s32 $0x19AA0  }
0x8: {  	s23 =	simm.s32 $0x1;
	s28 =	simm.s32 $0x1D6A0;
	s29 =	simm.s32 $0x3  }
0x9: {  	s30 =	simm.s32 $0x4;
	s31 =	simm.s32 $0x1D7A0;
	s6 =	smul.u32 $0x9C40, s10  }
0xa: {  	s5 =	sand.u32 $0x1, s5;
	s7 =	sshll.u32 s10, $0x1;
	[smem:$0x7FF] =	sst s4  }
0xb: {  	s13 =	sshll.u32 s10, $0x6;
	s7 =	sor.u32 s5, s7;
	s5 =	ssub.s32 $0x2, s5  }
0xc: {  	_ =	strace $0x80000047;
	s25 =	sor.u32 $0x1C05, s13;
	s13 =	sor.u32 $0x1C06, s13  }
0xd: {  	v0 =	vlaneseq.u32;
	s8 =	sshrl.u32 s6, $0x3;
	s7 =	smul.u32 $0x4E2, s7;
	s9 =	sshrl.u32 s5, $0x1  }
0xe: {  	v0 =	vmul.u32 $0x10, v0;
	s12 =	sadd.s32 s6, s2;
	[dreg:$0x6] =	wrdreg s25;
	s6 =	sadd.s32 s6, s3  }
0xf: {  	s25 =	simm.s32 $0x1AEA0;
	s8 =	sadd.s32 s8, s0;
	s5 =	ssub.s32 s5, s9  }
0x10: {  	v1 =	vor.u32 $0x1, v0;
	v2 =	vor.u32 $0x2, v0;
	v3 =	vor.u32 $0x3, v0;
	s12 =	sshrl.u32 s12, $0x3;
	s14 =	sshrl.u32 s6, $0x3;
	s0 =	sadd.s32 s7, s0  }
0x11: {  	v4 =	vor.u32 $0x4, v0;
	v5 =	vor.u32 $0x5, v0;
	v6 =	vor.u32 $0x6, v0;
	s24 =	sadd.s32 $0x14000, s8;
	s8 =	sadd.s32 $0x600, s8;
	s10 =	sadd.s32 s1, s7  }
0x12: {  	v7 =	vor.u32 $0x7, v0;
	v8 =	vor.u32 $0x8, v0;
	v9 =	vor.u32 $0x9, v0;
	s11 =	smax.u32 s5, $0x1;
	s1 =	simm.s32 $0x0;
	[dreg:$0x5] =	wrdreg s24  }
0x13: {  	v10 =	vor.u32 $0xA, v0;
	v11 =	vor.u32 $0xB, v0;
	v12 =	vor.u32 $0xC, v0;
	[dreg:$0x7] =	wrdreg s8;
	s26 =	sadd.s32 $0x31800, s0;
	s9 =	sadd.s32 $0x27A00, s0  }
0x14: {  	v13 =	vor.u32 $0xD, v0;
	v14 =	vor.u32 $0xE, v0;
	v15 =	vor.u32 $0xF, v0;
	s24 =	simm.s32 $0x2;
	[dreg:$0x8] =	wrdreg s26;
	s26 =	simm.s32 $0x1C2A0  }
.LBB2_1:
0x15: {  	s0 =	rddreg [dreg:$0x5]  }
0x16: {  	s5 =	rddreg [dreg:$0x6]  }
0x17: {  	[spmem:s12], [sflag:s5] =	dma.local [hbm:s0], $0x1388  }
0x18: {  	s0 =	rddreg [dreg:$0x7]  }
0x19: {  	[spmem:s14], [sflag:s13] =	dma.local [hbm:s0], $0x1388  }
0x1a: {  	s15 =	simm.s32 $0x13880;
	s0 =	rddreg [dreg:$0x8]  }
0x1b: {  	[tilespmem:s15], [sflag:$0x7] =	stream.linear.gather [hbm4b:s0+s4], $0x2710, $0x38;
	[tilespmem:$0x1FFB0] =	vst v63  }
0x1c: {  	_ =	swait.ge [sflag:s16], $0x2710  }
0x1d: {  	[sflag:s16] =	ssyncset.done $0x0  }
0x1e: {  	s17 =	simm.s32 $0x15F90;
	[sflag:s16] =	ssyncadd.s32 $0xFFFFD8F0  }
0x1f: {  	[tilespmem:s17], [sflag:$0x7] =	stream.linear.gather [hbm4b:s9+s4], $0x2710, $0x38;
	[tilespmem:$0x1FFB0] =	vst v63  }
0x20: {  	_ =	swait.ge [sflag:s16], $0x2710  }
0x21: {  	[sflag:s16] =	ssyncset.done $0x0  }
0x22: {  	[sflag:s16] =	ssyncadd.s32 $0xFFFFD8F0  }
0x23: {  	_ =	swait.ge [sflag:s18], $0x1388  }
0x24: {  	[sflag:s18] =	ssyncset.done $0x0  }
0x25: {  	[sflag:s18] =	ssyncadd.s32 $0xFFFFEC78  }
0x26: {  	_ =	swait.ge [sflag:s19], $0x1388  }
0x27: {  	[sflag:s19] =	ssyncset.done $0x0  }
0x28: {  	[sflag:s19] =	ssyncadd.s32 $0xFFFFEC78  }
0x29: {  	[bflag:$0x0] =	sbarrier.arrive $0xFFFF  }
0x2a: {  	[tilespmem:s21], [sflag:$0x1] =	stream.indirect.gather [spmem:s2], $0x40, s15, s20, $0xb8;
	[tilespmem:$0x1FFB0] =	vst v63  }
0x2b: {  	_ = 	snop  }
0x2c: {  	[tilespmem:s22], [sflag:$0x2] =	stream.indirect.gather [spmem:s3], $0x40, s17, s20, $0xb8;
	[tilespmem:$0x1FFB0] =	vst v63  }
0x2d: {  	s7 =	simm.s32 $0x1D8A0;
	s0 =	simm.s32 $0x1D8F0;
	s17 =	simm.s32 $0x0  }
.LBB2_2:
0x2e: {  	_ =	swait.ge [sflag:s23], $0x1400  }
0x2f: {  	[sflag:s23] =	ssyncset.done $0x0  }
0x30: {  	[sflag:s23] =	ssyncadd.s32 $0xFFFFEC00  }
0x31: {  	s5 =	smul.u32 $0xA0, s17;
	_ =	swait.ge [sflag:s24], $0x1400  }
0x32: {  	[sflag:s24] =	ssyncset.done $0x0  }
0x33: {  	s6 =	sadd.s32 $0x138D0, s5;
	[sflag:s24] =	ssyncadd.s32 $0xFFFFEC00  }
0x34: {  	[tilespmem:s25], [sflag:$0x3] =	stream.indirect.gather [spmem:s2], $0x40, s6, s20, $0xb8;
	[tilespmem:$0x1FFB0] =	vst v63  }
0x35: {  	s15 =	sadd.s32 $0x15FE0, s5  }
0x36: {  	[tilespmem:s26], [sflag:$0x4] =	stream.indirect.gather [spmem:s3], $0x40, s15, s20, $0xb8;
	[tilespmem:$0x1FFB0] =	vst v63  }
0x37: {  	s6 =	simm.s32 $0xFC0;
	s15 =	smov.u32 s7  }
.LBB2_3:
0x38: {  	s8 =	sshra.s32 s6, $0x2  }
0x39: {  	v16 =	vld [tilespmem:s8+$0x182B0]  }
0x3a: {  	v17 =	vld [tilespmem:s8+$0x196B0]  }
0x3b: {  	v19 =	vld [tilespmem:s8+$0x196C0]  }
0x3c: {  	v20 =	vld [tilespmem:s8+$0x182D0]  }
0x3d: {  	v22 =	vld [tilespmem:s8+$0x196D0]  }
0x3e: {  	v24 =	vld [tilespmem:s8+$0x182E0]  }
0x3f: {  	v32 =	vld [tilespmem:s8+$0x196E0]  }
0x40: {  	v18 =	vld [tilespmem:s8+$0x182C0];
	v21 =	vshll.u32 v16, $0x10  }
0x41: {  	v23 =	vshll.u32 v17, $0x10;
	v16 =	vand.u32 $0xFFFF0000, v16;
	v17 =	vand.u32 $0xFFFF0000, v17  }
0x42: {  	v25 =	vshll.u32 v19, $0x10;
	v19 =	vand.u32 $0xFFFF0000, v19;
	v33 =	vshll.u32 v20, $0x10  }
0x43: {  	v34 =	vshll.u32 v22, $0x10;
	v20 =	vand.u32 $0xFFFF0000, v20;
	v22 =	vand.u32 $0xFFFF0000, v22  }
0x44: {  	v35 =	vshll.u32 v24, $0x10;
	v36 =	vshll.u32 v32, $0x10;
	v24 =	vand.u32 $0xFFFF0000, v24  }
0x45: {  	v21 =	vmul.f32 v23, v21;
	v16 =	vmul.f32 v17, v16;
	v17 =	vshll.u32 v18, $0x10  }
0x46: {  	v18 =	vand.u32 $0xFFFF0000, v18;
	v20 =	vmul.f32 v22, v20;
	v22 =	vmul.f32 v36, v35  }
0x47: {  	v23 =	vand.u32 $0xFFFF0000, v32;
	v17 =	vmul.f32 v25, v17;
	v18 =	vmul.f32 v19, v18  }
0x48: {  	v19 =	vmul.f32 v34, v33;
	v23 =	vmul.f32 v23, v24  }
0x49: {  	v16 =	vadd.f32 v16, v21;
	v17 =	vadd.f32 v18, v17  }
0x4a: {  	v37 =	vadd.f32 v20, v19;
	v38 =	vadd.f32 v23, v22;
	_ =	sdelay $0x1  }
0x4b: {  	v16 =	vadd.f32 v17, v16;
	v17 =	vadd.f32 v38, v37;
	_ =	sdelay $0x1  }
0x4c: {  	v16 =	vadd.f32 v17, v16;
	_ =	sdelay $0x1  }
0x4d: {  	[tilespmem:$0x1D6A0] =	vst v16  }
0x4e: {  	v16 =	vld [tilespmem:s8+$0x182F0]  }
0x4f: {  	v17 =	vld [tilespmem:s8+$0x196F0]  }
0x50: {  	v39 =	vld [tilespmem:s8+$0x18300]  }
0x51: {  	v40 =	vld [tilespmem:s8+$0x19700]  }
0x52: {  	v41 =	vld [tilespmem:s8+$0x18310]  }
0x53: {  	v43 =	vld [tilespmem:s8+$0x19710]  }
0x54: {  	v45 =	vld [tilespmem:s8+$0x18320]  }
0x55: {  	v46 =	vld [tilespmem:s8+$0x19720]  }
0x56: {  	v42 =	vshll.u32 v16, $0x10  }
0x57: {  	v44 =	vshll.u32 v17, $0x10;
	v16 =	vand.u32 $0xFFFF0000, v16;
	v17 =	vand.u32 $0xFFFF0000, v17  }
0x58: {  	v47 =	vshll.u32 v40, $0x10;
	v18 =	vand.u32 $0xFFFF0000, v39;
	v19 =	vand.u32 $0xFFFF0000, v40  }
0x59: {  	v48 =	vshll.u32 v41, $0x10;
	v49 =	vshll.u32 v43, $0x10;
	v20 =	vand.u32 $0xFFFF0000, v41  }
0x5a: {  	v22 =	vand.u32 $0xFFFF0000, v43;
	v50 =	vshll.u32 v45, $0x10;
	v51 =	vshll.u32 v46, $0x10  }
0x5b: {  	v24 =	vand.u32 $0xFFFF0000, v45;
	v21 =	vmul.f32 v44, v42;
	v16 =	vmul.f32 v17, v16  }
0x5c: {  	v23 =	vand.u32 $0xFFFF0000, v46;
	v18 =	vmul.f32 v19, v18;
	v19 =	vmul.f32 v49, v48  }
0x5d: {  	v17 =	vshll.u32 v39, $0x10;
	v20 =	vmul.f32 v22, v20;
	v22 =	vmul.f32 v51, v50  }
0x5e: {  	v23 =	vmul.f32 v23, v24;
	v17 =	vmul.f32 v47, v17  }
0x5f: {  	v16 =	vadd.f32 v16, v21;
	v52 =	vadd.f32 v20, v19  }
0x60: {  	v53 =	vadd.f32 v23, v22;
	v17 =	vadd.f32 v18, v17;
	_ =	sdelay $0x1  }
0x61: {  	v16 =	vadd.f32 v17, v16;
	v17 =	vadd.f32 v53, v52;
	_ =	sdelay $0x1  }
0x62: {  	v16 =	vadd.f32 v17, v16;
	_ =	sdelay $0x1  }
0x63: {  	[tilespmem:$0x1D6B0] =	vst v16  }
0x64: {  	v16 =	vld [tilespmem:s8+$0x18330]  }
0x65: {  	v17 =	vld [tilespmem:s8+$0x19730]  }
0x66: {  	v54 =	vld [tilespmem:s8+$0x18340]  }
0x67: {  	v55 =	vld [tilespmem:s8+$0x19740]  }
0x68: {  	v56 =	vld [tilespmem:s8+$0x18350]  }
0x69: {  	v58 =	vld [tilespmem:s8+$0x19750]  }
0x6a: {  	v60 =	vld [tilespmem:s8+$0x18360]  }
0x6b: {  	v61 =	vld [tilespmem:s8+$0x19760]  }
0x6c: {  	v57 =	vshll.u32 v16, $0x10  }
0x6d: {  	v59 =	vshll.u32 v17, $0x10;
	v16 =	vand.u32 $0xFFFF0000, v16;
	v17 =	vand.u32 $0xFFFF0000, v17  }
0x6e: {  	v62 =	vshll.u32 v55, $0x10;
	v18 =	vand.u32 $0xFFFF0000, v54;
	v19 =	vand.u32 $0xFFFF0000, v55  }
0x6f: {  	v63 =	vshll.u32 v56, $0x10;
	v28 =	vshll.u32 v58, $0x10;
	v20 =	vand.u32 $0xFFFF0000, v56  }
0x70: {  	v22 =	vand.u32 $0xFFFF0000, v58;
	v29 =	vshll.u32 v60, $0x10;
	v30 =	vshll.u32 v61, $0x10  }
0x71: {  	v24 =	vand.u32 $0xFFFF0000, v60;
	v21 =	vmul.f32 v59, v57;
	v16 =	vmul.f32 v17, v16  }
0x72: {  	v23 =	vand.u32 $0xFFFF0000, v61;
	v18 =	vmul.f32 v19, v18;
	v19 =	vmul.f32 v28, v63  }
0x73: {  	v17 =	vshll.u32 v54, $0x10;
	v20 =	vmul.f32 v22, v20;
	v22 =	vmul.f32 v30, v29  }
0x74: {  	v23 =	vmul.f32 v23, v24;
	v17 =	vmul.f32 v62, v17  }
0x75: {  	v16 =	vadd.f32 v16, v21;
	v31 =	vadd.f32 v20, v19  }
0x76: {  	v32 =	vadd.f32 v23, v22;
	v17 =	vadd.f32 v18, v17;
	_ =	sdelay $0x1  }
0x77: {  	v16 =	vadd.f32 v17, v16;
	v17 =	vadd.f32 v32, v31;
	_ =	sdelay $0x1  }
0x78: {  	v16 =	vadd.f32 v17, v16;
	_ =	sdelay $0x1  }
0x79: {  	[tilespmem:$0x1D6C0] =	vst v16  }
0x7a: {  	v16 =	vld [tilespmem:s8+$0x18370]  }
0x7b: {  	v17 =	vld [tilespmem:s8+$0x19770]  }
0x7c: {  	v33 =	vld [tilespmem:s8+$0x18380]  }
0x7d: {  	v34 =	vld [tilespmem:s8+$0x19780]  }
0x7e: {  	v35 =	vld [tilespmem:s8+$0x18390]  }
0x7f: {  	v37 =	vld [tilespmem:s8+$0x19790]  }
0x80: {  	v39 =	vld [tilespmem:s8+$0x183A0]  }
0x81: {  	v40 =	vld [tilespmem:s8+$0x197A0]  }
0x82: {  	v36 =	vshll.u32 v16, $0x10  }
0x83: {  	v38 =	vshll.u32 v17, $0x10;
	v16 =	vand.u32 $0xFFFF0000, v16;
	v17 =	vand.u32 $0xFFFF0000, v17  }
0x84: {  	v41 =	vshll.u32 v34, $0x10;
	v18 =	vand.u32 $0xFFFF0000, v33;
	v19 =	vand.u32 $0xFFFF0000, v34  }
0x85: {  	v42 =	vshll.u32 v35, $0x10;
	v43 =	vshll.u32 v37, $0x10;
	v20 =	vand.u32 $0xFFFF0000, v35  }
0x86: {  	v22 =	vand.u32 $0xFFFF0000, v37;
	v44 =	vshll.u32 v39, $0x10;
	v45 =	vshll.u32 v40, $0x10  }
0x87: {  	v24 =	vand.u32 $0xFFFF0000, v39;
	v21 =	vmul.f32 v38, v36;
	v16 =	vmul.f32 v17, v16  }
0x88: {  	v23 =	vand.u32 $0xFFFF0000, v40;
	v18 =	vmul.f32 v19, v18;
	v19 =	vmul.f32 v43, v42  }
0x89: {  	v17 =	vshll.u32 v33, $0x10;
	v20 =	vmul.f32 v22, v20;
	v22 =	vmul.f32 v45, v44  }
0x8a: {  	v23 =	vmul.f32 v23, v24;
	v17 =	vmul.f32 v41, v17  }
0x8b: {  	v16 =	vadd.f32 v16, v21;
	v46 =	vadd.f32 v20, v19  }
0x8c: {  	v47 =	vadd.f32 v23, v22;
	v17 =	vadd.f32 v18, v17;
	_ =	sdelay $0x1  }
0x8d: {  	v16 =	vadd.f32 v17, v16;
	v17 =	vadd.f32 v47, v46;
	_ =	sdelay $0x1  }
0x8e: {  	v16 =	vadd.f32 v17, v16;
	_ =	sdelay $0x1  }
0x8f: {  	[tilespmem:$0x1D6D0] =	vst v16  }
0x90: {  	v16 =	vld [tilespmem:s8+$0x183B0]  }
0x91: {  	v17 =	vld [tilespmem:s8+$0x197B0]  }
0x92: {  	v48 =	vld [tilespmem:s8+$0x183C0]  }
0x93: {  	v49 =	vld [tilespmem:s8+$0x197C0]  }
0x94: {  	v50 =	vld [tilespmem:s8+$0x183D0]  }
0x95: {  	v52 =	vld [tilespmem:s8+$0x197D0]  }
0x96: {  	v54 =	vld [tilespmem:s8+$0x183E0]  }
0x97: {  	v55 =	vld [tilespmem:s8+$0x197E0]  }
0x98: {  	v51 =	vshll.u32 v16, $0x10  }
0x99: {  	v53 =	vshll.u32 v17, $0x10;
	v16 =	vand.u32 $0xFFFF0000, v16;
	v17 =	vand.u32 $0xFFFF0000, v17  }
0x9a: {  	v56 =	vshll.u32 v49, $0x10;
	v18 =	vand.u32 $0xFFFF0000, v48;
	v19 =	vand.u32 $0xFFFF0000, v49  }
0x9b: {  	v57 =	vshll.u32 v50, $0x10;
	v58 =	vshll.u32 v52, $0x10;
	v20 =	vand.u32 $0xFFFF0000, v50  }
0x9c: {  	v22 =	vand.u32 $0xFFFF0000, v52;
	v59 =	vshll.u32 v54, $0x10;
	v60 =	vshll.u32 v55, $0x10  }
0x9d: {  	v24 =	vand.u32 $0xFFFF0000, v54;
	v21 =	vmul.f32 v53, v51;
	v16 =	vmul.f32 v17, v16  }
0x9e: {  	v23 =	vand.u32 $0xFFFF0000, v55;
	v18 =	vmul.f32 v19, v18;
	v19 =	vmul.f32 v58, v57  }
0x9f: {  	v17 =	vshll.u32 v48, $0x10;
	v20 =	vmul.f32 v22, v20;
	v22 =	vmul.f32 v60, v59  }
0xa0: {  	v23 =	vmul.f32 v23, v24;
	v17 =	vmul.f32 v56, v17  }
0xa1: {  	v16 =	vadd.f32 v16, v21;
	v61 =	vadd.f32 v20, v19  }
0xa2: {  	v62 =	vadd.f32 v23, v22;
	v17 =	vadd.f32 v18, v17;
	_ =	sdelay $0x1  }
0xa3: {  	v16 =	vadd.f32 v17, v16;
	v17 =	vadd.f32 v62, v61;
	_ =	sdelay $0x1  }
0xa4: {  	v16 =	vadd.f32 v17, v16;
	_ =	sdelay $0x1  }
0xa5: {  	[tilespmem:$0x1D6E0] =	vst v16  }
0xa6: {  	v16 =	vld [tilespmem:s8+$0x183F0]  }
0xa7: {  	v17 =	vld [tilespmem:s8+$0x197F0]  }
0xa8: {  	v63 =	vld [tilespmem:s8+$0x18400]  }
0xa9: {  	v28 =	vld [tilespmem:s8+$0x19800]  }
0xaa: {  	v29 =	vld [tilespmem:s8+$0x18410]  }
0xab: {  	v31 =	vld [tilespmem:s8+$0x19810]  }
0xac: {  	v33 =	vld [tilespmem:s8+$0x18420]  }
0xad: {  	v34 =	vld [tilespmem:s8+$0x19820]  }
0xae: {  	v30 =	vshll.u32 v16, $0x10  }
0xaf: {  	v32 =	vshll.u32 v17, $0x10;
	v16 =	vand.u32 $0xFFFF0000, v16;
	v17 =	vand.u32 $0xFFFF0000, v17  }
0xb0: {  	v35 =	vshll.u32 v28, $0x10;
	v18 =	vand.u32 $0xFFFF0000, v63;
	v19 =	vand.u32 $0xFFFF0000, v28  }
0xb1: {  	v36 =	vshll.u32 v29, $0x10;
	v37 =	vshll.u32 v31, $0x10;
	v20 =	vand.u32 $0xFFFF0000, v29  }
0xb2: {  	v22 =	vand.u32 $0xFFFF0000, v31;
	v38 =	vshll.u32 v33, $0x10;
	v39 =	vshll.u32 v34, $0x10  }
0xb3: {  	v24 =	vand.u32 $0xFFFF0000, v33;
	v21 =	vmul.f32 v32, v30;
	v16 =	vmul.f32 v17, v16  }
0xb4: {  	v23 =	vand.u32 $0xFFFF0000, v34;
	v18 =	vmul.f32 v19, v18;
	v19 =	vmul.f32 v37, v36  }
0xb5: {  	v17 =	vshll.u32 v63, $0x10;
	v20 =	vmul.f32 v22, v20;
	v22 =	vmul.f32 v39, v38  }
0xb6: {  	v23 =	vmul.f32 v23, v24;
	v17 =	vmul.f32 v35, v17  }
0xb7: {  	v16 =	vadd.f32 v16, v21;
	v40 =	vadd.f32 v20, v19  }
0xb8: {  	v41 =	vadd.f32 v23, v22;
	v17 =	vadd.f32 v18, v17;
	_ =	sdelay $0x1  }
0xb9: {  	v16 =	vadd.f32 v17, v16;
	v17 =	vadd.f32 v41, v40;
	_ =	sdelay $0x1  }
0xba: {  	v16 =	vadd.f32 v17, v16;
	_ =	sdelay $0x1  }
0xbb: {  	[tilespmem:$0x1D6F0] =	vst v16  }
0xbc: {  	v16 =	vld [tilespmem:s8+$0x18430]  }
0xbd: {  	v17 =	vld [tilespmem:s8+$0x19830]  }
0xbe: {  	v42 =	vld [tilespmem:s8+$0x18440]  }
0xbf: {  	v43 =	vld [tilespmem:s8+$0x19840]  }
0xc0: {  	v44 =	vld [tilespmem:s8+$0x18450]  }
0xc1: {  	v46 =	vld [tilespmem:s8+$0x19850]  }
0xc2: {  	v48 =	vld [tilespmem:s8+$0x18460]  }
0xc3: {  	v49 =	vld [tilespmem:s8+$0x19860]  }
0xc4: {  	v45 =	vshll.u32 v16, $0x10  }
0xc5: {  	v47 =	vshll.u32 v17, $0x10;
	v16 =	vand.u32 $0xFFFF0000, v16;
	v17 =	vand.u32 $0xFFFF0000, v17  }
0xc6: {  	v50 =	vshll.u32 v43, $0x10;
	v18 =	vand.u32 $0xFFFF0000, v42;
	v19 =	vand.u32 $0xFFFF0000, v43  }
0xc7: {  	v51 =	vshll.u32 v44, $0x10;
	v52 =	vshll.u32 v46, $0x10;
	v20 =	vand.u32 $0xFFFF0000, v44  }
0xc8: {  	v22 =	vand.u32 $0xFFFF0000, v46;
	v53 =	vshll.u32 v48, $0x10;
	v54 =	vshll.u32 v49, $0x10  }
0xc9: {  	v24 =	vand.u32 $0xFFFF0000, v48;
	v21 =	vmul.f32 v47, v45;
	v16 =	vmul.f32 v17, v16  }
0xca: {  	v23 =	vand.u32 $0xFFFF0000, v49;
	v18 =	vmul.f32 v19, v18;
	v19 =	vmul.f32 v52, v51  }
0xcb: {  	v17 =	vshll.u32 v42, $0x10;
	v20 =	vmul.f32 v22, v20;
	v22 =	vmul.f32 v54, v53  }
0xcc: {  	v23 =	vmul.f32 v23, v24;
	v17 =	vmul.f32 v50, v17  }
0xcd: {  	v16 =	vadd.f32 v16, v21;
	v55 =	vadd.f32 v20, v19  }
0xce: {  	v56 =	vadd.f32 v23, v22;
	v17 =	vadd.f32 v18, v17;
	_ =	sdelay $0x1  }
0xcf: {  	v16 =	vadd.f32 v17, v16;
	v17 =	vadd.f32 v56, v55;
	_ =	sdelay $0x1  }
0xd0: {  	v16 =	vadd.f32 v17, v16;
	_ =	sdelay $0x1  }
0xd1: {  	[tilespmem:$0x1D700] =	vst v16  }
0xd2: {  	v16 =	vld [tilespmem:s8+$0x18470]  }
0xd3: {  	v17 =	vld [tilespmem:s8+$0x19870]  }
0xd4: {  	v57 =	vld [tilespmem:s8+$0x18480]  }
0xd5: {  	v58 =	vld [tilespmem:s8+$0x19880]  }
0xd6: {  	v59 =	vld [tilespmem:s8+$0x18490]  }
0xd7: {  	v61 =	vld [tilespmem:s8+$0x19890]  }
0xd8: {  	v63 =	vld [tilespmem:s8+$0x184A0]  }
0xd9: {  	v28 =	vld [tilespmem:s8+$0x198A0]  }
0xda: {  	v60 =	vshll.u32 v16, $0x10  }
0xdb: {  	v62 =	vshll.u32 v17, $0x10;
	v16 =	vand.u32 $0xFFFF0000, v16;
	v17 =	vand.u32 $0xFFFF0000, v17  }
0xdc: {  	v29 =	vshll.u32 v58, $0x10;
	v18 =	vand.u32 $0xFFFF0000, v57;
	v19 =	vand.u32 $0xFFFF0000, v58  }
0xdd: {  	v30 =	vshll.u32 v59, $0x10;
	v31 =	vshll.u32 v61, $0x10;
	v20 =	vand.u32 $0xFFFF0000, v59  }
0xde: {  	v22 =	vand.u32 $0xFFFF0000, v61;
	v32 =	vshll.u32 v63, $0x10;
	v33 =	vshll.u32 v28, $0x10  }
0xdf: {  	v24 =	vand.u32 $0xFFFF0000, v63;
	v21 =	vmul.f32 v62, v60;
	v16 =	vmul.f32 v17, v16  }
0xe0: {  	v23 =	vand.u32 $0xFFFF0000, v28;
	v18 =	vmul.f32 v19, v18;
	v19 =	vmul.f32 v31, v30  }
0xe1: {  	v17 =	vshll.u32 v57, $0x10;
	v20 =	vmul.f32 v22, v20;
	v22 =	vmul.f32 v33, v32  }
0xe2: {  	v23 =	vmul.f32 v23, v24;
	v17 =	vmul.f32 v29, v17  }
0xe3: {  	v16 =	vadd.f32 v16, v21;
	v34 =	vadd.f32 v20, v19  }
0xe4: {  	v35 =	vadd.f32 v23, v22;
	v17 =	vadd.f32 v18, v17;
	_ =	sdelay $0x1  }
0xe5: {  	v16 =	vadd.f32 v17, v16;
	v17 =	vadd.f32 v35, v34;
	_ =	sdelay $0x1  }
0xe6: {  	v16 =	vadd.f32 v17, v16;
	_ =	sdelay $0x1  }
0xe7: {  	[tilespmem:$0x1D710] =	vst v16  }
0xe8: {  	v16 =	vld [tilespmem:s8+$0x184B0]  }
0xe9: {  	v17 =	vld [tilespmem:s8+$0x198B0]  }
0xea: {  	v36 =	vld [tilespmem:s8+$0x184C0]  }
0xeb: {  	v37 =	vld [tilespmem:s8+$0x198C0]  }
0xec: {  	v38 =	vld [tilespmem:s8+$0x184D0]  }
0xed: {  	v40 =	vld [tilespmem:s8+$0x198D0]  }
0xee: {  	v42 =	vld [tilespmem:s8+$0x184E0]  }
0xef: {  	v43 =	vld [tilespmem:s8+$0x198E0]  }
0xf0: {  	v39 =	vshll.u32 v16, $0x10  }
0xf1: {  	v41 =	vshll.u32 v17, $0x10;
	v16 =	vand.u32 $0xFFFF0000, v16;
	v17 =	vand.u32 $0xFFFF0000, v17  }
0xf2: {  	v44 =	vshll.u32 v37, $0x10;
	v18 =	vand.u32 $0xFFFF0000, v36;
	v19 =	vand.u32 $0xFFFF0000, v37  }
0xf3: {  	v45 =	vshll.u32 v38, $0x10;
	v46 =	vshll.u32 v40, $0x10;
	v20 =	vand.u32 $0xFFFF0000, v38  }
0xf4: {  	v22 =	vand.u32 $0xFFFF0000, v40;
	v47 =	vshll.u32 v42, $0x10;
	v48 =	vshll.u32 v43, $0x10  }
0xf5: {  	v24 =	vand.u32 $0xFFFF0000, v42;
	v21 =	vmul.f32 v41, v39;
	v16 =	vmul.f32 v17, v16  }
0xf6: {  	v23 =	vand.u32 $0xFFFF0000, v43;
	v18 =	vmul.f32 v19, v18;
	v19 =	vmul.f32 v46, v45  }
0xf7: {  	v17 =	vshll.u32 v36, $0x10;
	v20 =	vmul.f32 v22, v20;
	v22 =	vmul.f32 v48, v47  }
0xf8: {  	v23 =	vmul.f32 v23, v24;
	v17 =	vmul.f32 v44, v17  }
0xf9: {  	v16 =	vadd.f32 v16, v21;
	v49 =	vadd.f32 v20, v19  }
0xfa: {  	v50 =	vadd.f32 v23, v22;
	v17 =	vadd.f32 v18, v17;
	_ =	sdelay $0x1  }
0xfb: {  	v16 =	vadd.f32 v17, v16;
	v17 =	vadd.f32 v50, v49;
	_ =	sdelay $0x1  }
0xfc: {  	v16 =	vadd.f32 v17, v16;
	_ =	sdelay $0x1  }
0xfd: {  	[tilespmem:$0x1D720] =	vst v16  }
0xfe: {  	v16 =	vld [tilespmem:s8+$0x184F0]  }
0xff: {  	v17 =	vld [tilespmem:s8+$0x198F0]  }
0x100: {  	v51 =	vld [tilespmem:s8+$0x18500]  }
0x101: {  	v52 =	vld [tilespmem:s8+$0x19900]  }
0x102: {  	v53 =	vld [tilespmem:s8+$0x18510]  }
0x103: {  	v55 =	vld [tilespmem:s8+$0x19910]  }
0x104: {  	v57 =	vld [tilespmem:s8+$0x18520]  }
0x105: {  	v58 =	vld [tilespmem:s8+$0x19920]  }
0x106: {  	v54 =	vshll.u32 v16, $0x10  }
0x107: {  	v56 =	vshll.u32 v17, $0x10;
	v16 =	vand.u32 $0xFFFF0000, v16;
	v17 =	vand.u32 $0xFFFF0000, v17  }
0x108: {  	v59 =	vshll.u32 v52, $0x10;
	v18 =	vand.u32 $0xFFFF0000, v51;
	v19 =	vand.u32 $0xFFFF0000, v52  }
0x109: {  	v60 =	vshll.u32 v53, $0x10;
	v61 =	vshll.u32 v55, $0x10;
	v20 =	vand.u32 $0xFFFF0000, v53  }
0x10a: {  	v22 =	vand.u32 $0xFFFF0000, v55;
	v62 =	vshll.u32 v57, $0x10;
	v63 =	vshll.u32 v58, $0x10  }
0x10b: {  	v24 =	vand.u32 $0xFFFF0000, v57;
	v21 =	vmul.f32 v56, v54;
	v16 =	vmul.f32 v17, v16  }
0x10c: {  	v23 =	vand.u32 $0xFFFF0000, v58;
	v18 =	vmul.f32 v19, v18;
	v19 =	vmul.f32 v61, v60  }
0x10d: {  	v17 =	vshll.u32 v51, $0x10;
	v20 =	vmul.f32 v22, v20;
	v22 =	vmul.f32 v63, v62  }
0x10e: {  	v23 =	vmul.f32 v23, v24;
	v17 =	vmul.f32 v59, v17  }
0x10f: {  	v16 =	vadd.f32 v16, v21;
	v28 =	vadd.f32 v20, v19  }
0x110: {  	v29 =	vadd.f32 v23, v22;
	v17 =	vadd.f32 v18, v17;
	_ =	sdelay $0x1  }
0x111: {  	v16 =	vadd.f32 v17, v16;
	v17 =	vadd.f32 v29, v28;
	_ =	sdelay $0x1  }
0x112: {  	v16 =	vadd.f32 v17, v16;
	_ =	sdelay $0x1  }
0x113: {  	[tilespmem:$0x1D730] =	vst v16  }
0x114: {  	v16 =	vld [tilespmem:s8+$0x18530]  }
0x115: {  	v17 =	vld [tilespmem:s8+$0x19930]  }
0x116: {  	v30 =	vld [tilespmem:s8+$0x18540]  }
0x117: {  	v31 =	vld [tilespmem:s8+$0x19940]  }
0x118: {  	v32 =	vld [tilespmem:s8+$0x18550]  }
0x119: {  	v34 =	vld [tilespmem:s8+$0x19950]  }
0x11a: {  	v36 =	vld [tilespmem:s8+$0x18560]  }
0x11b: {  	v37 =	vld [tilespmem:s8+$0x19960]  }
0x11c: {  	v33 =	vshll.u32 v16, $0x10  }
0x11d: {  	v35 =	vshll.u32 v17, $0x10;
	v16 =	vand.u32 $0xFFFF0000, v16;
	v17 =	vand.u32 $0xFFFF0000, v17  }
0x11e: {  	v38 =	vshll.u32 v31, $0x10;
	v18 =	vand.u32 $0xFFFF0000, v30;
	v19 =	vand.u32 $0xFFFF0000, v31  }
0x11f: {  	v39 =	vshll.u32 v32, $0x10;
	v40 =	vshll.u32 v34, $0x10;
	v20 =	vand.u32 $0xFFFF0000, v32  }
0x120: {  	v22 =	vand.u32 $0xFFFF0000, v34;
	v41 =	vshll.u32 v36, $0x10;
	v42 =	vshll.u32 v37, $0x10  }
0x121: {  	v24 =	vand.u32 $0xFFFF0000, v36;
	v21 =	vmul.f32 v35, v33;
	v16 =	vmul.f32 v17, v16  }
0x122: {  	v23 =	vand.u32 $0xFFFF0000, v37;
	v18 =	vmul.f32 v19, v18;
	v19 =	vmul.f32 v40, v39  }
0x123: {  	v17 =	vshll.u32 v30, $0x10;
	v20 =	vmul.f32 v22, v20;
	v22 =	vmul.f32 v42, v41  }
0x124: {  	v23 =	vmul.f32 v23, v24;
	v17 =	vmul.f32 v38, v17  }
0x125: {  	v16 =	vadd.f32 v16, v21;
	v43 =	vadd.f32 v20, v19  }
0x126: {  	v44 =	vadd.f32 v23, v22;
	v17 =	vadd.f32 v18, v17;
	_ =	sdelay $0x1  }
0x127: {  	v16 =	vadd.f32 v17, v16;
	v17 =	vadd.f32 v44, v43;
	_ =	sdelay $0x1  }
0x128: {  	v16 =	vadd.f32 v17, v16;
	_ =	sdelay $0x1  }
0x129: {  	[tilespmem:$0x1D740] =	vst v16  }
0x12a: {  	v16 =	vld [tilespmem:s8+$0x18570]  }
0x12b: {  	v17 =	vld [tilespmem:s8+$0x19970]  }
0x12c: {  	v45 =	vld [tilespmem:s8+$0x18580]  }
0x12d: {  	v46 =	vld [tilespmem:s8+$0x19980]  }
0x12e: {  	v47 =	vld [tilespmem:s8+$0x18590]  }
0x12f: {  	v49 =	vld [tilespmem:s8+$0x19990]  }
0x130: {  	v51 =	vld [tilespmem:s8+$0x185A0]  }
0x131: {  	v52 =	vld [tilespmem:s8+$0x199A0]  }
0x132: {  	v48 =	vshll.u32 v16, $0x10  }
0x133: {  	v50 =	vshll.u32 v17, $0x10;
	v16 =	vand.u32 $0xFFFF0000, v16;
	v17 =	vand.u32 $0xFFFF0000, v17  }
0x134: {  	v53 =	vshll.u32 v46, $0x10;
	v18 =	vand.u32 $0xFFFF0000, v45;
	v19 =	vand.u32 $0xFFFF0000, v46  }
0x135: {  	v54 =	vshll.u32 v47, $0x10;
	v55 =	vshll.u32 v49, $0x10;
	v20 =	vand.u32 $0xFFFF0000, v47  }
0x136: {  	v22 =	vand.u32 $0xFFFF0000, v49;
	v56 =	vshll.u32 v51, $0x10;
	v57 =	vshll.u32 v52, $0x10  }
0x137: {  	v24 =	vand.u32 $0xFFFF0000, v51;
	v21 =	vmul.f32 v50, v48;
	v16 =	vmul.f32 v17, v16  }
0x138: {  	v23 =	vand.u32 $0xFFFF0000, v52;
	v18 =	vmul.f32 v19, v18;
	v19 =	vmul.f32 v55, v54  }
0x139: {  	v17 =	vshll.u32 v45, $0x10;
	v20 =	vmul.f32 v22, v20;
	v22 =	vmul.f32 v57, v56  }
0x13a: {  	v23 =	vmul.f32 v23, v24;
	v17 =	vmul.f32 v53, v17  }
0x13b: {  	v16 =	vadd.f32 v16, v21;
	v58 =	vadd.f32 v20, v19  }
0x13c: {  	v59 =	vadd.f32 v23, v22;
	v17 =	vadd.f32 v18, v17;
	_ =	sdelay $0x1  }
0x13d: {  	v16 =	vadd.f32 v17, v16;
	v17 =	vadd.f32 v59, v58;
	_ =	sdelay $0x1  }
0x13e: {  	v16 =	vadd.f32 v17, v16;
	_ =	sdelay $0x1  }
0x13f: {  	[tilespmem:$0x1D750] =	vst v16  }
0x140: {  	v16 =	vld [tilespmem:s8+$0x185B0]  }
0x141: {  	v17 =	vld [tilespmem:s8+$0x199B0]  }
0x142: {  	v60 =	vld [tilespmem:s8+$0x185C0]  }
0x143: {  	v61 =	vld [tilespmem:s8+$0x199C0]  }
0x144: {  	v62 =	vld [tilespmem:s8+$0x185D0]  }
0x145: {  	v28 =	vld [tilespmem:s8+$0x199D0]  }
0x146: {  	v30 =	vld [tilespmem:s8+$0x185E0]  }
0x147: {  	v31 =	vld [tilespmem:s8+$0x199E0]  }
0x148: {  	v63 =	vshll.u32 v16, $0x10  }
0x149: {  	v29 =	vshll.u32 v17, $0x10;
	v16 =	vand.u32 $0xFFFF0000, v16;
	v17 =	vand.u32 $0xFFFF0000, v17  }
0x14a: {  	v32 =	vshll.u32 v61, $0x10;
	v18 =	vand.u32 $0xFFFF0000, v60;
	v19 =	vand.u32 $0xFFFF0000, v61  }
0x14b: {  	v33 =	vshll.u32 v62, $0x10;
	v34 =	vshll.u32 v28, $0x10;
	v20 =	vand.u32 $0xFFFF0000, v62  }
0x14c: {  	v22 =	vand.u32 $0xFFFF0000, v28;
	v35 =	vshll.u32 v30, $0x10;
	v36 =	vshll.u32 v31, $0x10  }
0x14d: {  	v24 =	vand.u32 $0xFFFF0000, v30;
	v21 =	vmul.f32 v29, v63;
	v16 =	vmul.f32 v17, v16  }
0x14e: {  	v23 =	vand.u32 $0xFFFF0000, v31;
	v18 =	vmul.f32 v19, v18;
	v19 =	vmul.f32 v34, v33  }
0x14f: {  	v17 =	vshll.u32 v60, $0x10;
	v20 =	vmul.f32 v22, v20;
	v22 =	vmul.f32 v36, v35  }
0x150: {  	v23 =	vmul.f32 v23, v24;
	v17 =	vmul.f32 v32, v17  }
0x151: {  	v16 =	vadd.f32 v16, v21;
	v37 =	vadd.f32 v20, v19  }
0x152: {  	v38 =	vadd.f32 v23, v22;
	v17 =	vadd.f32 v18, v17;
	_ =	sdelay $0x1  }
0x153: {  	v16 =	vadd.f32 v17, v16;
	v17 =	vadd.f32 v38, v37;
	_ =	sdelay $0x1  }
0x154: {  	v16 =	vadd.f32 v17, v16;
	_ =	sdelay $0x1  }
0x155: {  	[tilespmem:$0x1D760] =	vst v16  }
0x156: {  	v16 =	vld [tilespmem:s8+$0x185F0]  }
0x157: {  	v17 =	vld [tilespmem:s8+$0x199F0]  }
0x158: {  	v39 =	vld [tilespmem:s8+$0x18600]  }
0x159: {  	v40 =	vld [tilespmem:s8+$0x19A00]  }
0x15a: {  	v41 =	vld [tilespmem:s8+$0x18610]  }
0x15b: {  	v43 =	vld [tilespmem:s8+$0x19A10]  }
0x15c: {  	v45 =	vld [tilespmem:s8+$0x18620]  }
0x15d: {  	v46 =	vld [tilespmem:s8+$0x19A20]  }
0x15e: {  	v42 =	vshll.u32 v16, $0x10  }
0x15f: {  	v44 =	vshll.u32 v17, $0x10;
	v16 =	vand.u32 $0xFFFF0000, v16;
	v17 =	vand.u32 $0xFFFF0000, v17  }
0x160: {  	v47 =	vshll.u32 v40, $0x10;
	v18 =	vand.u32 $0xFFFF0000, v39;
	v19 =	vand.u32 $0xFFFF0000, v40  }
0x161: {  	v48 =	vshll.u32 v41, $0x10;
	v49 =	vshll.u32 v43, $0x10;
	v20 =	vand.u32 $0xFFFF0000, v41  }
0x162: {  	v22 =	vand.u32 $0xFFFF0000, v43;
	v50 =	vshll.u32 v45, $0x10;
	v51 =	vshll.u32 v46, $0x10  }
0x163: {  	v24 =	vand.u32 $0xFFFF0000, v45;
	v21 =	vmul.f32 v44, v42;
	v16 =	vmul.f32 v17, v16  }
0x164: {  	v23 =	vand.u32 $0xFFFF0000, v46;
	v18 =	vmul.f32 v19, v18;
	v19 =	vmul.f32 v49, v48  }
0x165: {  	v17 =	vshll.u32 v39, $0x10;
	v20 =	vmul.f32 v22, v20;
	v22 =	vmul.f32 v51, v50  }
0x166: {  	v23 =	vmul.f32 v23, v24;
	v17 =	vmul.f32 v47, v17  }
0x167: {  	v16 =	vadd.f32 v16, v21;
	v52 =	vadd.f32 v20, v19  }
0x168: {  	v53 =	vadd.f32 v23, v22;
	v17 =	vadd.f32 v18, v17;
	_ =	sdelay $0x1  }
0x169: {  	v16 =	vadd.f32 v17, v16;
	v17 =	vadd.f32 v53, v52;
	_ =	sdelay $0x1  }
0x16a: {  	v16 =	vadd.f32 v17, v16;
	_ =	sdelay $0x1  }
0x16b: {  	[tilespmem:$0x1D770] =	vst v16  }
0x16c: {  	v16 =	vld [tilespmem:s8+$0x18630]  }
0x16d: {  	v17 =	vld [tilespmem:s8+$0x19A30]  }
0x16e: {  	v54 =	vld [tilespmem:s8+$0x18640]  }
0x16f: {  	v55 =	vld [tilespmem:s8+$0x19A40]  }
0x170: {  	v56 =	vld [tilespmem:s8+$0x18650]  }
0x171: {  	v58 =	vld [tilespmem:s8+$0x19A50]  }
0x172: {  	v60 =	vld [tilespmem:s8+$0x18660]  }
0x173: {  	v61 =	vld [tilespmem:s8+$0x19A60]  }
0x174: {  	v57 =	vshll.u32 v16, $0x10  }
0x175: {  	v59 =	vshll.u32 v17, $0x10;
	v16 =	vand.u32 $0xFFFF0000, v16;
	v17 =	vand.u32 $0xFFFF0000, v17  }
0x176: {  	v62 =	vshll.u32 v55, $0x10;
	v18 =	vand.u32 $0xFFFF0000, v54;
	v19 =	vand.u32 $0xFFFF0000, v55  }
0x177: {  	v63 =	vshll.u32 v56, $0x10;
	v28 =	vshll.u32 v58, $0x10;
	v20 =	vand.u32 $0xFFFF0000, v56  }
0x178: {  	v22 =	vand.u32 $0xFFFF0000, v58;
	v29 =	vshll.u32 v60, $0x10;
	v30 =	vshll.u32 v61, $0x10  }
0x179: {  	v24 =	vand.u32 $0xFFFF0000, v60;
	v21 =	vmul.f32 v59, v57;
	v16 =	vmul.f32 v17, v16  }
0x17a: {  	v23 =	vand.u32 $0xFFFF0000, v61;
	v18 =	vmul.f32 v19, v18;
	v19 =	vmul.f32 v28, v63  }
0x17b: {  	v17 =	vshll.u32 v54, $0x10;
	v20 =	vmul.f32 v22, v20;
	v22 =	vmul.f32 v30, v29  }
0x17c: {  	v23 =	vmul.f32 v23, v24;
	v17 =	vmul.f32 v62, v17  }
0x17d: {  	v16 =	vadd.f32 v16, v21;
	v31 =	vadd.f32 v20, v19  }
0x17e: {  	v32 =	vadd.f32 v23, v22;
	v17 =	vadd.f32 v18, v17;
	_ =	sdelay $0x1  }
0x17f: {  	v16 =	vadd.f32 v17, v16;
	v17 =	vadd.f32 v32, v31;
	_ =	sdelay $0x1  }
0x180: {  	v16 =	vadd.f32 v17, v16;
	_ =	sdelay $0x1  }
0x181: {  	[tilespmem:$0x1D780] =	vst v16  }
0x182: {  	v16 =	vld [tilespmem:s8+$0x18670]  }
0x183: {  	v17 =	vld [tilespmem:s8+$0x19A70]  }
0x184: {  	v33 =	vld [tilespmem:s8+$0x18680]  }
0x185: {  	v34 =	vld [tilespmem:s8+$0x19A80]  }
0x186: {  	v35 =	vld [tilespmem:s8+$0x18690]  }
0x187: {  	v37 =	vld [tilespmem:s8+$0x19A90]  }
0x188: {  	v39 =	vld [tilespmem:s8+$0x186A0]  }
0x189: {  	v40 =	vld [tilespmem:s8+$0x19AA0]  }
0x18a: {  	v36 =	vshll.u32 v16, $0x10  }
0x18b: {  	v38 =	vshll.u32 v17, $0x10;
	v16 =	vand.u32 $0xFFFF0000, v16;
	v17 =	vand.u32 $0xFFFF0000, v17  }
0x18c: {  	v41 =	vshll.u32 v34, $0x10;
	v18 =	vand.u32 $0xFFFF0000, v33;
	v19 =	vand.u32 $0xFFFF0000, v34  }
0x18d: {  	v42 =	vshll.u32 v35, $0x10;
	v43 =	vshll.u32 v37, $0x10;
	v20 =	vand.u32 $0xFFFF0000, v35  }
0x18e: {  	v22 =	vand.u32 $0xFFFF0000, v37;
	v44 =	vshll.u32 v39, $0x10;
	v45 =	vshll.u32 v40, $0x10  }
0x18f: {  	v24 =	vand.u32 $0xFFFF0000, v39;
	v21 =	vmul.f32 v38, v36;
	v16 =	vmul.f32 v17, v16  }
0x190: {  	v23 =	vand.u32 $0xFFFF0000, v40;
	v18 =	vmul.f32 v19, v18;
	v19 =	vmul.f32 v43, v42  }
0x191: {  	v17 =	vshll.u32 v33, $0x10;
	v20 =	vmul.f32 v22, v20;
	v22 =	vmul.f32 v45, v44  }
0x192: {  	v23 =	vmul.f32 v23, v24;
	v17 =	vmul.f32 v41, v17  }
0x193: {  	v16 =	vadd.f32 v16, v21;
	v46 =	vadd.f32 v20, v19  }
0x194: {  	v47 =	vadd.f32 v23, v22;
	v17 =	vadd.f32 v18, v17;
	_ =	sdelay $0x1  }
0x195: {  	v16 =	vadd.f32 v17, v16;
	v17 =	vadd.f32 v47, v46;
	_ =	sdelay $0x1  }
0x196: {  	v16 =	vadd.f32 v17, v16;
	_ =	sdelay $0x1  }
0x197: {  	[tilespmem:$0x1D790] =	vst v16  }
0x198: {  	v16 =	vld.idx.msk [tilespmem:v0+s28+$0x0], $0xffff  }
0x199: {  	v17 =	vld.idx.msk [tilespmem:v1+s28+$0x0], $0xffff  }
0x19a: {  	v48 =	vld.idx.msk [tilespmem:v2+s28+$0x0], $0xffff  }
0x19b: {  	v49 =	vld.idx.msk [tilespmem:v3+s28+$0x0], $0xffff  }
0x19c: {  	v50 =	vld.idx.msk [tilespmem:v4+s28+$0x0], $0xffff  }
0x19d: {  	v51 =	vld.idx.msk [tilespmem:v5+s28+$0x0], $0xffff  }
0x19e: {  	v52 =	vld.idx.msk [tilespmem:v6+s28+$0x0], $0xffff  }
0x19f: {  	v53 =	vld.idx.msk [tilespmem:v7+s28+$0x0], $0xffff  }
0x1a0: {  	v54 =	vld.idx.msk [tilespmem:v8+s28+$0x0], $0xffff  }
0x1a1: {  	v55 =	vld.idx.msk [tilespmem:v9+s28+$0x0], $0xffff  }
0x1a2: {  	v26 =	vld.idx.msk [tilespmem:v10+s28+$0x0], $0xffff  }
0x1a3: {  	v27 =	vld.idx.msk [tilespmem:v11+s28+$0x0], $0xffff  }
0x1a4: {  	v28 =	vld.idx.msk [tilespmem:v12+s28+$0x0], $0xffff  }
0x1a5: {  	v29 =	vld.idx.msk [tilespmem:v13+s28+$0x0], $0xffff  }
0x1a6: {  	v30 =	vld.idx.msk [tilespmem:v14+s28+$0x0], $0xffff  }
0x1a7: {  	v31 =	vld.idx.msk [tilespmem:v15+s28+$0x0], $0xffff;
	_ =	sdelay $0x1  }
0x1a8: {  	v16 =	vadd.f32 v17, v16;
	v17 =	vadd.f32 v49, v48  }
0x1a9: {  	v56 =	vadd.f32 v51, v50;
	v57 =	vadd.f32 v53, v52  }
0x1aa: {  	v58 =	vadd.f32 v55, v54;
	v59 =	vadd.f32 v27, v26  }
0x1ab: {  	v60 =	vadd.f32 v29, v28;
	v61 =	vadd.f32 v31, v30  }
0x1ac: {  	v16 =	vadd.f32 v17, v16;
	v17 =	vadd.f32 v57, v56  }
0x1ad: {  	v62 =	vadd.f32 v59, v58;
	v63 =	vadd.f32 v61, v60  }
0x1ae: {  	p0 =	sne.s32 s6, $0x4FC0  }
.Ltmp0:
0x1af: {  	v16 =	vadd.f32 v17, v16;
	v17 =	vadd.f32 v63, v62;
	(pc) =	sbr.rel @p0 .LBB2_3-.Ltmp0, $3  }
0x1b0: {  	_ = 	snop  }
0x1b1: {  	v16 =	vadd.f32 v17, v16;
	_ =	sdelay $0x1  }
0x1b2: {  	s6 =	sadd.s32 $0x1000, s6;
	[tilespmem:s15+$0x0] =	vst v16;
	s15 =	sadd.s32 $0x10, s15  }
0x1b3: {  	_ =	swait.ge [sflag:s29], $0x1400  }
0x1b4: {  	[sflag:s29] =	ssyncset.done $0x0  }
0x1b5: {  	[sflag:s29] =	ssyncadd.s32 $0xFFFFEC00  }
0x1b6: {  	_ =	swait.ge [sflag:s30], $0x1400  }
0x1b7: {  	[sflag:s30] =	ssyncset.done $0x0  }
0x1b8: {  	s6 =	sadd.s32 $0x13920, s5;
	[sflag:s30] =	ssyncadd.s32 $0xFFFFEC00  }
0x1b9: {  	[tilespmem:s21], [sflag:$0x1] =	stream.indirect.gather [spmem:s2], $0x40, s6, s20, $0xb8;
	[tilespmem:$0x1FFB0] =	vst v63  }
0x1ba: {  	s15 =	sadd.s32 $0x16030, s5;
	s5 =	simm.s32 $0xFC0;
	s6 =	smov.u32 s0  }
0x1bb: {  	[tilespmem:s22], [sflag:$0x2] =	stream.indirect.gather [spmem:s3], $0x40, s15, s20, $0xb8;
	[tilespmem:$0x1FFB0] =	vst v63  }
.LBB2_5:
0x1bc: {  	s8 =	sshra.s32 s5, $0x2  }
0x1bd: {  	v16 =	vld [tilespmem:s8+$0x1AAB0]  }
0x1be: {  	v17 =	vld [tilespmem:s8+$0x1BEB0]  }
0x1bf: {  	v19 =	vld [tilespmem:s8+$0x1BEC0]  }
0x1c0: {  	v20 =	vld [tilespmem:s8+$0x1AAD0]  }
0x1c1: {  	v22 =	vld [tilespmem:s8+$0x1BED0]  }
0x1c2: {  	v24 =	vld [tilespmem:s8+$0x1AAE0]  }
0x1c3: {  	v32 =	vld [tilespmem:s8+$0x1BEE0]  }
0x1c4: {  	v18 =	vld [tilespmem:s8+$0x1AAC0];
	v21 =	vshll.u32 v16, $0x10  }
0x1c5: {  	v23 =	vshll.u32 v17, $0x10;
	v16 =	vand.u32 $0xFFFF0000, v16;
	v17 =	vand.u32 $0xFFFF0000, v17  }
0x1c6: {  	v25 =	vshll.u32 v19, $0x10;
	v19 =	vand.u32 $0xFFFF0000, v19;
	v33 =	vshll.u32 v20, $0x10  }
0x1c7: {  	v34 =	vshll.u32 v22, $0x10;
	v20 =	vand.u32 $0xFFFF0000, v20;
	v22 =	vand.u32 $0xFFFF0000, v22  }
0x1c8: {  	v35 =	vshll.u32 v24, $0x10;
	v36 =	vshll.u32 v32, $0x10;
	v24 =	vand.u32 $0xFFFF0000, v24  }
0x1c9: {  	v21 =	vmul.f32 v23, v21;
	v16 =	vmul.f32 v17, v16;
	v17 =	vshll.u32 v18, $0x10  }
0x1ca: {  	v18 =	vand.u32 $0xFFFF0000, v18;
	v20 =	vmul.f32 v22, v20;
	v22 =	vmul.f32 v36, v35  }
0x1cb: {  	v23 =	vand.u32 $0xFFFF0000, v32;
	v17 =	vmul.f32 v25, v17;
	v18 =	vmul.f32 v19, v18  }
0x1cc: {  	v19 =	vmul.f32 v34, v33;
	v23 =	vmul.f32 v23, v24  }
0x1cd: {  	v16 =	vadd.f32 v16, v21;
	v17 =	vadd.f32 v18, v17  }
0x1ce: {  	v37 =	vadd.f32 v20, v19;
	v38 =	vadd.f32 v23, v22;
	_ =	sdelay $0x1  }
0x1cf: {  	v16 =	vadd.f32 v17, v16;
	v17 =	vadd.f32 v38, v37;
	_ =	sdelay $0x1  }
0x1d0: {  	v16 =	vadd.f32 v17, v16;
	_ =	sdelay $0x1  }
0x1d1: {  	[tilespmem:$0x1D7A0] =	vst v16  }
0x1d2: {  	v16 =	vld [tilespmem:s8+$0x1AAF0]  }
0x1d3: {  	v17 =	vld [tilespmem:s8+$0x1BEF0]  }
0x1d4: {  	v39 =	vld [tilespmem:s8+$0x1AB00]  }
0x1d5: {  	v40 =	vld [tilespmem:s8+$0x1BF00]  }
0x1d6: {  	v41 =	vld [tilespmem:s8+$0x1AB10]  }
0x1d7: {  	v43 =	vld [tilespmem:s8+$0x1BF10]  }
0x1d8: {  	v45 =	vld [tilespmem:s8+$0x1AB20]  }
0x1d9: {  	v46 =	vld [tilespmem:s8+$0x1BF20]  }
0x1da: {  	v42 =	vshll.u32 v16, $0x10  }
0x1db: {  	v44 =	vshll.u32 v17, $0x10;
	v16 =	vand.u32 $0xFFFF0000, v16;
	v17 =	vand.u32 $0xFFFF0000, v17  }
0x1dc: {  	v47 =	vshll.u32 v40, $0x10;
	v18 =	vand.u32 $0xFFFF0000, v39;
	v19 =	vand.u32 $0xFFFF0000, v40  }
0x1dd: {  	v48 =	vshll.u32 v41, $0x10;
	v49 =	vshll.u32 v43, $0x10;
	v20 =	vand.u32 $0xFFFF0000, v41  }
0x1de: {  	v22 =	vand.u32 $0xFFFF0000, v43;
	v50 =	vshll.u32 v45, $0x10;
	v51 =	vshll.u32 v46, $0x10  }
0x1df: {  	v24 =	vand.u32 $0xFFFF0000, v45;
	v21 =	vmul.f32 v44, v42;
	v16 =	vmul.f32 v17, v16  }
0x1e0: {  	v23 =	vand.u32 $0xFFFF0000, v46;
	v18 =	vmul.f32 v19, v18;
	v19 =	vmul.f32 v49, v48  }
0x1e1: {  	v17 =	vshll.u32 v39, $0x10;
	v20 =	vmul.f32 v22, v20;
	v22 =	vmul.f32 v51, v50  }
0x1e2: {  	v23 =	vmul.f32 v23, v24;
	v17 =	vmul.f32 v47, v17  }
0x1e3: {  	v16 =	vadd.f32 v16, v21;
	v52 =	vadd.f32 v20, v19  }
0x1e4: {  	v53 =	vadd.f32 v23, v22;
	v17 =	vadd.f32 v18, v17;
	_ =	sdelay $0x1  }
0x1e5: {  	v16 =	vadd.f32 v17, v16;
	v17 =	vadd.f32 v53, v52;
	_ =	sdelay $0x1  }
0x1e6: {  	v16 =	vadd.f32 v17, v16;
	_ =	sdelay $0x1  }
0x1e7: {  	[tilespmem:$0x1D7B0] =	vst v16  }
0x1e8: {  	v16 =	vld [tilespmem:s8+$0x1AB30]  }
0x1e9: {  	v17 =	vld [tilespmem:s8+$0x1BF30]  }
0x1ea: {  	v54 =	vld [tilespmem:s8+$0x1AB40]  }
0x1eb: {  	v55 =	vld [tilespmem:s8+$0x1BF40]  }
0x1ec: {  	v56 =	vld [tilespmem:s8+$0x1AB50]  }
0x1ed: {  	v58 =	vld [tilespmem:s8+$0x1BF50]  }
0x1ee: {  	v60 =	vld [tilespmem:s8+$0x1AB60]  }
0x1ef: {  	v61 =	vld [tilespmem:s8+$0x1BF60]  }
0x1f0: {  	v57 =	vshll.u32 v16, $0x10  }
0x1f1: {  	v59 =	vshll.u32 v17, $0x10;
	v16 =	vand.u32 $0xFFFF0000, v16;
	v17 =	vand.u32 $0xFFFF0000, v17  }
0x1f2: {  	v62 =	vshll.u32 v55, $0x10;
	v18 =	vand.u32 $0xFFFF0000, v54;
	v19 =	vand.u32 $0xFFFF0000, v55  }
0x1f3: {  	v63 =	vshll.u32 v56, $0x10;
	v28 =	vshll.u32 v58, $0x10;
	v20 =	vand.u32 $0xFFFF0000, v56  }
0x1f4: {  	v22 =	vand.u32 $0xFFFF0000, v58;
	v29 =	vshll.u32 v60, $0x10;
	v30 =	vshll.u32 v61, $0x10  }
0x1f5: {  	v24 =	vand.u32 $0xFFFF0000, v60;
	v21 =	vmul.f32 v59, v57;
	v16 =	vmul.f32 v17, v16  }
0x1f6: {  	v23 =	vand.u32 $0xFFFF0000, v61;
	v18 =	vmul.f32 v19, v18;
	v19 =	vmul.f32 v28, v63  }
0x1f7: {  	v17 =	vshll.u32 v54, $0x10;
	v20 =	vmul.f32 v22, v20;
	v22 =	vmul.f32 v30, v29  }
0x1f8: {  	v23 =	vmul.f32 v23, v24;
	v17 =	vmul.f32 v62, v17  }
0x1f9: {  	v16 =	vadd.f32 v16, v21;
	v31 =	vadd.f32 v20, v19  }
0x1fa: {  	v32 =	vadd.f32 v23, v22;
	v17 =	vadd.f32 v18, v17;
	_ =	sdelay $0x1  }
0x1fb: {  	v16 =	vadd.f32 v17, v16;
	v17 =	vadd.f32 v32, v31;
	_ =	sdelay $0x1  }
0x1fc: {  	v16 =	vadd.f32 v17, v16;
	_ =	sdelay $0x1  }
0x1fd: {  	[tilespmem:$0x1D7C0] =	vst v16  }
0x1fe: {  	v16 =	vld [tilespmem:s8+$0x1AB70]  }
0x1ff: {  	v17 =	vld [tilespmem:s8+$0x1BF70]  }
0x200: {  	v33 =	vld [tilespmem:s8+$0x1AB80]  }
0x201: {  	v34 =	vld [tilespmem:s8+$0x1BF80]  }
0x202: {  	v35 =	vld [tilespmem:s8+$0x1AB90]  }
0x203: {  	v37 =	vld [tilespmem:s8+$0x1BF90]  }
0x204: {  	v39 =	vld [tilespmem:s8+$0x1ABA0]  }
0x205: {  	v40 =	vld [tilespmem:s8+$0x1BFA0]  }
0x206: {  	v36 =	vshll.u32 v16, $0x10  }
0x207: {  	v38 =	vshll.u32 v17, $0x10;
	v16 =	vand.u32 $0xFFFF0000, v16;
	v17 =	vand.u32 $0xFFFF0000, v17  }
0x208: {  	v41 =	vshll.u32 v34, $0x10;
	v18 =	vand.u32 $0xFFFF0000, v33;
	v19 =	vand.u32 $0xFFFF0000, v34  }
0x209: {  	v42 =	vshll.u32 v35, $0x10;
	v43 =	vshll.u32 v37, $0x10;
	v20 =	vand.u32 $0xFFFF0000, v35  }
0x20a: {  	v22 =	vand.u32 $0xFFFF0000, v37;
	v44 =	vshll.u32 v39, $0x10;
	v45 =	vshll.u32 v40, $0x10  }
0x20b: {  	v24 =	vand.u32 $0xFFFF0000, v39;
	v21 =	vmul.f32 v38, v36;
	v16 =	vmul.f32 v17, v16  }
0x20c: {  	v23 =	vand.u32 $0xFFFF0000, v40;
	v18 =	vmul.f32 v19, v18;
	v19 =	vmul.f32 v43, v42  }
0x20d: {  	v17 =	vshll.u32 v33, $0x10;
	v20 =	vmul.f32 v22, v20;
	v22 =	vmul.f32 v45, v44  }
0x20e: {  	v23 =	vmul.f32 v23, v24;
	v17 =	vmul.f32 v41, v17  }
0x20f: {  	v16 =	vadd.f32 v16, v21;
	v46 =	vadd.f32 v20, v19  }
0x210: {  	v47 =	vadd.f32 v23, v22;
	v17 =	vadd.f32 v18, v17;
	_ =	sdelay $0x1  }
0x211: {  	v16 =	vadd.f32 v17, v16;
	v17 =	vadd.f32 v47, v46;
	_ =	sdelay $0x1  }
0x212: {  	v16 =	vadd.f32 v17, v16;
	_ =	sdelay $0x1  }
0x213: {  	[tilespmem:$0x1D7D0] =	vst v16  }
0x214: {  	v16 =	vld [tilespmem:s8+$0x1ABB0]  }
0x215: {  	v17 =	vld [tilespmem:s8+$0x1BFB0]  }
0x216: {  	v48 =	vld [tilespmem:s8+$0x1ABC0]  }
0x217: {  	v49 =	vld [tilespmem:s8+$0x1BFC0]  }
0x218: {  	v50 =	vld [tilespmem:s8+$0x1ABD0]  }
0x219: {  	v52 =	vld [tilespmem:s8+$0x1BFD0]  }
0x21a: {  	v54 =	vld [tilespmem:s8+$0x1ABE0]  }
0x21b: {  	v55 =	vld [tilespmem:s8+$0x1BFE0]  }
0x21c: {  	v51 =	vshll.u32 v16, $0x10  }
0x21d: {  	v53 =	vshll.u32 v17, $0x10;
	v16 =	vand.u32 $0xFFFF0000, v16;
	v17 =	vand.u32 $0xFFFF0000, v17  }
0x21e: {  	v56 =	vshll.u32 v49, $0x10;
	v18 =	vand.u32 $0xFFFF0000, v48;
	v19 =	vand.u32 $0xFFFF0000, v49  }
0x21f: {  	v57 =	vshll.u32 v50, $0x10;
	v58 =	vshll.u32 v52, $0x10;
	v20 =	vand.u32 $0xFFFF0000, v50  }
0x220: {  	v22 =	vand.u32 $0xFFFF0000, v52;
	v59 =	vshll.u32 v54, $0x10;
	v60 =	vshll.u32 v55, $0x10  }
0x221: {  	v24 =	vand.u32 $0xFFFF0000, v54;
	v21 =	vmul.f32 v53, v51;
	v16 =	vmul.f32 v17, v16  }
0x222: {  	v23 =	vand.u32 $0xFFFF0000, v55;
	v18 =	vmul.f32 v19, v18;
	v19 =	vmul.f32 v58, v57  }
0x223: {  	v17 =	vshll.u32 v48, $0x10;
	v20 =	vmul.f32 v22, v20;
	v22 =	vmul.f32 v60, v59  }
0x224: {  	v23 =	vmul.f32 v23, v24;
	v17 =	vmul.f32 v56, v17  }
0x225: {  	v16 =	vadd.f32 v16, v21;
	v61 =	vadd.f32 v20, v19  }
0x226: {  	v62 =	vadd.f32 v23, v22;
	v17 =	vadd.f32 v18, v17;
	_ =	sdelay $0x1  }
0x227: {  	v16 =	vadd.f32 v17, v16;
	v17 =	vadd.f32 v62, v61;
	_ =	sdelay $0x1  }
0x228: {  	v16 =	vadd.f32 v17, v16;
	_ =	sdelay $0x1  }
0x229: {  	[tilespmem:$0x1D7E0] =	vst v16  }
0x22a: {  	v16 =	vld [tilespmem:s8+$0x1ABF0]  }
0x22b: {  	v17 =	vld [tilespmem:s8+$0x1BFF0]  }
0x22c: {  	v63 =	vld [tilespmem:s8+$0x1AC00]  }
0x22d: {  	v28 =	vld [tilespmem:s8+$0x1C000]  }
0x22e: {  	v29 =	vld [tilespmem:s8+$0x1AC10]  }
0x22f: {  	v31 =	vld [tilespmem:s8+$0x1C010]  }
0x230: {  	v33 =	vld [tilespmem:s8+$0x1AC20]  }
0x231: {  	v34 =	vld [tilespmem:s8+$0x1C020]  }
0x232: {  	v30 =	vshll.u32 v16, $0x10  }
0x233: {  	v32 =	vshll.u32 v17, $0x10;
	v16 =	vand.u32 $0xFFFF0000, v16;
	v17 =	vand.u32 $0xFFFF0000, v17  }
0x234: {  	v35 =	vshll.u32 v28, $0x10;
	v18 =	vand.u32 $0xFFFF0000, v63;
	v19 =	vand.u32 $0xFFFF0000, v28  }
0x235: {  	v36 =	vshll.u32 v29, $0x10;
	v37 =	vshll.u32 v31, $0x10;
	v20 =	vand.u32 $0xFFFF0000, v29  }
0x236: {  	v22 =	vand.u32 $0xFFFF0000, v31;
	v38 =	vshll.u32 v33, $0x10;
	v39 =	vshll.u32 v34, $0x10  }
0x237: {  	v24 =	vand.u32 $0xFFFF0000, v33;
	v21 =	vmul.f32 v32, v30;
	v16 =	vmul.f32 v17, v16  }
0x238: {  	v23 =	vand.u32 $0xFFFF0000, v34;
	v18 =	vmul.f32 v19, v18;
	v19 =	vmul.f32 v37, v36  }
0x239: {  	v17 =	vshll.u32 v63, $0x10;
	v20 =	vmul.f32 v22, v20;
	v22 =	vmul.f32 v39, v38  }
0x23a: {  	v23 =	vmul.f32 v23, v24;
	v17 =	vmul.f32 v35, v17  }
0x23b: {  	v16 =	vadd.f32 v16, v21;
	v40 =	vadd.f32 v20, v19  }
0x23c: {  	v41 =	vadd.f32 v23, v22;
	v17 =	vadd.f32 v18, v17;
	_ =	sdelay $0x1  }
0x23d: {  	v16 =	vadd.f32 v17, v16;
	v17 =	vadd.f32 v41, v40;
	_ =	sdelay $0x1  }
0x23e: {  	v16 =	vadd.f32 v17, v16;
	_ =	sdelay $0x1  }
0x23f: {  	[tilespmem:$0x1D7F0] =	vst v16  }
0x240: {  	v16 =	vld [tilespmem:s8+$0x1AC30]  }
0x241: {  	v17 =	vld [tilespmem:s8+$0x1C030]  }
0x242: {  	v42 =	vld [tilespmem:s8+$0x1AC40]  }
0x243: {  	v43 =	vld [tilespmem:s8+$0x1C040]  }
0x244: {  	v44 =	vld [tilespmem:s8+$0x1AC50]  }
0x245: {  	v46 =	vld [tilespmem:s8+$0x1C050]  }
0x246: {  	v48 =	vld [tilespmem:s8+$0x1AC60]  }
0x247: {  	v49 =	vld [tilespmem:s8+$0x1C060]  }
0x248: {  	v45 =	vshll.u32 v16, $0x10  }
0x249: {  	v47 =	vshll.u32 v17, $0x10;
	v16 =	vand.u32 $0xFFFF0000, v16;
	v17 =	vand.u32 $0xFFFF0000, v17  }
0x24a: {  	v50 =	vshll.u32 v43, $0x10;
	v18 =	vand.u32 $0xFFFF0000, v42;
	v19 =	vand.u32 $0xFFFF0000, v43  }
0x24b: {  	v51 =	vshll.u32 v44, $0x10;
	v52 =	vshll.u32 v46, $0x10;
	v20 =	vand.u32 $0xFFFF0000, v44  }
0x24c: {  	v22 =	vand.u32 $0xFFFF0000, v46;
	v53 =	vshll.u32 v48, $0x10;
	v54 =	vshll.u32 v49, $0x10  }
0x24d: {  	v24 =	vand.u32 $0xFFFF0000, v48;
	v21 =	vmul.f32 v47, v45;
	v16 =	vmul.f32 v17, v16  }
0x24e: {  	v23 =	vand.u32 $0xFFFF0000, v49;
	v18 =	vmul.f32 v19, v18;
	v19 =	vmul.f32 v52, v51  }
0x24f: {  	v17 =	vshll.u32 v42, $0x10;
	v20 =	vmul.f32 v22, v20;
	v22 =	vmul.f32 v54, v53  }
0x250: {  	v23 =	vmul.f32 v23, v24;
	v17 =	vmul.f32 v50, v17  }
0x251: {  	v16 =	vadd.f32 v16, v21;
	v55 =	vadd.f32 v20, v19  }
0x252: {  	v56 =	vadd.f32 v23, v22;
	v17 =	vadd.f32 v18, v17;
	_ =	sdelay $0x1  }
0x253: {  	v16 =	vadd.f32 v17, v16;
	v17 =	vadd.f32 v56, v55;
	_ =	sdelay $0x1  }
0x254: {  	v16 =	vadd.f32 v17, v16;
	_ =	sdelay $0x1  }
0x255: {  	[tilespmem:$0x1D800] =	vst v16  }
0x256: {  	v16 =	vld [tilespmem:s8+$0x1AC70]  }
0x257: {  	v17 =	vld [tilespmem:s8+$0x1C070]  }
0x258: {  	v57 =	vld [tilespmem:s8+$0x1AC80]  }
0x259: {  	v58 =	vld [tilespmem:s8+$0x1C080]  }
0x25a: {  	v59 =	vld [tilespmem:s8+$0x1AC90]  }
0x25b: {  	v61 =	vld [tilespmem:s8+$0x1C090]  }
0x25c: {  	v63 =	vld [tilespmem:s8+$0x1ACA0]  }
0x25d: {  	v28 =	vld [tilespmem:s8+$0x1C0A0]  }
0x25e: {  	v60 =	vshll.u32 v16, $0x10  }
0x25f: {  	v62 =	vshll.u32 v17, $0x10;
	v16 =	vand.u32 $0xFFFF0000, v16;
	v17 =	vand.u32 $0xFFFF0000, v17  }
0x260: {  	v29 =	vshll.u32 v58, $0x10;
	v18 =	vand.u32 $0xFFFF0000, v57;
	v19 =	vand.u32 $0xFFFF0000, v58  }
0x261: {  	v30 =	vshll.u32 v59, $0x10;
	v31 =	vshll.u32 v61, $0x10;
	v20 =	vand.u32 $0xFFFF0000, v59  }
0x262: {  	v22 =	vand.u32 $0xFFFF0000, v61;
	v32 =	vshll.u32 v63, $0x10;
	v33 =	vshll.u32 v28, $0x10  }
0x263: {  	v24 =	vand.u32 $0xFFFF0000, v63;
	v21 =	vmul.f32 v62, v60;
	v16 =	vmul.f32 v17, v16  }
0x264: {  	v23 =	vand.u32 $0xFFFF0000, v28;
	v18 =	vmul.f32 v19, v18;
	v19 =	vmul.f32 v31, v30  }
0x265: {  	v17 =	vshll.u32 v57, $0x10;
	v20 =	vmul.f32 v22, v20;
	v22 =	vmul.f32 v33, v32  }
0x266: {  	v23 =	vmul.f32 v23, v24;
	v17 =	vmul.f32 v29, v17  }
0x267: {  	v16 =	vadd.f32 v16, v21;
	v34 =	vadd.f32 v20, v19  }
0x268: {  	v35 =	vadd.f32 v23, v22;
	v17 =	vadd.f32 v18, v17;
	_ =	sdelay $0x1  }
0x269: {  	v16 =	vadd.f32 v17, v16;
	v17 =	vadd.f32 v35, v34;
	_ =	sdelay $0x1  }
0x26a: {  	v16 =	vadd.f32 v17, v16;
	_ =	sdelay $0x1  }
0x26b: {  	[tilespmem:$0x1D810] =	vst v16  }
0x26c: {  	v16 =	vld [tilespmem:s8+$0x1ACB0]  }
0x26d: {  	v17 =	vld [tilespmem:s8+$0x1C0B0]  }
0x26e: {  	v36 =	vld [tilespmem:s8+$0x1ACC0]  }
0x26f: {  	v37 =	vld [tilespmem:s8+$0x1C0C0]  }
0x270: {  	v38 =	vld [tilespmem:s8+$0x1ACD0]  }
0x271: {  	v40 =	vld [tilespmem:s8+$0x1C0D0]  }
0x272: {  	v42 =	vld [tilespmem:s8+$0x1ACE0]  }
0x273: {  	v43 =	vld [tilespmem:s8+$0x1C0E0]  }
0x274: {  	v39 =	vshll.u32 v16, $0x10  }
0x275: {  	v41 =	vshll.u32 v17, $0x10;
	v16 =	vand.u32 $0xFFFF0000, v16;
	v17 =	vand.u32 $0xFFFF0000, v17  }
0x276: {  	v44 =	vshll.u32 v37, $0x10;
	v18 =	vand.u32 $0xFFFF0000, v36;
	v19 =	vand.u32 $0xFFFF0000, v37  }
0x277: {  	v45 =	vshll.u32 v38, $0x10;
	v46 =	vshll.u32 v40, $0x10;
	v20 =	vand.u32 $0xFFFF0000, v38  }
0x278: {  	v22 =	vand.u32 $0xFFFF0000, v40;
	v47 =	vshll.u32 v42, $0x10;
	v48 =	vshll.u32 v43, $0x10  }
0x279: {  	v24 =	vand.u32 $0xFFFF0000, v42;
	v21 =	vmul.f32 v41, v39;
	v16 =	vmul.f32 v17, v16  }
0x27a: {  	v23 =	vand.u32 $0xFFFF0000, v43;
	v18 =	vmul.f32 v19, v18;
	v19 =	vmul.f32 v46, v45  }
0x27b: {  	v17 =	vshll.u32 v36, $0x10;
	v20 =	vmul.f32 v22, v20;
	v22 =	vmul.f32 v48, v47  }
0x27c: {  	v23 =	vmul.f32 v23, v24;
	v17 =	vmul.f32 v44, v17  }
0x27d: {  	v16 =	vadd.f32 v16, v21;
	v49 =	vadd.f32 v20, v19  }
0x27e: {  	v50 =	vadd.f32 v23, v22;
	v17 =	vadd.f32 v18, v17;
	_ =	sdelay $0x1  }
0x27f: {  	v16 =	vadd.f32 v17, v16;
	v17 =	vadd.f32 v50, v49;
	_ =	sdelay $0x1  }
0x280: {  	v16 =	vadd.f32 v17, v16;
	_ =	sdelay $0x1  }
0x281: {  	[tilespmem:$0x1D820] =	vst v16  }
0x282: {  	v16 =	vld [tilespmem:s8+$0x1ACF0]  }
0x283: {  	v17 =	vld [tilespmem:s8+$0x1C0F0]  }
0x284: {  	v51 =	vld [tilespmem:s8+$0x1AD00]  }
0x285: {  	v52 =	vld [tilespmem:s8+$0x1C100]  }
0x286: {  	v53 =	vld [tilespmem:s8+$0x1AD10]  }
0x287: {  	v55 =	vld [tilespmem:s8+$0x1C110]  }
0x288: {  	v57 =	vld [tilespmem:s8+$0x1AD20]  }
0x289: {  	v58 =	vld [tilespmem:s8+$0x1C120]  }
0x28a: {  	v54 =	vshll.u32 v16, $0x10  }
0x28b: {  	v56 =	vshll.u32 v17, $0x10;
	v16 =	vand.u32 $0xFFFF0000, v16;
	v17 =	vand.u32 $0xFFFF0000, v17  }
0x28c: {  	v59 =	vshll.u32 v52, $0x10;
	v18 =	vand.u32 $0xFFFF0000, v51;
	v19 =	vand.u32 $0xFFFF0000, v52  }
0x28d: {  	v60 =	vshll.u32 v53, $0x10;
	v61 =	vshll.u32 v55, $0x10;
	v20 =	vand.u32 $0xFFFF0000, v53  }
0x28e: {  	v22 =	vand.u32 $0xFFFF0000, v55;
	v62 =	vshll.u32 v57, $0x10;
	v63 =	vshll.u32 v58, $0x10  }
0x28f: {  	v24 =	vand.u32 $0xFFFF0000, v57;
	v21 =	vmul.f32 v56, v54;
	v16 =	vmul.f32 v17, v16  }
0x290: {  	v23 =	vand.u32 $0xFFFF0000, v58;
	v18 =	vmul.f32 v19, v18;
	v19 =	vmul.f32 v61, v60  }
0x291: {  	v17 =	vshll.u32 v51, $0x10;
	v20 =	vmul.f32 v22, v20;
	v22 =	vmul.f32 v63, v62  }
0x292: {  	v23 =	vmul.f32 v23, v24;
	v17 =	vmul.f32 v59, v17  }
0x293: {  	v16 =	vadd.f32 v16, v21;
	v28 =	vadd.f32 v20, v19  }
0x294: {  	v29 =	vadd.f32 v23, v22;
	v17 =	vadd.f32 v18, v17;
	_ =	sdelay $0x1  }
0x295: {  	v16 =	vadd.f32 v17, v16;
	v17 =	vadd.f32 v29, v28;
	_ =	sdelay $0x1  }
0x296: {  	v16 =	vadd.f32 v17, v16;
	_ =	sdelay $0x1  }
0x297: {  	[tilespmem:$0x1D830] =	vst v16  }
0x298: {  	v16 =	vld [tilespmem:s8+$0x1AD30]  }
0x299: {  	v17 =	vld [tilespmem:s8+$0x1C130]  }
0x29a: {  	v30 =	vld [tilespmem:s8+$0x1AD40]  }
0x29b: {  	v31 =	vld [tilespmem:s8+$0x1C140]  }
0x29c: {  	v32 =	vld [tilespmem:s8+$0x1AD50]  }
0x29d: {  	v34 =	vld [tilespmem:s8+$0x1C150]  }
0x29e: {  	v36 =	vld [tilespmem:s8+$0x1AD60]  }
0x29f: {  	v37 =	vld [tilespmem:s8+$0x1C160]  }
0x2a0: {  	v33 =	vshll.u32 v16, $0x10  }
0x2a1: {  	v35 =	vshll.u32 v17, $0x10;
	v16 =	vand.u32 $0xFFFF0000, v16;
	v17 =	vand.u32 $0xFFFF0000, v17  }
0x2a2: {  	v38 =	vshll.u32 v31, $0x10;
	v18 =	vand.u32 $0xFFFF0000, v30;
	v19 =	vand.u32 $0xFFFF0000, v31  }
0x2a3: {  	v39 =	vshll.u32 v32, $0x10;
	v40 =	vshll.u32 v34, $0x10;
	v20 =	vand.u32 $0xFFFF0000, v32  }
0x2a4: {  	v22 =	vand.u32 $0xFFFF0000, v34;
	v41 =	vshll.u32 v36, $0x10;
	v42 =	vshll.u32 v37, $0x10  }
0x2a5: {  	v24 =	vand.u32 $0xFFFF0000, v36;
	v21 =	vmul.f32 v35, v33;
	v16 =	vmul.f32 v17, v16  }
0x2a6: {  	v23 =	vand.u32 $0xFFFF0000, v37;
	v18 =	vmul.f32 v19, v18;
	v19 =	vmul.f32 v40, v39  }
0x2a7: {  	v17 =	vshll.u32 v30, $0x10;
	v20 =	vmul.f32 v22, v20;
	v22 =	vmul.f32 v42, v41  }
0x2a8: {  	v23 =	vmul.f32 v23, v24;
	v17 =	vmul.f32 v38, v17  }
0x2a9: {  	v16 =	vadd.f32 v16, v21;
	v43 =	vadd.f32 v20, v19  }
0x2aa: {  	v44 =	vadd.f32 v23, v22;
	v17 =	vadd.f32 v18, v17;
	_ =	sdelay $0x1  }
0x2ab: {  	v16 =	vadd.f32 v17, v16;
	v17 =	vadd.f32 v44, v43;
	_ =	sdelay $0x1  }
0x2ac: {  	v16 =	vadd.f32 v17, v16;
	_ =	sdelay $0x1  }
0x2ad: {  	[tilespmem:$0x1D840] =	vst v16  }
0x2ae: {  	v16 =	vld [tilespmem:s8+$0x1AD70]  }
0x2af: {  	v17 =	vld [tilespmem:s8+$0x1C170]  }
0x2b0: {  	v45 =	vld [tilespmem:s8+$0x1AD80]  }
0x2b1: {  	v46 =	vld [tilespmem:s8+$0x1C180]  }
0x2b2: {  	v47 =	vld [tilespmem:s8+$0x1AD90]  }
0x2b3: {  	v49 =	vld [tilespmem:s8+$0x1C190]  }
0x2b4: {  	v51 =	vld [tilespmem:s8+$0x1ADA0]  }
0x2b5: {  	v52 =	vld [tilespmem:s8+$0x1C1A0]  }
0x2b6: {  	v48 =	vshll.u32 v16, $0x10  }
0x2b7: {  	v50 =	vshll.u32 v17, $0x10;
	v16 =	vand.u32 $0xFFFF0000, v16;
	v17 =	vand.u32 $0xFFFF0000, v17  }
0x2b8: {  	v53 =	vshll.u32 v46, $0x10;
	v18 =	vand.u32 $0xFFFF0000, v45;
	v19 =	vand.u32 $0xFFFF0000, v46  }
0x2b9: {  	v54 =	vshll.u32 v47, $0x10;
	v55 =	vshll.u32 v49, $0x10;
	v20 =	vand.u32 $0xFFFF0000, v47  }
0x2ba: {  	v22 =	vand.u32 $0xFFFF0000, v49;
	v56 =	vshll.u32 v51, $0x10;
	v57 =	vshll.u32 v52, $0x10  }
0x2bb: {  	v24 =	vand.u32 $0xFFFF0000, v51;
	v21 =	vmul.f32 v50, v48;
	v16 =	vmul.f32 v17, v16  }
0x2bc: {  	v23 =	vand.u32 $0xFFFF0000, v52;
	v18 =	vmul.f32 v19, v18;
	v19 =	vmul.f32 v55, v54  }
0x2bd: {  	v17 =	vshll.u32 v45, $0x10;
	v20 =	vmul.f32 v22, v20;
	v22 =	vmul.f32 v57, v56  }
0x2be: {  	v23 =	vmul.f32 v23, v24;
	v17 =	vmul.f32 v53, v17  }
0x2bf: {  	v16 =	vadd.f32 v16, v21;
	v58 =	vadd.f32 v20, v19  }
0x2c0: {  	v59 =	vadd.f32 v23, v22;
	v17 =	vadd.f32 v18, v17;
	_ =	sdelay $0x1  }
0x2c1: {  	v16 =	vadd.f32 v17, v16;
	v17 =	vadd.f32 v59, v58;
	_ =	sdelay $0x1  }
0x2c2: {  	v16 =	vadd.f32 v17, v16;
	_ =	sdelay $0x1  }
0x2c3: {  	[tilespmem:$0x1D850] =	vst v16  }
0x2c4: {  	v16 =	vld [tilespmem:s8+$0x1ADB0]  }
0x2c5: {  	v17 =	vld [tilespmem:s8+$0x1C1B0]  }
0x2c6: {  	v60 =	vld [tilespmem:s8+$0x1ADC0]  }
0x2c7: {  	v61 =	vld [tilespmem:s8+$0x1C1C0]  }
0x2c8: {  	v62 =	vld [tilespmem:s8+$0x1ADD0]  }
0x2c9: {  	v28 =	vld [tilespmem:s8+$0x1C1D0]  }
0x2ca: {  	v30 =	vld [tilespmem:s8+$0x1ADE0]  }
0x2cb: {  	v31 =	vld [tilespmem:s8+$0x1C1E0]  }
0x2cc: {  	v63 =	vshll.u32 v16, $0x10  }
0x2cd: {  	v29 =	vshll.u32 v17, $0x10;
	v16 =	vand.u32 $0xFFFF0000, v16;
	v17 =	vand.u32 $0xFFFF0000, v17  }
0x2ce: {  	v32 =	vshll.u32 v61, $0x10;
	v18 =	vand.u32 $0xFFFF0000, v60;
	v19 =	vand.u32 $0xFFFF0000, v61  }
0x2cf: {  	v33 =	vshll.u32 v62, $0x10;
	v34 =	vshll.u32 v28, $0x10;
	v20 =	vand.u32 $0xFFFF0000, v62  }
0x2d0: {  	v22 =	vand.u32 $0xFFFF0000, v28;
	v35 =	vshll.u32 v30, $0x10;
	v36 =	vshll.u32 v31, $0x10  }
0x2d1: {  	v24 =	vand.u32 $0xFFFF0000, v30;
	v21 =	vmul.f32 v29, v63;
	v16 =	vmul.f32 v17, v16  }
0x2d2: {  	v23 =	vand.u32 $0xFFFF0000, v31;
	v18 =	vmul.f32 v19, v18;
	v19 =	vmul.f32 v34, v33  }
0x2d3: {  	v17 =	vshll.u32 v60, $0x10;
	v20 =	vmul.f32 v22, v20;
	v22 =	vmul.f32 v36, v35  }
0x2d4: {  	v23 =	vmul.f32 v23, v24;
	v17 =	vmul.f32 v32, v17  }
0x2d5: {  	v16 =	vadd.f32 v16, v21;
	v37 =	vadd.f32 v20, v19  }
0x2d6: {  	v38 =	vadd.f32 v23, v22;
	v17 =	vadd.f32 v18, v17;
	_ =	sdelay $0x1  }
0x2d7: {  	v16 =	vadd.f32 v17, v16;
	v17 =	vadd.f32 v38, v37;
	_ =	sdelay $0x1  }
0x2d8: {  	v16 =	vadd.f32 v17, v16;
	_ =	sdelay $0x1  }
0x2d9: {  	[tilespmem:$0x1D860] =	vst v16  }
0x2da: {  	v16 =	vld [tilespmem:s8+$0x1ADF0]  }
0x2db: {  	v17 =	vld [tilespmem:s8+$0x1C1F0]  }
0x2dc: {  	v39 =	vld [tilespmem:s8+$0x1AE00]  }
0x2dd: {  	v40 =	vld [tilespmem:s8+$0x1C200]  }
0x2de: {  	v41 =	vld [tilespmem:s8+$0x1AE10]  }
0x2df: {  	v43 =	vld [tilespmem:s8+$0x1C210]  }
0x2e0: {  	v45 =	vld [tilespmem:s8+$0x1AE20]  }
0x2e1: {  	v46 =	vld [tilespmem:s8+$0x1C220]  }
0x2e2: {  	v42 =	vshll.u32 v16, $0x10  }
0x2e3: {  	v44 =	vshll.u32 v17, $0x10;
	v16 =	vand.u32 $0xFFFF0000, v16;
	v17 =	vand.u32 $0xFFFF0000, v17  }
0x2e4: {  	v47 =	vshll.u32 v40, $0x10;
	v18 =	vand.u32 $0xFFFF0000, v39;
	v19 =	vand.u32 $0xFFFF0000, v40  }
0x2e5: {  	v48 =	vshll.u32 v41, $0x10;
	v49 =	vshll.u32 v43, $0x10;
	v20 =	vand.u32 $0xFFFF0000, v41  }
0x2e6: {  	v22 =	vand.u32 $0xFFFF0000, v43;
	v50 =	vshll.u32 v45, $0x10;
	v51 =	vshll.u32 v46, $0x10  }
0x2e7: {  	v24 =	vand.u32 $0xFFFF0000, v45;
	v21 =	vmul.f32 v44, v42;
	v16 =	vmul.f32 v17, v16  }
0x2e8: {  	v23 =	vand.u32 $0xFFFF0000, v46;
	v18 =	vmul.f32 v19, v18;
	v19 =	vmul.f32 v49, v48  }
0x2e9: {  	v17 =	vshll.u32 v39, $0x10;
	v20 =	vmul.f32 v22, v20;
	v22 =	vmul.f32 v51, v50  }
0x2ea: {  	v23 =	vmul.f32 v23, v24;
	v17 =	vmul.f32 v47, v17  }
0x2eb: {  	v16 =	vadd.f32 v16, v21;
	v52 =	vadd.f32 v20, v19  }
0x2ec: {  	v53 =	vadd.f32 v23, v22;
	v17 =	vadd.f32 v18, v17;
	_ =	sdelay $0x1  }
0x2ed: {  	v16 =	vadd.f32 v17, v16;
	v17 =	vadd.f32 v53, v52;
	_ =	sdelay $0x1  }
0x2ee: {  	v16 =	vadd.f32 v17, v16;
	_ =	sdelay $0x1  }
0x2ef: {  	[tilespmem:$0x1D870] =	vst v16  }
0x2f0: {  	v16 =	vld [tilespmem:s8+$0x1AE30]  }
0x2f1: {  	v17 =	vld [tilespmem:s8+$0x1C230]  }
0x2f2: {  	v54 =	vld [tilespmem:s8+$0x1AE40]  }
0x2f3: {  	v55 =	vld [tilespmem:s8+$0x1C240]  }
0x2f4: {  	v56 =	vld [tilespmem:s8+$0x1AE50]  }
0x2f5: {  	v58 =	vld [tilespmem:s8+$0x1C250]  }
0x2f6: {  	v60 =	vld [tilespmem:s8+$0x1AE60]  }
0x2f7: {  	v61 =	vld [tilespmem:s8+$0x1C260]  }
0x2f8: {  	v57 =	vshll.u32 v16, $0x10  }
0x2f9: {  	v59 =	vshll.u32 v17, $0x10;
	v16 =	vand.u32 $0xFFFF0000, v16;
	v17 =	vand.u32 $0xFFFF0000, v17  }
0x2fa: {  	v62 =	vshll.u32 v55, $0x10;
	v18 =	vand.u32 $0xFFFF0000, v54;
	v19 =	vand.u32 $0xFFFF0000, v55  }
0x2fb: {  	v63 =	vshll.u32 v56, $0x10;
	v28 =	vshll.u32 v58, $0x10;
	v20 =	vand.u32 $0xFFFF0000, v56  }
0x2fc: {  	v22 =	vand.u32 $0xFFFF0000, v58;
	v29 =	vshll.u32 v60, $0x10;
	v30 =	vshll.u32 v61, $0x10  }
0x2fd: {  	v24 =	vand.u32 $0xFFFF0000, v60;
	v21 =	vmul.f32 v59, v57;
	v16 =	vmul.f32 v17, v16  }
0x2fe: {  	v23 =	vand.u32 $0xFFFF0000, v61;
	v18 =	vmul.f32 v19, v18;
	v19 =	vmul.f32 v28, v63  }
0x2ff: {  	v17 =	vshll.u32 v54, $0x10;
	v20 =	vmul.f32 v22, v20;
	v22 =	vmul.f32 v30, v29  }
0x300: {  	v23 =	vmul.f32 v23, v24;
	v17 =	vmul.f32 v62, v17  }
0x301: {  	v16 =	vadd.f32 v16, v21;
	v31 =	vadd.f32 v20, v19  }
0x302: {  	v32 =	vadd.f32 v23, v22;
	v17 =	vadd.f32 v18, v17;
	_ =	sdelay $0x1  }
0x303: {  	v16 =	vadd.f32 v17, v16;
	v17 =	vadd.f32 v32, v31;
	_ =	sdelay $0x1  }
0x304: {  	v16 =	vadd.f32 v17, v16;
	_ =	sdelay $0x1  }
0x305: {  	[tilespmem:$0x1D880] =	vst v16  }
0x306: {  	v16 =	vld [tilespmem:s8+$0x1AE70]  }
0x307: {  	v17 =	vld [tilespmem:s8+$0x1C270]  }
0x308: {  	v33 =	vld [tilespmem:s8+$0x1AE80]  }
0x309: {  	v34 =	vld [tilespmem:s8+$0x1C280]  }
0x30a: {  	v35 =	vld [tilespmem:s8+$0x1AE90]  }
0x30b: {  	v37 =	vld [tilespmem:s8+$0x1C290]  }
0x30c: {  	v39 =	vld [tilespmem:s8+$0x1AEA0]  }
0x30d: {  	v40 =	vld [tilespmem:s8+$0x1C2A0]  }
0x30e: {  	v36 =	vshll.u32 v16, $0x10  }
0x30f: {  	v38 =	vshll.u32 v17, $0x10;
	v16 =	vand.u32 $0xFFFF0000, v16;
	v17 =	vand.u32 $0xFFFF0000, v17  }
0x310: {  	v41 =	vshll.u32 v34, $0x10;
	v18 =	vand.u32 $0xFFFF0000, v33;
	v19 =	vand.u32 $0xFFFF0000, v34  }
0x311: {  	v42 =	vshll.u32 v35, $0x10;
	v43 =	vshll.u32 v37, $0x10;
	v20 =	vand.u32 $0xFFFF0000, v35  }
0x312: {  	v22 =	vand.u32 $0xFFFF0000, v37;
	v44 =	vshll.u32 v39, $0x10;
	v45 =	vshll.u32 v40, $0x10  }
0x313: {  	v24 =	vand.u32 $0xFFFF0000, v39;
	v21 =	vmul.f32 v38, v36;
	v16 =	vmul.f32 v17, v16  }
0x314: {  	v23 =	vand.u32 $0xFFFF0000, v40;
	v18 =	vmul.f32 v19, v18;
	v19 =	vmul.f32 v43, v42  }
0x315: {  	v17 =	vshll.u32 v33, $0x10;
	v20 =	vmul.f32 v22, v20;
	v22 =	vmul.f32 v45, v44  }
0x316: {  	v23 =	vmul.f32 v23, v24;
	v17 =	vmul.f32 v41, v17  }
0x317: {  	v16 =	vadd.f32 v16, v21;
	v46 =	vadd.f32 v20, v19  }
0x318: {  	v47 =	vadd.f32 v23, v22;
	v17 =	vadd.f32 v18, v17;
	_ =	sdelay $0x1  }
0x319: {  	v16 =	vadd.f32 v17, v16;
	v17 =	vadd.f32 v47, v46;
	_ =	sdelay $0x1  }
0x31a: {  	v16 =	vadd.f32 v17, v16;
	_ =	sdelay $0x1  }
0x31b: {  	[tilespmem:$0x1D890] =	vst v16  }
0x31c: {  	v16 =	vld.idx.msk [tilespmem:v0+s31+$0x0], $0xffff  }
0x31d: {  	v17 =	vld.idx.msk [tilespmem:v1+s31+$0x0], $0xffff  }
0x31e: {  	v48 =	vld.idx.msk [tilespmem:v2+s31+$0x0], $0xffff  }
0x31f: {  	v49 =	vld.idx.msk [tilespmem:v3+s31+$0x0], $0xffff  }
0x320: {  	v50 =	vld.idx.msk [tilespmem:v4+s31+$0x0], $0xffff  }
0x321: {  	v51 =	vld.idx.msk [tilespmem:v5+s31+$0x0], $0xffff  }
0x322: {  	v52 =	vld.idx.msk [tilespmem:v6+s31+$0x0], $0xffff  }
0x323: {  	v53 =	vld.idx.msk [tilespmem:v7+s31+$0x0], $0xffff  }
0x324: {  	v54 =	vld.idx.msk [tilespmem:v8+s31+$0x0], $0xffff  }
0x325: {  	v55 =	vld.idx.msk [tilespmem:v9+s31+$0x0], $0xffff  }
0x326: {  	v26 =	vld.idx.msk [tilespmem:v10+s31+$0x0], $0xffff  }
0x327: {  	v27 =	vld.idx.msk [tilespmem:v11+s31+$0x0], $0xffff  }
0x328: {  	v28 =	vld.idx.msk [tilespmem:v12+s31+$0x0], $0xffff  }
0x329: {  	v29 =	vld.idx.msk [tilespmem:v13+s31+$0x0], $0xffff  }
0x32a: {  	v30 =	vld.idx.msk [tilespmem:v14+s31+$0x0], $0xffff  }
0x32b: {  	v31 =	vld.idx.msk [tilespmem:v15+s31+$0x0], $0xffff;
	_ =	sdelay $0x1  }
0x32c: {  	v16 =	vadd.f32 v17, v16;
	v17 =	vadd.f32 v49, v48  }
0x32d: {  	v56 =	vadd.f32 v51, v50;
	v57 =	vadd.f32 v53, v52  }
0x32e: {  	v58 =	vadd.f32 v55, v54;
	v59 =	vadd.f32 v27, v26  }
0x32f: {  	v60 =	vadd.f32 v29, v28;
	v61 =	vadd.f32 v31, v30  }
0x330: {  	v16 =	vadd.f32 v17, v16;
	v17 =	vadd.f32 v57, v56  }
0x331: {  	v62 =	vadd.f32 v59, v58;
	v63 =	vadd.f32 v61, v60  }
0x332: {  	p0 =	sne.s32 s5, $0x4FC0  }
.Ltmp1:
0x333: {  	v16 =	vadd.f32 v17, v16;
	v17 =	vadd.f32 v63, v62;
	(pc) =	sbr.rel @p0 .LBB2_5-.Ltmp1, $3  }
0x334: {  	_ = 	snop  }
0x335: {  	v16 =	vadd.f32 v17, v16;
	_ =	sdelay $0x1  }
0x336: {  	s5 =	sadd.s32 $0x1000, s5;
	[tilespmem:s6+$0x0] =	vst v16;
	s6 =	sadd.s32 $0x10, s6  }
0x337: {  	s17 =	sadd.s32 $0x1, s17  }
0x338: {  	p0 =	sne.s32 s17, $0x3E  }
.Ltmp2:
0x339: {  	_ = 	snop;
	(pc) =	sbr.rel @p0 .LBB2_2-.Ltmp2, $2  }
0x33a: {  	_ =	sdelay $0x2  }
0x33b: {  	s7 =	sadd.s32 $0xA0, s7;
	s0 =	sadd.s32 $0xA0, s0  }
0x33c: {  	_ =	swait.ge [sflag:s23], $0x1400  }
0x33d: {  	[sflag:s23] =	ssyncset.done $0x0  }
0x33e: {  	[sflag:s23] =	ssyncadd.s32 $0xFFFFEC00  }
0x33f: {  	_ =	swait.ge [sflag:s24], $0x1400  }
0x340: {  	[sflag:s24] =	ssyncset.done $0x0  }
0x341: {  	s0 =	simm.s32 $0xFC0;
	s5 =	simm.s32 $0x1FF60;
	[sflag:s24] =	ssyncadd.s32 $0xFFFFEC00  }
.LBB2_8:
0x342: {  	s6 =	sshra.s32 s0, $0x2  }
0x343: {  	v16 =	vld [tilespmem:s6+$0x182B0]  }
0x344: {  	v17 =	vld [tilespmem:s6+$0x196B0]  }
0x345: {  	v19 =	vld [tilespmem:s6+$0x196C0]  }
0x346: {  	v20 =	vld [tilespmem:s6+$0x182D0]  }
0x347: {  	v22 =	vld [tilespmem:s6+$0x196D0]  }
0x348: {  	v24 =	vld [tilespmem:s6+$0x182E0]  }
0x349: {  	v32 =	vld [tilespmem:s6+$0x196E0]  }
0x34a: {  	v18 =	vld [tilespmem:s6+$0x182C0];
	v21 =	vshll.u32 v16, $0x10  }
0x34b: {  	v23 =	vshll.u32 v17, $0x10;
	v16 =	vand.u32 $0xFFFF0000, v16;
	v17 =	vand.u32 $0xFFFF0000, v17  }
0x34c: {  	v25 =	vshll.u32 v19, $0x10;
	v19 =	vand.u32 $0xFFFF0000, v19;
	v33 =	vshll.u32 v20, $0x10  }
0x34d: {  	v34 =	vshll.u32 v22, $0x10;
	v20 =	vand.u32 $0xFFFF0000, v20;
	v22 =	vand.u32 $0xFFFF0000, v22  }
0x34e: {  	v35 =	vshll.u32 v24, $0x10;
	v36 =	vshll.u32 v32, $0x10;
	v24 =	vand.u32 $0xFFFF0000, v24  }
0x34f: {  	v21 =	vmul.f32 v23, v21;
	v16 =	vmul.f32 v17, v16;
	v17 =	vshll.u32 v18, $0x10  }
0x350: {  	v18 =	vand.u32 $0xFFFF0000, v18;
	v20 =	vmul.f32 v22, v20;
	v22 =	vmul.f32 v36, v35  }
0x351: {  	v23 =	vand.u32 $0xFFFF0000, v32;
	v17 =	vmul.f32 v25, v17;
	v18 =	vmul.f32 v19, v18  }
0x352: {  	v19 =	vmul.f32 v34, v33;
	v23 =	vmul.f32 v23, v24  }
0x353: {  	v16 =	vadd.f32 v16, v21;
	v17 =	vadd.f32 v18, v17  }
0x354: {  	v37 =	vadd.f32 v20, v19;
	v38 =	vadd.f32 v23, v22;
	_ =	sdelay $0x1  }
0x355: {  	v16 =	vadd.f32 v17, v16;
	v17 =	vadd.f32 v38, v37;
	_ =	sdelay $0x1  }
0x356: {  	v16 =	vadd.f32 v17, v16;
	_ =	sdelay $0x1  }
0x357: {  	[tilespmem:$0x1D6A0] =	vst v16  }
0x358: {  	v16 =	vld [tilespmem:s6+$0x182F0]  }
0x359: {  	v17 =	vld [tilespmem:s6+$0x196F0]  }
0x35a: {  	v39 =	vld [tilespmem:s6+$0x18300]  }
0x35b: {  	v40 =	vld [tilespmem:s6+$0x19700]  }
0x35c: {  	v41 =	vld [tilespmem:s6+$0x18310]  }
0x35d: {  	v43 =	vld [tilespmem:s6+$0x19710]  }
0x35e: {  	v45 =	vld [tilespmem:s6+$0x18320]  }
0x35f: {  	v46 =	vld [tilespmem:s6+$0x19720]  }
0x360: {  	v42 =	vshll.u32 v16, $0x10  }
0x361: {  	v44 =	vshll.u32 v17, $0x10;
	v16 =	vand.u32 $0xFFFF0000, v16;
	v17 =	vand.u32 $0xFFFF0000, v17  }
0x362: {  	v47 =	vshll.u32 v40, $0x10;
	v18 =	vand.u32 $0xFFFF0000, v39;
	v19 =	vand.u32 $0xFFFF0000, v40  }
0x363: {  	v48 =	vshll.u32 v41, $0x10;
	v49 =	vshll.u32 v43, $0x10;
	v20 =	vand.u32 $0xFFFF0000, v41  }
0x364: {  	v22 =	vand.u32 $0xFFFF0000, v43;
	v50 =	vshll.u32 v45, $0x10;
	v51 =	vshll.u32 v46, $0x10  }
0x365: {  	v24 =	vand.u32 $0xFFFF0000, v45;
	v21 =	vmul.f32 v44, v42;
	v16 =	vmul.f32 v17, v16  }
0x366: {  	v23 =	vand.u32 $0xFFFF0000, v46;
	v18 =	vmul.f32 v19, v18;
	v19 =	vmul.f32 v49, v48  }
0x367: {  	v17 =	vshll.u32 v39, $0x10;
	v20 =	vmul.f32 v22, v20;
	v22 =	vmul.f32 v51, v50  }
0x368: {  	v23 =	vmul.f32 v23, v24;
	v17 =	vmul.f32 v47, v17  }
0x369: {  	v16 =	vadd.f32 v16, v21;
	v52 =	vadd.f32 v20, v19  }
0x36a: {  	v53 =	vadd.f32 v23, v22;
	v17 =	vadd.f32 v18, v17;
	_ =	sdelay $0x1  }
0x36b: {  	v16 =	vadd.f32 v17, v16;
	v17 =	vadd.f32 v53, v52;
	_ =	sdelay $0x1  }
0x36c: {  	v16 =	vadd.f32 v17, v16;
	_ =	sdelay $0x1  }
0x36d: {  	[tilespmem:$0x1D6B0] =	vst v16  }
0x36e: {  	v16 =	vld [tilespmem:s6+$0x18330]  }
0x36f: {  	v17 =	vld [tilespmem:s6+$0x19730]  }
0x370: {  	v54 =	vld [tilespmem:s6+$0x18340]  }
0x371: {  	v55 =	vld [tilespmem:s6+$0x19740]  }
0x372: {  	v56 =	vld [tilespmem:s6+$0x18350]  }
0x373: {  	v58 =	vld [tilespmem:s6+$0x19750]  }
0x374: {  	v60 =	vld [tilespmem:s6+$0x18360]  }
0x375: {  	v61 =	vld [tilespmem:s6+$0x19760]  }
0x376: {  	v57 =	vshll.u32 v16, $0x10  }
0x377: {  	v59 =	vshll.u32 v17, $0x10;
	v16 =	vand.u32 $0xFFFF0000, v16;
	v17 =	vand.u32 $0xFFFF0000, v17  }
0x378: {  	v62 =	vshll.u32 v55, $0x10;
	v18 =	vand.u32 $0xFFFF0000, v54;
	v19 =	vand.u32 $0xFFFF0000, v55  }
0x379: {  	v63 =	vshll.u32 v56, $0x10;
	v28 =	vshll.u32 v58, $0x10;
	v20 =	vand.u32 $0xFFFF0000, v56  }
0x37a: {  	v22 =	vand.u32 $0xFFFF0000, v58;
	v29 =	vshll.u32 v60, $0x10;
	v30 =	vshll.u32 v61, $0x10  }
0x37b: {  	v24 =	vand.u32 $0xFFFF0000, v60;
	v21 =	vmul.f32 v59, v57;
	v16 =	vmul.f32 v17, v16  }
0x37c: {  	v23 =	vand.u32 $0xFFFF0000, v61;
	v18 =	vmul.f32 v19, v18;
	v19 =	vmul.f32 v28, v63  }
0x37d: {  	v17 =	vshll.u32 v54, $0x10;
	v20 =	vmul.f32 v22, v20;
	v22 =	vmul.f32 v30, v29  }
0x37e: {  	v23 =	vmul.f32 v23, v24;
	v17 =	vmul.f32 v62, v17  }
0x37f: {  	v16 =	vadd.f32 v16, v21;
	v31 =	vadd.f32 v20, v19  }
0x380: {  	v32 =	vadd.f32 v23, v22;
	v17 =	vadd.f32 v18, v17;
	_ =	sdelay $0x1  }
0x381: {  	v16 =	vadd.f32 v17, v16;
	v17 =	vadd.f32 v32, v31;
	_ =	sdelay $0x1  }
0x382: {  	v16 =	vadd.f32 v17, v16;
	_ =	sdelay $0x1  }
0x383: {  	[tilespmem:$0x1D6C0] =	vst v16  }
0x384: {  	v16 =	vld [tilespmem:s6+$0x18370]  }
0x385: {  	v17 =	vld [tilespmem:s6+$0x19770]  }
0x386: {  	v33 =	vld [tilespmem:s6+$0x18380]  }
0x387: {  	v34 =	vld [tilespmem:s6+$0x19780]  }
0x388: {  	v35 =	vld [tilespmem:s6+$0x18390]  }
0x389: {  	v37 =	vld [tilespmem:s6+$0x19790]  }
0x38a: {  	v39 =	vld [tilespmem:s6+$0x183A0]  }
0x38b: {  	v40 =	vld [tilespmem:s6+$0x197A0]  }
0x38c: {  	v36 =	vshll.u32 v16, $0x10  }
0x38d: {  	v38 =	vshll.u32 v17, $0x10;
	v16 =	vand.u32 $0xFFFF0000, v16;
	v17 =	vand.u32 $0xFFFF0000, v17  }
0x38e: {  	v41 =	vshll.u32 v34, $0x10;
	v18 =	vand.u32 $0xFFFF0000, v33;
	v19 =	vand.u32 $0xFFFF0000, v34  }
0x38f: {  	v42 =	vshll.u32 v35, $0x10;
	v43 =	vshll.u32 v37, $0x10;
	v20 =	vand.u32 $0xFFFF0000, v35  }
0x390: {  	v22 =	vand.u32 $0xFFFF0000, v37;
	v44 =	vshll.u32 v39, $0x10;
	v45 =	vshll.u32 v40, $0x10  }
0x391: {  	v24 =	vand.u32 $0xFFFF0000, v39;
	v21 =	vmul.f32 v38, v36;
	v16 =	vmul.f32 v17, v16  }
0x392: {  	v23 =	vand.u32 $0xFFFF0000, v40;
	v18 =	vmul.f32 v19, v18;
	v19 =	vmul.f32 v43, v42  }
0x393: {  	v17 =	vshll.u32 v33, $0x10;
	v20 =	vmul.f32 v22, v20;
	v22 =	vmul.f32 v45, v44  }
0x394: {  	v23 =	vmul.f32 v23, v24;
	v17 =	vmul.f32 v41, v17  }
0x395: {  	v16 =	vadd.f32 v16, v21;
	v46 =	vadd.f32 v20, v19  }
0x396: {  	v47 =	vadd.f32 v23, v22;
	v17 =	vadd.f32 v18, v17;
	_ =	sdelay $0x1  }
0x397: {  	v16 =	vadd.f32 v17, v16;
	v17 =	vadd.f32 v47, v46;
	_ =	sdelay $0x1  }
0x398: {  	v16 =	vadd.f32 v17, v16;
	_ =	sdelay $0x1  }
0x399: {  	[tilespmem:$0x1D6D0] =	vst v16  }
0x39a: {  	v16 =	vld [tilespmem:s6+$0x183B0]  }
0x39b: {  	v17 =	vld [tilespmem:s6+$0x197B0]  }
0x39c: {  	v48 =	vld [tilespmem:s6+$0x183C0]  }
0x39d: {  	v49 =	vld [tilespmem:s6+$0x197C0]  }
0x39e: {  	v50 =	vld [tilespmem:s6+$0x183D0]  }
0x39f: {  	v52 =	vld [tilespmem:s6+$0x197D0]  }
0x3a0: {  	v54 =	vld [tilespmem:s6+$0x183E0]  }
0x3a1: {  	v55 =	vld [tilespmem:s6+$0x197E0]  }
0x3a2: {  	v51 =	vshll.u32 v16, $0x10  }
0x3a3: {  	v53 =	vshll.u32 v17, $0x10;
	v16 =	vand.u32 $0xFFFF0000, v16;
	v17 =	vand.u32 $0xFFFF0000, v17  }
0x3a4: {  	v56 =	vshll.u32 v49, $0x10;
	v18 =	vand.u32 $0xFFFF0000, v48;
	v19 =	vand.u32 $0xFFFF0000, v49  }
0x3a5: {  	v57 =	vshll.u32 v50, $0x10;
	v58 =	vshll.u32 v52, $0x10;
	v20 =	vand.u32 $0xFFFF0000, v50  }
0x3a6: {  	v22 =	vand.u32 $0xFFFF0000, v52;
	v59 =	vshll.u32 v54, $0x10;
	v60 =	vshll.u32 v55, $0x10  }
0x3a7: {  	v24 =	vand.u32 $0xFFFF0000, v54;
	v21 =	vmul.f32 v53, v51;
	v16 =	vmul.f32 v17, v16  }
0x3a8: {  	v23 =	vand.u32 $0xFFFF0000, v55;
	v18 =	vmul.f32 v19, v18;
	v19 =	vmul.f32 v58, v57  }
0x3a9: {  	v17 =	vshll.u32 v48, $0x10;
	v20 =	vmul.f32 v22, v20;
	v22 =	vmul.f32 v60, v59  }
0x3aa: {  	v23 =	vmul.f32 v23, v24;
	v17 =	vmul.f32 v56, v17  }
0x3ab: {  	v16 =	vadd.f32 v16, v21;
	v61 =	vadd.f32 v20, v19  }
0x3ac: {  	v62 =	vadd.f32 v23, v22;
	v17 =	vadd.f32 v18, v17;
	_ =	sdelay $0x1  }
0x3ad: {  	v16 =	vadd.f32 v17, v16;
	v17 =	vadd.f32 v62, v61;
	_ =	sdelay $0x1  }
0x3ae: {  	v16 =	vadd.f32 v17, v16;
	_ =	sdelay $0x1  }
0x3af: {  	[tilespmem:$0x1D6E0] =	vst v16  }
0x3b0: {  	v16 =	vld [tilespmem:s6+$0x183F0]  }
0x3b1: {  	v17 =	vld [tilespmem:s6+$0x197F0]  }
0x3b2: {  	v63 =	vld [tilespmem:s6+$0x18400]  }
0x3b3: {  	v28 =	vld [tilespmem:s6+$0x19800]  }
0x3b4: {  	v29 =	vld [tilespmem:s6+$0x18410]  }
0x3b5: {  	v31 =	vld [tilespmem:s6+$0x19810]  }
0x3b6: {  	v33 =	vld [tilespmem:s6+$0x18420]  }
0x3b7: {  	v34 =	vld [tilespmem:s6+$0x19820]  }
0x3b8: {  	v30 =	vshll.u32 v16, $0x10  }
0x3b9: {  	v32 =	vshll.u32 v17, $0x10;
	v16 =	vand.u32 $0xFFFF0000, v16;
	v17 =	vand.u32 $0xFFFF0000, v17  }
0x3ba: {  	v35 =	vshll.u32 v28, $0x10;
	v18 =	vand.u32 $0xFFFF0000, v63;
	v19 =	vand.u32 $0xFFFF0000, v28  }
0x3bb: {  	v36 =	vshll.u32 v29, $0x10;
	v37 =	vshll.u32 v31, $0x10;
	v20 =	vand.u32 $0xFFFF0000, v29  }
0x3bc: {  	v22 =	vand.u32 $0xFFFF0000, v31;
	v38 =	vshll.u32 v33, $0x10;
	v39 =	vshll.u32 v34, $0x10  }
0x3bd: {  	v24 =	vand.u32 $0xFFFF0000, v33;
	v21 =	vmul.f32 v32, v30;
	v16 =	vmul.f32 v17, v16  }
0x3be: {  	v23 =	vand.u32 $0xFFFF0000, v34;
	v18 =	vmul.f32 v19, v18;
	v19 =	vmul.f32 v37, v36  }
0x3bf: {  	v17 =	vshll.u32 v63, $0x10;
	v20 =	vmul.f32 v22, v20;
	v22 =	vmul.f32 v39, v38  }
0x3c0: {  	v23 =	vmul.f32 v23, v24;
	v17 =	vmul.f32 v35, v17  }
0x3c1: {  	v16 =	vadd.f32 v16, v21;
	v40 =	vadd.f32 v20, v19  }
0x3c2: {  	v41 =	vadd.f32 v23, v22;
	v17 =	vadd.f32 v18, v17;
	_ =	sdelay $0x1  }
0x3c3: {  	v16 =	vadd.f32 v17, v16;
	v17 =	vadd.f32 v41, v40;
	_ =	sdelay $0x1  }
0x3c4: {  	v16 =	vadd.f32 v17, v16;
	_ =	sdelay $0x1  }
0x3c5: {  	[tilespmem:$0x1D6F0] =	vst v16  }
0x3c6: {  	v16 =	vld [tilespmem:s6+$0x18430]  }
0x3c7: {  	v17 =	vld [tilespmem:s6+$0x19830]  }
0x3c8: {  	v42 =	vld [tilespmem:s6+$0x18440]  }
0x3c9: {  	v43 =	vld [tilespmem:s6+$0x19840]  }
0x3ca: {  	v44 =	vld [tilespmem:s6+$0x18450]  }
0x3cb: {  	v46 =	vld [tilespmem:s6+$0x19850]  }
0x3cc: {  	v48 =	vld [tilespmem:s6+$0x18460]  }
0x3cd: {  	v49 =	vld [tilespmem:s6+$0x19860]  }
0x3ce: {  	v45 =	vshll.u32 v16, $0x10  }
0x3cf: {  	v47 =	vshll.u32 v17, $0x10;
	v16 =	vand.u32 $0xFFFF0000, v16;
	v17 =	vand.u32 $0xFFFF0000, v17  }
0x3d0: {  	v50 =	vshll.u32 v43, $0x10;
	v18 =	vand.u32 $0xFFFF0000, v42;
	v19 =	vand.u32 $0xFFFF0000, v43  }
0x3d1: {  	v51 =	vshll.u32 v44, $0x10;
	v52 =	vshll.u32 v46, $0x10;
	v20 =	vand.u32 $0xFFFF0000, v44  }
0x3d2: {  	v22 =	vand.u32 $0xFFFF0000, v46;
	v53 =	vshll.u32 v48, $0x10;
	v54 =	vshll.u32 v49, $0x10  }
0x3d3: {  	v24 =	vand.u32 $0xFFFF0000, v48;
	v21 =	vmul.f32 v47, v45;
	v16 =	vmul.f32 v17, v16  }
0x3d4: {  	v23 =	vand.u32 $0xFFFF0000, v49;
	v18 =	vmul.f32 v19, v18;
	v19 =	vmul.f32 v52, v51  }
0x3d5: {  	v17 =	vshll.u32 v42, $0x10;
	v20 =	vmul.f32 v22, v20;
	v22 =	vmul.f32 v54, v53  }
0x3d6: {  	v23 =	vmul.f32 v23, v24;
	v17 =	vmul.f32 v50, v17  }
0x3d7: {  	v16 =	vadd.f32 v16, v21;
	v55 =	vadd.f32 v20, v19  }
0x3d8: {  	v56 =	vadd.f32 v23, v22;
	v17 =	vadd.f32 v18, v17;
	_ =	sdelay $0x1  }
0x3d9: {  	v16 =	vadd.f32 v17, v16;
	v17 =	vadd.f32 v56, v55;
	_ =	sdelay $0x1  }
0x3da: {  	v16 =	vadd.f32 v17, v16;
	_ =	sdelay $0x1  }
0x3db: {  	[tilespmem:$0x1D700] =	vst v16  }
0x3dc: {  	v16 =	vld [tilespmem:s6+$0x18470]  }
0x3dd: {  	v17 =	vld [tilespmem:s6+$0x19870]  }
0x3de: {  	v57 =	vld [tilespmem:s6+$0x18480]  }
0x3df: {  	v58 =	vld [tilespmem:s6+$0x19880]  }
0x3e0: {  	v59 =	vld [tilespmem:s6+$0x18490]  }
0x3e1: {  	v61 =	vld [tilespmem:s6+$0x19890]  }
0x3e2: {  	v63 =	vld [tilespmem:s6+$0x184A0]  }
0x3e3: {  	v28 =	vld [tilespmem:s6+$0x198A0]  }
0x3e4: {  	v60 =	vshll.u32 v16, $0x10  }
0x3e5: {  	v62 =	vshll.u32 v17, $0x10;
	v16 =	vand.u32 $0xFFFF0000, v16;
	v17 =	vand.u32 $0xFFFF0000, v17  }
0x3e6: {  	v29 =	vshll.u32 v58, $0x10;
	v18 =	vand.u32 $0xFFFF0000, v57;
	v19 =	vand.u32 $0xFFFF0000, v58  }
0x3e7: {  	v30 =	vshll.u32 v59, $0x10;
	v31 =	vshll.u32 v61, $0x10;
	v20 =	vand.u32 $0xFFFF0000, v59  }
0x3e8: {  	v22 =	vand.u32 $0xFFFF0000, v61;
	v32 =	vshll.u32 v63, $0x10;
	v33 =	vshll.u32 v28, $0x10  }
0x3e9: {  	v24 =	vand.u32 $0xFFFF0000, v63;
	v21 =	vmul.f32 v62, v60;
	v16 =	vmul.f32 v17, v16  }
0x3ea: {  	v23 =	vand.u32 $0xFFFF0000, v28;
	v18 =	vmul.f32 v19, v18;
	v19 =	vmul.f32 v31, v30  }
0x3eb: {  	v17 =	vshll.u32 v57, $0x10;
	v20 =	vmul.f32 v22, v20;
	v22 =	vmul.f32 v33, v32  }
0x3ec: {  	v23 =	vmul.f32 v23, v24;
	v17 =	vmul.f32 v29, v17  }
0x3ed: {  	v16 =	vadd.f32 v16, v21;
	v34 =	vadd.f32 v20, v19  }
0x3ee: {  	v35 =	vadd.f32 v23, v22;
	v17 =	vadd.f32 v18, v17;
	_ =	sdelay $0x1  }
0x3ef: {  	v16 =	vadd.f32 v17, v16;
	v17 =	vadd.f32 v35, v34;
	_ =	sdelay $0x1  }
0x3f0: {  	v16 =	vadd.f32 v17, v16;
	_ =	sdelay $0x1  }
0x3f1: {  	[tilespmem:$0x1D710] =	vst v16  }
0x3f2: {  	v16 =	vld [tilespmem:s6+$0x184B0]  }
0x3f3: {  	v17 =	vld [tilespmem:s6+$0x198B0]  }
0x3f4: {  	v36 =	vld [tilespmem:s6+$0x184C0]  }
0x3f5: {  	v37 =	vld [tilespmem:s6+$0x198C0]  }
0x3f6: {  	v38 =	vld [tilespmem:s6+$0x184D0]  }
0x3f7: {  	v40 =	vld [tilespmem:s6+$0x198D0]  }
0x3f8: {  	v42 =	vld [tilespmem:s6+$0x184E0]  }
0x3f9: {  	v43 =	vld [tilespmem:s6+$0x198E0]  }
0x3fa: {  	v39 =	vshll.u32 v16, $0x10  }
0x3fb: {  	v41 =	vshll.u32 v17, $0x10;
	v16 =	vand.u32 $0xFFFF0000, v16;
	v17 =	vand.u32 $0xFFFF0000, v17  }
0x3fc: {  	v44 =	vshll.u32 v37, $0x10;
	v18 =	vand.u32 $0xFFFF0000, v36;
	v19 =	vand.u32 $0xFFFF0000, v37  }
0x3fd: {  	v45 =	vshll.u32 v38, $0x10;
	v46 =	vshll.u32 v40, $0x10;
	v20 =	vand.u32 $0xFFFF0000, v38  }
0x3fe: {  	v22 =	vand.u32 $0xFFFF0000, v40;
	v47 =	vshll.u32 v42, $0x10;
	v48 =	vshll.u32 v43, $0x10  }
0x3ff: {  	v24 =	vand.u32 $0xFFFF0000, v42;
	v21 =	vmul.f32 v41, v39;
	v16 =	vmul.f32 v17, v16  }
0x400: {  	v23 =	vand.u32 $0xFFFF0000, v43;
	v18 =	vmul.f32 v19, v18;
	v19 =	vmul.f32 v46, v45  }
0x401: {  	v17 =	vshll.u32 v36, $0x10;
	v20 =	vmul.f32 v22, v20;
	v22 =	vmul.f32 v48, v47  }
0x402: {  	v23 =	vmul.f32 v23, v24;
	v17 =	vmul.f32 v44, v17  }
0x403: {  	v16 =	vadd.f32 v16, v21;
	v49 =	vadd.f32 v20, v19  }
0x404: {  	v50 =	vadd.f32 v23, v22;
	v17 =	vadd.f32 v18, v17;
	_ =	sdelay $0x1  }
0x405: {  	v16 =	vadd.f32 v17, v16;
	v17 =	vadd.f32 v50, v49;
	_ =	sdelay $0x1  }
0x406: {  	v16 =	vadd.f32 v17, v16;
	_ =	sdelay $0x1  }
0x407: {  	[tilespmem:$0x1D720] =	vst v16  }
0x408: {  	v16 =	vld [tilespmem:s6+$0x184F0]  }
0x409: {  	v17 =	vld [tilespmem:s6+$0x198F0]  }
0x40a: {  	v51 =	vld [tilespmem:s6+$0x18500]  }
0x40b: {  	v52 =	vld [tilespmem:s6+$0x19900]  }
0x40c: {  	v53 =	vld [tilespmem:s6+$0x18510]  }
0x40d: {  	v55 =	vld [tilespmem:s6+$0x19910]  }
0x40e: {  	v57 =	vld [tilespmem:s6+$0x18520]  }
0x40f: {  	v58 =	vld [tilespmem:s6+$0x19920]  }
0x410: {  	v54 =	vshll.u32 v16, $0x10  }
0x411: {  	v56 =	vshll.u32 v17, $0x10;
	v16 =	vand.u32 $0xFFFF0000, v16;
	v17 =	vand.u32 $0xFFFF0000, v17  }
0x412: {  	v59 =	vshll.u32 v52, $0x10;
	v18 =	vand.u32 $0xFFFF0000, v51;
	v19 =	vand.u32 $0xFFFF0000, v52  }
0x413: {  	v60 =	vshll.u32 v53, $0x10;
	v61 =	vshll.u32 v55, $0x10;
	v20 =	vand.u32 $0xFFFF0000, v53  }
0x414: {  	v22 =	vand.u32 $0xFFFF0000, v55;
	v62 =	vshll.u32 v57, $0x10;
	v63 =	vshll.u32 v58, $0x10  }
0x415: {  	v24 =	vand.u32 $0xFFFF0000, v57;
	v21 =	vmul.f32 v56, v54;
	v16 =	vmul.f32 v17, v16  }
0x416: {  	v23 =	vand.u32 $0xFFFF0000, v58;
	v18 =	vmul.f32 v19, v18;
	v19 =	vmul.f32 v61, v60  }
0x417: {  	v17 =	vshll.u32 v51, $0x10;
	v20 =	vmul.f32 v22, v20;
	v22 =	vmul.f32 v63, v62  }
0x418: {  	v23 =	vmul.f32 v23, v24;
	v17 =	vmul.f32 v59, v17  }
0x419: {  	v16 =	vadd.f32 v16, v21;
	v28 =	vadd.f32 v20, v19  }
0x41a: {  	v29 =	vadd.f32 v23, v22;
	v17 =	vadd.f32 v18, v17;
	_ =	sdelay $0x1  }
0x41b: {  	v16 =	vadd.f32 v17, v16;
	v17 =	vadd.f32 v29, v28;
	_ =	sdelay $0x1  }
0x41c: {  	v16 =	vadd.f32 v17, v16;
	_ =	sdelay $0x1  }
0x41d: {  	[tilespmem:$0x1D730] =	vst v16  }
0x41e: {  	v16 =	vld [tilespmem:s6+$0x18530]  }
0x41f: {  	v17 =	vld [tilespmem:s6+$0x19930]  }
0x420: {  	v30 =	vld [tilespmem:s6+$0x18540]  }
0x421: {  	v31 =	vld [tilespmem:s6+$0x19940]  }
0x422: {  	v32 =	vld [tilespmem:s6+$0x18550]  }
0x423: {  	v34 =	vld [tilespmem:s6+$0x19950]  }
0x424: {  	v36 =	vld [tilespmem:s6+$0x18560]  }
0x425: {  	v37 =	vld [tilespmem:s6+$0x19960]  }
0x426: {  	v33 =	vshll.u32 v16, $0x10  }
0x427: {  	v35 =	vshll.u32 v17, $0x10;
	v16 =	vand.u32 $0xFFFF0000, v16;
	v17 =	vand.u32 $0xFFFF0000, v17  }
0x428: {  	v38 =	vshll.u32 v31, $0x10;
	v18 =	vand.u32 $0xFFFF0000, v30;
	v19 =	vand.u32 $0xFFFF0000, v31  }
0x429: {  	v39 =	vshll.u32 v32, $0x10;
	v40 =	vshll.u32 v34, $0x10;
	v20 =	vand.u32 $0xFFFF0000, v32  }
0x42a: {  	v22 =	vand.u32 $0xFFFF0000, v34;
	v41 =	vshll.u32 v36, $0x10;
	v42 =	vshll.u32 v37, $0x10  }
0x42b: {  	v24 =	vand.u32 $0xFFFF0000, v36;
	v21 =	vmul.f32 v35, v33;
	v16 =	vmul.f32 v17, v16  }
0x42c: {  	v23 =	vand.u32 $0xFFFF0000, v37;
	v18 =	vmul.f32 v19, v18;
	v19 =	vmul.f32 v40, v39  }
0x42d: {  	v17 =	vshll.u32 v30, $0x10;
	v20 =	vmul.f32 v22, v20;
	v22 =	vmul.f32 v42, v41  }
0x42e: {  	v23 =	vmul.f32 v23, v24;
	v17 =	vmul.f32 v38, v17  }
0x42f: {  	v16 =	vadd.f32 v16, v21;
	v43 =	vadd.f32 v20, v19  }
0x430: {  	v44 =	vadd.f32 v23, v22;
	v17 =	vadd.f32 v18, v17;
	_ =	sdelay $0x1  }
0x431: {  	v16 =	vadd.f32 v17, v16;
	v17 =	vadd.f32 v44, v43;
	_ =	sdelay $0x1  }
0x432: {  	v16 =	vadd.f32 v17, v16;
	_ =	sdelay $0x1  }
0x433: {  	[tilespmem:$0x1D740] =	vst v16  }
0x434: {  	v16 =	vld [tilespmem:s6+$0x18570]  }
0x435: {  	v17 =	vld [tilespmem:s6+$0x19970]  }
0x436: {  	v45 =	vld [tilespmem:s6+$0x18580]  }
0x437: {  	v46 =	vld [tilespmem:s6+$0x19980]  }
0x438: {  	v47 =	vld [tilespmem:s6+$0x18590]  }
0x439: {  	v49 =	vld [tilespmem:s6+$0x19990]  }
0x43a: {  	v51 =	vld [tilespmem:s6+$0x185A0]  }
0x43b: {  	v52 =	vld [tilespmem:s6+$0x199A0]  }
0x43c: {  	v48 =	vshll.u32 v16, $0x10  }
0x43d: {  	v50 =	vshll.u32 v17, $0x10;
	v16 =	vand.u32 $0xFFFF0000, v16;
	v17 =	vand.u32 $0xFFFF0000, v17  }
0x43e: {  	v53 =	vshll.u32 v46, $0x10;
	v18 =	vand.u32 $0xFFFF0000, v45;
	v19 =	vand.u32 $0xFFFF0000, v46  }
0x43f: {  	v54 =	vshll.u32 v47, $0x10;
	v55 =	vshll.u32 v49, $0x10;
	v20 =	vand.u32 $0xFFFF0000, v47  }
0x440: {  	v22 =	vand.u32 $0xFFFF0000, v49;
	v56 =	vshll.u32 v51, $0x10;
	v57 =	vshll.u32 v52, $0x10  }
0x441: {  	v24 =	vand.u32 $0xFFFF0000, v51;
	v21 =	vmul.f32 v50, v48;
	v16 =	vmul.f32 v17, v16  }
0x442: {  	v23 =	vand.u32 $0xFFFF0000, v52;
	v18 =	vmul.f32 v19, v18;
	v19 =	vmul.f32 v55, v54  }
0x443: {  	v17 =	vshll.u32 v45, $0x10;
	v20 =	vmul.f32 v22, v20;
	v22 =	vmul.f32 v57, v56  }
0x444: {  	v23 =	vmul.f32 v23, v24;
	v17 =	vmul.f32 v53, v17  }
0x445: {  	v16 =	vadd.f32 v16, v21;
	v58 =	vadd.f32 v20, v19  }
0x446: {  	v59 =	vadd.f32 v23, v22;
	v17 =	vadd.f32 v18, v17;
	_ =	sdelay $0x1  }
0x447: {  	v16 =	vadd.f32 v17, v16;
	v17 =	vadd.f32 v59, v58;
	_ =	sdelay $0x1  }
0x448: {  	v16 =	vadd.f32 v17, v16;
	_ =	sdelay $0x1  }
0x449: {  	[tilespmem:$0x1D750] =	vst v16  }
0x44a: {  	v16 =	vld [tilespmem:s6+$0x185B0]  }
0x44b: {  	v17 =	vld [tilespmem:s6+$0x199B0]  }
0x44c: {  	v60 =	vld [tilespmem:s6+$0x185C0]  }
0x44d: {  	v61 =	vld [tilespmem:s6+$0x199C0]  }
0x44e: {  	v62 =	vld [tilespmem:s6+$0x185D0]  }
0x44f: {  	v28 =	vld [tilespmem:s6+$0x199D0]  }
0x450: {  	v30 =	vld [tilespmem:s6+$0x185E0]  }
0x451: {  	v31 =	vld [tilespmem:s6+$0x199E0]  }
0x452: {  	v63 =	vshll.u32 v16, $0x10  }
0x453: {  	v29 =	vshll.u32 v17, $0x10;
	v16 =	vand.u32 $0xFFFF0000, v16;
	v17 =	vand.u32 $0xFFFF0000, v17  }
0x454: {  	v32 =	vshll.u32 v61, $0x10;
	v18 =	vand.u32 $0xFFFF0000, v60;
	v19 =	vand.u32 $0xFFFF0000, v61  }
0x455: {  	v33 =	vshll.u32 v62, $0x10;
	v34 =	vshll.u32 v28, $0x10;
	v20 =	vand.u32 $0xFFFF0000, v62  }
0x456: {  	v22 =	vand.u32 $0xFFFF0000, v28;
	v35 =	vshll.u32 v30, $0x10;
	v36 =	vshll.u32 v31, $0x10  }
0x457: {  	v24 =	vand.u32 $0xFFFF0000, v30;
	v21 =	vmul.f32 v29, v63;
	v16 =	vmul.f32 v17, v16  }
0x458: {  	v23 =	vand.u32 $0xFFFF0000, v31;
	v18 =	vmul.f32 v19, v18;
	v19 =	vmul.f32 v34, v33  }
0x459: {  	v17 =	vshll.u32 v60, $0x10;
	v20 =	vmul.f32 v22, v20;
	v22 =	vmul.f32 v36, v35  }
0x45a: {  	v23 =	vmul.f32 v23, v24;
	v17 =	vmul.f32 v32, v17  }
0x45b: {  	v16 =	vadd.f32 v16, v21;
	v37 =	vadd.f32 v20, v19  }
0x45c: {  	v38 =	vadd.f32 v23, v22;
	v17 =	vadd.f32 v18, v17;
	_ =	sdelay $0x1  }
0x45d: {  	v16 =	vadd.f32 v17, v16;
	v17 =	vadd.f32 v38, v37;
	_ =	sdelay $0x1  }
0x45e: {  	v16 =	vadd.f32 v17, v16;
	_ =	sdelay $0x1  }
0x45f: {  	[tilespmem:$0x1D760] =	vst v16  }
0x460: {  	v16 =	vld [tilespmem:s6+$0x185F0]  }
0x461: {  	v17 =	vld [tilespmem:s6+$0x199F0]  }
0x462: {  	v39 =	vld [tilespmem:s6+$0x18600]  }
0x463: {  	v40 =	vld [tilespmem:s6+$0x19A00]  }
0x464: {  	v41 =	vld [tilespmem:s6+$0x18610]  }
0x465: {  	v43 =	vld [tilespmem:s6+$0x19A10]  }
0x466: {  	v45 =	vld [tilespmem:s6+$0x18620]  }
0x467: {  	v46 =	vld [tilespmem:s6+$0x19A20]  }
0x468: {  	v42 =	vshll.u32 v16, $0x10  }
0x469: {  	v44 =	vshll.u32 v17, $0x10;
	v16 =	vand.u32 $0xFFFF0000, v16;
	v17 =	vand.u32 $0xFFFF0000, v17  }
0x46a: {  	v47 =	vshll.u32 v40, $0x10;
	v18 =	vand.u32 $0xFFFF0000, v39;
	v19 =	vand.u32 $0xFFFF0000, v40  }
0x46b: {  	v48 =	vshll.u32 v41, $0x10;
	v49 =	vshll.u32 v43, $0x10;
	v20 =	vand.u32 $0xFFFF0000, v41  }
0x46c: {  	v22 =	vand.u32 $0xFFFF0000, v43;
	v50 =	vshll.u32 v45, $0x10;
	v51 =	vshll.u32 v46, $0x10  }
0x46d: {  	v24 =	vand.u32 $0xFFFF0000, v45;
	v21 =	vmul.f32 v44, v42;
	v16 =	vmul.f32 v17, v16  }
0x46e: {  	v23 =	vand.u32 $0xFFFF0000, v46;
	v18 =	vmul.f32 v19, v18;
	v19 =	vmul.f32 v49, v48  }
0x46f: {  	v17 =	vshll.u32 v39, $0x10;
	v20 =	vmul.f32 v22, v20;
	v22 =	vmul.f32 v51, v50  }
0x470: {  	v23 =	vmul.f32 v23, v24;
	v17 =	vmul.f32 v47, v17  }
0x471: {  	v16 =	vadd.f32 v16, v21;
	v52 =	vadd.f32 v20, v19  }
0x472: {  	v53 =	vadd.f32 v23, v22;
	v17 =	vadd.f32 v18, v17;
	_ =	sdelay $0x1  }
0x473: {  	v16 =	vadd.f32 v17, v16;
	v17 =	vadd.f32 v53, v52;
	_ =	sdelay $0x1  }
0x474: {  	v16 =	vadd.f32 v17, v16;
	_ =	sdelay $0x1  }
0x475: {  	[tilespmem:$0x1D770] =	vst v16  }
0x476: {  	v16 =	vld [tilespmem:s6+$0x18630]  }
0x477: {  	v17 =	vld [tilespmem:s6+$0x19A30]  }
0x478: {  	v54 =	vld [tilespmem:s6+$0x18640]  }
0x479: {  	v55 =	vld [tilespmem:s6+$0x19A40]  }
0x47a: {  	v56 =	vld [tilespmem:s6+$0x18650]  }
0x47b: {  	v58 =	vld [tilespmem:s6+$0x19A50]  }
0x47c: {  	v60 =	vld [tilespmem:s6+$0x18660]  }
0x47d: {  	v61 =	vld [tilespmem:s6+$0x19A60]  }
0x47e: {  	v57 =	vshll.u32 v16, $0x10  }
0x47f: {  	v59 =	vshll.u32 v17, $0x10;
	v16 =	vand.u32 $0xFFFF0000, v16;
	v17 =	vand.u32 $0xFFFF0000, v17  }
0x480: {  	v62 =	vshll.u32 v55, $0x10;
	v18 =	vand.u32 $0xFFFF0000, v54;
	v19 =	vand.u32 $0xFFFF0000, v55  }
0x481: {  	v63 =	vshll.u32 v56, $0x10;
	v28 =	vshll.u32 v58, $0x10;
	v20 =	vand.u32 $0xFFFF0000, v56  }
0x482: {  	v22 =	vand.u32 $0xFFFF0000, v58;
	v29 =	vshll.u32 v60, $0x10;
	v30 =	vshll.u32 v61, $0x10  }
0x483: {  	v24 =	vand.u32 $0xFFFF0000, v60;
	v21 =	vmul.f32 v59, v57;
	v16 =	vmul.f32 v17, v16  }
0x484: {  	v23 =	vand.u32 $0xFFFF0000, v61;
	v18 =	vmul.f32 v19, v18;
	v19 =	vmul.f32 v28, v63  }
0x485: {  	v17 =	vshll.u32 v54, $0x10;
	v20 =	vmul.f32 v22, v20;
	v22 =	vmul.f32 v30, v29  }
0x486: {  	v23 =	vmul.f32 v23, v24;
	v17 =	vmul.f32 v62, v17  }
0x487: {  	v16 =	vadd.f32 v16, v21;
	v31 =	vadd.f32 v20, v19  }
0x488: {  	v32 =	vadd.f32 v23, v22;
	v17 =	vadd.f32 v18, v17;
	_ =	sdelay $0x1  }
0x489: {  	v16 =	vadd.f32 v17, v16;
	v17 =	vadd.f32 v32, v31;
	_ =	sdelay $0x1  }
0x48a: {  	v16 =	vadd.f32 v17, v16;
	_ =	sdelay $0x1  }
0x48b: {  	[tilespmem:$0x1D780] =	vst v16  }
0x48c: {  	v16 =	vld [tilespmem:s6+$0x18670]  }
0x48d: {  	v17 =	vld [tilespmem:s6+$0x19A70]  }
0x48e: {  	v33 =	vld [tilespmem:s6+$0x18680]  }
0x48f: {  	v34 =	vld [tilespmem:s6+$0x19A80]  }
0x490: {  	v35 =	vld [tilespmem:s6+$0x18690]  }
0x491: {  	v37 =	vld [tilespmem:s6+$0x19A90]  }
0x492: {  	v39 =	vld [tilespmem:s6+$0x186A0]  }
0x493: {  	v40 =	vld [tilespmem:s6+$0x19AA0]  }
0x494: {  	v36 =	vshll.u32 v16, $0x10  }
0x495: {  	v38 =	vshll.u32 v17, $0x10;
	v16 =	vand.u32 $0xFFFF0000, v16;
	v17 =	vand.u32 $0xFFFF0000, v17  }
0x496: {  	v41 =	vshll.u32 v34, $0x10;
	v18 =	vand.u32 $0xFFFF0000, v33;
	v19 =	vand.u32 $0xFFFF0000, v34  }
0x497: {  	v42 =	vshll.u32 v35, $0x10;
	v43 =	vshll.u32 v37, $0x10;
	v20 =	vand.u32 $0xFFFF0000, v35  }
0x498: {  	v22 =	vand.u32 $0xFFFF0000, v37;
	v44 =	vshll.u32 v39, $0x10;
	v45 =	vshll.u32 v40, $0x10  }
0x499: {  	v24 =	vand.u32 $0xFFFF0000, v39;
	v21 =	vmul.f32 v38, v36;
	v16 =	vmul.f32 v17, v16  }
0x49a: {  	v23 =	vand.u32 $0xFFFF0000, v40;
	v18 =	vmul.f32 v19, v18;
	v19 =	vmul.f32 v43, v42  }
0x49b: {  	v17 =	vshll.u32 v33, $0x10;
	v20 =	vmul.f32 v22, v20;
	v22 =	vmul.f32 v45, v44  }
0x49c: {  	v23 =	vmul.f32 v23, v24;
	v17 =	vmul.f32 v41, v17  }
0x49d: {  	v16 =	vadd.f32 v16, v21;
	v46 =	vadd.f32 v20, v19  }
0x49e: {  	v47 =	vadd.f32 v23, v22;
	v17 =	vadd.f32 v18, v17;
	_ =	sdelay $0x1  }
0x49f: {  	v16 =	vadd.f32 v17, v16;
	v17 =	vadd.f32 v47, v46;
	_ =	sdelay $0x1  }
0x4a0: {  	v16 =	vadd.f32 v17, v16;
	_ =	sdelay $0x1  }
0x4a1: {  	[tilespmem:$0x1D790] =	vst v16  }
0x4a2: {  	v16 =	vld.idx.msk [tilespmem:v0+s28+$0x0], $0xffff  }
0x4a3: {  	v17 =	vld.idx.msk [tilespmem:v1+s28+$0x0], $0xffff  }
0x4a4: {  	v48 =	vld.idx.msk [tilespmem:v2+s28+$0x0], $0xffff  }
0x4a5: {  	v49 =	vld.idx.msk [tilespmem:v3+s28+$0x0], $0xffff  }
0x4a6: {  	v50 =	vld.idx.msk [tilespmem:v4+s28+$0x0], $0xffff  }
0x4a7: {  	v51 =	vld.idx.msk [tilespmem:v5+s28+$0x0], $0xffff  }
0x4a8: {  	v52 =	vld.idx.msk [tilespmem:v6+s28+$0x0], $0xffff  }
0x4a9: {  	v53 =	vld.idx.msk [tilespmem:v7+s28+$0x0], $0xffff  }
0x4aa: {  	v54 =	vld.idx.msk [tilespmem:v8+s28+$0x0], $0xffff  }
0x4ab: {  	v55 =	vld.idx.msk [tilespmem:v9+s28+$0x0], $0xffff  }
0x4ac: {  	v26 =	vld.idx.msk [tilespmem:v10+s28+$0x0], $0xffff  }
0x4ad: {  	v27 =	vld.idx.msk [tilespmem:v11+s28+$0x0], $0xffff  }
0x4ae: {  	v28 =	vld.idx.msk [tilespmem:v12+s28+$0x0], $0xffff  }
0x4af: {  	v29 =	vld.idx.msk [tilespmem:v13+s28+$0x0], $0xffff  }
0x4b0: {  	v30 =	vld.idx.msk [tilespmem:v14+s28+$0x0], $0xffff  }
0x4b1: {  	v31 =	vld.idx.msk [tilespmem:v15+s28+$0x0], $0xffff;
	_ =	sdelay $0x1  }
0x4b2: {  	v16 =	vadd.f32 v17, v16;
	v17 =	vadd.f32 v49, v48  }
0x4b3: {  	v56 =	vadd.f32 v51, v50;
	v57 =	vadd.f32 v53, v52  }
0x4b4: {  	v58 =	vadd.f32 v55, v54;
	v59 =	vadd.f32 v27, v26  }
0x4b5: {  	v60 =	vadd.f32 v29, v28;
	v61 =	vadd.f32 v31, v30  }
0x4b6: {  	v16 =	vadd.f32 v17, v16;
	v17 =	vadd.f32 v57, v56  }
0x4b7: {  	v62 =	vadd.f32 v59, v58;
	v63 =	vadd.f32 v61, v60  }
0x4b8: {  	p0 =	sne.s32 s0, $0x4FC0  }
.Ltmp3:
0x4b9: {  	v16 =	vadd.f32 v17, v16;
	v17 =	vadd.f32 v63, v62;
	(pc) =	sbr.rel @p0 .LBB2_8-.Ltmp3, $3  }
0x4ba: {  	_ = 	snop  }
0x4bb: {  	v16 =	vadd.f32 v17, v16;
	_ =	sdelay $0x1  }
0x4bc: {  	s0 =	sadd.s32 $0x1000, s0;
	[tilespmem:s5+$0x0] =	vst v16;
	s5 =	sadd.s32 $0x10, s5  }
0x4bd: {  	s1 =	sadd.s32 $0x1, s1  }
0x4be: {  	p0 =	sne.s32 s1, s11  }
.Ltmp4:
0x4bf: {  	s0 =	simm.s32 $0x1D8A0;
	(pc) =	sbr.rel @p0 .LBB2_1-.Ltmp4, $4  }
0x4c0: {  	[hbm4b:s10+s4] =	stream.linear.scatter [tilespmem:s0], [sflag:$0x7], $0x2710, $0x38;
	[tilespmem:$0x1FFB0] =	vst v63  }
0x4c1: {  	_ =	swait.ge [sflag:s16], $0x2710  }
0x4c2: {  	[sflag:s16] =	ssyncset.done $0x0  }
0x4c3: {  	[sflag:s16] =	ssyncadd.s32 $0xFFFFD8F0  }
0x4c4: {  	_ =	sfence.sel $0x180000  }
0x4c5: {  	[bflag:$0x0] =	sbarrier.arrive $0xFFFF  }
0x4c6: {  	_ =	strace $0x90000047  }
0x4c7: {  	s0 =	stileid.u32;
	[bflag:$0x2] =	sbarrier.arrive $0xFFFF  }
0x4c8: {  	p0 =	sne.s32 s0, $0x0;
	s0 =	rddreg [dreg:$0x4]  }
0x4c9: {  	s0 =	sadd.s32 @!p0 $0x100000, s0  }
0x4ca: {  	[sflag:s0] =	ssyncadd.tile.s32 @!p0 $0x1;
	_ =	shalt  }
.Lfunc_end2:
_tile_overlayer_lowered:
.L_overlay_start_2:
0x4cb: {  	(tag) =	ssettag $0x2  }
0x4cc: {  	s0 =	rddreg [dreg:$0x0];
	s2 =	stileid.u32  }
0x4cd: {  	s1 =	rddreg [dreg:$0x1];
	p0 =	sne.s32 s2, $0x0  }
0x4ce: {  	s3 =	rddreg [dreg:$0x2];
	[bflag:$0x3] =	sbarrier.arrive $0xFFFF;
	s2 =	simm.s32 @!p0 $0x1C07  }
0x4cf: {  	[timem:s3], [sflag:s2] =	dma.local @!p0 [hbm:s0], s1  }
0x4d0: {  	s0 =	simm.s32 @!p0 $0x7  }
0x4d1: {  	_ =	swait.ge @!p0 [sflag:s0], s1  }
0x4d2: {  	s1 =	ssub.s32 @!p0 $0x0, s1;
	[sflag:s0] =	ssyncset.done @!p0 $0x0  }
0x4d3: {  	[sflag:s0] =	ssyncadd.s32 @!p0 s1  }
0x4d4: {  	[bflag:$0x3] =	sbarrier.arrive $0xFFFF  }
0x4d5: {  	_ =	shalt  }

</sc_bundles>
